<compile_context>
chip_gen: v7x
topology: tpu7x:2x2x1
jax: 0.10.2.dev20260603
libtpu: 0.0.44.dev20260713+nightly
codegen_flags: <defaults>
</compile_context>

<pallas_src>
import functools

import jax
import jax.numpy as jnp
from jax import lax
from jax.experimental import pallas as pl
from jax.experimental.pallas import tpu as pltpu
from jax.experimental.pallas import tpu_sc as plsc

EPS = 1e-06

N_ROWS = 16384
N_COLS = 512
N_BOUND = 128
NW = 32
ROWS_PER_WORKER = N_ROWS // NW
CHUNK_ROWS = 64
N_CHUNKS = ROWS_PER_WORKER // CHUNK_ROWS
NBUF = 3
JVREGS = N_BOUND // 16


def _sc_body(x_hbm, idx_hbm, ub_hbm, out_hbm, idx_v, ub_v, bufs, sin, sout):
    wid = lax.axis_index("c") * 16 + lax.axis_index("s")
    base = wid * ROWS_PER_WORKER

    pltpu.sync_copy(idx_hbm, idx_v)
    pltpu.sync_copy(ub_hbm, ub_v)
    colv = [idx_v[pl.ds(16 * j, 16)] for j in range(JVREGS)]
    ub = ub_v[...]
    zero16 = jnp.zeros((16,), jnp.int32)

    def copy_in(g, b):
        return pltpu.make_async_copy(
            x_hbm.at[pl.ds(base + g * CHUNK_ROWS, CHUNK_ROWS), :],
            bufs[b], sin[b])

    def copy_out(g, b):
        return pltpu.make_async_copy(
            bufs[b],
            out_hbm.at[pl.ds(base + g * CHUNK_ROWS, CHUNK_ROWS), :], sout[b])

    def compute(b):
        buf = bufs[b]

        @plsc.parallel_loop(0, CHUNK_ROWS, unroll=1)
        def row(r):
            rv = zero16 + r
            xs = [plsc.load_gather(buf, [rv, colv[j]]) for j in range(JVREGS)]
            ys = []
            for x in xs:
                e = jnp.exp(-jnp.abs(x))
                z = e / (2.0 + e)
                z2 = z * z
                lg = z * (2.0 + z2 * (2.0 / 3.0 + z2 * 0.4))
                ys.append(ub + (jnp.minimum(x, 0.0) - lg))
            for j, y in enumerate(ys):
                plsc.store_scatter(buf, [rv, colv[j]], y)

    for b in range(NBUF - 1):
        copy_in(b, b).start()
    for g in range(N_CHUNKS):
        b = g % NBUF
        copy_in(g, b).wait()
        compute(b)
        copy_out(g, b).start()
        ng = g + NBUF - 1
        if ng < N_CHUNKS:
            nb = ng % NBUF
            if ng >= NBUF:
                copy_out(ng - NBUF, nb).wait()
            copy_in(ng, nb).start()
    for g in range(N_CHUNKS - NBUF, N_CHUNKS):
        copy_out(g, g % NBUF).wait()


def kernel(x, bounded_col_idx, upper_bounds):
    n_rows, n_cols = x.shape
    idx32 = bounded_col_idx.astype(jnp.int32)
    ub_vec = jnp.full((16,), jnp.asarray(upper_bounds, jnp.float32) - EPS,
                      jnp.float32)
    mesh = plsc.VectorSubcoreMesh(core_axis_name="c", subcore_axis_name="s")
    f = functools.partial(
        pl.kernel,
        out_type=jax.ShapeDtypeStruct((n_rows, n_cols), jnp.float32),
        mesh=mesh,
        compiler_params=pltpu.CompilerParams(needs_layout_passes=False),
        scratch_types=(
            [pltpu.VMEM((N_BOUND,), jnp.int32),
             pltpu.VMEM((16,), jnp.float32),
             [pltpu.VMEM((CHUNK_ROWS, N_COLS), jnp.float32)
              for _ in range(NBUF)],
             [pltpu.SemaphoreType.DMA for _ in range(NBUF)],
             [pltpu.SemaphoreType.DMA for _ in range(NBUF)]]
        ),
    )(_sc_body)
    return f(x, idx32, ub_vec)

# --- scband reference (transcript-rebuilt; emitter-appended) ---
"""Pipeline reference for scband-log-scale-output-clamp-11458972746003 (READ-ONLY COPY).

The authoritative reference and input builder live on the scoring server;
editing this copy changes nothing except your own understanding.
"""

import jax, jax.numpy as jnp
import numpy as np

EPSILON = 1e-06

def setup_inputs(seed: int = 0) -> dict:
    key = jax.random.key(seed)
    x = jax.random.normal(key, (16384, 512), dtype=jnp.float32)
    bounded_col_idx = jnp.arange(0, 512, 4, dtype=jnp.int64 if jax.config.jax_enable_x64 else jnp.int32)
    upper_bounds = jnp.asarray(5.0, dtype=jnp.float32)
    return {"x": x, "bounded_col_idx": bounded_col_idx, "upper_bounds": upper_bounds}

def reference(x, bounded_col_idx, upper_bounds):
    # gather the bounded columns
    raw_bounded = jnp.take(x, bounded_col_idx, axis=1)
    # clamp_logsigmoid: upper_bounds + logsigmoid(x) - EPSILON
    clamped_bounded = upper_bounds + jax.nn.log_sigmoid(raw_bounded) - EPSILON
    # scatter-overwrite the clamped columns back
    x_clamped = x.at[:, bounded_col_idx].set(clamped_bounded)
    return x_clamped

if __name__ == "__main__":
    import jax
    _d = setup_inputs()
    print(jax.jit(kernel)(*tuple(_d.values())))

</pallas_src>

<mosaic_0001>
#map = affine_map<(d0, d1) -> (0, 0)>
#map1 = affine_map<(d0, d1) -> (0)>
module attributes {stable_mosaic.version = 14 : i64} {
  func.func @_sc_body(%arg0: i32, %arg1: i32, %arg2: memref<16384x512xf32, #tpu.memory_space<hbm>>, %arg3: memref<128xi32, #tpu.memory_space<hbm>>, %arg4: memref<16xf32, #tpu.memory_space<hbm>>, %arg5: memref<16384x512xf32, #tpu.memory_space<hbm>>, %arg6: memref<128xi32, #tpu.memory_space<vmem>>, %arg7: memref<16xf32, #tpu.memory_space<vmem>>, %arg8: memref<64x512xf32, #tpu.memory_space<vmem>>, %arg9: memref<64x512xf32, #tpu.memory_space<vmem>>, %arg10: memref<64x512xf32, #tpu.memory_space<vmem>>, %arg11: memref<!tpu.dma_semaphore, #tpu.memory_space<semaphore_mem>>, %arg12: memref<!tpu.dma_semaphore, #tpu.memory_space<semaphore_mem>>, %arg13: memref<!tpu.dma_semaphore, #tpu.memory_space<semaphore_mem>>, %arg14: memref<!tpu.dma_semaphore, #tpu.memory_space<semaphore_mem>>, %arg15: memref<!tpu.dma_semaphore, #tpu.memory_space<semaphore_mem>>, %arg16: memref<!tpu.dma_semaphore, #tpu.memory_space<semaphore_mem>>) attributes {dimension_semantics = [#tpu.dimension_semantics<core_parallel>, #tpu.dimension_semantics<subcore_parallel>], iteration_bounds = array<i64: 2, 16>, scalar_prefetch = 0 : i64, scratch_operands = 11 : i64, tpu.core_type = #tpu.core_type<sc_vector_subcore>, window_params = [{transform_indices = #map}, {transform_indices = #map1}, {transform_indices = #map1}, {transform_indices = #map}]} {
    %mul3A = arith.constant 16 : i32
    %mul3A_0 = arith.muli %arg0, %mul3A : i32
    %add3A = arith.addi %mul3A_0, %arg1 : i32
    %mul3A_1 = arith.constant 512 : i32
    %mul3A_2 = arith.muli %add3A, %mul3A_1 : i32
    "tpu.region"() ({
      %run_scoped3A = tpu.sem_alloc : memref<!tpu.dma_semaphore, #tpu.memory_space<semaphore_mem>>
      tpu.enqueue_dma source(%arg3 : memref<128xi32, #tpu.memory_space<hbm>>) target(%arg6 : memref<128xi32, #tpu.memory_space<vmem>>) target_semaphore(%run_scoped3A : memref<!tpu.dma_semaphore, #tpu.memory_space<semaphore_mem>>)
      tpu.wait_dma2 semaphore(%run_scoped3A : memref<!tpu.dma_semaphore, #tpu.memory_space<semaphore_mem>>) src(%arg3 : memref<128xi32, #tpu.memory_space<hbm>>) dst(%arg6 : memref<128xi32, #tpu.memory_space<vmem>>)
      tpu.yield
    }) : () -> ()
    "tpu.region"() ({
      %run_scoped3A = tpu.sem_alloc : memref<!tpu.dma_semaphore, #tpu.memory_space<semaphore_mem>>
      tpu.enqueue_dma source(%arg4 : memref<16xf32, #tpu.memory_space<hbm>>) target(%arg7 : memref<16xf32, #tpu.memory_space<vmem>>) target_semaphore(%run_scoped3A : memref<!tpu.dma_semaphore, #tpu.memory_space<semaphore_mem>>)
      tpu.wait_dma2 semaphore(%run_scoped3A : memref<!tpu.dma_semaphore, #tpu.memory_space<semaphore_mem>>) src(%arg4 : memref<16xf32, #tpu.memory_space<hbm>>) dst(%arg7 : memref<16xf32, #tpu.memory_space<vmem>>)
      tpu.yield
    }) : () -> ()
    %get3A = arith.constant 0 : index
    %get3A_3 = tpu.vector_load %arg6[%get3A] {strides = array<i32>} : memref<128xi32, #tpu.memory_space<vmem>>, vector<16xi32>,
    %get3A_4 = arith.constant 16 : index
    %get3A_5 = tpu.vector_load %arg6[%get3A_4] {strides = array<i32>} : memref<128xi32, #tpu.memory_space<vmem>>, vector<16xi32>,
    %get3A_6 = arith.constant 32 : index
    %get3A_7 = tpu.vector_load %arg6[%get3A_6] {strides = array<i32>} : memref<128xi32, #tpu.memory_space<vmem>>, vector<16xi32>,
    %get3A_8 = arith.constant 48 : index
    %get3A_9 = tpu.vector_load %arg6[%get3A_8] {strides = array<i32>} : memref<128xi32, #tpu.memory_space<vmem>>, vector<16xi32>,
    %get3A_10 = arith.constant 64 : index
    %get3A_11 = tpu.vector_load %arg6[%get3A_10] {strides = array<i32>} : memref<128xi32, #tpu.memory_space<vmem>>, vector<16xi32>,
    %get3A_12 = arith.constant 80 : index
    %get3A_13 = tpu.vector_load %arg6[%get3A_12] {strides = array<i32>} : memref<128xi32, #tpu.memory_space<vmem>>, vector<16xi32>,
    %get3A_14 = arith.constant 96 : index
    %get3A_15 = tpu.vector_load %arg6[%get3A_14] {strides = array<i32>} : memref<128xi32, #tpu.memory_space<vmem>>, vector<16xi32>,
    %get3A_16 = arith.constant 112 : index
    %get3A_17 = tpu.vector_load %arg6[%get3A_16] {strides = array<i32>} : memref<128xi32, #tpu.memory_space<vmem>>, vector<16xi32>,
    %get3A_18 = arith.constant 0 : index
    %get3A_19 = tpu.vector_load %arg7[%get3A_18] {strides = array<i32>} : memref<16xf32, #tpu.memory_space<vmem>>, vector<16xf32>,
    %broadcast_in_dim3A = arith.constant 0 : i32
    %broadcast_in_dim3A_20 = vector.broadcast %broadcast_in_dim3A : i32 to vector<16xi32>
    %add3A_21 = arith.constant 0 : i32
    %add3A_22 = arith.addi %mul3A_2, %add3A_21 : i32
    %dma_start3A = arith.constant 0 : i32
    %dma_start3A_23 = tpu.memref_slice %arg2[%add3A_22, %dma_start3A] : memref<16384x512xf32, #tpu.memory_space<hbm>> -> memref<64x512xf32, #tpu.memory_space<hbm>>
    %dma_start3A_24 = arith.constant 0 : i32
    %dma_start3A_25 = tpu.memref_slice %arg2[%add3A_22, %dma_start3A_24] : memref<16384x512xf32, #tpu.memory_space<hbm>> -> memref<64x512xf32, #tpu.memory_space<hbm>>
    tpu.enqueue_dma source(%dma_start3A_25 : memref<64x512xf32, #tpu.memory_space<hbm>>) target(%arg8 : memref<64x512xf32, #tpu.memory_space<vmem>>) target_semaphore(%arg11 : memref<!tpu.dma_semaphore, #tpu.memory_space<semaphore_mem>>)
    %add3A_26 = arith.constant 64 : i32
    %add3A_27 = arith.addi %mul3A_2, %add3A_26 : i32
    %dma_start3A_28 = arith.constant 0 : i32
    %dma_start3A_29 = tpu.memref_slice %arg2[%add3A_27, %dma_start3A_28] : memref<16384x512xf32, #tpu.memory_space<hbm>> -> memref<64x512xf32, #tpu.memory_space<hbm>>
    %dma_start3A_30 = arith.constant 0 : i32
    %dma_start3A_31 = tpu.memref_slice %arg2[%add3A_27, %dma_start3A_30] : memref<16384x512xf32, #tpu.memory_space<hbm>> -> memref<64x512xf32, #tpu.memory_space<hbm>>
    tpu.enqueue_dma source(%dma_start3A_31 : memref<64x512xf32, #tpu.memory_space<hbm>>) target(%arg9 : memref<64x512xf32, #tpu.memory_space<vmem>>) target_semaphore(%arg12 : memref<!tpu.dma_semaphore, #tpu.memory_space<semaphore_mem>>)
    %add3A_32 = arith.constant 0 : i32
    %add3A_33 = arith.addi %mul3A_2, %add3A_32 : i32
    %dma_wait3A = arith.constant 0 : i32
    %dma_wait3A_34 = tpu.memref_slice %arg2[%add3A_33, %dma_wait3A] : memref<16384x512xf32, #tpu.memory_space<hbm>> -> memref<64x512xf32, #tpu.memory_space<hbm>>
    %dma_wait3A_35 = arith.constant 0 : i32
    %dma_wait3A_36 = tpu.memref_slice %arg2[%add3A_33, %dma_wait3A_35] : memref<16384x512xf32, #tpu.memory_space<hbm>> -> memref<64x512xf32, #tpu.memory_space<hbm>>
    tpu.wait_dma2 semaphore(%arg11 : memref<!tpu.dma_semaphore, #tpu.memory_space<semaphore_mem>>) src(%dma_wait3A_36 : memref<64x512xf32, #tpu.memory_space<hbm>>) dst(%arg8 : memref<64x512xf32, #tpu.memory_space<vmem>>)
    %parallel_loop3A = arith.constant 0 : i32
    %parallel_loop3A_37 = arith.constant 64 : i32
    %parallel_loop3A_38 = arith.constant 1 : i32
    scf.for %parallel_loop3A_234 = %parallel_loop3A to %parallel_loop3A_37 step %parallel_loop3A_38  : i32 {
      %parallel_loop3A_235 = vector.broadcast %parallel_loop3A_234 : i32 to vector<16xi32>
      %parallel_loop3A_236 = arith.addi %broadcast_in_dim3A_20, %parallel_loop3A_235 : vector<16xi32>
      %parallel_loop3A_237 = tpu.vector_load_idx %arg8[%parallel_loop3A_236, %get3A_3] : memref<64x512xf32, #tpu.memory_space<vmem>>[vector<16xi32>, vector<16xi32>], vector<16xf32>,
      %parallel_loop3A_238 = tpu.vector_load_idx %arg8[%parallel_loop3A_236, %get3A_5] : memref<64x512xf32, #tpu.memory_space<vmem>>[vector<16xi32>, vector<16xi32>], vector<16xf32>,
      %parallel_loop3A_239 = tpu.vector_load_idx %arg8[%parallel_loop3A_236, %get3A_7] : memref<64x512xf32, #tpu.memory_space<vmem>>[vector<16xi32>, vector<16xi32>], vector<16xf32>,
      %parallel_loop3A_240 = tpu.vector_load_idx %arg8[%parallel_loop3A_236, %get3A_9] : memref<64x512xf32, #tpu.memory_space<vmem>>[vector<16xi32>, vector<16xi32>], vector<16xf32>,
      %parallel_loop3A_241 = tpu.vector_load_idx %arg8[%parallel_loop3A_236, %get3A_11] : memref<64x512xf32, #tpu.memory_space<vmem>>[vector<16xi32>, vector<16xi32>], vector<16xf32>,
      %parallel_loop3A_242 = tpu.vector_load_idx %arg8[%parallel_loop3A_236, %get3A_13] : memref<64x512xf32, #tpu.memory_space<vmem>>[vector<16xi32>, vector<16xi32>], vector<16xf32>,
      %parallel_loop3A_243 = tpu.vector_load_idx %arg8[%parallel_loop3A_236, %get3A_15] : memref<64x512xf32, #tpu.memory_space<vmem>>[vector<16xi32>, vector<16xi32>], vector<16xf32>,
      %parallel_loop3A_244 = tpu.vector_load_idx %arg8[%parallel_loop3A_236, %get3A_17] : memref<64x512xf32, #tpu.memory_space<vmem>>[vector<16xi32>, vector<16xi32>], vector<16xf32>,
      %parallel_loop3A_245 = math.absf %parallel_loop3A_237 : vector<16xf32>
      %parallel_loop3A_246 = arith.constant 0.000000e+00 : f32
      %parallel_loop3A_247 = vector.broadcast %parallel_loop3A_246 : f32 to vector<16xf32>
      %parallel_loop3A_248 = arith.subf %parallel_loop3A_247, %parallel_loop3A_245 : vector<16xf32>
      %parallel_loop3A_249 = math.exp %parallel_loop3A_248 : vector<16xf32>
      %parallel_loop3A_250 = arith.constant 2.000000e+00 : f32
      %parallel_loop3A_251 = vector.broadcast %parallel_loop3A_250 : f32 to vector<16xf32>
      %parallel_loop3A_252 = arith.addf %parallel_loop3A_251, %parallel_loop3A_249 : vector<16xf32>
      %parallel_loop3A_253 = arith.divf %parallel_loop3A_249, %parallel_loop3A_252 : vector<16xf32>
      %parallel_loop3A_254 = arith.mulf %parallel_loop3A_253, %parallel_loop3A_253 : vector<16xf32>
      %parallel_loop3A_255 = arith.constant 4.000000e-01 : f32
      %parallel_loop3A_256 = vector.broadcast %parallel_loop3A_255 : f32 to vector<16xf32>
      %parallel_loop3A_257 = arith.mulf %parallel_loop3A_254, %parallel_loop3A_256 : vector<16xf32>
      %parallel_loop3A_258 = arith.constant 0.666666686 : f32
      %parallel_loop3A_259 = vector.broadcast %parallel_loop3A_258 : f32 to vector<16xf32>
      %parallel_loop3A_260 = arith.addf %parallel_loop3A_259, %parallel_loop3A_257 : vector<16xf32>
      %parallel_loop3A_261 = arith.mulf %parallel_loop3A_254, %parallel_loop3A_260 : vector<16xf32>
      %parallel_loop3A_262 = arith.constant 2.000000e+00 : f32
      %parallel_loop3A_263 = vector.broadcast %parallel_loop3A_262 : f32 to vector<16xf32>
      %parallel_loop3A_264 = arith.addf %parallel_loop3A_263, %parallel_loop3A_261 : vector<16xf32>
      %parallel_loop3A_265 = arith.mulf %parallel_loop3A_253, %parallel_loop3A_264 : vector<16xf32>
      %parallel_loop3A_266 = arith.constant 0.000000e+00 : f32
      %parallel_loop3A_267 = vector.broadcast %parallel_loop3A_266 : f32 to vector<16xf32>
      %parallel_loop3A_268 = arith.minimumf %parallel_loop3A_237, %parallel_loop3A_267 : vector<16xf32>
      %parallel_loop3A_269 = arith.subf %parallel_loop3A_268, %parallel_loop3A_265 : vector<16xf32>
      %parallel_loop3A_270 = arith.addf %get3A_19, %parallel_loop3A_269 : vector<16xf32>
      %parallel_loop3A_271 = math.absf %parallel_loop3A_238 : vector<16xf32>
      %parallel_loop3A_272 = arith.constant 0.000000e+00 : f32
      %parallel_loop3A_273 = vector.broadcast %parallel_loop3A_272 : f32 to vector<16xf32>
      %parallel_loop3A_274 = arith.subf %parallel_loop3A_273, %parallel_loop3A_271 : vector<16xf32>
      %parallel_loop3A_275 = math.exp %parallel_loop3A_274 : vector<16xf32>
      %parallel_loop3A_276 = arith.constant 2.000000e+00 : f32
      %parallel_loop3A_277 = vector.broadcast %parallel_loop3A_276 : f32 to vector<16xf32>
      %parallel_loop3A_278 = arith.addf %parallel_loop3A_277, %parallel_loop3A_275 : vector<16xf32>
      %parallel_loop3A_279 = arith.divf %parallel_loop3A_275, %parallel_loop3A_278 : vector<16xf32>
      %parallel_loop3A_280 = arith.mulf %parallel_loop3A_279, %parallel_loop3A_279 : vector<16xf32>
      %parallel_loop3A_281 = arith.constant 4.000000e-01 : f32
      %parallel_loop3A_282 = vector.broadcast %parallel_loop3A_281 : f32 to vector<16xf32>
      %parallel_loop3A_283 = arith.mulf %parallel_loop3A_280, %parallel_loop3A_282 : vector<16xf32>
      %parallel_loop3A_284 = arith.constant 0.666666686 : f32
      %parallel_loop3A_285 = vector.broadcast %parallel_loop3A_284 : f32 to vector<16xf32>
      %parallel_loop3A_286 = arith.addf %parallel_loop3A_285, %parallel_loop3A_283 : vector<16xf32>
      %parallel_loop3A_287 = arith.mulf %parallel_loop3A_280, %parallel_loop3A_286 : vector<16xf32>
      %parallel_loop3A_288 = arith.constant 2.000000e+00 : f32
      %parallel_loop3A_289 = vector.broadcast %parallel_loop3A_288 : f32 to vector<16xf32>
      %parallel_loop3A_290 = arith.addf %parallel_loop3A_289, %parallel_loop3A_287 : vector<16xf32>
      %parallel_loop3A_291 = arith.mulf %parallel_loop3A_279, %parallel_loop3A_290 : vector<16xf32>
      %parallel_loop3A_292 = arith.constant 0.000000e+00 : f32
      %parallel_loop3A_293 = vector.broadcast %parallel_loop3A_292 : f32 to vector<16xf32>
      %parallel_loop3A_294 = arith.minimumf %parallel_loop3A_238, %parallel_loop3A_293 : vector<16xf32>
      %parallel_loop3A_295 = arith.subf %parallel_loop3A_294, %parallel_loop3A_291 : vector<16xf32>
      %parallel_loop3A_296 = arith.addf %get3A_19, %parallel_loop3A_295 : vector<16xf32>
      %parallel_loop3A_297 = math.absf %parallel_loop3A_239 : vector<16xf32>
      %parallel_loop3A_298 = arith.constant 0.000000e+00 : f32
      %parallel_loop3A_299 = vector.broadcast %parallel_loop3A_298 : f32 to vector<16xf32>
      %parallel_loop3A_300 = arith.subf %parallel_loop3A_299, %parallel_loop3A_297 : vector<16xf32>
      %parallel_loop3A_301 = math.exp %parallel_loop3A_300 : vector<16xf32>
      %parallel_loop3A_302 = arith.constant 2.000000e+00 : f32
      %parallel_loop3A_303 = vector.broadcast %parallel_loop3A_302 : f32 to vector<16xf32>
      %parallel_loop3A_304 = arith.addf %parallel_loop3A_303, %parallel_loop3A_301 : vector<16xf32>
      %parallel_loop3A_305 = arith.divf %parallel_loop3A_301, %parallel_loop3A_304 : vector<16xf32>
      %parallel_loop3A_306 = arith.mulf %parallel_loop3A_305, %parallel_loop3A_305 : vector<16xf32>
      %parallel_loop3A_307 = arith.constant 4.000000e-01 : f32
      %parallel_loop3A_308 = vector.broadcast %parallel_loop3A_307 : f32 to vector<16xf32>
      %parallel_loop3A_309 = arith.mulf %parallel_loop3A_306, %parallel_loop3A_308 : vector<16xf32>
      %parallel_loop3A_310 = arith.constant 0.666666686 : f32
      %parallel_loop3A_311 = vector.broadcast %parallel_loop3A_310 : f32 to vector<16xf32>
      %parallel_loop3A_312 = arith.addf %parallel_loop3A_311, %parallel_loop3A_309 : vector<16xf32>
      %parallel_loop3A_313 = arith.mulf %parallel_loop3A_306, %parallel_loop3A_312 : vector<16xf32>
      %parallel_loop3A_314 = arith.constant 2.000000e+00 : f32
      %parallel_loop3A_315 = vector.broadcast %parallel_loop3A_314 : f32 to vector<16xf32>
      %parallel_loop3A_316 = arith.addf %parallel_loop3A_315, %parallel_loop3A_313 : vector<16xf32>
      %parallel_loop3A_317 = arith.mulf %parallel_loop3A_305, %parallel_loop3A_316 : vector<16xf32>
      %parallel_loop3A_318 = arith.constant 0.000000e+00 : f32
      %parallel_loop3A_319 = vector.broadcast %parallel_loop3A_318 : f32 to vector<16xf32>
      %parallel_loop3A_320 = arith.minimumf %parallel_loop3A_239, %parallel_loop3A_319 : vector<16xf32>
      %parallel_loop3A_321 = arith.subf %parallel_loop3A_320, %parallel_loop3A_317 : vector<16xf32>
      %parallel_loop3A_322 = arith.addf %get3A_19, %parallel_loop3A_321 : vector<16xf32>
      %parallel_loop3A_323 = math.absf %parallel_loop3A_240 : vector<16xf32>
      %parallel_loop3A_324 = arith.constant 0.000000e+00 : f32
      %parallel_loop3A_325 = vector.broadcast %parallel_loop3A_324 : f32 to vector<16xf32>
      %parallel_loop3A_326 = arith.subf %parallel_loop3A_325, %parallel_loop3A_323 : vector<16xf32>
      %parallel_loop3A_327 = math.exp %parallel_loop3A_326 : vector<16xf32>
      %parallel_loop3A_328 = arith.constant 2.000000e+00 : f32
      %parallel_loop3A_329 = vector.broadcast %parallel_loop3A_328 : f32 to vector<16xf32>
      %parallel_loop3A_330 = arith.addf %parallel_loop3A_329, %parallel_loop3A_327 : vector<16xf32>
      %parallel_loop3A_331 = arith.divf %parallel_loop3A_327, %parallel_loop3A_330 : vector<16xf32>
      %parallel_loop3A_332 = arith.mulf %parallel_loop3A_331, %parallel_loop3A_331 : vector<16xf32>
      %parallel_loop3A_333 = arith.constant 4.000000e-01 : f32
      %parallel_loop3A_334 = vector.broadcast %parallel_loop3A_333 : f32 to vector<16xf32>
      %parallel_loop3A_335 = arith.mulf %parallel_loop3A_332, %parallel_loop3A_334 : vector<16xf32>
      %parallel_loop3A_336 = arith.constant 0.666666686 : f32
      %parallel_loop3A_337 = vector.broadcast %parallel_loop3A_336 : f32 to vector<16xf32>
      %parallel_loop3A_338 = arith.addf %parallel_loop3A_337, %parallel_loop3A_335 : vector<16xf32>
      %parallel_loop3A_339 = arith.mulf %parallel_loop3A_332, %parallel_loop3A_338 : vector<16xf32>
      %parallel_loop3A_340 = arith.constant 2.000000e+00 : f32
      %parallel_loop3A_341 = vector.broadcast %parallel_loop3A_340 : f32 to vector<16xf32>
      %parallel_loop3A_342 = arith.addf %parallel_loop3A_341, %parallel_loop3A_339 : vector<16xf32>
      %parallel_loop3A_343 = arith.mulf %parallel_loop3A_331, %parallel_loop3A_342 : vector<16xf32>
      %parallel_loop3A_344 = arith.constant 0.000000e+00 : f32
      %parallel_loop3A_345 = vector.broadcast %parallel_loop3A_344 : f32 to vector<16xf32>
      %parallel_loop3A_346 = arith.minimumf %parallel_loop3A_240, %parallel_loop3A_345 : vector<16xf32>
      %parallel_loop3A_347 = arith.subf %parallel_loop3A_346, %parallel_loop3A_343 : vector<16xf32>
      %parallel_loop3A_348 = arith.addf %get3A_19, %parallel_loop3A_347 : vector<16xf32>
      %parallel_loop3A_349 = math.absf %parallel_loop3A_241 : vector<16xf32>
      %parallel_loop3A_350 = arith.constant 0.000000e+00 : f32
      %parallel_loop3A_351 = vector.broadcast %parallel_loop3A_350 : f32 to vector<16xf32>
      %parallel_loop3A_352 = arith.subf %parallel_loop3A_351, %parallel_loop3A_349 : vector<16xf32>
      %parallel_loop3A_353 = math.exp %parallel_loop3A_352 : vector<16xf32>
      %parallel_loop3A_354 = arith.constant 2.000000e+00 : f32
      %parallel_loop3A_355 = vector.broadcast %parallel_loop3A_354 : f32 to vector<16xf32>
      %parallel_loop3A_356 = arith.addf %parallel_loop3A_355, %parallel_loop3A_353 : vector<16xf32>
      %parallel_loop3A_357 = arith.divf %parallel_loop3A_353, %parallel_loop3A_356 : vector<16xf32>
      %parallel_loop3A_358 = arith.mulf %parallel_loop3A_357, %parallel_loop3A_357 : vector<16xf32>
      %parallel_loop3A_359 = arith.constant 4.000000e-01 : f32
      %parallel_loop3A_360 = vector.broadcast %parallel_loop3A_359 : f32 to vector<16xf32>
      %parallel_loop3A_361 = arith.mulf %parallel_loop3A_358, %parallel_loop3A_360 : vector<16xf32>
      %parallel_loop3A_362 = arith.constant 0.666666686 : f32
      %parallel_loop3A_363 = vector.broadcast %parallel_loop3A_362 : f32 to vector<16xf32>
      %parallel_loop3A_364 = arith.addf %parallel_loop3A_363, %parallel_loop3A_361 : vector<16xf32>
      %parallel_loop3A_365 = arith.mulf %parallel_loop3A_358, %parallel_loop3A_364 : vector<16xf32>
      %parallel_loop3A_366 = arith.constant 2.000000e+00 : f32
      %parallel_loop3A_367 = vector.broadcast %parallel_loop3A_366 : f32 to vector<16xf32>
      %parallel_loop3A_368 = arith.addf %parallel_loop3A_367, %parallel_loop3A_365 : vector<16xf32>
      %parallel_loop3A_369 = arith.mulf %parallel_loop3A_357, %parallel_loop3A_368 : vector<16xf32>
      %parallel_loop3A_370 = arith.constant 0.000000e+00 : f32
      %parallel_loop3A_371 = vector.broadcast %parallel_loop3A_370 : f32 to vector<16xf32>
      %parallel_loop3A_372 = arith.minimumf %parallel_loop3A_241, %parallel_loop3A_371 : vector<16xf32>
      %parallel_loop3A_373 = arith.subf %parallel_loop3A_372, %parallel_loop3A_369 : vector<16xf32>
      %parallel_loop3A_374 = arith.addf %get3A_19, %parallel_loop3A_373 : vector<16xf32>
      %parallel_loop3A_375 = math.absf %parallel_loop3A_242 : vector<16xf32>
      %parallel_loop3A_376 = arith.constant 0.000000e+00 : f32
      %parallel_loop3A_377 = vector.broadcast %parallel_loop3A_376 : f32 to vector<16xf32>
      %parallel_loop3A_378 = arith.subf %parallel_loop3A_377, %parallel_loop3A_375 : vector<16xf32>
      %parallel_loop3A_379 = math.exp %parallel_loop3A_378 : vector<16xf32>
      %parallel_loop3A_380 = arith.constant 2.000000e+00 : f32
      %parallel_loop3A_381 = vector.broadcast %parallel_loop3A_380 : f32 to vector<16xf32>
      %parallel_loop3A_382 = arith.addf %parallel_loop3A_381, %parallel_loop3A_379 : vector<16xf32>
      %parallel_loop3A_383 = arith.divf %parallel_loop3A_379, %parallel_loop3A_382 : vector<16xf32>
      %parallel_loop3A_384 = arith.mulf %parallel_loop3A_383, %parallel_loop3A_383 : vector<16xf32>
      %parallel_loop3A_385 = arith.constant 4.000000e-01 : f32
      %parallel_loop3A_386 = vector.broadcast %parallel_loop3A_385 : f32 to vector<16xf32>
      %parallel_loop3A_387 = arith.mulf %parallel_loop3A_384, %parallel_loop3A_386 : vector<16xf32>
      %parallel_loop3A_388 = arith.constant 0.666666686 : f32
      %parallel_loop3A_389 = vector.broadcast %parallel_loop3A_388 : f32 to vector<16xf32>
      %parallel_loop3A_390 = arith.addf %parallel_loop3A_389, %parallel_loop3A_387 : vector<16xf32>
      %parallel_loop3A_391 = arith.mulf %parallel_loop3A_384, %parallel_loop3A_390 : vector<16xf32>
      %parallel_loop3A_392 = arith.constant 2.000000e+00 : f32
      %parallel_loop3A_393 = vector.broadcast %parallel_loop3A_392 : f32 to vector<16xf32>
      %parallel_loop3A_394 = arith.addf %parallel_loop3A_393, %parallel_loop3A_391 : vector<16xf32>
      %parallel_loop3A_395 = arith.mulf %parallel_loop3A_383, %parallel_loop3A_394 : vector<16xf32>
      %parallel_loop3A_396 = arith.constant 0.000000e+00 : f32
      %parallel_loop3A_397 = vector.broadcast %parallel_loop3A_396 : f32 to vector<16xf32>
      %parallel_loop3A_398 = arith.minimumf %parallel_loop3A_242, %parallel_loop3A_397 : vector<16xf32>
      %parallel_loop3A_399 = arith.subf %parallel_loop3A_398, %parallel_loop3A_395 : vector<16xf32>
      %parallel_loop3A_400 = arith.addf %get3A_19, %parallel_loop3A_399 : vector<16xf32>
      %parallel_loop3A_401 = math.absf %parallel_loop3A_243 : vector<16xf32>
      %parallel_loop3A_402 = arith.constant 0.000000e+00 : f32
      %parallel_loop3A_403 = vector.broadcast %parallel_loop3A_402 : f32 to vector<16xf32>
      %parallel_loop3A_404 = arith.subf %parallel_loop3A_403, %parallel_loop3A_401 : vector<16xf32>
      %parallel_loop3A_405 = math.exp %parallel_loop3A_404 : vector<16xf32>
      %parallel_loop3A_406 = arith.constant 2.000000e+00 : f32
      %parallel_loop3A_407 = vector.broadcast %parallel_loop3A_406 : f32 to vector<16xf32>
      %parallel_loop3A_408 = arith.addf %parallel_loop3A_407, %parallel_loop3A_405 : vector<16xf32>
      %parallel_loop3A_409 = arith.divf %parallel_loop3A_405, %parallel_loop3A_408 : vector<16xf32>
      %parallel_loop3A_410 = arith.mulf %parallel_loop3A_409, %parallel_loop3A_409 : vector<16xf32>
      %parallel_loop3A_411 = arith.constant 4.000000e-01 : f32
      %parallel_loop3A_412 = vector.broadcast %parallel_loop3A_411 : f32 to vector<16xf32>
      %parallel_loop3A_413 = arith.mulf %parallel_loop3A_410, %parallel_loop3A_412 : vector<16xf32>
      %parallel_loop3A_414 = arith.constant 0.666666686 : f32
      %parallel_loop3A_415 = vector.broadcast %parallel_loop3A_414 : f32 to vector<16xf32>
      %parallel_loop3A_416 = arith.addf %parallel_loop3A_415, %parallel_loop3A_413 : vector<16xf32>
      %parallel_loop3A_417 = arith.mulf %parallel_loop3A_410, %parallel_loop3A_416 : vector<16xf32>
      %parallel_loop3A_418 = arith.constant 2.000000e+00 : f32
      %parallel_loop3A_419 = vector.broadcast %parallel_loop3A_418 : f32 to vector<16xf32>
      %parallel_loop3A_420 = arith.addf %parallel_loop3A_419, %parallel_loop3A_417 : vector<16xf32>
      %parallel_loop3A_421 = arith.mulf %parallel_loop3A_409, %parallel_loop3A_420 : vector<16xf32>
      %parallel_loop3A_422 = arith.constant 0.000000e+00 : f32
      %parallel_loop3A_423 = vector.broadcast %parallel_loop3A_422 : f32 to vector<16xf32>
      %parallel_loop3A_424 = arith.minimumf %parallel_loop3A_243, %parallel_loop3A_423 : vector<16xf32>
      %parallel_loop3A_425 = arith.subf %parallel_loop3A_424, %parallel_loop3A_421 : vector<16xf32>
      %parallel_loop3A_426 = arith.addf %get3A_19, %parallel_loop3A_425 : vector<16xf32>
      %parallel_loop3A_427 = math.absf %parallel_loop3A_244 : vector<16xf32>
      %parallel_loop3A_428 = arith.constant 0.000000e+00 : f32
      %parallel_loop3A_429 = vector.broadcast %parallel_loop3A_428 : f32 to vector<16xf32>
      %parallel_loop3A_430 = arith.subf %parallel_loop3A_429, %parallel_loop3A_427 : vector<16xf32>
      %parallel_loop3A_431 = math.exp %parallel_loop3A_430 : vector<16xf32>
      %parallel_loop3A_432 = arith.constant 2.000000e+00 : f32
      %parallel_loop3A_433 = vector.broadcast %parallel_loop3A_432 : f32 to vector<16xf32>
      %parallel_loop3A_434 = arith.addf %parallel_loop3A_433, %parallel_loop3A_431 : vector<16xf32>
      %parallel_loop3A_435 = arith.divf %parallel_loop3A_431, %parallel_loop3A_434 : vector<16xf32>
      %parallel_loop3A_436 = arith.mulf %parallel_loop3A_435, %parallel_loop3A_435 : vector<16xf32>
      %parallel_loop3A_437 = arith.constant 4.000000e-01 : f32
      %parallel_loop3A_438 = vector.broadcast %parallel_loop3A_437 : f32 to vector<16xf32>
      %parallel_loop3A_439 = arith.mulf %parallel_loop3A_436, %parallel_loop3A_438 : vector<16xf32>
      %parallel_loop3A_440 = arith.constant 0.666666686 : f32
      %parallel_loop3A_441 = vector.broadcast %parallel_loop3A_440 : f32 to vector<16xf32>
      %parallel_loop3A_442 = arith.addf %parallel_loop3A_441, %parallel_loop3A_439 : vector<16xf32>
      %parallel_loop3A_443 = arith.mulf %parallel_loop3A_436, %parallel_loop3A_442 : vector<16xf32>
      %parallel_loop3A_444 = arith.constant 2.000000e+00 : f32
      %parallel_loop3A_445 = vector.broadcast %parallel_loop3A_444 : f32 to vector<16xf32>
      %parallel_loop3A_446 = arith.addf %parallel_loop3A_445, %parallel_loop3A_443 : vector<16xf32>
      %parallel_loop3A_447 = arith.mulf %parallel_loop3A_435, %parallel_loop3A_446 : vector<16xf32>
      %parallel_loop3A_448 = arith.constant 0.000000e+00 : f32
      %parallel_loop3A_449 = vector.broadcast %parallel_loop3A_448 : f32 to vector<16xf32>
      %parallel_loop3A_450 = arith.minimumf %parallel_loop3A_244, %parallel_loop3A_449 : vector<16xf32>
      %parallel_loop3A_451 = arith.subf %parallel_loop3A_450, %parallel_loop3A_447 : vector<16xf32>
      %parallel_loop3A_452 = arith.addf %get3A_19, %parallel_loop3A_451 : vector<16xf32>
      tpu.vector_store_idx %arg8[%parallel_loop3A_236, %get3A_3], %parallel_loop3A_270 : memref<64x512xf32, #tpu.memory_space<vmem>>[vector<16xi32>, vector<16xi32>], vector<16xf32>,
      tpu.vector_store_idx %arg8[%parallel_loop3A_236, %get3A_5], %parallel_loop3A_296 : memref<64x512xf32, #tpu.memory_space<vmem>>[vector<16xi32>, vector<16xi32>], vector<16xf32>,
      tpu.vector_store_idx %arg8[%parallel_loop3A_236, %get3A_7], %parallel_loop3A_322 : memref<64x512xf32, #tpu.memory_space<vmem>>[vector<16xi32>, vector<16xi32>], vector<16xf32>,
      tpu.vector_store_idx %arg8[%parallel_loop3A_236, %get3A_9], %parallel_loop3A_348 : memref<64x512xf32, #tpu.memory_space<vmem>>[vector<16xi32>, vector<16xi32>], vector<16xf32>,
      tpu.vector_store_idx %arg8[%parallel_loop3A_236, %get3A_11], %parallel_loop3A_374 : memref<64x512xf32, #tpu.memory_space<vmem>>[vector<16xi32>, vector<16xi32>], vector<16xf32>,
      tpu.vector_store_idx %arg8[%parallel_loop3A_236, %get3A_13], %parallel_loop3A_400 : memref<64x512xf32, #tpu.memory_space<vmem>>[vector<16xi32>, vector<16xi32>], vector<16xf32>,
      tpu.vector_store_idx %arg8[%parallel_loop3A_236, %get3A_15], %parallel_loop3A_426 : memref<64x512xf32, #tpu.memory_space<vmem>>[vector<16xi32>, vector<16xi32>], vector<16xf32>,
      tpu.vector_store_idx %arg8[%parallel_loop3A_236, %get3A_17], %parallel_loop3A_452 : memref<64x512xf32, #tpu.memory_space<vmem>>[vector<16xi32>, vector<16xi32>], vector<16xf32>,
    } {sc.loop_unroll_factor = 1 : i64, sc.parallel_access}
    %add3A_39 = arith.constant 0 : i32
    %add3A_40 = arith.addi %mul3A_2, %add3A_39 : i32
    %dma_start3A_41 = arith.constant 0 : i32
    %dma_start3A_42 = tpu.memref_slice %arg5[%add3A_40, %dma_start3A_41] : memref<16384x512xf32, #tpu.memory_space<hbm>> -> memref<64x512xf32, #tpu.memory_space<hbm>>
    %dma_start3A_43 = arith.constant 0 : i32
    %dma_start3A_44 = tpu.memref_slice %arg5[%add3A_40, %dma_start3A_43] : memref<16384x512xf32, #tpu.memory_space<hbm>> -> memref<64x512xf32, #tpu.memory_space<hbm>>
    tpu.enqueue_dma source(%arg8 : memref<64x512xf32, #tpu.memory_space<vmem>>) target(%dma_start3A_44 : memref<64x512xf32, #tpu.memory_space<hbm>>) target_semaphore(%arg14 : memref<!tpu.dma_semaphore, #tpu.memory_space<semaphore_mem>>)
    %add3A_45 = arith.constant 128 : i32
    %add3A_46 = arith.addi %mul3A_2, %add3A_45 : i32
    %dma_start3A_47 = arith.constant 0 : i32
    %dma_start3A_48 = tpu.memref_slice %arg2[%add3A_46, %dma_start3A_47] : memref<16384x512xf32, #tpu.memory_space<hbm>> -> memref<64x512xf32, #tpu.memory_space<hbm>>
    %dma_start3A_49 = arith.constant 0 : i32
    %dma_start3A_50 = tpu.memref_slice %arg2[%add3A_46, %dma_start3A_49] : memref<16384x512xf32, #tpu.memory_space<hbm>> -> memref<64x512xf32, #tpu.memory_space<hbm>>
    tpu.enqueue_dma source(%dma_start3A_50 : memref<64x512xf32, #tpu.memory_space<hbm>>) target(%arg10 : memref<64x512xf32, #tpu.memory_space<vmem>>) target_semaphore(%arg13 : memref<!tpu.dma_semaphore, #tpu.memory_space<semaphore_mem>>)
    %add3A_51 = arith.constant 64 : i32
    %add3A_52 = arith.addi %mul3A_2, %add3A_51 : i32
    %dma_wait3A_53 = arith.constant 0 : i32
    %dma_wait3A_54 = tpu.memref_slice %arg2[%add3A_52, %dma_wait3A_53] : memref<16384x512xf32, #tpu.memory_space<hbm>> -> memref<64x512xf32, #tpu.memory_space<hbm>>
    %dma_wait3A_55 = arith.constant 0 : i32
    %dma_wait3A_56 = tpu.memref_slice %arg2[%add3A_52, %dma_wait3A_55] : memref<16384x512xf32, #tpu.memory_space<hbm>> -> memref<64x512xf32, #tpu.memory_space<hbm>>
    tpu.wait_dma2 semaphore(%arg12 : memref<!tpu.dma_semaphore, #tpu.memory_space<semaphore_mem>>) src(%dma_wait3A_56 : memref<64x512xf32, #tpu.memory_space<hbm>>) dst(%arg9 : memref<64x512xf32, #tpu.memory_space<vmem>>)
    %parallel_loop3A_57 = arith.constant 0 : i32
    %parallel_loop3A_58 = arith.constant 64 : i32
    %parallel_loop3A_59 = arith.constant 1 : i32
    scf.for %parallel_loop3A_234 = %parallel_loop3A_57 to %parallel_loop3A_58 step %parallel_loop3A_59  : i32 {
      %parallel_loop3A_235 = vector.broadcast %parallel_loop3A_234 : i32 to vector<16xi32>
      %parallel_loop3A_236 = arith.addi %broadcast_in_dim3A_20, %parallel_loop3A_235 : vector<16xi32>
      %parallel_loop3A_237 = tpu.vector_load_idx %arg9[%parallel_loop3A_236, %get3A_3] : memref<64x512xf32, #tpu.memory_space<vmem>>[vector<16xi32>, vector<16xi32>], vector<16xf32>,
      %parallel_loop3A_238 = tpu.vector_load_idx %arg9[%parallel_loop3A_236, %get3A_5] : memref<64x512xf32, #tpu.memory_space<vmem>>[vector<16xi32>, vector<16xi32>], vector<16xf32>,
      %parallel_loop3A_239 = tpu.vector_load_idx %arg9[%parallel_loop3A_236, %get3A_7] : memref<64x512xf32, #tpu.memory_space<vmem>>[vector<16xi32>, vector<16xi32>], vector<16xf32>,
      %parallel_loop3A_240 = tpu.vector_load_idx %arg9[%parallel_loop3A_236, %get3A_9] : memref<64x512xf32, #tpu.memory_space<vmem>>[vector<16xi32>, vector<16xi32>], vector<16xf32>,
      %parallel_loop3A_241 = tpu.vector_load_idx %arg9[%parallel_loop3A_236, %get3A_11] : memref<64x512xf32, #tpu.memory_space<vmem>>[vector<16xi32>, vector<16xi32>], vector<16xf32>,
      %parallel_loop3A_242 = tpu.vector_load_idx %arg9[%parallel_loop3A_236, %get3A_13] : memref<64x512xf32, #tpu.memory_space<vmem>>[vector<16xi32>, vector<16xi32>], vector<16xf32>,
      %parallel_loop3A_243 = tpu.vector_load_idx %arg9[%parallel_loop3A_236, %get3A_15] : memref<64x512xf32, #tpu.memory_space<vmem>>[vector<16xi32>, vector<16xi32>], vector<16xf32>,
      %parallel_loop3A_244 = tpu.vector_load_idx %arg9[%parallel_loop3A_236, %get3A_17] : memref<64x512xf32, #tpu.memory_space<vmem>>[vector<16xi32>, vector<16xi32>], vector<16xf32>,
      %parallel_loop3A_245 = math.absf %parallel_loop3A_237 : vector<16xf32>
      %parallel_loop3A_246 = arith.constant 0.000000e+00 : f32
      %parallel_loop3A_247 = vector.broadcast %parallel_loop3A_246 : f32 to vector<16xf32>
      %parallel_loop3A_248 = arith.subf %parallel_loop3A_247, %parallel_loop3A_245 : vector<16xf32>
      %parallel_loop3A_249 = math.exp %parallel_loop3A_248 : vector<16xf32>
      %parallel_loop3A_250 = arith.constant 2.000000e+00 : f32
      %parallel_loop3A_251 = vector.broadcast %parallel_loop3A_250 : f32 to vector<16xf32>
      %parallel_loop3A_252 = arith.addf %parallel_loop3A_251, %parallel_loop3A_249 : vector<16xf32>
      %parallel_loop3A_253 = arith.divf %parallel_loop3A_249, %parallel_loop3A_252 : vector<16xf32>
      %parallel_loop3A_254 = arith.mulf %parallel_loop3A_253, %parallel_loop3A_253 : vector<16xf32>
      %parallel_loop3A_255 = arith.constant 4.000000e-01 : f32
      %parallel_loop3A_256 = vector.broadcast %parallel_loop3A_255 : f32 to vector<16xf32>
      %parallel_loop3A_257 = arith.mulf %parallel_loop3A_254, %parallel_loop3A_256 : vector<16xf32>
      %parallel_loop3A_258 = arith.constant 0.666666686 : f32
      %parallel_loop3A_259 = vector.broadcast %parallel_loop3A_258 : f32 to vector<16xf32>
      %parallel_loop3A_260 = arith.addf %parallel_loop3A_259, %parallel_loop3A_257 : vector<16xf32>
      %parallel_loop3A_261 = arith.mulf %parallel_loop3A_254, %parallel_loop3A_260 : vector<16xf32>
      %parallel_loop3A_262 = arith.constant 2.000000e+00 : f32
      %parallel_loop3A_263 = vector.broadcast %parallel_loop3A_262 : f32 to vector<16xf32>
      %parallel_loop3A_264 = arith.addf %parallel_loop3A_263, %parallel_loop3A_261 : vector<16xf32>
      %parallel_loop3A_265 = arith.mulf %parallel_loop3A_253, %parallel_loop3A_264 : vector<16xf32>
      %parallel_loop3A_266 = arith.constant 0.000000e+00 : f32
      %parallel_loop3A_267 = vector.broadcast %parallel_loop3A_266 : f32 to vector<16xf32>
      %parallel_loop3A_268 = arith.minimumf %parallel_loop3A_237, %parallel_loop3A_267 : vector<16xf32>
      %parallel_loop3A_269 = arith.subf %parallel_loop3A_268, %parallel_loop3A_265 : vector<16xf32>
      %parallel_loop3A_270 = arith.addf %get3A_19, %parallel_loop3A_269 : vector<16xf32>
      %parallel_loop3A_271 = math.absf %parallel_loop3A_238 : vector<16xf32>
      %parallel_loop3A_272 = arith.constant 0.000000e+00 : f32
      %parallel_loop3A_273 = vector.broadcast %parallel_loop3A_272 : f32 to vector<16xf32>
      %parallel_loop3A_274 = arith.subf %parallel_loop3A_273, %parallel_loop3A_271 : vector<16xf32>
      %parallel_loop3A_275 = math.exp %parallel_loop3A_274 : vector<16xf32>
      %parallel_loop3A_276 = arith.constant 2.000000e+00 : f32
      %parallel_loop3A_277 = vector.broadcast %parallel_loop3A_276 : f32 to vector<16xf32>
      %parallel_loop3A_278 = arith.addf %parallel_loop3A_277, %parallel_loop3A_275 : vector<16xf32>
      %parallel_loop3A_279 = arith.divf %parallel_loop3A_275, %parallel_loop3A_278 : vector<16xf32>
      %parallel_loop3A_280 = arith.mulf %parallel_loop3A_279, %parallel_loop3A_279 : vector<16xf32>
      %parallel_loop3A_281 = arith.constant 4.000000e-01 : f32
      %parallel_loop3A_282 = vector.broadcast %parallel_loop3A_281 : f32 to vector<16xf32>
      %parallel_loop3A_283 = arith.mulf %parallel_loop3A_280, %parallel_loop3A_282 : vector<16xf32>
      %parallel_loop3A_284 = arith.constant 0.666666686 : f32
      %parallel_loop3A_285 = vector.broadcast %parallel_loop3A_284 : f32 to vector<16xf32>
      %parallel_loop3A_286 = arith.addf %parallel_loop3A_285, %parallel_loop3A_283 : vector<16xf32>
      %parallel_loop3A_287 = arith.mulf %parallel_loop3A_280, %parallel_loop3A_286 : vector<16xf32>
      %parallel_loop3A_288 = arith.constant 2.000000e+00 : f32
      %parallel_loop3A_289 = vector.broadcast %parallel_loop3A_288 : f32 to vector<16xf32>
      %parallel_loop3A_290 = arith.addf %parallel_loop3A_289, %parallel_loop3A_287 : vector<16xf32>
      %parallel_loop3A_291 = arith.mulf %parallel_loop3A_279, %parallel_loop3A_290 : vector<16xf32>
      %parallel_loop3A_292 = arith.constant 0.000000e+00 : f32
      %parallel_loop3A_293 = vector.broadcast %parallel_loop3A_292 : f32 to vector<16xf32>
      %parallel_loop3A_294 = arith.minimumf %parallel_loop3A_238, %parallel_loop3A_293 : vector<16xf32>
      %parallel_loop3A_295 = arith.subf %parallel_loop3A_294, %parallel_loop3A_291 : vector<16xf32>
      %parallel_loop3A_296 = arith.addf %get3A_19, %parallel_loop3A_295 : vector<16xf32>
      %parallel_loop3A_297 = math.absf %parallel_loop3A_239 : vector<16xf32>
      %parallel_loop3A_298 = arith.constant 0.000000e+00 : f32
      %parallel_loop3A_299 = vector.broadcast %parallel_loop3A_298 : f32 to vector<16xf32>
      %parallel_loop3A_300 = arith.subf %parallel_loop3A_299, %parallel_loop3A_297 : vector<16xf32>
      %parallel_loop3A_301 = math.exp %parallel_loop3A_300 : vector<16xf32>
      %parallel_loop3A_302 = arith.constant 2.000000e+00 : f32
      %parallel_loop3A_303 = vector.broadcast %parallel_loop3A_302 : f32 to vector<16xf32>
      %parallel_loop3A_304 = arith.addf %parallel_loop3A_303, %parallel_loop3A_301 : vector<16xf32>
      %parallel_loop3A_305 = arith.divf %parallel_loop3A_301, %parallel_loop3A_304 : vector<16xf32>
      %parallel_loop3A_306 = arith.mulf %parallel_loop3A_305, %parallel_loop3A_305 : vector<16xf32>
      %parallel_loop3A_307 = arith.constant 4.000000e-01 : f32
      %parallel_loop3A_308 = vector.broadcast %parallel_loop3A_307 : f32 to vector<16xf32>
      %parallel_loop3A_309 = arith.mulf %parallel_loop3A_306, %parallel_loop3A_308 : vector<16xf32>
      %parallel_loop3A_310 = arith.constant 0.666666686 : f32
      %parallel_loop3A_311 = vector.broadcast %parallel_loop3A_310 : f32 to vector<16xf32>
      %parallel_loop3A_312 = arith.addf %parallel_loop3A_311, %parallel_loop3A_309 : vector<16xf32>
      %parallel_loop3A_313 = arith.mulf %parallel_loop3A_306, %parallel_loop3A_312 : vector<16xf32>
      %parallel_loop3A_314 = arith.constant 2.000000e+00 : f32
      %parallel_loop3A_315 = vector.broadcast %parallel_loop3A_314 : f32 to vector<16xf32>
      %parallel_loop3A_316 = arith.addf %parallel_loop3A_315, %parallel_loop3A_313 : vector<16xf32>
      %parallel_loop3A_317 = arith.mulf %parallel_loop3A_305, %parallel_loop3A_316 : vector<16xf32>
      %parallel_loop3A_318 = arith.constant 0.000000e+00 : f32
      %parallel_loop3A_319 = vector.broadcast %parallel_loop3A_318 : f32 to vector<16xf32>
      %parallel_loop3A_320 = arith.minimumf %parallel_loop3A_239, %parallel_loop3A_319 : vector<16xf32>
      %parallel_loop3A_321 = arith.subf %parallel_loop3A_320, %parallel_loop3A_317 : vector<16xf32>
      %parallel_loop3A_322 = arith.addf %get3A_19, %parallel_loop3A_321 : vector<16xf32>
      %parallel_loop3A_323 = math.absf %parallel_loop3A_240 : vector<16xf32>
      %parallel_loop3A_324 = arith.constant 0.000000e+00 : f32
      %parallel_loop3A_325 = vector.broadcast %parallel_loop3A_324 : f32 to vector<16xf32>
      %parallel_loop3A_326 = arith.subf %parallel_loop3A_325, %parallel_loop3A_323 : vector<16xf32>
      %parallel_loop3A_327 = math.exp %parallel_loop3A_326 : vector<16xf32>
      %parallel_loop3A_328 = arith.constant 2.000000e+00 : f32
      %parallel_loop3A_329 = vector.broadcast %parallel_loop3A_328 : f32 to vector<16xf32>
      %parallel_loop3A_330 = arith.addf %parallel_loop3A_329, %parallel_loop3A_327 : vector<16xf32>
      %parallel_loop3A_331 = arith.divf %parallel_loop3A_327, %parallel_loop3A_330 : vector<16xf32>
      %parallel_loop3A_332 = arith.mulf %parallel_loop3A_331, %parallel_loop3A_331 : vector<16xf32>
      %parallel_loop3A_333 = arith.constant 4.000000e-01 : f32
      %parallel_loop3A_334 = vector.broadcast %parallel_loop3A_333 : f32 to vector<16xf32>
      %parallel_loop3A_335 = arith.mulf %parallel_loop3A_332, %parallel_loop3A_334 : vector<16xf32>
      %parallel_loop3A_336 = arith.constant 0.666666686 : f32
      %parallel_loop3A_337 = vector.broadcast %parallel_loop3A_336 : f32 to vector<16xf32>
      %parallel_loop3A_338 = arith.addf %parallel_loop3A_337, %parallel_loop3A_335 : vector<16xf32>
      %parallel_loop3A_339 = arith.mulf %parallel_loop3A_332, %parallel_loop3A_338 : vector<16xf32>
      %parallel_loop3A_340 = arith.constant 2.000000e+00 : f32
      %parallel_loop3A_341 = vector.broadcast %parallel_loop3A_340 : f32 to vector<16xf32>
      %parallel_loop3A_342 = arith.addf %parallel_loop3A_341, %parallel_loop3A_339 : vector<16xf32>
      %parallel_loop3A_343 = arith.mulf %parallel_loop3A_331, %parallel_loop3A_342 : vector<16xf32>
      %parallel_loop3A_344 = arith.constant 0.000000e+00 : f32
      %parallel_loop3A_345 = vector.broadcast %parallel_loop3A_344 : f32 to vector<16xf32>
      %parallel_loop3A_346 = arith.minimumf %parallel_loop3A_240, %parallel_loop3A_345 : vector<16xf32>
      %parallel_loop3A_347 = arith.subf %parallel_loop3A_346, %parallel_loop3A_343 : vector<16xf32>
      %parallel_loop3A_348 = arith.addf %get3A_19, %parallel_loop3A_347 : vector<16xf32>
      %parallel_loop3A_349 = math.absf %parallel_loop3A_241 : vector<16xf32>
      %parallel_loop3A_350 = arith.constant 0.000000e+00 : f32
      %parallel_loop3A_351 = vector.broadcast %parallel_loop3A_350 : f32 to vector<16xf32>
      %parallel_loop3A_352 = arith.subf %parallel_loop3A_351, %parallel_loop3A_349 : vector<16xf32>
      %parallel_loop3A_353 = math.exp %parallel_loop3A_352 : vector<16xf32>
      %parallel_loop3A_354 = arith.constant 2.000000e+00 : f32
      %parallel_loop3A_355 = vector.broadcast %parallel_loop3A_354 : f32 to vector<16xf32>
      %parallel_loop3A_356 = arith.addf %parallel_loop3A_355, %parallel_loop3A_353 : vector<16xf32>
      %parallel_loop3A_357 = arith.divf %parallel_loop3A_353, %parallel_loop3A_356 : vector<16xf32>
      %parallel_loop3A_358 = arith.mulf %parallel_loop3A_357, %parallel_loop3A_357 : vector<16xf32>
      %parallel_loop3A_359 = arith.constant 4.000000e-01 : f32
      %parallel_loop3A_360 = vector.broadcast %parallel_loop3A_359 : f32 to vector<16xf32>
      %parallel_loop3A_361 = arith.mulf %parallel_loop3A_358, %parallel_loop3A_360 : vector<16xf32>
      %parallel_loop3A_362 = arith.constant 0.666666686 : f32
      %parallel_loop3A_363 = vector.broadcast %parallel_loop3A_362 : f32 to vector<16xf32>
      %parallel_loop3A_364 = arith.addf %parallel_loop3A_363, %parallel_loop3A_361 : vector<16xf32>
      %parallel_loop3A_365 = arith.mulf %parallel_loop3A_358, %parallel_loop3A_364 : vector<16xf32>
      %parallel_loop3A_366 = arith.constant 2.000000e+00 : f32
      %parallel_loop3A_367 = vector.broadcast %parallel_loop3A_366 : f32 to vector<16xf32>
      %parallel_loop3A_368 = arith.addf %parallel_loop3A_367, %parallel_loop3A_365 : vector<16xf32>
      %parallel_loop3A_369 = arith.mulf %parallel_loop3A_357, %parallel_loop3A_368 : vector<16xf32>
      %parallel_loop3A_370 = arith.constant 0.000000e+00 : f32
      %parallel_loop3A_371 = vector.broadcast %parallel_loop3A_370 : f32 to vector<16xf32>
      %parallel_loop3A_372 = arith.minimumf %parallel_loop3A_241, %parallel_loop3A_371 : vector<16xf32>
      %parallel_loop3A_373 = arith.subf %parallel_loop3A_372, %parallel_loop3A_369 : vector<16xf32>
      %parallel_loop3A_374 = arith.addf %get3A_19, %parallel_loop3A_373 : vector<16xf32>
      %parallel_loop3A_375 = math.absf %parallel_loop3A_242 : vector<16xf32>
      %parallel_loop3A_376 = arith.constant 0.000000e+00 : f32
      %parallel_loop3A_377 = vector.broadcast %parallel_loop3A_376 : f32 to vector<16xf32>
      %parallel_loop3A_378 = arith.subf %parallel_loop3A_377, %parallel_loop3A_375 : vector<16xf32>
      %parallel_loop3A_379 = math.exp %parallel_loop3A_378 : vector<16xf32>
      %parallel_loop3A_380 = arith.constant 2.000000e+00 : f32
      %parallel_loop3A_381 = vector.broadcast %parallel_loop3A_380 : f32 to vector<16xf32>
      %parallel_loop3A_382 = arith.addf %parallel_loop3A_381, %parallel_loop3A_379 : vector<16xf32>
      %parallel_loop3A_383 = arith.divf %parallel_loop3A_379, %parallel_loop3A_382 : vector<16xf32>
      %parallel_loop3A_384 = arith.mulf %parallel_loop3A_383, %parallel_loop3A_383 : vector<16xf32>
      %parallel_loop3A_385 = arith.constant 4.000000e-01 : f32
      %parallel_loop3A_386 = vector.broadcast %parallel_loop3A_385 : f32 to vector<16xf32>
      %parallel_loop3A_387 = arith.mulf %parallel_loop3A_384, %parallel_loop3A_386 : vector<16xf32>
      %parallel_loop3A_388 = arith.constant 0.666666686 : f32
      %parallel_loop3A_389 = vector.broadcast %parallel_loop3A_388 : f32 to vector<16xf32>
      %parallel_loop3A_390 = arith.addf %parallel_loop3A_389, %parallel_loop3A_387 : vector<16xf32>
      %parallel_loop3A_391 = arith.mulf %parallel_loop3A_384, %parallel_loop3A_390 : vector<16xf32>
      %parallel_loop3A_392 = arith.constant 2.000000e+00 : f32
      %parallel_loop3A_393 = vector.broadcast %parallel_loop3A_392 : f32 to vector<16xf32>
      %parallel_loop3A_394 = arith.addf %parallel_loop3A_393, %parallel_loop3A_391 : vector<16xf32>
      %parallel_loop3A_395 = arith.mulf %parallel_loop3A_383, %parallel_loop3A_394 : vector<16xf32>
      %parallel_loop3A_396 = arith.constant 0.000000e+00 : f32
      %parallel_loop3A_397 = vector.broadcast %parallel_loop3A_396 : f32 to vector<16xf32>
      %parallel_loop3A_398 = arith.minimumf %parallel_loop3A_242, %parallel_loop3A_397 : vector<16xf32>
      %parallel_loop3A_399 = arith.subf %parallel_loop3A_398, %parallel_loop3A_395 : vector<16xf32>
      %parallel_loop3A_400 = arith.addf %get3A_19, %parallel_loop3A_399 : vector<16xf32>
      %parallel_loop3A_401 = math.absf %parallel_loop3A_243 : vector<16xf32>
      %parallel_loop3A_402 = arith.constant 0.000000e+00 : f32
      %parallel_loop3A_403 = vector.broadcast %parallel_loop3A_402 : f32 to vector<16xf32>
      %parallel_loop3A_404 = arith.subf %parallel_loop3A_403, %parallel_loop3A_401 : vector<16xf32>
      %parallel_loop3A_405 = math.exp %parallel_loop3A_404 : vector<16xf32>
      %parallel_loop3A_406 = arith.constant 2.000000e+00 : f32
      %parallel_loop3A_407 = vector.broadcast %parallel_loop3A_406 : f32 to vector<16xf32>
      %parallel_loop3A_408 = arith.addf %parallel_loop3A_407, %parallel_loop3A_405 : vector<16xf32>
      %parallel_loop3A_409 = arith.divf %parallel_loop3A_405, %parallel_loop3A_408 : vector<16xf32>
      %parallel_loop3A_410 = arith.mulf %parallel_loop3A_409, %parallel_loop3A_409 : vector<16xf32>
      %parallel_loop3A_411 = arith.constant 4.000000e-01 : f32
      %parallel_loop3A_412 = vector.broadcast %parallel_loop3A_411 : f32 to vector<16xf32>
      %parallel_loop3A_413 = arith.mulf %parallel_loop3A_410, %parallel_loop3A_412 : vector<16xf32>
      %parallel_loop3A_414 = arith.constant 0.666666686 : f32
      %parallel_loop3A_415 = vector.broadcast %parallel_loop3A_414 : f32 to vector<16xf32>
      %parallel_loop3A_416 = arith.addf %parallel_loop3A_415, %parallel_loop3A_413 : vector<16xf32>
      %parallel_loop3A_417 = arith.mulf %parallel_loop3A_410, %parallel_loop3A_416 : vector<16xf32>
      %parallel_loop3A_418 = arith.constant 2.000000e+00 : f32
      %parallel_loop3A_419 = vector.broadcast %parallel_loop3A_418 : f32 to vector<16xf32>
      %parallel_loop3A_420 = arith.addf %parallel_loop3A_419, %parallel_loop3A_417 : vector<16xf32>
      %parallel_loop3A_421 = arith.mulf %parallel_loop3A_409, %parallel_loop3A_420 : vector<16xf32>
      %parallel_loop3A_422 = arith.constant 0.000000e+00 : f32
      %parallel_loop3A_423 = vector.broadcast %parallel_loop3A_422 : f32 to vector<16xf32>
      %parallel_loop3A_424 = arith.minimumf %parallel_loop3A_243, %parallel_loop3A_423 : vector<16xf32>
      %parallel_loop3A_425 = arith.subf %parallel_loop3A_424, %parallel_loop3A_421 : vector<16xf32>
      %parallel_loop3A_426 = arith.addf %get3A_19, %parallel_loop3A_425 : vector<16xf32>
      %parallel_loop3A_427 = math.absf %parallel_loop3A_244 : vector<16xf32>
      %parallel_loop3A_428 = arith.constant 0.000000e+00 : f32
      %parallel_loop3A_429 = vector.broadcast %parallel_loop3A_428 : f32 to vector<16xf32>
      %parallel_loop3A_430 = arith.subf %parallel_loop3A_429, %parallel_loop3A_427 : vector<16xf32>
      %parallel_loop3A_431 = math.exp %parallel_loop3A_430 : vector<16xf32>
      %parallel_loop3A_432 = arith.constant 2.000000e+00 : f32
      %parallel_loop3A_433 = vector.broadcast %parallel_loop3A_432 : f32 to vector<16xf32>
      %parallel_loop3A_434 = arith.addf %parallel_loop3A_433, %parallel_loop3A_431 : vector<16xf32>
      %parallel_loop3A_435 = arith.divf %parallel_loop3A_431, %parallel_loop3A_434 : vector<16xf32>
      %parallel_loop3A_436 = arith.mulf %parallel_loop3A_435, %parallel_loop3A_435 : vector<16xf32>
      %parallel_loop3A_437 = arith.constant 4.000000e-01 : f32
      %parallel_loop3A_438 = vector.broadcast %parallel_loop3A_437 : f32 to vector<16xf32>
      %parallel_loop3A_439 = arith.mulf %parallel_loop3A_436, %parallel_loop3A_438 : vector<16xf32>
      %parallel_loop3A_440 = arith.constant 0.666666686 : f32
      %parallel_loop3A_441 = vector.broadcast %parallel_loop3A_440 : f32 to vector<16xf32>
      %parallel_loop3A_442 = arith.addf %parallel_loop3A_441, %parallel_loop3A_439 : vector<16xf32>
      %parallel_loop3A_443 = arith.mulf %parallel_loop3A_436, %parallel_loop3A_442 : vector<16xf32>
      %parallel_loop3A_444 = arith.constant 2.000000e+00 : f32
      %parallel_loop3A_445 = vector.broadcast %parallel_loop3A_444 : f32 to vector<16xf32>
      %parallel_loop3A_446 = arith.addf %parallel_loop3A_445, %parallel_loop3A_443 : vector<16xf32>
      %parallel_loop3A_447 = arith.mulf %parallel_loop3A_435, %parallel_loop3A_446 : vector<16xf32>
      %parallel_loop3A_448 = arith.constant 0.000000e+00 : f32
      %parallel_loop3A_449 = vector.broadcast %parallel_loop3A_448 : f32 to vector<16xf32>
      %parallel_loop3A_450 = arith.minimumf %parallel_loop3A_244, %parallel_loop3A_449 : vector<16xf32>
      %parallel_loop3A_451 = arith.subf %parallel_loop3A_450, %parallel_loop3A_447 : vector<16xf32>
      %parallel_loop3A_452 = arith.addf %get3A_19, %parallel_loop3A_451 : vector<16xf32>
      tpu.vector_store_idx %arg9[%parallel_loop3A_236, %get3A_3], %parallel_loop3A_270 : memref<64x512xf32, #tpu.memory_space<vmem>>[vector<16xi32>, vector<16xi32>], vector<16xf32>,
      tpu.vector_store_idx %arg9[%parallel_loop3A_236, %get3A_5], %parallel_loop3A_296 : memref<64x512xf32, #tpu.memory_space<vmem>>[vector<16xi32>, vector<16xi32>], vector<16xf32>,
      tpu.vector_store_idx %arg9[%parallel_loop3A_236, %get3A_7], %parallel_loop3A_322 : memref<64x512xf32, #tpu.memory_space<vmem>>[vector<16xi32>, vector<16xi32>], vector<16xf32>,
      tpu.vector_store_idx %arg9[%parallel_loop3A_236, %get3A_9], %parallel_loop3A_348 : memref<64x512xf32, #tpu.memory_space<vmem>>[vector<16xi32>, vector<16xi32>], vector<16xf32>,
      tpu.vector_store_idx %arg9[%parallel_loop3A_236, %get3A_11], %parallel_loop3A_374 : memref<64x512xf32, #tpu.memory_space<vmem>>[vector<16xi32>, vector<16xi32>], vector<16xf32>,
      tpu.vector_store_idx %arg9[%parallel_loop3A_236, %get3A_13], %parallel_loop3A_400 : memref<64x512xf32, #tpu.memory_space<vmem>>[vector<16xi32>, vector<16xi32>], vector<16xf32>,
      tpu.vector_store_idx %arg9[%parallel_loop3A_236, %get3A_15], %parallel_loop3A_426 : memref<64x512xf32, #tpu.memory_space<vmem>>[vector<16xi32>, vector<16xi32>], vector<16xf32>,
      tpu.vector_store_idx %arg9[%parallel_loop3A_236, %get3A_17], %parallel_loop3A_452 : memref<64x512xf32, #tpu.memory_space<vmem>>[vector<16xi32>, vector<16xi32>], vector<16xf32>,
    } {sc.loop_unroll_factor = 1 : i64, sc.parallel_access}
    %add3A_60 = arith.constant 64 : i32
    %add3A_61 = arith.addi %mul3A_2, %add3A_60 : i32
    %dma_start3A_62 = arith.constant 0 : i32
    %dma_start3A_63 = tpu.memref_slice %arg5[%add3A_61, %dma_start3A_62] : memref<16384x512xf32, #tpu.memory_space<hbm>> -> memref<64x512xf32, #tpu.memory_space<hbm>>
    %dma_start3A_64 = arith.constant 0 : i32
    %dma_start3A_65 = tpu.memref_slice %arg5[%add3A_61, %dma_start3A_64] : memref<16384x512xf32, #tpu.memory_space<hbm>> -> memref<64x512xf32, #tpu.memory_space<hbm>>
    tpu.enqueue_dma source(%arg9 : memref<64x512xf32, #tpu.memory_space<vmem>>) target(%dma_start3A_65 : memref<64x512xf32, #tpu.memory_space<hbm>>) target_semaphore(%arg15 : memref<!tpu.dma_semaphore, #tpu.memory_space<semaphore_mem>>)
    %add3A_66 = arith.constant 0 : i32
    %add3A_67 = arith.addi %mul3A_2, %add3A_66 : i32
    %dma_wait3A_68 = arith.constant 0 : i32
    %dma_wait3A_69 = tpu.memref_slice %arg5[%add3A_67, %dma_wait3A_68] : memref<16384x512xf32, #tpu.memory_space<hbm>> -> memref<64x512xf32, #tpu.memory_space<hbm>>
    %dma_wait3A_70 = arith.constant 0 : i32
    %dma_wait3A_71 = tpu.memref_slice %arg5[%add3A_67, %dma_wait3A_70] : memref<16384x512xf32, #tpu.memory_space<hbm>> -> memref<64x512xf32, #tpu.memory_space<hbm>>
    tpu.wait_dma2 semaphore(%arg14 : memref<!tpu.dma_semaphore, #tpu.memory_space<semaphore_mem>>) src(%arg8 : memref<64x512xf32, #tpu.memory_space<vmem>>) dst(%dma_wait3A_71 : memref<64x512xf32, #tpu.memory_space<hbm>>)
    %add3A_72 = arith.constant 192 : i32
    %add3A_73 = arith.addi %mul3A_2, %add3A_72 : i32
    %dma_start3A_74 = arith.constant 0 : i32
    %dma_start3A_75 = tpu.memref_slice %arg2[%add3A_73, %dma_start3A_74] : memref<16384x512xf32, #tpu.memory_space<hbm>> -> memref<64x512xf32, #tpu.memory_space<hbm>>
    %dma_start3A_76 = arith.constant 0 : i32
    %dma_start3A_77 = tpu.memref_slice %arg2[%add3A_73, %dma_start3A_76] : memref<16384x512xf32, #tpu.memory_space<hbm>> -> memref<64x512xf32, #tpu.memory_space<hbm>>
    tpu.enqueue_dma source(%dma_start3A_77 : memref<64x512xf32, #tpu.memory_space<hbm>>) target(%arg8 : memref<64x512xf32, #tpu.memory_space<vmem>>) target_semaphore(%arg11 : memref<!tpu.dma_semaphore, #tpu.memory_space<semaphore_mem>>)
    %add3A_78 = arith.constant 128 : i32
    %add3A_79 = arith.addi %mul3A_2, %add3A_78 : i32
    %dma_wait3A_80 = arith.constant 0 : i32
    %dma_wait3A_81 = tpu.memref_slice %arg2[%add3A_79, %dma_wait3A_80] : memref<16384x512xf32, #tpu.memory_space<hbm>> -> memref<64x512xf32, #tpu.memory_space<hbm>>
    %dma_wait3A_82 = arith.constant 0 : i32
    %dma_wait3A_83 = tpu.memref_slice %arg2[%add3A_79, %dma_wait3A_82] : memref<16384x512xf32, #tpu.memory_space<hbm>> -> memref<64x512xf32, #tpu.memory_space<hbm>>
    tpu.wait_dma2 semaphore(%arg13 : memref<!tpu.dma_semaphore, #tpu.memory_space<semaphore_mem>>) src(%dma_wait3A_83 : memref<64x512xf32, #tpu.memory_space<hbm>>) dst(%arg10 : memref<64x512xf32, #tpu.memory_space<vmem>>)
    %parallel_loop3A_84 = arith.constant 0 : i32
    %parallel_loop3A_85 = arith.constant 64 : i32
    %parallel_loop3A_86 = arith.constant 1 : i32
    scf.for %parallel_loop3A_234 = %parallel_loop3A_84 to %parallel_loop3A_85 step %parallel_loop3A_86  : i32 {
      %parallel_loop3A_235 = vector.broadcast %parallel_loop3A_234 : i32 to vector<16xi32>
      %parallel_loop3A_236 = arith.addi %broadcast_in_dim3A_20, %parallel_loop3A_235 : vector<16xi32>
      %parallel_loop3A_237 = tpu.vector_load_idx %arg10[%parallel_loop3A_236, %get3A_3] : memref<64x512xf32, #tpu.memory_space<vmem>>[vector<16xi32>, vector<16xi32>], vector<16xf32>,
      %parallel_loop3A_238 = tpu.vector_load_idx %arg10[%parallel_loop3A_236, %get3A_5] : memref<64x512xf32, #tpu.memory_space<vmem>>[vector<16xi32>, vector<16xi32>], vector<16xf32>,
      %parallel_loop3A_239 = tpu.vector_load_idx %arg10[%parallel_loop3A_236, %get3A_7] : memref<64x512xf32, #tpu.memory_space<vmem>>[vector<16xi32>, vector<16xi32>], vector<16xf32>,
      %parallel_loop3A_240 = tpu.vector_load_idx %arg10[%parallel_loop3A_236, %get3A_9] : memref<64x512xf32, #tpu.memory_space<vmem>>[vector<16xi32>, vector<16xi32>], vector<16xf32>,
      %parallel_loop3A_241 = tpu.vector_load_idx %arg10[%parallel_loop3A_236, %get3A_11] : memref<64x512xf32, #tpu.memory_space<vmem>>[vector<16xi32>, vector<16xi32>], vector<16xf32>,
      %parallel_loop3A_242 = tpu.vector_load_idx %arg10[%parallel_loop3A_236, %get3A_13] : memref<64x512xf32, #tpu.memory_space<vmem>>[vector<16xi32>, vector<16xi32>], vector<16xf32>,
      %parallel_loop3A_243 = tpu.vector_load_idx %arg10[%parallel_loop3A_236, %get3A_15] : memref<64x512xf32, #tpu.memory_space<vmem>>[vector<16xi32>, vector<16xi32>], vector<16xf32>,
      %parallel_loop3A_244 = tpu.vector_load_idx %arg10[%parallel_loop3A_236, %get3A_17] : memref<64x512xf32, #tpu.memory_space<vmem>>[vector<16xi32>, vector<16xi32>], vector<16xf32>,
      %parallel_loop3A_245 = math.absf %parallel_loop3A_237 : vector<16xf32>
      %parallel_loop3A_246 = arith.constant 0.000000e+00 : f32
      %parallel_loop3A_247 = vector.broadcast %parallel_loop3A_246 : f32 to vector<16xf32>
      %parallel_loop3A_248 = arith.subf %parallel_loop3A_247, %parallel_loop3A_245 : vector<16xf32>
      %parallel_loop3A_249 = math.exp %parallel_loop3A_248 : vector<16xf32>
      %parallel_loop3A_250 = arith.constant 2.000000e+00 : f32
      %parallel_loop3A_251 = vector.broadcast %parallel_loop3A_250 : f32 to vector<16xf32>
      %parallel_loop3A_252 = arith.addf %parallel_loop3A_251, %parallel_loop3A_249 : vector<16xf32>
      %parallel_loop3A_253 = arith.divf %parallel_loop3A_249, %parallel_loop3A_252 : vector<16xf32>
      %parallel_loop3A_254 = arith.mulf %parallel_loop3A_253, %parallel_loop3A_253 : vector<16xf32>
      %parallel_loop3A_255 = arith.constant 4.000000e-01 : f32
      %parallel_loop3A_256 = vector.broadcast %parallel_loop3A_255 : f32 to vector<16xf32>
      %parallel_loop3A_257 = arith.mulf %parallel_loop3A_254, %parallel_loop3A_256 : vector<16xf32>
      %parallel_loop3A_258 = arith.constant 0.666666686 : f32
      %parallel_loop3A_259 = vector.broadcast %parallel_loop3A_258 : f32 to vector<16xf32>
      %parallel_loop3A_260 = arith.addf %parallel_loop3A_259, %parallel_loop3A_257 : vector<16xf32>
      %parallel_loop3A_261 = arith.mulf %parallel_loop3A_254, %parallel_loop3A_260 : vector<16xf32>
      %parallel_loop3A_262 = arith.constant 2.000000e+00 : f32
      %parallel_loop3A_263 = vector.broadcast %parallel_loop3A_262 : f32 to vector<16xf32>
      %parallel_loop3A_264 = arith.addf %parallel_loop3A_263, %parallel_loop3A_261 : vector<16xf32>
      %parallel_loop3A_265 = arith.mulf %parallel_loop3A_253, %parallel_loop3A_264 : vector<16xf32>
      %parallel_loop3A_266 = arith.constant 0.000000e+00 : f32
      %parallel_loop3A_267 = vector.broadcast %parallel_loop3A_266 : f32 to vector<16xf32>
      %parallel_loop3A_268 = arith.minimumf %parallel_loop3A_237, %parallel_loop3A_267 : vector<16xf32>
      %parallel_loop3A_269 = arith.subf %parallel_loop3A_268, %parallel_loop3A_265 : vector<16xf32>
      %parallel_loop3A_270 = arith.addf %get3A_19, %parallel_loop3A_269 : vector<16xf32>
      %parallel_loop3A_271 = math.absf %parallel_loop3A_238 : vector<16xf32>
      %parallel_loop3A_272 = arith.constant 0.000000e+00 : f32
      %parallel_loop3A_273 = vector.broadcast %parallel_loop3A_272 : f32 to vector<16xf32>
      %parallel_loop3A_274 = arith.subf %parallel_loop3A_273, %parallel_loop3A_271 : vector<16xf32>
      %parallel_loop3A_275 = math.exp %parallel_loop3A_274 : vector<16xf32>
      %parallel_loop3A_276 = arith.constant 2.000000e+00 : f32
      %parallel_loop3A_277 = vector.broadcast %parallel_loop3A_276 : f32 to vector<16xf32>
      %parallel_loop3A_278 = arith.addf %parallel_loop3A_277, %parallel_loop3A_275 : vector<16xf32>
      %parallel_loop3A_279 = arith.divf %parallel_loop3A_275, %parallel_loop3A_278 : vector<16xf32>
      %parallel_loop3A_280 = arith.mulf %parallel_loop3A_279, %parallel_loop3A_279 : vector<16xf32>
      %parallel_loop3A_281 = arith.constant 4.000000e-01 : f32
      %parallel_loop3A_282 = vector.broadcast %parallel_loop3A_281 : f32 to vector<16xf32>
      %parallel_loop3A_283 = arith.mulf %parallel_loop3A_280, %parallel_loop3A_282 : vector<16xf32>
      %parallel_loop3A_284 = arith.constant 0.666666686 : f32
      %parallel_loop3A_285 = vector.broadcast %parallel_loop3A_284 : f32 to vector<16xf32>
      %parallel_loop3A_286 = arith.addf %parallel_loop3A_285, %parallel_loop3A_283 : vector<16xf32>
      %parallel_loop3A_287 = arith.mulf %parallel_loop3A_280, %parallel_loop3A_286 : vector<16xf32>
      %parallel_loop3A_288 = arith.constant 2.000000e+00 : f32
      %parallel_loop3A_289 = vector.broadcast %parallel_loop3A_288 : f32 to vector<16xf32>
      %parallel_loop3A_290 = arith.addf %parallel_loop3A_289, %parallel_loop3A_287 : vector<16xf32>
      %parallel_loop3A_291 = arith.mulf %parallel_loop3A_279, %parallel_loop3A_290 : vector<16xf32>
      %parallel_loop3A_292 = arith.constant 0.000000e+00 : f32
      %parallel_loop3A_293 = vector.broadcast %parallel_loop3A_292 : f32 to vector<16xf32>
      %parallel_loop3A_294 = arith.minimumf %parallel_loop3A_238, %parallel_loop3A_293 : vector<16xf32>
      %parallel_loop3A_295 = arith.subf %parallel_loop3A_294, %parallel_loop3A_291 : vector<16xf32>
      %parallel_loop3A_296 = arith.addf %get3A_19, %parallel_loop3A_295 : vector<16xf32>
      %parallel_loop3A_297 = math.absf %parallel_loop3A_239 : vector<16xf32>
      %parallel_loop3A_298 = arith.constant 0.000000e+00 : f32
      %parallel_loop3A_299 = vector.broadcast %parallel_loop3A_298 : f32 to vector<16xf32>
      %parallel_loop3A_300 = arith.subf %parallel_loop3A_299, %parallel_loop3A_297 : vector<16xf32>
      %parallel_loop3A_301 = math.exp %parallel_loop3A_300 : vector<16xf32>
      %parallel_loop3A_302 = arith.constant 2.000000e+00 : f32
      %parallel_loop3A_303 = vector.broadcast %parallel_loop3A_302 : f32 to vector<16xf32>
      %parallel_loop3A_304 = arith.addf %parallel_loop3A_303, %parallel_loop3A_301 : vector<16xf32>
      %parallel_loop3A_305 = arith.divf %parallel_loop3A_301, %parallel_loop3A_304 : vector<16xf32>
      %parallel_loop3A_306 = arith.mulf %parallel_loop3A_305, %parallel_loop3A_305 : vector<16xf32>
      %parallel_loop3A_307 = arith.constant 4.000000e-01 : f32
      %parallel_loop3A_308 = vector.broadcast %parallel_loop3A_307 : f32 to vector<16xf32>
      %parallel_loop3A_309 = arith.mulf %parallel_loop3A_306, %parallel_loop3A_308 : vector<16xf32>
      %parallel_loop3A_310 = arith.constant 0.666666686 : f32
      %parallel_loop3A_311 = vector.broadcast %parallel_loop3A_310 : f32 to vector<16xf32>
      %parallel_loop3A_312 = arith.addf %parallel_loop3A_311, %parallel_loop3A_309 : vector<16xf32>
      %parallel_loop3A_313 = arith.mulf %parallel_loop3A_306, %parallel_loop3A_312 : vector<16xf32>
      %parallel_loop3A_314 = arith.constant 2.000000e+00 : f32
      %parallel_loop3A_315 = vector.broadcast %parallel_loop3A_314 : f32 to vector<16xf32>
      %parallel_loop3A_316 = arith.addf %parallel_loop3A_315, %parallel_loop3A_313 : vector<16xf32>
      %parallel_loop3A_317 = arith.mulf %parallel_loop3A_305, %parallel_loop3A_316 : vector<16xf32>
      %parallel_loop3A_318 = arith.constant 0.000000e+00 : f32
      %parallel_loop3A_319 = vector.broadcast %parallel_loop3A_318 : f32 to vector<16xf32>
      %parallel_loop3A_320 = arith.minimumf %parallel_loop3A_239, %parallel_loop3A_319 : vector<16xf32>
      %parallel_loop3A_321 = arith.subf %parallel_loop3A_320, %parallel_loop3A_317 : vector<16xf32>
      %parallel_loop3A_322 = arith.addf %get3A_19, %parallel_loop3A_321 : vector<16xf32>
      %parallel_loop3A_323 = math.absf %parallel_loop3A_240 : vector<16xf32>
      %parallel_loop3A_324 = arith.constant 0.000000e+00 : f32
      %parallel_loop3A_325 = vector.broadcast %parallel_loop3A_324 : f32 to vector<16xf32>
      %parallel_loop3A_326 = arith.subf %parallel_loop3A_325, %parallel_loop3A_323 : vector<16xf32>
      %parallel_loop3A_327 = math.exp %parallel_loop3A_326 : vector<16xf32>
      %parallel_loop3A_328 = arith.constant 2.000000e+00 : f32
      %parallel_loop3A_329 = vector.broadcast %parallel_loop3A_328 : f32 to vector<16xf32>
      %parallel_loop3A_330 = arith.addf %parallel_loop3A_329, %parallel_loop3A_327 : vector<16xf32>
      %parallel_loop3A_331 = arith.divf %parallel_loop3A_327, %parallel_loop3A_330 : vector<16xf32>
      %parallel_loop3A_332 = arith.mulf %parallel_loop3A_331, %parallel_loop3A_331 : vector<16xf32>
      %parallel_loop3A_333 = arith.constant 4.000000e-01 : f32
      %parallel_loop3A_334 = vector.broadcast %parallel_loop3A_333 : f32 to vector<16xf32>
      %parallel_loop3A_335 = arith.mulf %parallel_loop3A_332, %parallel_loop3A_334 : vector<16xf32>
      %parallel_loop3A_336 = arith.constant 0.666666686 : f32
      %parallel_loop3A_337 = vector.broadcast %parallel_loop3A_336 : f32 to vector<16xf32>
      %parallel_loop3A_338 = arith.addf %parallel_loop3A_337, %parallel_loop3A_335 : vector<16xf32>
      %parallel_loop3A_339 = arith.mulf %parallel_loop3A_332, %parallel_loop3A_338 : vector<16xf32>
      %parallel_loop3A_340 = arith.constant 2.000000e+00 : f32
      %parallel_loop3A_341 = vector.broadcast %parallel_loop3A_340 : f32 to vector<16xf32>
      %parallel_loop3A_342 = arith.addf %parallel_loop3A_341, %parallel_loop3A_339 : vector<16xf32>
      %parallel_loop3A_343 = arith.mulf %parallel_loop3A_331, %parallel_loop3A_342 : vector<16xf32>
      %parallel_loop3A_344 = arith.constant 0.000000e+00 : f32
      %parallel_loop3A_345 = vector.broadcast %parallel_loop3A_344 : f32 to vector<16xf32>
      %parallel_loop3A_346 = arith.minimumf %parallel_loop3A_240, %parallel_loop3A_345 : vector<16xf32>
      %parallel_loop3A_347 = arith.subf %parallel_loop3A_346, %parallel_loop3A_343 : vector<16xf32>
      %parallel_loop3A_348 = arith.addf %get3A_19, %parallel_loop3A_347 : vector<16xf32>
      %parallel_loop3A_349 = math.absf %parallel_loop3A_241 : vector<16xf32>
      %parallel_loop3A_350 = arith.constant 0.000000e+00 : f32
      %parallel_loop3A_351 = vector.broadcast %parallel_loop3A_350 : f32 to vector<16xf32>
      %parallel_loop3A_352 = arith.subf %parallel_loop3A_351, %parallel_loop3A_349 : vector<16xf32>
      %parallel_loop3A_353 = math.exp %parallel_loop3A_352 : vector<16xf32>
      %parallel_loop3A_354 = arith.constant 2.000000e+00 : f32
      %parallel_loop3A_355 = vector.broadcast %parallel_loop3A_354 : f32 to vector<16xf32>
      %parallel_loop3A_356 = arith.addf %parallel_loop3A_355, %parallel_loop3A_353 : vector<16xf32>
      %parallel_loop3A_357 = arith.divf %parallel_loop3A_353, %parallel_loop3A_356 : vector<16xf32>
      %parallel_loop3A_358 = arith.mulf %parallel_loop3A_357, %parallel_loop3A_357 : vector<16xf32>
      %parallel_loop3A_359 = arith.constant 4.000000e-01 : f32
      %parallel_loop3A_360 = vector.broadcast %parallel_loop3A_359 : f32 to vector<16xf32>
      %parallel_loop3A_361 = arith.mulf %parallel_loop3A_358, %parallel_loop3A_360 : vector<16xf32>
      %parallel_loop3A_362 = arith.constant 0.666666686 : f32
      %parallel_loop3A_363 = vector.broadcast %parallel_loop3A_362 : f32 to vector<16xf32>
      %parallel_loop3A_364 = arith.addf %parallel_loop3A_363, %parallel_loop3A_361 : vector<16xf32>
      %parallel_loop3A_365 = arith.mulf %parallel_loop3A_358, %parallel_loop3A_364 : vector<16xf32>
      %parallel_loop3A_366 = arith.constant 2.000000e+00 : f32
      %parallel_loop3A_367 = vector.broadcast %parallel_loop3A_366 : f32 to vector<16xf32>
      %parallel_loop3A_368 = arith.addf %parallel_loop3A_367, %parallel_loop3A_365 : vector<16xf32>
      %parallel_loop3A_369 = arith.mulf %parallel_loop3A_357, %parallel_loop3A_368 : vector<16xf32>
      %parallel_loop3A_370 = arith.constant 0.000000e+00 : f32
      %parallel_loop3A_371 = vector.broadcast %parallel_loop3A_370 : f32 to vector<16xf32>
      %parallel_loop3A_372 = arith.minimumf %parallel_loop3A_241, %parallel_loop3A_371 : vector<16xf32>
      %parallel_loop3A_373 = arith.subf %parallel_loop3A_372, %parallel_loop3A_369 : vector<16xf32>
      %parallel_loop3A_374 = arith.addf %get3A_19, %parallel_loop3A_373 : vector<16xf32>
      %parallel_loop3A_375 = math.absf %parallel_loop3A_242 : vector<16xf32>
      %parallel_loop3A_376 = arith.constant 0.000000e+00 : f32
      %parallel_loop3A_377 = vector.broadcast %parallel_loop3A_376 : f32 to vector<16xf32>
      %parallel_loop3A_378 = arith.subf %parallel_loop3A_377, %parallel_loop3A_375 : vector<16xf32>
      %parallel_loop3A_379 = math.exp %parallel_loop3A_378 : vector<16xf32>
      %parallel_loop3A_380 = arith.constant 2.000000e+00 : f32
      %parallel_loop3A_381 = vector.broadcast %parallel_loop3A_380 : f32 to vector<16xf32>
      %parallel_loop3A_382 = arith.addf %parallel_loop3A_381, %parallel_loop3A_379 : vector<16xf32>
      %parallel_loop3A_383 = arith.divf %parallel_loop3A_379, %parallel_loop3A_382 : vector<16xf32>
      %parallel_loop3A_384 = arith.mulf %parallel_loop3A_383, %parallel_loop3A_383 : vector<16xf32>
      %parallel_loop3A_385 = arith.constant 4.000000e-01 : f32
      %parallel_loop3A_386 = vector.broadcast %parallel_loop3A_385 : f32 to vector<16xf32>
      %parallel_loop3A_387 = arith.mulf %parallel_loop3A_384, %parallel_loop3A_386 : vector<16xf32>
      %parallel_loop3A_388 = arith.constant 0.666666686 : f32
      %parallel_loop3A_389 = vector.broadcast %parallel_loop3A_388 : f32 to vector<16xf32>
      %parallel_loop3A_390 = arith.addf %parallel_loop3A_389, %parallel_loop3A_387 : vector<16xf32>
      %parallel_loop3A_391 = arith.mulf %parallel_loop3A_384, %parallel_loop3A_390 : vector<16xf32>
      %parallel_loop3A_392 = arith.constant 2.000000e+00 : f32
      %parallel_loop3A_393 = vector.broadcast %parallel_loop3A_392 : f32 to vector<16xf32>
      %parallel_loop3A_394 = arith.addf %parallel_loop3A_393, %parallel_loop3A_391 : vector<16xf32>
      %parallel_loop3A_395 = arith.mulf %parallel_loop3A_383, %parallel_loop3A_394 : vector<16xf32>
      %parallel_loop3A_396 = arith.constant 0.000000e+00 : f32
      %parallel_loop3A_397 = vector.broadcast %parallel_loop3A_396 : f32 to vector<16xf32>
      %parallel_loop3A_398 = arith.minimumf %parallel_loop3A_242, %parallel_loop3A_397 : vector<16xf32>
      %parallel_loop3A_399 = arith.subf %parallel_loop3A_398, %parallel_loop3A_395 : vector<16xf32>
      %parallel_loop3A_400 = arith.addf %get3A_19, %parallel_loop3A_399 : vector<16xf32>
      %parallel_loop3A_401 = math.absf %parallel_loop3A_243 : vector<16xf32>
      %parallel_loop3A_402 = arith.constant 0.000000e+00 : f32
      %parallel_loop3A_403 = vector.broadcast %parallel_loop3A_402 : f32 to vector<16xf32>
      %parallel_loop3A_404 = arith.subf %parallel_loop3A_403, %parallel_loop3A_401 : vector<16xf32>
      %parallel_loop3A_405 = math.exp %parallel_loop3A_404 : vector<16xf32>
      %parallel_loop3A_406 = arith.constant 2.000000e+00 : f32
      %parallel_loop3A_407 = vector.broadcast %parallel_loop3A_406 : f32 to vector<16xf32>
      %parallel_loop3A_408 = arith.addf %parallel_loop3A_407, %parallel_loop3A_405 : vector<16xf32>
      %parallel_loop3A_409 = arith.divf %parallel_loop3A_405, %parallel_loop3A_408 : vector<16xf32>
      %parallel_loop3A_410 = arith.mulf %parallel_loop3A_409, %parallel_loop3A_409 : vector<16xf32>
      %parallel_loop3A_411 = arith.constant 4.000000e-01 : f32
      %parallel_loop3A_412 = vector.broadcast %parallel_loop3A_411 : f32 to vector<16xf32>
      %parallel_loop3A_413 = arith.mulf %parallel_loop3A_410, %parallel_loop3A_412 : vector<16xf32>
      %parallel_loop3A_414 = arith.constant 0.666666686 : f32
      %parallel_loop3A_415 = vector.broadcast %parallel_loop3A_414 : f32 to vector<16xf32>
      %parallel_loop3A_416 = arith.addf %parallel_loop3A_415, %parallel_loop3A_413 : vector<16xf32>
      %parallel_loop3A_417 = arith.mulf %parallel_loop3A_410, %parallel_loop3A_416 : vector<16xf32>
      %parallel_loop3A_418 = arith.constant 2.000000e+00 : f32
      %parallel_loop3A_419 = vector.broadcast %parallel_loop3A_418 : f32 to vector<16xf32>
      %parallel_loop3A_420 = arith.addf %parallel_loop3A_419, %parallel_loop3A_417 : vector<16xf32>
      %parallel_loop3A_421 = arith.mulf %parallel_loop3A_409, %parallel_loop3A_420 : vector<16xf32>
      %parallel_loop3A_422 = arith.constant 0.000000e+00 : f32
      %parallel_loop3A_423 = vector.broadcast %parallel_loop3A_422 : f32 to vector<16xf32>
      %parallel_loop3A_424 = arith.minimumf %parallel_loop3A_243, %parallel_loop3A_423 : vector<16xf32>
      %parallel_loop3A_425 = arith.subf %parallel_loop3A_424, %parallel_loop3A_421 : vector<16xf32>
      %parallel_loop3A_426 = arith.addf %get3A_19, %parallel_loop3A_425 : vector<16xf32>
      %parallel_loop3A_427 = math.absf %parallel_loop3A_244 : vector<16xf32>
      %parallel_loop3A_428 = arith.constant 0.000000e+00 : f32
      %parallel_loop3A_429 = vector.broadcast %parallel_loop3A_428 : f32 to vector<16xf32>
      %parallel_loop3A_430 = arith.subf %parallel_loop3A_429, %parallel_loop3A_427 : vector<16xf32>
      %parallel_loop3A_431 = math.exp %parallel_loop3A_430 : vector<16xf32>
      %parallel_loop3A_432 = arith.constant 2.000000e+00 : f32
      %parallel_loop3A_433 = vector.broadcast %parallel_loop3A_432 : f32 to vector<16xf32>
      %parallel_loop3A_434 = arith.addf %parallel_loop3A_433, %parallel_loop3A_431 : vector<16xf32>
      %parallel_loop3A_435 = arith.divf %parallel_loop3A_431, %parallel_loop3A_434 : vector<16xf32>
      %parallel_loop3A_436 = arith.mulf %parallel_loop3A_435, %parallel_loop3A_435 : vector<16xf32>
      %parallel_loop3A_437 = arith.constant 4.000000e-01 : f32
      %parallel_loop3A_438 = vector.broadcast %parallel_loop3A_437 : f32 to vector<16xf32>
      %parallel_loop3A_439 = arith.mulf %parallel_loop3A_436, %parallel_loop3A_438 : vector<16xf32>
      %parallel_loop3A_440 = arith.constant 0.666666686 : f32
      %parallel_loop3A_441 = vector.broadcast %parallel_loop3A_440 : f32 to vector<16xf32>
      %parallel_loop3A_442 = arith.addf %parallel_loop3A_441, %parallel_loop3A_439 : vector<16xf32>
      %parallel_loop3A_443 = arith.mulf %parallel_loop3A_436, %parallel_loop3A_442 : vector<16xf32>
      %parallel_loop3A_444 = arith.constant 2.000000e+00 : f32
      %parallel_loop3A_445 = vector.broadcast %parallel_loop3A_444 : f32 to vector<16xf32>
      %parallel_loop3A_446 = arith.addf %parallel_loop3A_445, %parallel_loop3A_443 : vector<16xf32>
      %parallel_loop3A_447 = arith.mulf %parallel_loop3A_435, %parallel_loop3A_446 : vector<16xf32>
      %parallel_loop3A_448 = arith.constant 0.000000e+00 : f32
      %parallel_loop3A_449 = vector.broadcast %parallel_loop3A_448 : f32 to vector<16xf32>
      %parallel_loop3A_450 = arith.minimumf %parallel_loop3A_244, %parallel_loop3A_449 : vector<16xf32>
      %parallel_loop3A_451 = arith.subf %parallel_loop3A_450, %parallel_loop3A_447 : vector<16xf32>
      %parallel_loop3A_452 = arith.addf %get3A_19, %parallel_loop3A_451 : vector<16xf32>
      tpu.vector_store_idx %arg10[%parallel_loop3A_236, %get3A_3], %parallel_loop3A_270 : memref<64x512xf32, #tpu.memory_space<vmem>>[vector<16xi32>, vector<16xi32>], vector<16xf32>,
      tpu.vector_store_idx %arg10[%parallel_loop3A_236, %get3A_5], %parallel_loop3A_296 : memref<64x512xf32, #tpu.memory_space<vmem>>[vector<16xi32>, vector<16xi32>], vector<16xf32>,
      tpu.vector_store_idx %arg10[%parallel_loop3A_236, %get3A_7], %parallel_loop3A_322 : memref<64x512xf32, #tpu.memory_space<vmem>>[vector<16xi32>, vector<16xi32>], vector<16xf32>,
      tpu.vector_store_idx %arg10[%parallel_loop3A_236, %get3A_9], %parallel_loop3A_348 : memref<64x512xf32, #tpu.memory_space<vmem>>[vector<16xi32>, vector<16xi32>], vector<16xf32>,
      tpu.vector_store_idx %arg10[%parallel_loop3A_236, %get3A_11], %parallel_loop3A_374 : memref<64x512xf32, #tpu.memory_space<vmem>>[vector<16xi32>, vector<16xi32>], vector<16xf32>,
      tpu.vector_store_idx %arg10[%parallel_loop3A_236, %get3A_13], %parallel_loop3A_400 : memref<64x512xf32, #tpu.memory_space<vmem>>[vector<16xi32>, vector<16xi32>], vector<16xf32>,
      tpu.vector_store_idx %arg10[%parallel_loop3A_236, %get3A_15], %parallel_loop3A_426 : memref<64x512xf32, #tpu.memory_space<vmem>>[vector<16xi32>, vector<16xi32>], vector<16xf32>,
      tpu.vector_store_idx %arg10[%parallel_loop3A_236, %get3A_17], %parallel_loop3A_452 : memref<64x512xf32, #tpu.memory_space<vmem>>[vector<16xi32>, vector<16xi32>], vector<16xf32>,
    } {sc.loop_unroll_factor = 1 : i64, sc.parallel_access}
    %add3A_87 = arith.constant 128 : i32
    %add3A_88 = arith.addi %mul3A_2, %add3A_87 : i32
    %dma_start3A_89 = arith.constant 0 : i32
    %dma_start3A_90 = tpu.memref_slice %arg5[%add3A_88, %dma_start3A_89] : memref<16384x512xf32, #tpu.memory_space<hbm>> -> memref<64x512xf32, #tpu.memory_space<hbm>>
    %dma_start3A_91 = arith.constant 0 : i32
    %dma_start3A_92 = tpu.memref_slice %arg5[%add3A_88, %dma_start3A_91] : memref<16384x512xf32, #tpu.memory_space<hbm>> -> memref<64x512xf32, #tpu.memory_space<hbm>>
    tpu.enqueue_dma source(%arg10 : memref<64x512xf32, #tpu.memory_space<vmem>>) target(%dma_start3A_92 : memref<64x512xf32, #tpu.memory_space<hbm>>) target_semaphore(%arg16 : memref<!tpu.dma_semaphore, #tpu.memory_space<semaphore_mem>>)
    %add3A_93 = arith.constant 64 : i32
    %add3A_94 = arith.addi %mul3A_2, %add3A_93 : i32
    %dma_wait3A_95 = arith.constant 0 : i32
    %dma_wait3A_96 = tpu.memref_slice %arg5[%add3A_94, %dma_wait3A_95] : memref<16384x512xf32, #tpu.memory_space<hbm>> -> memref<64x512xf32, #tpu.memory_space<hbm>>
    %dma_wait3A_97 = arith.constant 0 : i32
    %dma_wait3A_98 = tpu.memref_slice %arg5[%add3A_94, %dma_wait3A_97] : memref<16384x512xf32, #tpu.memory_space<hbm>> -> memref<64x512xf32, #tpu.memory_space<hbm>>
    tpu.wait_dma2 semaphore(%arg15 : memref<!tpu.dma_semaphore, #tpu.memory_space<semaphore_mem>>) src(%arg9 : memref<64x512xf32, #tpu.memory_space<vmem>>) dst(%dma_wait3A_98 : memref<64x512xf32, #tpu.memory_space<hbm>>)
    %add3A_99 = arith.constant 256 : i32
    %add3A_100 = arith.addi %mul3A_2, %add3A_99 : i32
    %dma_start3A_101 = arith.constant 0 : i32
    %dma_start3A_102 = tpu.memref_slice %arg2[%add3A_100, %dma_start3A_101] : memref<16384x512xf32, #tpu.memory_space<hbm>> -> memref<64x512xf32, #tpu.memory_space<hbm>>
    %dma_start3A_103 = arith.constant 0 : i32
    %dma_start3A_104 = tpu.memref_slice %arg2[%add3A_100, %dma_start3A_103] : memref<16384x512xf32, #tpu.memory_space<hbm>> -> memref<64x512xf32, #tpu.memory_space<hbm>>
    tpu.enqueue_dma source(%dma_start3A_104 : memref<64x512xf32, #tpu.memory_space<hbm>>) target(%arg9 : memref<64x512xf32, #tpu.memory_space<vmem>>) target_semaphore(%arg12 : memref<!tpu.dma_semaphore, #tpu.memory_space<semaphore_mem>>)
    %add3A_105 = arith.constant 192 : i32
    %add3A_106 = arith.addi %mul3A_2, %add3A_105 : i32
    %dma_wait3A_107 = arith.constant 0 : i32
    %dma_wait3A_108 = tpu.memref_slice %arg2[%add3A_106, %dma_wait3A_107] : memref<16384x512xf32, #tpu.memory_space<hbm>> -> memref<64x512xf32, #tpu.memory_space<hbm>>
    %dma_wait3A_109 = arith.constant 0 : i32
    %dma_wait3A_110 = tpu.memref_slice %arg2[%add3A_106, %dma_wait3A_109] : memref<16384x512xf32, #tpu.memory_space<hbm>> -> memref<64x512xf32, #tpu.memory_space<hbm>>
    tpu.wait_dma2 semaphore(%arg11 : memref<!tpu.dma_semaphore, #tpu.memory_space<semaphore_mem>>) src(%dma_wait3A_110 : memref<64x512xf32, #tpu.memory_space<hbm>>) dst(%arg8 : memref<64x512xf32, #tpu.memory_space<vmem>>)
    %parallel_loop3A_111 = arith.constant 0 : i32
    %parallel_loop3A_112 = arith.constant 64 : i32
    %parallel_loop3A_113 = arith.constant 1 : i32
    scf.for %parallel_loop3A_234 = %parallel_loop3A_111 to %parallel_loop3A_112 step %parallel_loop3A_113  : i32 {
      %parallel_loop3A_235 = vector.broadcast %parallel_loop3A_234 : i32 to vector<16xi32>
      %parallel_loop3A_236 = arith.addi %broadcast_in_dim3A_20, %parallel_loop3A_235 : vector<16xi32>
      %parallel_loop3A_237 = tpu.vector_load_idx %arg8[%parallel_loop3A_236, %get3A_3] : memref<64x512xf32, #tpu.memory_space<vmem>>[vector<16xi32>, vector<16xi32>], vector<16xf32>,
      %parallel_loop3A_238 = tpu.vector_load_idx %arg8[%parallel_loop3A_236, %get3A_5] : memref<64x512xf32, #tpu.memory_space<vmem>>[vector<16xi32>, vector<16xi32>], vector<16xf32>,
      %parallel_loop3A_239 = tpu.vector_load_idx %arg8[%parallel_loop3A_236, %get3A_7] : memref<64x512xf32, #tpu.memory_space<vmem>>[vector<16xi32>, vector<16xi32>], vector<16xf32>,
      %parallel_loop3A_240 = tpu.vector_load_idx %arg8[%parallel_loop3A_236, %get3A_9] : memref<64x512xf32, #tpu.memory_space<vmem>>[vector<16xi32>, vector<16xi32>], vector<16xf32>,
      %parallel_loop3A_241 = tpu.vector_load_idx %arg8[%parallel_loop3A_236, %get3A_11] : memref<64x512xf32, #tpu.memory_space<vmem>>[vector<16xi32>, vector<16xi32>], vector<16xf32>,
      %parallel_loop3A_242 = tpu.vector_load_idx %arg8[%parallel_loop3A_236, %get3A_13] : memref<64x512xf32, #tpu.memory_space<vmem>>[vector<16xi32>, vector<16xi32>], vector<16xf32>,
      %parallel_loop3A_243 = tpu.vector_load_idx %arg8[%parallel_loop3A_236, %get3A_15] : memref<64x512xf32, #tpu.memory_space<vmem>>[vector<16xi32>, vector<16xi32>], vector<16xf32>,
      %parallel_loop3A_244 = tpu.vector_load_idx %arg8[%parallel_loop3A_236, %get3A_17] : memref<64x512xf32, #tpu.memory_space<vmem>>[vector<16xi32>, vector<16xi32>], vector<16xf32>,
      %parallel_loop3A_245 = math.absf %parallel_loop3A_237 : vector<16xf32>
      %parallel_loop3A_246 = arith.constant 0.000000e+00 : f32
      %parallel_loop3A_247 = vector.broadcast %parallel_loop3A_246 : f32 to vector<16xf32>
      %parallel_loop3A_248 = arith.subf %parallel_loop3A_247, %parallel_loop3A_245 : vector<16xf32>
      %parallel_loop3A_249 = math.exp %parallel_loop3A_248 : vector<16xf32>
      %parallel_loop3A_250 = arith.constant 2.000000e+00 : f32
      %parallel_loop3A_251 = vector.broadcast %parallel_loop3A_250 : f32 to vector<16xf32>
      %parallel_loop3A_252 = arith.addf %parallel_loop3A_251, %parallel_loop3A_249 : vector<16xf32>
      %parallel_loop3A_253 = arith.divf %parallel_loop3A_249, %parallel_loop3A_252 : vector<16xf32>
      %parallel_loop3A_254 = arith.mulf %parallel_loop3A_253, %parallel_loop3A_253 : vector<16xf32>
      %parallel_loop3A_255 = arith.constant 4.000000e-01 : f32
      %parallel_loop3A_256 = vector.broadcast %parallel_loop3A_255 : f32 to vector<16xf32>
      %parallel_loop3A_257 = arith.mulf %parallel_loop3A_254, %parallel_loop3A_256 : vector<16xf32>
      %parallel_loop3A_258 = arith.constant 0.666666686 : f32
      %parallel_loop3A_259 = vector.broadcast %parallel_loop3A_258 : f32 to vector<16xf32>
      %parallel_loop3A_260 = arith.addf %parallel_loop3A_259, %parallel_loop3A_257 : vector<16xf32>
      %parallel_loop3A_261 = arith.mulf %parallel_loop3A_254, %parallel_loop3A_260 : vector<16xf32>
      %parallel_loop3A_262 = arith.constant 2.000000e+00 : f32
      %parallel_loop3A_263 = vector.broadcast %parallel_loop3A_262 : f32 to vector<16xf32>
      %parallel_loop3A_264 = arith.addf %parallel_loop3A_263, %parallel_loop3A_261 : vector<16xf32>
      %parallel_loop3A_265 = arith.mulf %parallel_loop3A_253, %parallel_loop3A_264 : vector<16xf32>
      %parallel_loop3A_266 = arith.constant 0.000000e+00 : f32
      %parallel_loop3A_267 = vector.broadcast %parallel_loop3A_266 : f32 to vector<16xf32>
      %parallel_loop3A_268 = arith.minimumf %parallel_loop3A_237, %parallel_loop3A_267 : vector<16xf32>
      %parallel_loop3A_269 = arith.subf %parallel_loop3A_268, %parallel_loop3A_265 : vector<16xf32>
      %parallel_loop3A_270 = arith.addf %get3A_19, %parallel_loop3A_269 : vector<16xf32>
      %parallel_loop3A_271 = math.absf %parallel_loop3A_238 : vector<16xf32>
      %parallel_loop3A_272 = arith.constant 0.000000e+00 : f32
      %parallel_loop3A_273 = vector.broadcast %parallel_loop3A_272 : f32 to vector<16xf32>
      %parallel_loop3A_274 = arith.subf %parallel_loop3A_273, %parallel_loop3A_271 : vector<16xf32>
      %parallel_loop3A_275 = math.exp %parallel_loop3A_274 : vector<16xf32>
      %parallel_loop3A_276 = arith.constant 2.000000e+00 : f32
      %parallel_loop3A_277 = vector.broadcast %parallel_loop3A_276 : f32 to vector<16xf32>
      %parallel_loop3A_278 = arith.addf %parallel_loop3A_277, %parallel_loop3A_275 : vector<16xf32>
      %parallel_loop3A_279 = arith.divf %parallel_loop3A_275, %parallel_loop3A_278 : vector<16xf32>
      %parallel_loop3A_280 = arith.mulf %parallel_loop3A_279, %parallel_loop3A_279 : vector<16xf32>
      %parallel_loop3A_281 = arith.constant 4.000000e-01 : f32
      %parallel_loop3A_282 = vector.broadcast %parallel_loop3A_281 : f32 to vector<16xf32>
      %parallel_loop3A_283 = arith.mulf %parallel_loop3A_280, %parallel_loop3A_282 : vector<16xf32>
      %parallel_loop3A_284 = arith.constant 0.666666686 : f32
      %parallel_loop3A_285 = vector.broadcast %parallel_loop3A_284 : f32 to vector<16xf32>
      %parallel_loop3A_286 = arith.addf %parallel_loop3A_285, %parallel_loop3A_283 : vector<16xf32>
      %parallel_loop3A_287 = arith.mulf %parallel_loop3A_280, %parallel_loop3A_286 : vector<16xf32>
      %parallel_loop3A_288 = arith.constant 2.000000e+00 : f32
      %parallel_loop3A_289 = vector.broadcast %parallel_loop3A_288 : f32 to vector<16xf32>
      %parallel_loop3A_290 = arith.addf %parallel_loop3A_289, %parallel_loop3A_287 : vector<16xf32>
      %parallel_loop3A_291 = arith.mulf %parallel_loop3A_279, %parallel_loop3A_290 : vector<16xf32>
      %parallel_loop3A_292 = arith.constant 0.000000e+00 : f32
      %parallel_loop3A_293 = vector.broadcast %parallel_loop3A_292 : f32 to vector<16xf32>
      %parallel_loop3A_294 = arith.minimumf %parallel_loop3A_238, %parallel_loop3A_293 : vector<16xf32>
      %parallel_loop3A_295 = arith.subf %parallel_loop3A_294, %parallel_loop3A_291 : vector<16xf32>
      %parallel_loop3A_296 = arith.addf %get3A_19, %parallel_loop3A_295 : vector<16xf32>
      %parallel_loop3A_297 = math.absf %parallel_loop3A_239 : vector<16xf32>
      %parallel_loop3A_298 = arith.constant 0.000000e+00 : f32
      %parallel_loop3A_299 = vector.broadcast %parallel_loop3A_298 : f32 to vector<16xf32>
      %parallel_loop3A_300 = arith.subf %parallel_loop3A_299, %parallel_loop3A_297 : vector<16xf32>
      %parallel_loop3A_301 = math.exp %parallel_loop3A_300 : vector<16xf32>
      %parallel_loop3A_302 = arith.constant 2.000000e+00 : f32
      %parallel_loop3A_303 = vector.broadcast %parallel_loop3A_302 : f32 to vector<16xf32>
      %parallel_loop3A_304 = arith.addf %parallel_loop3A_303, %parallel_loop3A_301 : vector<16xf32>
      %parallel_loop3A_305 = arith.divf %parallel_loop3A_301, %parallel_loop3A_304 : vector<16xf32>
      %parallel_loop3A_306 = arith.mulf %parallel_loop3A_305, %parallel_loop3A_305 : vector<16xf32>
      %parallel_loop3A_307 = arith.constant 4.000000e-01 : f32
      %parallel_loop3A_308 = vector.broadcast %parallel_loop3A_307 : f32 to vector<16xf32>
      %parallel_loop3A_309 = arith.mulf %parallel_loop3A_306, %parallel_loop3A_308 : vector<16xf32>
      %parallel_loop3A_310 = arith.constant 0.666666686 : f32
      %parallel_loop3A_311 = vector.broadcast %parallel_loop3A_310 : f32 to vector<16xf32>
      %parallel_loop3A_312 = arith.addf %parallel_loop3A_311, %parallel_loop3A_309 : vector<16xf32>
      %parallel_loop3A_313 = arith.mulf %parallel_loop3A_306, %parallel_loop3A_312 : vector<16xf32>
      %parallel_loop3A_314 = arith.constant 2.000000e+00 : f32
      %parallel_loop3A_315 = vector.broadcast %parallel_loop3A_314 : f32 to vector<16xf32>
      %parallel_loop3A_316 = arith.addf %parallel_loop3A_315, %parallel_loop3A_313 : vector<16xf32>
      %parallel_loop3A_317 = arith.mulf %parallel_loop3A_305, %parallel_loop3A_316 : vector<16xf32>
      %parallel_loop3A_318 = arith.constant 0.000000e+00 : f32
      %parallel_loop3A_319 = vector.broadcast %parallel_loop3A_318 : f32 to vector<16xf32>
      %parallel_loop3A_320 = arith.minimumf %parallel_loop3A_239, %parallel_loop3A_319 : vector<16xf32>
      %parallel_loop3A_321 = arith.subf %parallel_loop3A_320, %parallel_loop3A_317 : vector<16xf32>
      %parallel_loop3A_322 = arith.addf %get3A_19, %parallel_loop3A_321 : vector<16xf32>
      %parallel_loop3A_323 = math.absf %parallel_loop3A_240 : vector<16xf32>
      %parallel_loop3A_324 = arith.constant 0.000000e+00 : f32
      %parallel_loop3A_325 = vector.broadcast %parallel_loop3A_324 : f32 to vector<16xf32>
      %parallel_loop3A_326 = arith.subf %parallel_loop3A_325, %parallel_loop3A_323 : vector<16xf32>
      %parallel_loop3A_327 = math.exp %parallel_loop3A_326 : vector<16xf32>
      %parallel_loop3A_328 = arith.constant 2.000000e+00 : f32
      %parallel_loop3A_329 = vector.broadcast %parallel_loop3A_328 : f32 to vector<16xf32>
      %parallel_loop3A_330 = arith.addf %parallel_loop3A_329, %parallel_loop3A_327 : vector<16xf32>
      %parallel_loop3A_331 = arith.divf %parallel_loop3A_327, %parallel_loop3A_330 : vector<16xf32>
      %parallel_loop3A_332 = arith.mulf %parallel_loop3A_331, %parallel_loop3A_331 : vector<16xf32>
      %parallel_loop3A_333 = arith.constant 4.000000e-01 : f32
      %parallel_loop3A_334 = vector.broadcast %parallel_loop3A_333 : f32 to vector<16xf32>
      %parallel_loop3A_335 = arith.mulf %parallel_loop3A_332, %parallel_loop3A_334 : vector<16xf32>
      %parallel_loop3A_336 = arith.constant 0.666666686 : f32
      %parallel_loop3A_337 = vector.broadcast %parallel_loop3A_336 : f32 to vector<16xf32>
      %parallel_loop3A_338 = arith.addf %parallel_loop3A_337, %parallel_loop3A_335 : vector<16xf32>
      %parallel_loop3A_339 = arith.mulf %parallel_loop3A_332, %parallel_loop3A_338 : vector<16xf32>
      %parallel_loop3A_340 = arith.constant 2.000000e+00 : f32
      %parallel_loop3A_341 = vector.broadcast %parallel_loop3A_340 : f32 to vector<16xf32>
      %parallel_loop3A_342 = arith.addf %parallel_loop3A_341, %parallel_loop3A_339 : vector<16xf32>
      %parallel_loop3A_343 = arith.mulf %parallel_loop3A_331, %parallel_loop3A_342 : vector<16xf32>
      %parallel_loop3A_344 = arith.constant 0.000000e+00 : f32
      %parallel_loop3A_345 = vector.broadcast %parallel_loop3A_344 : f32 to vector<16xf32>
      %parallel_loop3A_346 = arith.minimumf %parallel_loop3A_240, %parallel_loop3A_345 : vector<16xf32>
      %parallel_loop3A_347 = arith.subf %parallel_loop3A_346, %parallel_loop3A_343 : vector<16xf32>
      %parallel_loop3A_348 = arith.addf %get3A_19, %parallel_loop3A_347 : vector<16xf32>
      %parallel_loop3A_349 = math.absf %parallel_loop3A_241 : vector<16xf32>
      %parallel_loop3A_350 = arith.constant 0.000000e+00 : f32
      %parallel_loop3A_351 = vector.broadcast %parallel_loop3A_350 : f32 to vector<16xf32>
      %parallel_loop3A_352 = arith.subf %parallel_loop3A_351, %parallel_loop3A_349 : vector<16xf32>
      %parallel_loop3A_353 = math.exp %parallel_loop3A_352 : vector<16xf32>
      %parallel_loop3A_354 = arith.constant 2.000000e+00 : f32
      %parallel_loop3A_355 = vector.broadcast %parallel_loop3A_354 : f32 to vector<16xf32>
      %parallel_loop3A_356 = arith.addf %parallel_loop3A_355, %parallel_loop3A_353 : vector<16xf32>
      %parallel_loop3A_357 = arith.divf %parallel_loop3A_353, %parallel_loop3A_356 : vector<16xf32>
      %parallel_loop3A_358 = arith.mulf %parallel_loop3A_357, %parallel_loop3A_357 : vector<16xf32>
      %parallel_loop3A_359 = arith.constant 4.000000e-01 : f32
      %parallel_loop3A_360 = vector.broadcast %parallel_loop3A_359 : f32 to vector<16xf32>
      %parallel_loop3A_361 = arith.mulf %parallel_loop3A_358, %parallel_loop3A_360 : vector<16xf32>
      %parallel_loop3A_362 = arith.constant 0.666666686 : f32
      %parallel_loop3A_363 = vector.broadcast %parallel_loop3A_362 : f32 to vector<16xf32>
      %parallel_loop3A_364 = arith.addf %parallel_loop3A_363, %parallel_loop3A_361 : vector<16xf32>
      %parallel_loop3A_365 = arith.mulf %parallel_loop3A_358, %parallel_loop3A_364 : vector<16xf32>
      %parallel_loop3A_366 = arith.constant 2.000000e+00 : f32
      %parallel_loop3A_367 = vector.broadcast %parallel_loop3A_366 : f32 to vector<16xf32>
      %parallel_loop3A_368 = arith.addf %parallel_loop3A_367, %parallel_loop3A_365 : vector<16xf32>
      %parallel_loop3A_369 = arith.mulf %parallel_loop3A_357, %parallel_loop3A_368 : vector<16xf32>
      %parallel_loop3A_370 = arith.constant 0.000000e+00 : f32
      %parallel_loop3A_371 = vector.broadcast %parallel_loop3A_370 : f32 to vector<16xf32>
      %parallel_loop3A_372 = arith.minimumf %parallel_loop3A_241, %parallel_loop3A_371 : vector<16xf32>
      %parallel_loop3A_373 = arith.subf %parallel_loop3A_372, %parallel_loop3A_369 : vector<16xf32>
      %parallel_loop3A_374 = arith.addf %get3A_19, %parallel_loop3A_373 : vector<16xf32>
      %parallel_loop3A_375 = math.absf %parallel_loop3A_242 : vector<16xf32>
      %parallel_loop3A_376 = arith.constant 0.000000e+00 : f32
      %parallel_loop3A_377 = vector.broadcast %parallel_loop3A_376 : f32 to vector<16xf32>
      %parallel_loop3A_378 = arith.subf %parallel_loop3A_377, %parallel_loop3A_375 : vector<16xf32>
      %parallel_loop3A_379 = math.exp %parallel_loop3A_378 : vector<16xf32>
      %parallel_loop3A_380 = arith.constant 2.000000e+00 : f32
      %parallel_loop3A_381 = vector.broadcast %parallel_loop3A_380 : f32 to vector<16xf32>
      %parallel_loop3A_382 = arith.addf %parallel_loop3A_381, %parallel_loop3A_379 : vector<16xf32>
      %parallel_loop3A_383 = arith.divf %parallel_loop3A_379, %parallel_loop3A_382 : vector<16xf32>
      %parallel_loop3A_384 = arith.mulf %parallel_loop3A_383, %parallel_loop3A_383 : vector<16xf32>
      %parallel_loop3A_385 = arith.constant 4.000000e-01 : f32
      %parallel_loop3A_386 = vector.broadcast %parallel_loop3A_385 : f32 to vector<16xf32>
      %parallel_loop3A_387 = arith.mulf %parallel_loop3A_384, %parallel_loop3A_386 : vector<16xf32>
      %parallel_loop3A_388 = arith.constant 0.666666686 : f32
      %parallel_loop3A_389 = vector.broadcast %parallel_loop3A_388 : f32 to vector<16xf32>
      %parallel_loop3A_390 = arith.addf %parallel_loop3A_389, %parallel_loop3A_387 : vector<16xf32>
      %parallel_loop3A_391 = arith.mulf %parallel_loop3A_384, %parallel_loop3A_390 : vector<16xf32>
      %parallel_loop3A_392 = arith.constant 2.000000e+00 : f32
      %parallel_loop3A_393 = vector.broadcast %parallel_loop3A_392 : f32 to vector<16xf32>
      %parallel_loop3A_394 = arith.addf %parallel_loop3A_393, %parallel_loop3A_391 : vector<16xf32>
      %parallel_loop3A_395 = arith.mulf %parallel_loop3A_383, %parallel_loop3A_394 : vector<16xf32>
      %parallel_loop3A_396 = arith.constant 0.000000e+00 : f32
      %parallel_loop3A_397 = vector.broadcast %parallel_loop3A_396 : f32 to vector<16xf32>
      %parallel_loop3A_398 = arith.minimumf %parallel_loop3A_242, %parallel_loop3A_397 : vector<16xf32>
      %parallel_loop3A_399 = arith.subf %parallel_loop3A_398, %parallel_loop3A_395 : vector<16xf32>
      %parallel_loop3A_400 = arith.addf %get3A_19, %parallel_loop3A_399 : vector<16xf32>
      %parallel_loop3A_401 = math.absf %parallel_loop3A_243 : vector<16xf32>
      %parallel_loop3A_402 = arith.constant 0.000000e+00 : f32
      %parallel_loop3A_403 = vector.broadcast %parallel_loop3A_402 : f32 to vector<16xf32>
      %parallel_loop3A_404 = arith.subf %parallel_loop3A_403, %parallel_loop3A_401 : vector<16xf32>
      %parallel_loop3A_405 = math.exp %parallel_loop3A_404 : vector<16xf32>
      %parallel_loop3A_406 = arith.constant 2.000000e+00 : f32
      %parallel_loop3A_407 = vector.broadcast %parallel_loop3A_406 : f32 to vector<16xf32>
      %parallel_loop3A_408 = arith.addf %parallel_loop3A_407, %parallel_loop3A_405 : vector<16xf32>
      %parallel_loop3A_409 = arith.divf %parallel_loop3A_405, %parallel_loop3A_408 : vector<16xf32>
      %parallel_loop3A_410 = arith.mulf %parallel_loop3A_409, %parallel_loop3A_409 : vector<16xf32>
      %parallel_loop3A_411 = arith.constant 4.000000e-01 : f32
      %parallel_loop3A_412 = vector.broadcast %parallel_loop3A_411 : f32 to vector<16xf32>
      %parallel_loop3A_413 = arith.mulf %parallel_loop3A_410, %parallel_loop3A_412 : vector<16xf32>
      %parallel_loop3A_414 = arith.constant 0.666666686 : f32
      %parallel_loop3A_415 = vector.broadcast %parallel_loop3A_414 : f32 to vector<16xf32>
      %parallel_loop3A_416 = arith.addf %parallel_loop3A_415, %parallel_loop3A_413 : vector<16xf32>
      %parallel_loop3A_417 = arith.mulf %parallel_loop3A_410, %parallel_loop3A_416 : vector<16xf32>
      %parallel_loop3A_418 = arith.constant 2.000000e+00 : f32
      %parallel_loop3A_419 = vector.broadcast %parallel_loop3A_418 : f32 to vector<16xf32>
      %parallel_loop3A_420 = arith.addf %parallel_loop3A_419, %parallel_loop3A_417 : vector<16xf32>
      %parallel_loop3A_421 = arith.mulf %parallel_loop3A_409, %parallel_loop3A_420 : vector<16xf32>
      %parallel_loop3A_422 = arith.constant 0.000000e+00 : f32
      %parallel_loop3A_423 = vector.broadcast %parallel_loop3A_422 : f32 to vector<16xf32>
      %parallel_loop3A_424 = arith.minimumf %parallel_loop3A_243, %parallel_loop3A_423 : vector<16xf32>
      %parallel_loop3A_425 = arith.subf %parallel_loop3A_424, %parallel_loop3A_421 : vector<16xf32>
      %parallel_loop3A_426 = arith.addf %get3A_19, %parallel_loop3A_425 : vector<16xf32>
      %parallel_loop3A_427 = math.absf %parallel_loop3A_244 : vector<16xf32>
      %parallel_loop3A_428 = arith.constant 0.000000e+00 : f32
      %parallel_loop3A_429 = vector.broadcast %parallel_loop3A_428 : f32 to vector<16xf32>
      %parallel_loop3A_430 = arith.subf %parallel_loop3A_429, %parallel_loop3A_427 : vector<16xf32>
      %parallel_loop3A_431 = math.exp %parallel_loop3A_430 : vector<16xf32>
      %parallel_loop3A_432 = arith.constant 2.000000e+00 : f32
      %parallel_loop3A_433 = vector.broadcast %parallel_loop3A_432 : f32 to vector<16xf32>
      %parallel_loop3A_434 = arith.addf %parallel_loop3A_433, %parallel_loop3A_431 : vector<16xf32>
      %parallel_loop3A_435 = arith.divf %parallel_loop3A_431, %parallel_loop3A_434 : vector<16xf32>
      %parallel_loop3A_436 = arith.mulf %parallel_loop3A_435, %parallel_loop3A_435 : vector<16xf32>
      %parallel_loop3A_437 = arith.constant 4.000000e-01 : f32
      %parallel_loop3A_438 = vector.broadcast %parallel_loop3A_437 : f32 to vector<16xf32>
      %parallel_loop3A_439 = arith.mulf %parallel_loop3A_436, %parallel_loop3A_438 : vector<16xf32>
      %parallel_loop3A_440 = arith.constant 0.666666686 : f32
      %parallel_loop3A_441 = vector.broadcast %parallel_loop3A_440 : f32 to vector<16xf32>
      %parallel_loop3A_442 = arith.addf %parallel_loop3A_441, %parallel_loop3A_439 : vector<16xf32>
      %parallel_loop3A_443 = arith.mulf %parallel_loop3A_436, %parallel_loop3A_442 : vector<16xf32>
      %parallel_loop3A_444 = arith.constant 2.000000e+00 : f32
      %parallel_loop3A_445 = vector.broadcast %parallel_loop3A_444 : f32 to vector<16xf32>
      %parallel_loop3A_446 = arith.addf %parallel_loop3A_445, %parallel_loop3A_443 : vector<16xf32>
      %parallel_loop3A_447 = arith.mulf %parallel_loop3A_435, %parallel_loop3A_446 : vector<16xf32>
      %parallel_loop3A_448 = arith.constant 0.000000e+00 : f32
      %parallel_loop3A_449 = vector.broadcast %parallel_loop3A_448 : f32 to vector<16xf32>
      %parallel_loop3A_450 = arith.minimumf %parallel_loop3A_244, %parallel_loop3A_449 : vector<16xf32>
      %parallel_loop3A_451 = arith.subf %parallel_loop3A_450, %parallel_loop3A_447 : vector<16xf32>
      %parallel_loop3A_452 = arith.addf %get3A_19, %parallel_loop3A_451 : vector<16xf32>
      tpu.vector_store_idx %arg8[%parallel_loop3A_236, %get3A_3], %parallel_loop3A_270 : memref<64x512xf32, #tpu.memory_space<vmem>>[vector<16xi32>, vector<16xi32>], vector<16xf32>,
      tpu.vector_store_idx %arg8[%parallel_loop3A_236, %get3A_5], %parallel_loop3A_296 : memref<64x512xf32, #tpu.memory_space<vmem>>[vector<16xi32>, vector<16xi32>], vector<16xf32>,
      tpu.vector_store_idx %arg8[%parallel_loop3A_236, %get3A_7], %parallel_loop3A_322 : memref<64x512xf32, #tpu.memory_space<vmem>>[vector<16xi32>, vector<16xi32>], vector<16xf32>,
      tpu.vector_store_idx %arg8[%parallel_loop3A_236, %get3A_9], %parallel_loop3A_348 : memref<64x512xf32, #tpu.memory_space<vmem>>[vector<16xi32>, vector<16xi32>], vector<16xf32>,
      tpu.vector_store_idx %arg8[%parallel_loop3A_236, %get3A_11], %parallel_loop3A_374 : memref<64x512xf32, #tpu.memory_space<vmem>>[vector<16xi32>, vector<16xi32>], vector<16xf32>,
      tpu.vector_store_idx %arg8[%parallel_loop3A_236, %get3A_13], %parallel_loop3A_400 : memref<64x512xf32, #tpu.memory_space<vmem>>[vector<16xi32>, vector<16xi32>], vector<16xf32>,
      tpu.vector_store_idx %arg8[%parallel_loop3A_236, %get3A_15], %parallel_loop3A_426 : memref<64x512xf32, #tpu.memory_space<vmem>>[vector<16xi32>, vector<16xi32>], vector<16xf32>,
      tpu.vector_store_idx %arg8[%parallel_loop3A_236, %get3A_17], %parallel_loop3A_452 : memref<64x512xf32, #tpu.memory_space<vmem>>[vector<16xi32>, vector<16xi32>], vector<16xf32>,
    } {sc.loop_unroll_factor = 1 : i64, sc.parallel_access}
    %add3A_114 = arith.constant 192 : i32
    %add3A_115 = arith.addi %mul3A_2, %add3A_114 : i32
    %dma_start3A_116 = arith.constant 0 : i32
    %dma_start3A_117 = tpu.memref_slice %arg5[%add3A_115, %dma_start3A_116] : memref<16384x512xf32, #tpu.memory_space<hbm>> -> memref<64x512xf32, #tpu.memory_space<hbm>>
    %dma_start3A_118 = arith.constant 0 : i32
    %dma_start3A_119 = tpu.memref_slice %arg5[%add3A_115, %dma_start3A_118] : memref<16384x512xf32, #tpu.memory_space<hbm>> -> memref<64x512xf32, #tpu.memory_space<hbm>>
    tpu.enqueue_dma source(%arg8 : memref<64x512xf32, #tpu.memory_space<vmem>>) target(%dma_start3A_119 : memref<64x512xf32, #tpu.memory_space<hbm>>) target_semaphore(%arg14 : memref<!tpu.dma_semaphore, #tpu.memory_space<semaphore_mem>>)
    %add3A_120 = arith.constant 128 : i32
    %add3A_121 = arith.addi %mul3A_2, %add3A_120 : i32
    %dma_wait3A_122 = arith.constant 0 : i32
    %dma_wait3A_123 = tpu.memref_slice %arg5[%add3A_121, %dma_wait3A_122] : memref<16384x512xf32, #tpu.memory_space<hbm>> -> memref<64x512xf32, #tpu.memory_space<hbm>>
    %dma_wait3A_124 = arith.constant 0 : i32
    %dma_wait3A_125 = tpu.memref_slice %arg5[%add3A_121, %dma_wait3A_124] : memref<16384x512xf32, #tpu.memory_space<hbm>> -> memref<64x512xf32, #tpu.memory_space<hbm>>
    tpu.wait_dma2 semaphore(%arg16 : memref<!tpu.dma_semaphore, #tpu.memory_space<semaphore_mem>>) src(%arg10 : memref<64x512xf32, #tpu.memory_space<vmem>>) dst(%dma_wait3A_125 : memref<64x512xf32, #tpu.memory_space<hbm>>)
    %add3A_126 = arith.constant 320 : i32
    %add3A_127 = arith.addi %mul3A_2, %add3A_126 : i32
    %dma_start3A_128 = arith.constant 0 : i32
    %dma_start3A_129 = tpu.memref_slice %arg2[%add3A_127, %dma_start3A_128] : memref<16384x512xf32, #tpu.memory_space<hbm>> -> memref<64x512xf32, #tpu.memory_space<hbm>>
    %dma_start3A_130 = arith.constant 0 : i32
    %dma_start3A_131 = tpu.memref_slice %arg2[%add3A_127, %dma_start3A_130] : memref<16384x512xf32, #tpu.memory_space<hbm>> -> memref<64x512xf32, #tpu.memory_space<hbm>>
    tpu.enqueue_dma source(%dma_start3A_131 : memref<64x512xf32, #tpu.memory_space<hbm>>) target(%arg10 : memref<64x512xf32, #tpu.memory_space<vmem>>) target_semaphore(%arg13 : memref<!tpu.dma_semaphore, #tpu.memory_space<semaphore_mem>>)
    %add3A_132 = arith.constant 256 : i32
    %add3A_133 = arith.addi %mul3A_2, %add3A_132 : i32
    %dma_wait3A_134 = arith.constant 0 : i32
    %dma_wait3A_135 = tpu.memref_slice %arg2[%add3A_133, %dma_wait3A_134] : memref<16384x512xf32, #tpu.memory_space<hbm>> -> memref<64x512xf32, #tpu.memory_space<hbm>>
    %dma_wait3A_136 = arith.constant 0 : i32
    %dma_wait3A_137 = tpu.memref_slice %arg2[%add3A_133, %dma_wait3A_136] : memref<16384x512xf32, #tpu.memory_space<hbm>> -> memref<64x512xf32, #tpu.memory_space<hbm>>
    tpu.wait_dma2 semaphore(%arg12 : memref<!tpu.dma_semaphore, #tpu.memory_space<semaphore_mem>>) src(%dma_wait3A_137 : memref<64x512xf32, #tpu.memory_space<hbm>>) dst(%arg9 : memref<64x512xf32, #tpu.memory_space<vmem>>)
    %parallel_loop3A_138 = arith.constant 0 : i32
    %parallel_loop3A_139 = arith.constant 64 : i32
    %parallel_loop3A_140 = arith.constant 1 : i32
    scf.for %parallel_loop3A_234 = %parallel_loop3A_138 to %parallel_loop3A_139 step %parallel_loop3A_140  : i32 {
      %parallel_loop3A_235 = vector.broadcast %parallel_loop3A_234 : i32 to vector<16xi32>
      %parallel_loop3A_236 = arith.addi %broadcast_in_dim3A_20, %parallel_loop3A_235 : vector<16xi32>
      %parallel_loop3A_237 = tpu.vector_load_idx %arg9[%parallel_loop3A_236, %get3A_3] : memref<64x512xf32, #tpu.memory_space<vmem>>[vector<16xi32>, vector<16xi32>], vector<16xf32>,
      %parallel_loop3A_238 = tpu.vector_load_idx %arg9[%parallel_loop3A_236, %get3A_5] : memref<64x512xf32, #tpu.memory_space<vmem>>[vector<16xi32>, vector<16xi32>], vector<16xf32>,
      %parallel_loop3A_239 = tpu.vector_load_idx %arg9[%parallel_loop3A_236, %get3A_7] : memref<64x512xf32, #tpu.memory_space<vmem>>[vector<16xi32>, vector<16xi32>], vector<16xf32>,
      %parallel_loop3A_240 = tpu.vector_load_idx %arg9[%parallel_loop3A_236, %get3A_9] : memref<64x512xf32, #tpu.memory_space<vmem>>[vector<16xi32>, vector<16xi32>], vector<16xf32>,
      %parallel_loop3A_241 = tpu.vector_load_idx %arg9[%parallel_loop3A_236, %get3A_11] : memref<64x512xf32, #tpu.memory_space<vmem>>[vector<16xi32>, vector<16xi32>], vector<16xf32>,
      %parallel_loop3A_242 = tpu.vector_load_idx %arg9[%parallel_loop3A_236, %get3A_13] : memref<64x512xf32, #tpu.memory_space<vmem>>[vector<16xi32>, vector<16xi32>], vector<16xf32>,
      %parallel_loop3A_243 = tpu.vector_load_idx %arg9[%parallel_loop3A_236, %get3A_15] : memref<64x512xf32, #tpu.memory_space<vmem>>[vector<16xi32>, vector<16xi32>], vector<16xf32>,
      %parallel_loop3A_244 = tpu.vector_load_idx %arg9[%parallel_loop3A_236, %get3A_17] : memref<64x512xf32, #tpu.memory_space<vmem>>[vector<16xi32>, vector<16xi32>], vector<16xf32>,
      %parallel_loop3A_245 = math.absf %parallel_loop3A_237 : vector<16xf32>
      %parallel_loop3A_246 = arith.constant 0.000000e+00 : f32
      %parallel_loop3A_247 = vector.broadcast %parallel_loop3A_246 : f32 to vector<16xf32>
      %parallel_loop3A_248 = arith.subf %parallel_loop3A_247, %parallel_loop3A_245 : vector<16xf32>
      %parallel_loop3A_249 = math.exp %parallel_loop3A_248 : vector<16xf32>
      %parallel_loop3A_250 = arith.constant 2.000000e+00 : f32
      %parallel_loop3A_251 = vector.broadcast %parallel_loop3A_250 : f32 to vector<16xf32>
      %parallel_loop3A_252 = arith.addf %parallel_loop3A_251, %parallel_loop3A_249 : vector<16xf32>
      %parallel_loop3A_253 = arith.divf %parallel_loop3A_249, %parallel_loop3A_252 : vector<16xf32>
      %parallel_loop3A_254 = arith.mulf %parallel_loop3A_253, %parallel_loop3A_253 : vector<16xf32>
      %parallel_loop3A_255 = arith.constant 4.000000e-01 : f32
      %parallel_loop3A_256 = vector.broadcast %parallel_loop3A_255 : f32 to vector<16xf32>
      %parallel_loop3A_257 = arith.mulf %parallel_loop3A_254, %parallel_loop3A_256 : vector<16xf32>
      %parallel_loop3A_258 = arith.constant 0.666666686 : f32
      %parallel_loop3A_259 = vector.broadcast %parallel_loop3A_258 : f32 to vector<16xf32>
      %parallel_loop3A_260 = arith.addf %parallel_loop3A_259, %parallel_loop3A_257 : vector<16xf32>
      %parallel_loop3A_261 = arith.mulf %parallel_loop3A_254, %parallel_loop3A_260 : vector<16xf32>
      %parallel_loop3A_262 = arith.constant 2.000000e+00 : f32
      %parallel_loop3A_263 = vector.broadcast %parallel_loop3A_262 : f32 to vector<16xf32>
      %parallel_loop3A_264 = arith.addf %parallel_loop3A_263, %parallel_loop3A_261 : vector<16xf32>
      %parallel_loop3A_265 = arith.mulf %parallel_loop3A_253, %parallel_loop3A_264 : vector<16xf32>
      %parallel_loop3A_266 = arith.constant 0.000000e+00 : f32
      %parallel_loop3A_267 = vector.broadcast %parallel_loop3A_266 : f32 to vector<16xf32>
      %parallel_loop3A_268 = arith.minimumf %parallel_loop3A_237, %parallel_loop3A_267 : vector<16xf32>
      %parallel_loop3A_269 = arith.subf %parallel_loop3A_268, %parallel_loop3A_265 : vector<16xf32>
      %parallel_loop3A_270 = arith.addf %get3A_19, %parallel_loop3A_269 : vector<16xf32>
      %parallel_loop3A_271 = math.absf %parallel_loop3A_238 : vector<16xf32>
      %parallel_loop3A_272 = arith.constant 0.000000e+00 : f32
      %parallel_loop3A_273 = vector.broadcast %parallel_loop3A_272 : f32 to vector<16xf32>
      %parallel_loop3A_274 = arith.subf %parallel_loop3A_273, %parallel_loop3A_271 : vector<16xf32>
      %parallel_loop3A_275 = math.exp %parallel_loop3A_274 : vector<16xf32>
      %parallel_loop3A_276 = arith.constant 2.000000e+00 : f32
      %parallel_loop3A_277 = vector.broadcast %parallel_loop3A_276 : f32 to vector<16xf32>
      %parallel_loop3A_278 = arith.addf %parallel_loop3A_277, %parallel_loop3A_275 : vector<16xf32>
      %parallel_loop3A_279 = arith.divf %parallel_loop3A_275, %parallel_loop3A_278 : vector<16xf32>
      %parallel_loop3A_280 = arith.mulf %parallel_loop3A_279, %parallel_loop3A_279 : vector<16xf32>
      %parallel_loop3A_281 = arith.constant 4.000000e-01 : f32
      %parallel_loop3A_282 = vector.broadcast %parallel_loop3A_281 : f32 to vector<16xf32>
      %parallel_loop3A_283 = arith.mulf %parallel_loop3A_280, %parallel_loop3A_282 : vector<16xf32>
      %parallel_loop3A_284 = arith.constant 0.666666686 : f32
      %parallel_loop3A_285 = vector.broadcast %parallel_loop3A_284 : f32 to vector<16xf32>
      %parallel_loop3A_286 = arith.addf %parallel_loop3A_285, %parallel_loop3A_283 : vector<16xf32>
      %parallel_loop3A_287 = arith.mulf %parallel_loop3A_280, %parallel_loop3A_286 : vector<16xf32>
      %parallel_loop3A_288 = arith.constant 2.000000e+00 : f32
      %parallel_loop3A_289 = vector.broadcast %parallel_loop3A_288 : f32 to vector<16xf32>
      %parallel_loop3A_290 = arith.addf %parallel_loop3A_289, %parallel_loop3A_287 : vector<16xf32>
      %parallel_loop3A_291 = arith.mulf %parallel_loop3A_279, %parallel_loop3A_290 : vector<16xf32>
      %parallel_loop3A_292 = arith.constant 0.000000e+00 : f32
      %parallel_loop3A_293 = vector.broadcast %parallel_loop3A_292 : f32 to vector<16xf32>
      %parallel_loop3A_294 = arith.minimumf %parallel_loop3A_238, %parallel_loop3A_293 : vector<16xf32>
      %parallel_loop3A_295 = arith.subf %parallel_loop3A_294, %parallel_loop3A_291 : vector<16xf32>
      %parallel_loop3A_296 = arith.addf %get3A_19, %parallel_loop3A_295 : vector<16xf32>
      %parallel_loop3A_297 = math.absf %parallel_loop3A_239 : vector<16xf32>
      %parallel_loop3A_298 = arith.constant 0.000000e+00 : f32
      %parallel_loop3A_299 = vector.broadcast %parallel_loop3A_298 : f32 to vector<16xf32>
      %parallel_loop3A_300 = arith.subf %parallel_loop3A_299, %parallel_loop3A_297 : vector<16xf32>
      %parallel_loop3A_301 = math.exp %parallel_loop3A_300 : vector<16xf32>
      %parallel_loop3A_302 = arith.constant 2.000000e+00 : f32
      %parallel_loop3A_303 = vector.broadcast %parallel_loop3A_302 : f32 to vector<16xf32>
      %parallel_loop3A_304 = arith.addf %parallel_loop3A_303, %parallel_loop3A_301 : vector<16xf32>
      %parallel_loop3A_305 = arith.divf %parallel_loop3A_301, %parallel_loop3A_304 : vector<16xf32>
      %parallel_loop3A_306 = arith.mulf %parallel_loop3A_305, %parallel_loop3A_305 : vector<16xf32>
      %parallel_loop3A_307 = arith.constant 4.000000e-01 : f32
      %parallel_loop3A_308 = vector.broadcast %parallel_loop3A_307 : f32 to vector<16xf32>
      %parallel_loop3A_309 = arith.mulf %parallel_loop3A_306, %parallel_loop3A_308 : vector<16xf32>
      %parallel_loop3A_310 = arith.constant 0.666666686 : f32
      %parallel_loop3A_311 = vector.broadcast %parallel_loop3A_310 : f32 to vector<16xf32>
      %parallel_loop3A_312 = arith.addf %parallel_loop3A_311, %parallel_loop3A_309 : vector<16xf32>
      %parallel_loop3A_313 = arith.mulf %parallel_loop3A_306, %parallel_loop3A_312 : vector<16xf32>
      %parallel_loop3A_314 = arith.constant 2.000000e+00 : f32
      %parallel_loop3A_315 = vector.broadcast %parallel_loop3A_314 : f32 to vector<16xf32>
      %parallel_loop3A_316 = arith.addf %parallel_loop3A_315, %parallel_loop3A_313 : vector<16xf32>
      %parallel_loop3A_317 = arith.mulf %parallel_loop3A_305, %parallel_loop3A_316 : vector<16xf32>
      %parallel_loop3A_318 = arith.constant 0.000000e+00 : f32
      %parallel_loop3A_319 = vector.broadcast %parallel_loop3A_318 : f32 to vector<16xf32>
      %parallel_loop3A_320 = arith.minimumf %parallel_loop3A_239, %parallel_loop3A_319 : vector<16xf32>
      %parallel_loop3A_321 = arith.subf %parallel_loop3A_320, %parallel_loop3A_317 : vector<16xf32>
      %parallel_loop3A_322 = arith.addf %get3A_19, %parallel_loop3A_321 : vector<16xf32>
      %parallel_loop3A_323 = math.absf %parallel_loop3A_240 : vector<16xf32>
      %parallel_loop3A_324 = arith.constant 0.000000e+00 : f32
      %parallel_loop3A_325 = vector.broadcast %parallel_loop3A_324 : f32 to vector<16xf32>
      %parallel_loop3A_326 = arith.subf %parallel_loop3A_325, %parallel_loop3A_323 : vector<16xf32>
      %parallel_loop3A_327 = math.exp %parallel_loop3A_326 : vector<16xf32>
      %parallel_loop3A_328 = arith.constant 2.000000e+00 : f32
      %parallel_loop3A_329 = vector.broadcast %parallel_loop3A_328 : f32 to vector<16xf32>
      %parallel_loop3A_330 = arith.addf %parallel_loop3A_329, %parallel_loop3A_327 : vector<16xf32>
      %parallel_loop3A_331 = arith.divf %parallel_loop3A_327, %parallel_loop3A_330 : vector<16xf32>
      %parallel_loop3A_332 = arith.mulf %parallel_loop3A_331, %parallel_loop3A_331 : vector<16xf32>
      %parallel_loop3A_333 = arith.constant 4.000000e-01 : f32
      %parallel_loop3A_334 = vector.broadcast %parallel_loop3A_333 : f32 to vector<16xf32>
      %parallel_loop3A_335 = arith.mulf %parallel_loop3A_332, %parallel_loop3A_334 : vector<16xf32>
      %parallel_loop3A_336 = arith.constant 0.666666686 : f32
      %parallel_loop3A_337 = vector.broadcast %parallel_loop3A_336 : f32 to vector<16xf32>
      %parallel_loop3A_338 = arith.addf %parallel_loop3A_337, %parallel_loop3A_335 : vector<16xf32>
      %parallel_loop3A_339 = arith.mulf %parallel_loop3A_332, %parallel_loop3A_338 : vector<16xf32>
      %parallel_loop3A_340 = arith.constant 2.000000e+00 : f32
      %parallel_loop3A_341 = vector.broadcast %parallel_loop3A_340 : f32 to vector<16xf32>
      %parallel_loop3A_342 = arith.addf %parallel_loop3A_341, %parallel_loop3A_339 : vector<16xf32>
      %parallel_loop3A_343 = arith.mulf %parallel_loop3A_331, %parallel_loop3A_342 : vector<16xf32>
      %parallel_loop3A_344 = arith.constant 0.000000e+00 : f32
      %parallel_loop3A_345 = vector.broadcast %parallel_loop3A_344 : f32 to vector<16xf32>
      %parallel_loop3A_346 = arith.minimumf %parallel_loop3A_240, %parallel_loop3A_345 : vector<16xf32>
      %parallel_loop3A_347 = arith.subf %parallel_loop3A_346, %parallel_loop3A_343 : vector<16xf32>
      %parallel_loop3A_348 = arith.addf %get3A_19, %parallel_loop3A_347 : vector<16xf32>
      %parallel_loop3A_349 = math.absf %parallel_loop3A_241 : vector<16xf32>
      %parallel_loop3A_350 = arith.constant 0.000000e+00 : f32
      %parallel_loop3A_351 = vector.broadcast %parallel_loop3A_350 : f32 to vector<16xf32>
      %parallel_loop3A_352 = arith.subf %parallel_loop3A_351, %parallel_loop3A_349 : vector<16xf32>
      %parallel_loop3A_353 = math.exp %parallel_loop3A_352 : vector<16xf32>
      %parallel_loop3A_354 = arith.constant 2.000000e+00 : f32
      %parallel_loop3A_355 = vector.broadcast %parallel_loop3A_354 : f32 to vector<16xf32>
      %parallel_loop3A_356 = arith.addf %parallel_loop3A_355, %parallel_loop3A_353 : vector<16xf32>
      %parallel_loop3A_357 = arith.divf %parallel_loop3A_353, %parallel_loop3A_356 : vector<16xf32>
      %parallel_loop3A_358 = arith.mulf %parallel_loop3A_357, %parallel_loop3A_357 : vector<16xf32>
      %parallel_loop3A_359 = arith.constant 4.000000e-01 : f32
      %parallel_loop3A_360 = vector.broadcast %parallel_loop3A_359 : f32 to vector<16xf32>
      %parallel_loop3A_361 = arith.mulf %parallel_loop3A_358, %parallel_loop3A_360 : vector<16xf32>
      %parallel_loop3A_362 = arith.constant 0.666666686 : f32
      %parallel_loop3A_363 = vector.broadcast %parallel_loop3A_362 : f32 to vector<16xf32>
      %parallel_loop3A_364 = arith.addf %parallel_loop3A_363, %parallel_loop3A_361 : vector<16xf32>
      %parallel_loop3A_365 = arith.mulf %parallel_loop3A_358, %parallel_loop3A_364 : vector<16xf32>
      %parallel_loop3A_366 = arith.constant 2.000000e+00 : f32
      %parallel_loop3A_367 = vector.broadcast %parallel_loop3A_366 : f32 to vector<16xf32>
      %parallel_loop3A_368 = arith.addf %parallel_loop3A_367, %parallel_loop3A_365 : vector<16xf32>
      %parallel_loop3A_369 = arith.mulf %parallel_loop3A_357, %parallel_loop3A_368 : vector<16xf32>
      %parallel_loop3A_370 = arith.constant 0.000000e+00 : f32
      %parallel_loop3A_371 = vector.broadcast %parallel_loop3A_370 : f32 to vector<16xf32>
      %parallel_loop3A_372 = arith.minimumf %parallel_loop3A_241, %parallel_loop3A_371 : vector<16xf32>
      %parallel_loop3A_373 = arith.subf %parallel_loop3A_372, %parallel_loop3A_369 : vector<16xf32>
      %parallel_loop3A_374 = arith.addf %get3A_19, %parallel_loop3A_373 : vector<16xf32>
      %parallel_loop3A_375 = math.absf %parallel_loop3A_242 : vector<16xf32>
      %parallel_loop3A_376 = arith.constant 0.000000e+00 : f32
      %parallel_loop3A_377 = vector.broadcast %parallel_loop3A_376 : f32 to vector<16xf32>
      %parallel_loop3A_378 = arith.subf %parallel_loop3A_377, %parallel_loop3A_375 : vector<16xf32>
      %parallel_loop3A_379 = math.exp %parallel_loop3A_378 : vector<16xf32>
      %parallel_loop3A_380 = arith.constant 2.000000e+00 : f32
      %parallel_loop3A_381 = vector.broadcast %parallel_loop3A_380 : f32 to vector<16xf32>
      %parallel_loop3A_382 = arith.addf %parallel_loop3A_381, %parallel_loop3A_379 : vector<16xf32>
      %parallel_loop3A_383 = arith.divf %parallel_loop3A_379, %parallel_loop3A_382 : vector<16xf32>
      %parallel_loop3A_384 = arith.mulf %parallel_loop3A_383, %parallel_loop3A_383 : vector<16xf32>
      %parallel_loop3A_385 = arith.constant 4.000000e-01 : f32
      %parallel_loop3A_386 = vector.broadcast %parallel_loop3A_385 : f32 to vector<16xf32>
      %parallel_loop3A_387 = arith.mulf %parallel_loop3A_384, %parallel_loop3A_386 : vector<16xf32>
      %parallel_loop3A_388 = arith.constant 0.666666686 : f32
      %parallel_loop3A_389 = vector.broadcast %parallel_loop3A_388 : f32 to vector<16xf32>
      %parallel_loop3A_390 = arith.addf %parallel_loop3A_389, %parallel_loop3A_387 : vector<16xf32>
      %parallel_loop3A_391 = arith.mulf %parallel_loop3A_384, %parallel_loop3A_390 : vector<16xf32>
      %parallel_loop3A_392 = arith.constant 2.000000e+00 : f32
      %parallel_loop3A_393 = vector.broadcast %parallel_loop3A_392 : f32 to vector<16xf32>
      %parallel_loop3A_394 = arith.addf %parallel_loop3A_393, %parallel_loop3A_391 : vector<16xf32>
      %parallel_loop3A_395 = arith.mulf %parallel_loop3A_383, %parallel_loop3A_394 : vector<16xf32>
      %parallel_loop3A_396 = arith.constant 0.000000e+00 : f32
      %parallel_loop3A_397 = vector.broadcast %parallel_loop3A_396 : f32 to vector<16xf32>
      %parallel_loop3A_398 = arith.minimumf %parallel_loop3A_242, %parallel_loop3A_397 : vector<16xf32>
      %parallel_loop3A_399 = arith.subf %parallel_loop3A_398, %parallel_loop3A_395 : vector<16xf32>
      %parallel_loop3A_400 = arith.addf %get3A_19, %parallel_loop3A_399 : vector<16xf32>
      %parallel_loop3A_401 = math.absf %parallel_loop3A_243 : vector<16xf32>
      %parallel_loop3A_402 = arith.constant 0.000000e+00 : f32
      %parallel_loop3A_403 = vector.broadcast %parallel_loop3A_402 : f32 to vector<16xf32>
      %parallel_loop3A_404 = arith.subf %parallel_loop3A_403, %parallel_loop3A_401 : vector<16xf32>
      %parallel_loop3A_405 = math.exp %parallel_loop3A_404 : vector<16xf32>
      %parallel_loop3A_406 = arith.constant 2.000000e+00 : f32
      %parallel_loop3A_407 = vector.broadcast %parallel_loop3A_406 : f32 to vector<16xf32>
      %parallel_loop3A_408 = arith.addf %parallel_loop3A_407, %parallel_loop3A_405 : vector<16xf32>
      %parallel_loop3A_409 = arith.divf %parallel_loop3A_405, %parallel_loop3A_408 : vector<16xf32>
      %parallel_loop3A_410 = arith.mulf %parallel_loop3A_409, %parallel_loop3A_409 : vector<16xf32>
      %parallel_loop3A_411 = arith.constant 4.000000e-01 : f32
      %parallel_loop3A_412 = vector.broadcast %parallel_loop3A_411 : f32 to vector<16xf32>
      %parallel_loop3A_413 = arith.mulf %parallel_loop3A_410, %parallel_loop3A_412 : vector<16xf32>
      %parallel_loop3A_414 = arith.constant 0.666666686 : f32
      %parallel_loop3A_415 = vector.broadcast %parallel_loop3A_414 : f32 to vector<16xf32>
      %parallel_loop3A_416 = arith.addf %parallel_loop3A_415, %parallel_loop3A_413 : vector<16xf32>
      %parallel_loop3A_417 = arith.mulf %parallel_loop3A_410, %parallel_loop3A_416 : vector<16xf32>
      %parallel_loop3A_418 = arith.constant 2.000000e+00 : f32
      %parallel_loop3A_419 = vector.broadcast %parallel_loop3A_418 : f32 to vector<16xf32>
      %parallel_loop3A_420 = arith.addf %parallel_loop3A_419, %parallel_loop3A_417 : vector<16xf32>
      %parallel_loop3A_421 = arith.mulf %parallel_loop3A_409, %parallel_loop3A_420 : vector<16xf32>
      %parallel_loop3A_422 = arith.constant 0.000000e+00 : f32
      %parallel_loop3A_423 = vector.broadcast %parallel_loop3A_422 : f32 to vector<16xf32>
      %parallel_loop3A_424 = arith.minimumf %parallel_loop3A_243, %parallel_loop3A_423 : vector<16xf32>
      %parallel_loop3A_425 = arith.subf %parallel_loop3A_424, %parallel_loop3A_421 : vector<16xf32>
      %parallel_loop3A_426 = arith.addf %get3A_19, %parallel_loop3A_425 : vector<16xf32>
      %parallel_loop3A_427 = math.absf %parallel_loop3A_244 : vector<16xf32>
      %parallel_loop3A_428 = arith.constant 0.000000e+00 : f32
      %parallel_loop3A_429 = vector.broadcast %parallel_loop3A_428 : f32 to vector<16xf32>
      %parallel_loop3A_430 = arith.subf %parallel_loop3A_429, %parallel_loop3A_427 : vector<16xf32>
      %parallel_loop3A_431 = math.exp %parallel_loop3A_430 : vector<16xf32>
      %parallel_loop3A_432 = arith.constant 2.000000e+00 : f32
      %parallel_loop3A_433 = vector.broadcast %parallel_loop3A_432 : f32 to vector<16xf32>
      %parallel_loop3A_434 = arith.addf %parallel_loop3A_433, %parallel_loop3A_431 : vector<16xf32>
      %parallel_loop3A_435 = arith.divf %parallel_loop3A_431, %parallel_loop3A_434 : vector<16xf32>
      %parallel_loop3A_436 = arith.mulf %parallel_loop3A_435, %parallel_loop3A_435 : vector<16xf32>
      %parallel_loop3A_437 = arith.constant 4.000000e-01 : f32
      %parallel_loop3A_438 = vector.broadcast %parallel_loop3A_437 : f32 to vector<16xf32>
      %parallel_loop3A_439 = arith.mulf %parallel_loop3A_436, %parallel_loop3A_438 : vector<16xf32>
      %parallel_loop3A_440 = arith.constant 0.666666686 : f32
      %parallel_loop3A_441 = vector.broadcast %parallel_loop3A_440 : f32 to vector<16xf32>
      %parallel_loop3A_442 = arith.addf %parallel_loop3A_441, %parallel_loop3A_439 : vector<16xf32>
      %parallel_loop3A_443 = arith.mulf %parallel_loop3A_436, %parallel_loop3A_442 : vector<16xf32>
      %parallel_loop3A_444 = arith.constant 2.000000e+00 : f32
      %parallel_loop3A_445 = vector.broadcast %parallel_loop3A_444 : f32 to vector<16xf32>
      %parallel_loop3A_446 = arith.addf %parallel_loop3A_445, %parallel_loop3A_443 : vector<16xf32>
      %parallel_loop3A_447 = arith.mulf %parallel_loop3A_435, %parallel_loop3A_446 : vector<16xf32>
      %parallel_loop3A_448 = arith.constant 0.000000e+00 : f32
      %parallel_loop3A_449 = vector.broadcast %parallel_loop3A_448 : f32 to vector<16xf32>
      %parallel_loop3A_450 = arith.minimumf %parallel_loop3A_244, %parallel_loop3A_449 : vector<16xf32>
      %parallel_loop3A_451 = arith.subf %parallel_loop3A_450, %parallel_loop3A_447 : vector<16xf32>
      %parallel_loop3A_452 = arith.addf %get3A_19, %parallel_loop3A_451 : vector<16xf32>
      tpu.vector_store_idx %arg9[%parallel_loop3A_236, %get3A_3], %parallel_loop3A_270 : memref<64x512xf32, #tpu.memory_space<vmem>>[vector<16xi32>, vector<16xi32>], vector<16xf32>,
      tpu.vector_store_idx %arg9[%parallel_loop3A_236, %get3A_5], %parallel_loop3A_296 : memref<64x512xf32, #tpu.memory_space<vmem>>[vector<16xi32>, vector<16xi32>], vector<16xf32>,
      tpu.vector_store_idx %arg9[%parallel_loop3A_236, %get3A_7], %parallel_loop3A_322 : memref<64x512xf32, #tpu.memory_space<vmem>>[vector<16xi32>, vector<16xi32>], vector<16xf32>,
      tpu.vector_store_idx %arg9[%parallel_loop3A_236, %get3A_9], %parallel_loop3A_348 : memref<64x512xf32, #tpu.memory_space<vmem>>[vector<16xi32>, vector<16xi32>], vector<16xf32>,
      tpu.vector_store_idx %arg9[%parallel_loop3A_236, %get3A_11], %parallel_loop3A_374 : memref<64x512xf32, #tpu.memory_space<vmem>>[vector<16xi32>, vector<16xi32>], vector<16xf32>,
      tpu.vector_store_idx %arg9[%parallel_loop3A_236, %get3A_13], %parallel_loop3A_400 : memref<64x512xf32, #tpu.memory_space<vmem>>[vector<16xi32>, vector<16xi32>], vector<16xf32>,
      tpu.vector_store_idx %arg9[%parallel_loop3A_236, %get3A_15], %parallel_loop3A_426 : memref<64x512xf32, #tpu.memory_space<vmem>>[vector<16xi32>, vector<16xi32>], vector<16xf32>,
      tpu.vector_store_idx %arg9[%parallel_loop3A_236, %get3A_17], %parallel_loop3A_452 : memref<64x512xf32, #tpu.memory_space<vmem>>[vector<16xi32>, vector<16xi32>], vector<16xf32>,
    } {sc.loop_unroll_factor = 1 : i64, sc.parallel_access}
    %add3A_141 = arith.constant 256 : i32
    %add3A_142 = arith.addi %mul3A_2, %add3A_141 : i32
    %dma_start3A_143 = arith.constant 0 : i32
    %dma_start3A_144 = tpu.memref_slice %arg5[%add3A_142, %dma_start3A_143] : memref<16384x512xf32, #tpu.memory_space<hbm>> -> memref<64x512xf32, #tpu.memory_space<hbm>>
    %dma_start3A_145 = arith.constant 0 : i32
    %dma_start3A_146 = tpu.memref_slice %arg5[%add3A_142, %dma_start3A_145] : memref<16384x512xf32, #tpu.memory_space<hbm>> -> memref<64x512xf32, #tpu.memory_space<hbm>>
    tpu.enqueue_dma source(%arg9 : memref<64x512xf32, #tpu.memory_space<vmem>>) target(%dma_start3A_146 : memref<64x512xf32, #tpu.memory_space<hbm>>) target_semaphore(%arg15 : memref<!tpu.dma_semaphore, #tpu.memory_space<semaphore_mem>>)
    %add3A_147 = arith.constant 192 : i32
    %add3A_148 = arith.addi %mul3A_2, %add3A_147 : i32
    %dma_wait3A_149 = arith.constant 0 : i32
    %dma_wait3A_150 = tpu.memref_slice %arg5[%add3A_148, %dma_wait3A_149] : memref<16384x512xf32, #tpu.memory_space<hbm>> -> memref<64x512xf32, #tpu.memory_space<hbm>>
    %dma_wait3A_151 = arith.constant 0 : i32
    %dma_wait3A_152 = tpu.memref_slice %arg5[%add3A_148, %dma_wait3A_151] : memref<16384x512xf32, #tpu.memory_space<hbm>> -> memref<64x512xf32, #tpu.memory_space<hbm>>
    tpu.wait_dma2 semaphore(%arg14 : memref<!tpu.dma_semaphore, #tpu.memory_space<semaphore_mem>>) src(%arg8 : memref<64x512xf32, #tpu.memory_space<vmem>>) dst(%dma_wait3A_152 : memref<64x512xf32, #tpu.memory_space<hbm>>)
    %add3A_153 = arith.constant 384 : i32
    %add3A_154 = arith.addi %mul3A_2, %add3A_153 : i32
    %dma_start3A_155 = arith.constant 0 : i32
    %dma_start3A_156 = tpu.memref_slice %arg2[%add3A_154, %dma_start3A_155] : memref<16384x512xf32, #tpu.memory_space<hbm>> -> memref<64x512xf32, #tpu.memory_space<hbm>>
    %dma_start3A_157 = arith.constant 0 : i32
    %dma_start3A_158 = tpu.memref_slice %arg2[%add3A_154, %dma_start3A_157] : memref<16384x512xf32, #tpu.memory_space<hbm>> -> memref<64x512xf32, #tpu.memory_space<hbm>>
    tpu.enqueue_dma source(%dma_start3A_158 : memref<64x512xf32, #tpu.memory_space<hbm>>) target(%arg8 : memref<64x512xf32, #tpu.memory_space<vmem>>) target_semaphore(%arg11 : memref<!tpu.dma_semaphore, #tpu.memory_space<semaphore_mem>>)
    %add3A_159 = arith.constant 320 : i32
    %add3A_160 = arith.addi %mul3A_2, %add3A_159 : i32
    %dma_wait3A_161 = arith.constant 0 : i32
    %dma_wait3A_162 = tpu.memref_slice %arg2[%add3A_160, %dma_wait3A_161] : memref<16384x512xf32, #tpu.memory_space<hbm>> -> memref<64x512xf32, #tpu.memory_space<hbm>>
    %dma_wait3A_163 = arith.constant 0 : i32
    %dma_wait3A_164 = tpu.memref_slice %arg2[%add3A_160, %dma_wait3A_163] : memref<16384x512xf32, #tpu.memory_space<hbm>> -> memref<64x512xf32, #tpu.memory_space<hbm>>
    tpu.wait_dma2 semaphore(%arg13 : memref<!tpu.dma_semaphore, #tpu.memory_space<semaphore_mem>>) src(%dma_wait3A_164 : memref<64x512xf32, #tpu.memory_space<hbm>>) dst(%arg10 : memref<64x512xf32, #tpu.memory_space<vmem>>)
    %parallel_loop3A_165 = arith.constant 0 : i32
    %parallel_loop3A_166 = arith.constant 64 : i32
    %parallel_loop3A_167 = arith.constant 1 : i32
    scf.for %parallel_loop3A_234 = %parallel_loop3A_165 to %parallel_loop3A_166 step %parallel_loop3A_167  : i32 {
      %parallel_loop3A_235 = vector.broadcast %parallel_loop3A_234 : i32 to vector<16xi32>
      %parallel_loop3A_236 = arith.addi %broadcast_in_dim3A_20, %parallel_loop3A_235 : vector<16xi32>
      %parallel_loop3A_237 = tpu.vector_load_idx %arg10[%parallel_loop3A_236, %get3A_3] : memref<64x512xf32, #tpu.memory_space<vmem>>[vector<16xi32>, vector<16xi32>], vector<16xf32>,
      %parallel_loop3A_238 = tpu.vector_load_idx %arg10[%parallel_loop3A_236, %get3A_5] : memref<64x512xf32, #tpu.memory_space<vmem>>[vector<16xi32>, vector<16xi32>], vector<16xf32>,
      %parallel_loop3A_239 = tpu.vector_load_idx %arg10[%parallel_loop3A_236, %get3A_7] : memref<64x512xf32, #tpu.memory_space<vmem>>[vector<16xi32>, vector<16xi32>], vector<16xf32>,
      %parallel_loop3A_240 = tpu.vector_load_idx %arg10[%parallel_loop3A_236, %get3A_9] : memref<64x512xf32, #tpu.memory_space<vmem>>[vector<16xi32>, vector<16xi32>], vector<16xf32>,
      %parallel_loop3A_241 = tpu.vector_load_idx %arg10[%parallel_loop3A_236, %get3A_11] : memref<64x512xf32, #tpu.memory_space<vmem>>[vector<16xi32>, vector<16xi32>], vector<16xf32>,
      %parallel_loop3A_242 = tpu.vector_load_idx %arg10[%parallel_loop3A_236, %get3A_13] : memref<64x512xf32, #tpu.memory_space<vmem>>[vector<16xi32>, vector<16xi32>], vector<16xf32>,
      %parallel_loop3A_243 = tpu.vector_load_idx %arg10[%parallel_loop3A_236, %get3A_15] : memref<64x512xf32, #tpu.memory_space<vmem>>[vector<16xi32>, vector<16xi32>], vector<16xf32>,
      %parallel_loop3A_244 = tpu.vector_load_idx %arg10[%parallel_loop3A_236, %get3A_17] : memref<64x512xf32, #tpu.memory_space<vmem>>[vector<16xi32>, vector<16xi32>], vector<16xf32>,
      %parallel_loop3A_245 = math.absf %parallel_loop3A_237 : vector<16xf32>
      %parallel_loop3A_246 = arith.constant 0.000000e+00 : f32
      %parallel_loop3A_247 = vector.broadcast %parallel_loop3A_246 : f32 to vector<16xf32>
      %parallel_loop3A_248 = arith.subf %parallel_loop3A_247, %parallel_loop3A_245 : vector<16xf32>
      %parallel_loop3A_249 = math.exp %parallel_loop3A_248 : vector<16xf32>
      %parallel_loop3A_250 = arith.constant 2.000000e+00 : f32
      %parallel_loop3A_251 = vector.broadcast %parallel_loop3A_250 : f32 to vector<16xf32>
      %parallel_loop3A_252 = arith.addf %parallel_loop3A_251, %parallel_loop3A_249 : vector<16xf32>
      %parallel_loop3A_253 = arith.divf %parallel_loop3A_249, %parallel_loop3A_252 : vector<16xf32>
      %parallel_loop3A_254 = arith.mulf %parallel_loop3A_253, %parallel_loop3A_253 : vector<16xf32>
      %parallel_loop3A_255 = arith.constant 4.000000e-01 : f32
      %parallel_loop3A_256 = vector.broadcast %parallel_loop3A_255 : f32 to vector<16xf32>
      %parallel_loop3A_257 = arith.mulf %parallel_loop3A_254, %parallel_loop3A_256 : vector<16xf32>
      %parallel_loop3A_258 = arith.constant 0.666666686 : f32
      %parallel_loop3A_259 = vector.broadcast %parallel_loop3A_258 : f32 to vector<16xf32>
      %parallel_loop3A_260 = arith.addf %parallel_loop3A_259, %parallel_loop3A_257 : vector<16xf32>
      %parallel_loop3A_261 = arith.mulf %parallel_loop3A_254, %parallel_loop3A_260 : vector<16xf32>
      %parallel_loop3A_262 = arith.constant 2.000000e+00 : f32
      %parallel_loop3A_263 = vector.broadcast %parallel_loop3A_262 : f32 to vector<16xf32>
      %parallel_loop3A_264 = arith.addf %parallel_loop3A_263, %parallel_loop3A_261 : vector<16xf32>
      %parallel_loop3A_265 = arith.mulf %parallel_loop3A_253, %parallel_loop3A_264 : vector<16xf32>
      %parallel_loop3A_266 = arith.constant 0.000000e+00 : f32
      %parallel_loop3A_267 = vector.broadcast %parallel_loop3A_266 : f32 to vector<16xf32>
      %parallel_loop3A_268 = arith.minimumf %parallel_loop3A_237, %parallel_loop3A_267 : vector<16xf32>
      %parallel_loop3A_269 = arith.subf %parallel_loop3A_268, %parallel_loop3A_265 : vector<16xf32>
      %parallel_loop3A_270 = arith.addf %get3A_19, %parallel_loop3A_269 : vector<16xf32>
      %parallel_loop3A_271 = math.absf %parallel_loop3A_238 : vector<16xf32>
      %parallel_loop3A_272 = arith.constant 0.000000e+00 : f32
      %parallel_loop3A_273 = vector.broadcast %parallel_loop3A_272 : f32 to vector<16xf32>
      %parallel_loop3A_274 = arith.subf %parallel_loop3A_273, %parallel_loop3A_271 : vector<16xf32>
      %parallel_loop3A_275 = math.exp %parallel_loop3A_274 : vector<16xf32>
      %parallel_loop3A_276 = arith.constant 2.000000e+00 : f32
      %parallel_loop3A_277 = vector.broadcast %parallel_loop3A_276 : f32 to vector<16xf32>
      %parallel_loop3A_278 = arith.addf %parallel_loop3A_277, %parallel_loop3A_275 : vector<16xf32>
      %parallel_loop3A_279 = arith.divf %parallel_loop3A_275, %parallel_loop3A_278 : vector<16xf32>
      %parallel_loop3A_280 = arith.mulf %parallel_loop3A_279, %parallel_loop3A_279 : vector<16xf32>
      %parallel_loop3A_281 = arith.constant 4.000000e-01 : f32
      %parallel_loop3A_282 = vector.broadcast %parallel_loop3A_281 : f32 to vector<16xf32>
      %parallel_loop3A_283 = arith.mulf %parallel_loop3A_280, %parallel_loop3A_282 : vector<16xf32>
      %parallel_loop3A_284 = arith.constant 0.666666686 : f32
      %parallel_loop3A_285 = vector.broadcast %parallel_loop3A_284 : f32 to vector<16xf32>
      %parallel_loop3A_286 = arith.addf %parallel_loop3A_285, %parallel_loop3A_283 : vector<16xf32>
      %parallel_loop3A_287 = arith.mulf %parallel_loop3A_280, %parallel_loop3A_286 : vector<16xf32>
      %parallel_loop3A_288 = arith.constant 2.000000e+00 : f32
      %parallel_loop3A_289 = vector.broadcast %parallel_loop3A_288 : f32 to vector<16xf32>
      %parallel_loop3A_290 = arith.addf %parallel_loop3A_289, %parallel_loop3A_287 : vector<16xf32>
      %parallel_loop3A_291 = arith.mulf %parallel_loop3A_279, %parallel_loop3A_290 : vector<16xf32>
      %parallel_loop3A_292 = arith.constant 0.000000e+00 : f32
      %parallel_loop3A_293 = vector.broadcast %parallel_loop3A_292 : f32 to vector<16xf32>
      %parallel_loop3A_294 = arith.minimumf %parallel_loop3A_238, %parallel_loop3A_293 : vector<16xf32>
      %parallel_loop3A_295 = arith.subf %parallel_loop3A_294, %parallel_loop3A_291 : vector<16xf32>
      %parallel_loop3A_296 = arith.addf %get3A_19, %parallel_loop3A_295 : vector<16xf32>
      %parallel_loop3A_297 = math.absf %parallel_loop3A_239 : vector<16xf32>
      %parallel_loop3A_298 = arith.constant 0.000000e+00 : f32
      %parallel_loop3A_299 = vector.broadcast %parallel_loop3A_298 : f32 to vector<16xf32>
      %parallel_loop3A_300 = arith.subf %parallel_loop3A_299, %parallel_loop3A_297 : vector<16xf32>
      %parallel_loop3A_301 = math.exp %parallel_loop3A_300 : vector<16xf32>
      %parallel_loop3A_302 = arith.constant 2.000000e+00 : f32
      %parallel_loop3A_303 = vector.broadcast %parallel_loop3A_302 : f32 to vector<16xf32>
      %parallel_loop3A_304 = arith.addf %parallel_loop3A_303, %parallel_loop3A_301 : vector<16xf32>
      %parallel_loop3A_305 = arith.divf %parallel_loop3A_301, %parallel_loop3A_304 : vector<16xf32>
      %parallel_loop3A_306 = arith.mulf %parallel_loop3A_305, %parallel_loop3A_305 : vector<16xf32>
      %parallel_loop3A_307 = arith.constant 4.000000e-01 : f32
      %parallel_loop3A_308 = vector.broadcast %parallel_loop3A_307 : f32 to vector<16xf32>
      %parallel_loop3A_309 = arith.mulf %parallel_loop3A_306, %parallel_loop3A_308 : vector<16xf32>
      %parallel_loop3A_310 = arith.constant 0.666666686 : f32
      %parallel_loop3A_311 = vector.broadcast %parallel_loop3A_310 : f32 to vector<16xf32>
      %parallel_loop3A_312 = arith.addf %parallel_loop3A_311, %parallel_loop3A_309 : vector<16xf32>
      %parallel_loop3A_313 = arith.mulf %parallel_loop3A_306, %parallel_loop3A_312 : vector<16xf32>
      %parallel_loop3A_314 = arith.constant 2.000000e+00 : f32
      %parallel_loop3A_315 = vector.broadcast %parallel_loop3A_314 : f32 to vector<16xf32>
      %parallel_loop3A_316 = arith.addf %parallel_loop3A_315, %parallel_loop3A_313 : vector<16xf32>
      %parallel_loop3A_317 = arith.mulf %parallel_loop3A_305, %parallel_loop3A_316 : vector<16xf32>
      %parallel_loop3A_318 = arith.constant 0.000000e+00 : f32
      %parallel_loop3A_319 = vector.broadcast %parallel_loop3A_318 : f32 to vector<16xf32>
      %parallel_loop3A_320 = arith.minimumf %parallel_loop3A_239, %parallel_loop3A_319 : vector<16xf32>
      %parallel_loop3A_321 = arith.subf %parallel_loop3A_320, %parallel_loop3A_317 : vector<16xf32>
      %parallel_loop3A_322 = arith.addf %get3A_19, %parallel_loop3A_321 : vector<16xf32>
      %parallel_loop3A_323 = math.absf %parallel_loop3A_240 : vector<16xf32>
      %parallel_loop3A_324 = arith.constant 0.000000e+00 : f32
      %parallel_loop3A_325 = vector.broadcast %parallel_loop3A_324 : f32 to vector<16xf32>
      %parallel_loop3A_326 = arith.subf %parallel_loop3A_325, %parallel_loop3A_323 : vector<16xf32>
      %parallel_loop3A_327 = math.exp %parallel_loop3A_326 : vector<16xf32>
      %parallel_loop3A_328 = arith.constant 2.000000e+00 : f32
      %parallel_loop3A_329 = vector.broadcast %parallel_loop3A_328 : f32 to vector<16xf32>
      %parallel_loop3A_330 = arith.addf %parallel_loop3A_329, %parallel_loop3A_327 : vector<16xf32>
      %parallel_loop3A_331 = arith.divf %parallel_loop3A_327, %parallel_loop3A_330 : vector<16xf32>
      %parallel_loop3A_332 = arith.mulf %parallel_loop3A_331, %parallel_loop3A_331 : vector<16xf32>
      %parallel_loop3A_333 = arith.constant 4.000000e-01 : f32
      %parallel_loop3A_334 = vector.broadcast %parallel_loop3A_333 : f32 to vector<16xf32>
      %parallel_loop3A_335 = arith.mulf %parallel_loop3A_332, %parallel_loop3A_334 : vector<16xf32>
      %parallel_loop3A_336 = arith.constant 0.666666686 : f32
      %parallel_loop3A_337 = vector.broadcast %parallel_loop3A_336 : f32 to vector<16xf32>
      %parallel_loop3A_338 = arith.addf %parallel_loop3A_337, %parallel_loop3A_335 : vector<16xf32>
      %parallel_loop3A_339 = arith.mulf %parallel_loop3A_332, %parallel_loop3A_338 : vector<16xf32>
      %parallel_loop3A_340 = arith.constant 2.000000e+00 : f32
      %parallel_loop3A_341 = vector.broadcast %parallel_loop3A_340 : f32 to vector<16xf32>
      %parallel_loop3A_342 = arith.addf %parallel_loop3A_341, %parallel_loop3A_339 : vector<16xf32>
      %parallel_loop3A_343 = arith.mulf %parallel_loop3A_331, %parallel_loop3A_342 : vector<16xf32>
      %parallel_loop3A_344 = arith.constant 0.000000e+00 : f32
      %parallel_loop3A_345 = vector.broadcast %parallel_loop3A_344 : f32 to vector<16xf32>
      %parallel_loop3A_346 = arith.minimumf %parallel_loop3A_240, %parallel_loop3A_345 : vector<16xf32>
      %parallel_loop3A_347 = arith.subf %parallel_loop3A_346, %parallel_loop3A_343 : vector<16xf32>
      %parallel_loop3A_348 = arith.addf %get3A_19, %parallel_loop3A_347 : vector<16xf32>
      %parallel_loop3A_349 = math.absf %parallel_loop3A_241 : vector<16xf32>
      %parallel_loop3A_350 = arith.constant 0.000000e+00 : f32
      %parallel_loop3A_351 = vector.broadcast %parallel_loop3A_350 : f32 to vector<16xf32>
      %parallel_loop3A_352 = arith.subf %parallel_loop3A_351, %parallel_loop3A_349 : vector<16xf32>
      %parallel_loop3A_353 = math.exp %parallel_loop3A_352 : vector<16xf32>
      %parallel_loop3A_354 = arith.constant 2.000000e+00 : f32
      %parallel_loop3A_355 = vector.broadcast %parallel_loop3A_354 : f32 to vector<16xf32>
      %parallel_loop3A_356 = arith.addf %parallel_loop3A_355, %parallel_loop3A_353 : vector<16xf32>
      %parallel_loop3A_357 = arith.divf %parallel_loop3A_353, %parallel_loop3A_356 : vector<16xf32>
      %parallel_loop3A_358 = arith.mulf %parallel_loop3A_357, %parallel_loop3A_357 : vector<16xf32>
      %parallel_loop3A_359 = arith.constant 4.000000e-01 : f32
      %parallel_loop3A_360 = vector.broadcast %parallel_loop3A_359 : f32 to vector<16xf32>
      %parallel_loop3A_361 = arith.mulf %parallel_loop3A_358, %parallel_loop3A_360 : vector<16xf32>
      %parallel_loop3A_362 = arith.constant 0.666666686 : f32
      %parallel_loop3A_363 = vector.broadcast %parallel_loop3A_362 : f32 to vector<16xf32>
      %parallel_loop3A_364 = arith.addf %parallel_loop3A_363, %parallel_loop3A_361 : vector<16xf32>
      %parallel_loop3A_365 = arith.mulf %parallel_loop3A_358, %parallel_loop3A_364 : vector<16xf32>
      %parallel_loop3A_366 = arith.constant 2.000000e+00 : f32
      %parallel_loop3A_367 = vector.broadcast %parallel_loop3A_366 : f32 to vector<16xf32>
      %parallel_loop3A_368 = arith.addf %parallel_loop3A_367, %parallel_loop3A_365 : vector<16xf32>
      %parallel_loop3A_369 = arith.mulf %parallel_loop3A_357, %parallel_loop3A_368 : vector<16xf32>
      %parallel_loop3A_370 = arith.constant 0.000000e+00 : f32
      %parallel_loop3A_371 = vector.broadcast %parallel_loop3A_370 : f32 to vector<16xf32>
      %parallel_loop3A_372 = arith.minimumf %parallel_loop3A_241, %parallel_loop3A_371 : vector<16xf32>
      %parallel_loop3A_373 = arith.subf %parallel_loop3A_372, %parallel_loop3A_369 : vector<16xf32>
      %parallel_loop3A_374 = arith.addf %get3A_19, %parallel_loop3A_373 : vector<16xf32>
      %parallel_loop3A_375 = math.absf %parallel_loop3A_242 : vector<16xf32>
      %parallel_loop3A_376 = arith.constant 0.000000e+00 : f32
      %parallel_loop3A_377 = vector.broadcast %parallel_loop3A_376 : f32 to vector<16xf32>
      %parallel_loop3A_378 = arith.subf %parallel_loop3A_377, %parallel_loop3A_375 : vector<16xf32>
      %parallel_loop3A_379 = math.exp %parallel_loop3A_378 : vector<16xf32>
      %parallel_loop3A_380 = arith.constant 2.000000e+00 : f32
      %parallel_loop3A_381 = vector.broadcast %parallel_loop3A_380 : f32 to vector<16xf32>
      %parallel_loop3A_382 = arith.addf %parallel_loop3A_381, %parallel_loop3A_379 : vector<16xf32>
      %parallel_loop3A_383 = arith.divf %parallel_loop3A_379, %parallel_loop3A_382 : vector<16xf32>
      %parallel_loop3A_384 = arith.mulf %parallel_loop3A_383, %parallel_loop3A_383 : vector<16xf32>
      %parallel_loop3A_385 = arith.constant 4.000000e-01 : f32
      %parallel_loop3A_386 = vector.broadcast %parallel_loop3A_385 : f32 to vector<16xf32>
      %parallel_loop3A_387 = arith.mulf %parallel_loop3A_384, %parallel_loop3A_386 : vector<16xf32>
      %parallel_loop3A_388 = arith.constant 0.666666686 : f32
      %parallel_loop3A_389 = vector.broadcast %parallel_loop3A_388 : f32 to vector<16xf32>
      %parallel_loop3A_390 = arith.addf %parallel_loop3A_389, %parallel_loop3A_387 : vector<16xf32>
      %parallel_loop3A_391 = arith.mulf %parallel_loop3A_384, %parallel_loop3A_390 : vector<16xf32>
      %parallel_loop3A_392 = arith.constant 2.000000e+00 : f32
      %parallel_loop3A_393 = vector.broadcast %parallel_loop3A_392 : f32 to vector<16xf32>
      %parallel_loop3A_394 = arith.addf %parallel_loop3A_393, %parallel_loop3A_391 : vector<16xf32>
      %parallel_loop3A_395 = arith.mulf %parallel_loop3A_383, %parallel_loop3A_394 : vector<16xf32>
      %parallel_loop3A_396 = arith.constant 0.000000e+00 : f32
      %parallel_loop3A_397 = vector.broadcast %parallel_loop3A_396 : f32 to vector<16xf32>
      %parallel_loop3A_398 = arith.minimumf %parallel_loop3A_242, %parallel_loop3A_397 : vector<16xf32>
      %parallel_loop3A_399 = arith.subf %parallel_loop3A_398, %parallel_loop3A_395 : vector<16xf32>
      %parallel_loop3A_400 = arith.addf %get3A_19, %parallel_loop3A_399 : vector<16xf32>
      %parallel_loop3A_401 = math.absf %parallel_loop3A_243 : vector<16xf32>
      %parallel_loop3A_402 = arith.constant 0.000000e+00 : f32
      %parallel_loop3A_403 = vector.broadcast %parallel_loop3A_402 : f32 to vector<16xf32>
      %parallel_loop3A_404 = arith.subf %parallel_loop3A_403, %parallel_loop3A_401 : vector<16xf32>
      %parallel_loop3A_405 = math.exp %parallel_loop3A_404 : vector<16xf32>
      %parallel_loop3A_406 = arith.constant 2.000000e+00 : f32
      %parallel_loop3A_407 = vector.broadcast %parallel_loop3A_406 : f32 to vector<16xf32>
      %parallel_loop3A_408 = arith.addf %parallel_loop3A_407, %parallel_loop3A_405 : vector<16xf32>
      %parallel_loop3A_409 = arith.divf %parallel_loop3A_405, %parallel_loop3A_408 : vector<16xf32>
      %parallel_loop3A_410 = arith.mulf %parallel_loop3A_409, %parallel_loop3A_409 : vector<16xf32>
      %parallel_loop3A_411 = arith.constant 4.000000e-01 : f32
      %parallel_loop3A_412 = vector.broadcast %parallel_loop3A_411 : f32 to vector<16xf32>
      %parallel_loop3A_413 = arith.mulf %parallel_loop3A_410, %parallel_loop3A_412 : vector<16xf32>
      %parallel_loop3A_414 = arith.constant 0.666666686 : f32
      %parallel_loop3A_415 = vector.broadcast %parallel_loop3A_414 : f32 to vector<16xf32>
      %parallel_loop3A_416 = arith.addf %parallel_loop3A_415, %parallel_loop3A_413 : vector<16xf32>
      %parallel_loop3A_417 = arith.mulf %parallel_loop3A_410, %parallel_loop3A_416 : vector<16xf32>
      %parallel_loop3A_418 = arith.constant 2.000000e+00 : f32
      %parallel_loop3A_419 = vector.broadcast %parallel_loop3A_418 : f32 to vector<16xf32>
      %parallel_loop3A_420 = arith.addf %parallel_loop3A_419, %parallel_loop3A_417 : vector<16xf32>
      %parallel_loop3A_421 = arith.mulf %parallel_loop3A_409, %parallel_loop3A_420 : vector<16xf32>
      %parallel_loop3A_422 = arith.constant 0.000000e+00 : f32
      %parallel_loop3A_423 = vector.broadcast %parallel_loop3A_422 : f32 to vector<16xf32>
      %parallel_loop3A_424 = arith.minimumf %parallel_loop3A_243, %parallel_loop3A_423 : vector<16xf32>
      %parallel_loop3A_425 = arith.subf %parallel_loop3A_424, %parallel_loop3A_421 : vector<16xf32>
      %parallel_loop3A_426 = arith.addf %get3A_19, %parallel_loop3A_425 : vector<16xf32>
      %parallel_loop3A_427 = math.absf %parallel_loop3A_244 : vector<16xf32>
      %parallel_loop3A_428 = arith.constant 0.000000e+00 : f32
      %parallel_loop3A_429 = vector.broadcast %parallel_loop3A_428 : f32 to vector<16xf32>
      %parallel_loop3A_430 = arith.subf %parallel_loop3A_429, %parallel_loop3A_427 : vector<16xf32>
      %parallel_loop3A_431 = math.exp %parallel_loop3A_430 : vector<16xf32>
      %parallel_loop3A_432 = arith.constant 2.000000e+00 : f32
      %parallel_loop3A_433 = vector.broadcast %parallel_loop3A_432 : f32 to vector<16xf32>
      %parallel_loop3A_434 = arith.addf %parallel_loop3A_433, %parallel_loop3A_431 : vector<16xf32>
      %parallel_loop3A_435 = arith.divf %parallel_loop3A_431, %parallel_loop3A_434 : vector<16xf32>
      %parallel_loop3A_436 = arith.mulf %parallel_loop3A_435, %parallel_loop3A_435 : vector<16xf32>
      %parallel_loop3A_437 = arith.constant 4.000000e-01 : f32
      %parallel_loop3A_438 = vector.broadcast %parallel_loop3A_437 : f32 to vector<16xf32>
      %parallel_loop3A_439 = arith.mulf %parallel_loop3A_436, %parallel_loop3A_438 : vector<16xf32>
      %parallel_loop3A_440 = arith.constant 0.666666686 : f32
      %parallel_loop3A_441 = vector.broadcast %parallel_loop3A_440 : f32 to vector<16xf32>
      %parallel_loop3A_442 = arith.addf %parallel_loop3A_441, %parallel_loop3A_439 : vector<16xf32>
      %parallel_loop3A_443 = arith.mulf %parallel_loop3A_436, %parallel_loop3A_442 : vector<16xf32>
      %parallel_loop3A_444 = arith.constant 2.000000e+00 : f32
      %parallel_loop3A_445 = vector.broadcast %parallel_loop3A_444 : f32 to vector<16xf32>
      %parallel_loop3A_446 = arith.addf %parallel_loop3A_445, %parallel_loop3A_443 : vector<16xf32>
      %parallel_loop3A_447 = arith.mulf %parallel_loop3A_435, %parallel_loop3A_446 : vector<16xf32>
      %parallel_loop3A_448 = arith.constant 0.000000e+00 : f32
      %parallel_loop3A_449 = vector.broadcast %parallel_loop3A_448 : f32 to vector<16xf32>
      %parallel_loop3A_450 = arith.minimumf %parallel_loop3A_244, %parallel_loop3A_449 : vector<16xf32>
      %parallel_loop3A_451 = arith.subf %parallel_loop3A_450, %parallel_loop3A_447 : vector<16xf32>
      %parallel_loop3A_452 = arith.addf %get3A_19, %parallel_loop3A_451 : vector<16xf32>
      tpu.vector_store_idx %arg10[%parallel_loop3A_236, %get3A_3], %parallel_loop3A_270 : memref<64x512xf32, #tpu.memory_space<vmem>>[vector<16xi32>, vector<16xi32>], vector<16xf32>,
      tpu.vector_store_idx %arg10[%parallel_loop3A_236, %get3A_5], %parallel_loop3A_296 : memref<64x512xf32, #tpu.memory_space<vmem>>[vector<16xi32>, vector<16xi32>], vector<16xf32>,
      tpu.vector_store_idx %arg10[%parallel_loop3A_236, %get3A_7], %parallel_loop3A_322 : memref<64x512xf32, #tpu.memory_space<vmem>>[vector<16xi32>, vector<16xi32>], vector<16xf32>,
      tpu.vector_store_idx %arg10[%parallel_loop3A_236, %get3A_9], %parallel_loop3A_348 : memref<64x512xf32, #tpu.memory_space<vmem>>[vector<16xi32>, vector<16xi32>], vector<16xf32>,
      tpu.vector_store_idx %arg10[%parallel_loop3A_236, %get3A_11], %parallel_loop3A_374 : memref<64x512xf32, #tpu.memory_space<vmem>>[vector<16xi32>, vector<16xi32>], vector<16xf32>,
      tpu.vector_store_idx %arg10[%parallel_loop3A_236, %get3A_13], %parallel_loop3A_400 : memref<64x512xf32, #tpu.memory_space<vmem>>[vector<16xi32>, vector<16xi32>], vector<16xf32>,
      tpu.vector_store_idx %arg10[%parallel_loop3A_236, %get3A_15], %parallel_loop3A_426 : memref<64x512xf32, #tpu.memory_space<vmem>>[vector<16xi32>, vector<16xi32>], vector<16xf32>,
      tpu.vector_store_idx %arg10[%parallel_loop3A_236, %get3A_17], %parallel_loop3A_452 : memref<64x512xf32, #tpu.memory_space<vmem>>[vector<16xi32>, vector<16xi32>], vector<16xf32>,
    } {sc.loop_unroll_factor = 1 : i64, sc.parallel_access}
    %add3A_168 = arith.constant 320 : i32
    %add3A_169 = arith.addi %mul3A_2, %add3A_168 : i32
    %dma_start3A_170 = arith.constant 0 : i32
    %dma_start3A_171 = tpu.memref_slice %arg5[%add3A_169, %dma_start3A_170] : memref<16384x512xf32, #tpu.memory_space<hbm>> -> memref<64x512xf32, #tpu.memory_space<hbm>>
    %dma_start3A_172 = arith.constant 0 : i32
    %dma_start3A_173 = tpu.memref_slice %arg5[%add3A_169, %dma_start3A_172] : memref<16384x512xf32, #tpu.memory_space<hbm>> -> memref<64x512xf32, #tpu.memory_space<hbm>>
    tpu.enqueue_dma source(%arg10 : memref<64x512xf32, #tpu.memory_space<vmem>>) target(%dma_start3A_173 : memref<64x512xf32, #tpu.memory_space<hbm>>) target_semaphore(%arg16 : memref<!tpu.dma_semaphore, #tpu.memory_space<semaphore_mem>>)
    %add3A_174 = arith.constant 256 : i32
    %add3A_175 = arith.addi %mul3A_2, %add3A_174 : i32
    %dma_wait3A_176 = arith.constant 0 : i32
    %dma_wait3A_177 = tpu.memref_slice %arg5[%add3A_175, %dma_wait3A_176] : memref<16384x512xf32, #tpu.memory_space<hbm>> -> memref<64x512xf32, #tpu.memory_space<hbm>>
    %dma_wait3A_178 = arith.constant 0 : i32
    %dma_wait3A_179 = tpu.memref_slice %arg5[%add3A_175, %dma_wait3A_178] : memref<16384x512xf32, #tpu.memory_space<hbm>> -> memref<64x512xf32, #tpu.memory_space<hbm>>
    tpu.wait_dma2 semaphore(%arg15 : memref<!tpu.dma_semaphore, #tpu.memory_space<semaphore_mem>>) src(%arg9 : memref<64x512xf32, #tpu.memory_space<vmem>>) dst(%dma_wait3A_179 : memref<64x512xf32, #tpu.memory_space<hbm>>)
    %add3A_180 = arith.constant 448 : i32
    %add3A_181 = arith.addi %mul3A_2, %add3A_180 : i32
    %dma_start3A_182 = arith.constant 0 : i32
    %dma_start3A_183 = tpu.memref_slice %arg2[%add3A_181, %dma_start3A_182] : memref<16384x512xf32, #tpu.memory_space<hbm>> -> memref<64x512xf32, #tpu.memory_space<hbm>>
    %dma_start3A_184 = arith.constant 0 : i32
    %dma_start3A_185 = tpu.memref_slice %arg2[%add3A_181, %dma_start3A_184] : memref<16384x512xf32, #tpu.memory_space<hbm>> -> memref<64x512xf32, #tpu.memory_space<hbm>>
    tpu.enqueue_dma source(%dma_start3A_185 : memref<64x512xf32, #tpu.memory_space<hbm>>) target(%arg9 : memref<64x512xf32, #tpu.memory_space<vmem>>) target_semaphore(%arg12 : memref<!tpu.dma_semaphore, #tpu.memory_space<semaphore_mem>>)
    %add3A_186 = arith.constant 384 : i32
    %add3A_187 = arith.addi %mul3A_2, %add3A_186 : i32
    %dma_wait3A_188 = arith.constant 0 : i32
    %dma_wait3A_189 = tpu.memref_slice %arg2[%add3A_187, %dma_wait3A_188] : memref<16384x512xf32, #tpu.memory_space<hbm>> -> memref<64x512xf32, #tpu.memory_space<hbm>>
    %dma_wait3A_190 = arith.constant 0 : i32
    %dma_wait3A_191 = tpu.memref_slice %arg2[%add3A_187, %dma_wait3A_190] : memref<16384x512xf32, #tpu.memory_space<hbm>> -> memref<64x512xf32, #tpu.memory_space<hbm>>
    tpu.wait_dma2 semaphore(%arg11 : memref<!tpu.dma_semaphore, #tpu.memory_space<semaphore_mem>>) src(%dma_wait3A_191 : memref<64x512xf32, #tpu.memory_space<hbm>>) dst(%arg8 : memref<64x512xf32, #tpu.memory_space<vmem>>)
    %parallel_loop3A_192 = arith.constant 0 : i32
    %parallel_loop3A_193 = arith.constant 64 : i32
    %parallel_loop3A_194 = arith.constant 1 : i32
    scf.for %parallel_loop3A_234 = %parallel_loop3A_192 to %parallel_loop3A_193 step %parallel_loop3A_194  : i32 {
      %parallel_loop3A_235 = vector.broadcast %parallel_loop3A_234 : i32 to vector<16xi32>
      %parallel_loop3A_236 = arith.addi %broadcast_in_dim3A_20, %parallel_loop3A_235 : vector<16xi32>
      %parallel_loop3A_237 = tpu.vector_load_idx %arg8[%parallel_loop3A_236, %get3A_3] : memref<64x512xf32, #tpu.memory_space<vmem>>[vector<16xi32>, vector<16xi32>], vector<16xf32>,
      %parallel_loop3A_238 = tpu.vector_load_idx %arg8[%parallel_loop3A_236, %get3A_5] : memref<64x512xf32, #tpu.memory_space<vmem>>[vector<16xi32>, vector<16xi32>], vector<16xf32>,
      %parallel_loop3A_239 = tpu.vector_load_idx %arg8[%parallel_loop3A_236, %get3A_7] : memref<64x512xf32, #tpu.memory_space<vmem>>[vector<16xi32>, vector<16xi32>], vector<16xf32>,
      %parallel_loop3A_240 = tpu.vector_load_idx %arg8[%parallel_loop3A_236, %get3A_9] : memref<64x512xf32, #tpu.memory_space<vmem>>[vector<16xi32>, vector<16xi32>], vector<16xf32>,
      %parallel_loop3A_241 = tpu.vector_load_idx %arg8[%parallel_loop3A_236, %get3A_11] : memref<64x512xf32, #tpu.memory_space<vmem>>[vector<16xi32>, vector<16xi32>], vector<16xf32>,
      %parallel_loop3A_242 = tpu.vector_load_idx %arg8[%parallel_loop3A_236, %get3A_13] : memref<64x512xf32, #tpu.memory_space<vmem>>[vector<16xi32>, vector<16xi32>], vector<16xf32>,
      %parallel_loop3A_243 = tpu.vector_load_idx %arg8[%parallel_loop3A_236, %get3A_15] : memref<64x512xf32, #tpu.memory_space<vmem>>[vector<16xi32>, vector<16xi32>], vector<16xf32>,
      %parallel_loop3A_244 = tpu.vector_load_idx %arg8[%parallel_loop3A_236, %get3A_17] : memref<64x512xf32, #tpu.memory_space<vmem>>[vector<16xi32>, vector<16xi32>], vector<16xf32>,
      %parallel_loop3A_245 = math.absf %parallel_loop3A_237 : vector<16xf32>
      %parallel_loop3A_246 = arith.constant 0.000000e+00 : f32
      %parallel_loop3A_247 = vector.broadcast %parallel_loop3A_246 : f32 to vector<16xf32>
      %parallel_loop3A_248 = arith.subf %parallel_loop3A_247, %parallel_loop3A_245 : vector<16xf32>
      %parallel_loop3A_249 = math.exp %parallel_loop3A_248 : vector<16xf32>
      %parallel_loop3A_250 = arith.constant 2.000000e+00 : f32
      %parallel_loop3A_251 = vector.broadcast %parallel_loop3A_250 : f32 to vector<16xf32>
      %parallel_loop3A_252 = arith.addf %parallel_loop3A_251, %parallel_loop3A_249 : vector<16xf32>
      %parallel_loop3A_253 = arith.divf %parallel_loop3A_249, %parallel_loop3A_252 : vector<16xf32>
      %parallel_loop3A_254 = arith.mulf %parallel_loop3A_253, %parallel_loop3A_253 : vector<16xf32>
      %parallel_loop3A_255 = arith.constant 4.000000e-01 : f32
      %parallel_loop3A_256 = vector.broadcast %parallel_loop3A_255 : f32 to vector<16xf32>
      %parallel_loop3A_257 = arith.mulf %parallel_loop3A_254, %parallel_loop3A_256 : vector<16xf32>
      %parallel_loop3A_258 = arith.constant 0.666666686 : f32
      %parallel_loop3A_259 = vector.broadcast %parallel_loop3A_258 : f32 to vector<16xf32>
      %parallel_loop3A_260 = arith.addf %parallel_loop3A_259, %parallel_loop3A_257 : vector<16xf32>
      %parallel_loop3A_261 = arith.mulf %parallel_loop3A_254, %parallel_loop3A_260 : vector<16xf32>
      %parallel_loop3A_262 = arith.constant 2.000000e+00 : f32
      %parallel_loop3A_263 = vector.broadcast %parallel_loop3A_262 : f32 to vector<16xf32>
      %parallel_loop3A_264 = arith.addf %parallel_loop3A_263, %parallel_loop3A_261 : vector<16xf32>
      %parallel_loop3A_265 = arith.mulf %parallel_loop3A_253, %parallel_loop3A_264 : vector<16xf32>
      %parallel_loop3A_266 = arith.constant 0.000000e+00 : f32
      %parallel_loop3A_267 = vector.broadcast %parallel_loop3A_266 : f32 to vector<16xf32>
      %parallel_loop3A_268 = arith.minimumf %parallel_loop3A_237, %parallel_loop3A_267 : vector<16xf32>
      %parallel_loop3A_269 = arith.subf %parallel_loop3A_268, %parallel_loop3A_265 : vector<16xf32>
      %parallel_loop3A_270 = arith.addf %get3A_19, %parallel_loop3A_269 : vector<16xf32>
      %parallel_loop3A_271 = math.absf %parallel_loop3A_238 : vector<16xf32>
      %parallel_loop3A_272 = arith.constant 0.000000e+00 : f32
      %parallel_loop3A_273 = vector.broadcast %parallel_loop3A_272 : f32 to vector<16xf32>
      %parallel_loop3A_274 = arith.subf %parallel_loop3A_273, %parallel_loop3A_271 : vector<16xf32>
      %parallel_loop3A_275 = math.exp %parallel_loop3A_274 : vector<16xf32>
      %parallel_loop3A_276 = arith.constant 2.000000e+00 : f32
      %parallel_loop3A_277 = vector.broadcast %parallel_loop3A_276 : f32 to vector<16xf32>
      %parallel_loop3A_278 = arith.addf %parallel_loop3A_277, %parallel_loop3A_275 : vector<16xf32>
      %parallel_loop3A_279 = arith.divf %parallel_loop3A_275, %parallel_loop3A_278 : vector<16xf32>
      %parallel_loop3A_280 = arith.mulf %parallel_loop3A_279, %parallel_loop3A_279 : vector<16xf32>
      %parallel_loop3A_281 = arith.constant 4.000000e-01 : f32
      %parallel_loop3A_282 = vector.broadcast %parallel_loop3A_281 : f32 to vector<16xf32>
      %parallel_loop3A_283 = arith.mulf %parallel_loop3A_280, %parallel_loop3A_282 : vector<16xf32>
      %parallel_loop3A_284 = arith.constant 0.666666686 : f32
      %parallel_loop3A_285 = vector.broadcast %parallel_loop3A_284 : f32 to vector<16xf32>
      %parallel_loop3A_286 = arith.addf %parallel_loop3A_285, %parallel_loop3A_283 : vector<16xf32>
      %parallel_loop3A_287 = arith.mulf %parallel_loop3A_280, %parallel_loop3A_286 : vector<16xf32>
      %parallel_loop3A_288 = arith.constant 2.000000e+00 : f32
      %parallel_loop3A_289 = vector.broadcast %parallel_loop3A_288 : f32 to vector<16xf32>
      %parallel_loop3A_290 = arith.addf %parallel_loop3A_289, %parallel_loop3A_287 : vector<16xf32>
      %parallel_loop3A_291 = arith.mulf %parallel_loop3A_279, %parallel_loop3A_290 : vector<16xf32>
      %parallel_loop3A_292 = arith.constant 0.000000e+00 : f32
      %parallel_loop3A_293 = vector.broadcast %parallel_loop3A_292 : f32 to vector<16xf32>
      %parallel_loop3A_294 = arith.minimumf %parallel_loop3A_238, %parallel_loop3A_293 : vector<16xf32>
      %parallel_loop3A_295 = arith.subf %parallel_loop3A_294, %parallel_loop3A_291 : vector<16xf32>
      %parallel_loop3A_296 = arith.addf %get3A_19, %parallel_loop3A_295 : vector<16xf32>
      %parallel_loop3A_297 = math.absf %parallel_loop3A_239 : vector<16xf32>
      %parallel_loop3A_298 = arith.constant 0.000000e+00 : f32
      %parallel_loop3A_299 = vector.broadcast %parallel_loop3A_298 : f32 to vector<16xf32>
      %parallel_loop3A_300 = arith.subf %parallel_loop3A_299, %parallel_loop3A_297 : vector<16xf32>
      %parallel_loop3A_301 = math.exp %parallel_loop3A_300 : vector<16xf32>
      %parallel_loop3A_302 = arith.constant 2.000000e+00 : f32
      %parallel_loop3A_303 = vector.broadcast %parallel_loop3A_302 : f32 to vector<16xf32>
      %parallel_loop3A_304 = arith.addf %parallel_loop3A_303, %parallel_loop3A_301 : vector<16xf32>
      %parallel_loop3A_305 = arith.divf %parallel_loop3A_301, %parallel_loop3A_304 : vector<16xf32>
      %parallel_loop3A_306 = arith.mulf %parallel_loop3A_305, %parallel_loop3A_305 : vector<16xf32>
      %parallel_loop3A_307 = arith.constant 4.000000e-01 : f32
      %parallel_loop3A_308 = vector.broadcast %parallel_loop3A_307 : f32 to vector<16xf32>
      %parallel_loop3A_309 = arith.mulf %parallel_loop3A_306, %parallel_loop3A_308 : vector<16xf32>
      %parallel_loop3A_310 = arith.constant 0.666666686 : f32
      %parallel_loop3A_311 = vector.broadcast %parallel_loop3A_310 : f32 to vector<16xf32>
      %parallel_loop3A_312 = arith.addf %parallel_loop3A_311, %parallel_loop3A_309 : vector<16xf32>
      %parallel_loop3A_313 = arith.mulf %parallel_loop3A_306, %parallel_loop3A_312 : vector<16xf32>
      %parallel_loop3A_314 = arith.constant 2.000000e+00 : f32
      %parallel_loop3A_315 = vector.broadcast %parallel_loop3A_314 : f32 to vector<16xf32>
      %parallel_loop3A_316 = arith.addf %parallel_loop3A_315, %parallel_loop3A_313 : vector<16xf32>
      %parallel_loop3A_317 = arith.mulf %parallel_loop3A_305, %parallel_loop3A_316 : vector<16xf32>
      %parallel_loop3A_318 = arith.constant 0.000000e+00 : f32
      %parallel_loop3A_319 = vector.broadcast %parallel_loop3A_318 : f32 to vector<16xf32>
      %parallel_loop3A_320 = arith.minimumf %parallel_loop3A_239, %parallel_loop3A_319 : vector<16xf32>
      %parallel_loop3A_321 = arith.subf %parallel_loop3A_320, %parallel_loop3A_317 : vector<16xf32>
      %parallel_loop3A_322 = arith.addf %get3A_19, %parallel_loop3A_321 : vector<16xf32>
      %parallel_loop3A_323 = math.absf %parallel_loop3A_240 : vector<16xf32>
      %parallel_loop3A_324 = arith.constant 0.000000e+00 : f32
      %parallel_loop3A_325 = vector.broadcast %parallel_loop3A_324 : f32 to vector<16xf32>
      %parallel_loop3A_326 = arith.subf %parallel_loop3A_325, %parallel_loop3A_323 : vector<16xf32>
      %parallel_loop3A_327 = math.exp %parallel_loop3A_326 : vector<16xf32>
      %parallel_loop3A_328 = arith.constant 2.000000e+00 : f32
      %parallel_loop3A_329 = vector.broadcast %parallel_loop3A_328 : f32 to vector<16xf32>
      %parallel_loop3A_330 = arith.addf %parallel_loop3A_329, %parallel_loop3A_327 : vector<16xf32>
      %parallel_loop3A_331 = arith.divf %parallel_loop3A_327, %parallel_loop3A_330 : vector<16xf32>
      %parallel_loop3A_332 = arith.mulf %parallel_loop3A_331, %parallel_loop3A_331 : vector<16xf32>
      %parallel_loop3A_333 = arith.constant 4.000000e-01 : f32
      %parallel_loop3A_334 = vector.broadcast %parallel_loop3A_333 : f32 to vector<16xf32>
      %parallel_loop3A_335 = arith.mulf %parallel_loop3A_332, %parallel_loop3A_334 : vector<16xf32>
      %parallel_loop3A_336 = arith.constant 0.666666686 : f32
      %parallel_loop3A_337 = vector.broadcast %parallel_loop3A_336 : f32 to vector<16xf32>
      %parallel_loop3A_338 = arith.addf %parallel_loop3A_337, %parallel_loop3A_335 : vector<16xf32>
      %parallel_loop3A_339 = arith.mulf %parallel_loop3A_332, %parallel_loop3A_338 : vector<16xf32>
      %parallel_loop3A_340 = arith.constant 2.000000e+00 : f32
      %parallel_loop3A_341 = vector.broadcast %parallel_loop3A_340 : f32 to vector<16xf32>
      %parallel_loop3A_342 = arith.addf %parallel_loop3A_341, %parallel_loop3A_339 : vector<16xf32>
      %parallel_loop3A_343 = arith.mulf %parallel_loop3A_331, %parallel_loop3A_342 : vector<16xf32>
      %parallel_loop3A_344 = arith.constant 0.000000e+00 : f32
      %parallel_loop3A_345 = vector.broadcast %parallel_loop3A_344 : f32 to vector<16xf32>
      %parallel_loop3A_346 = arith.minimumf %parallel_loop3A_240, %parallel_loop3A_345 : vector<16xf32>
      %parallel_loop3A_347 = arith.subf %parallel_loop3A_346, %parallel_loop3A_343 : vector<16xf32>
      %parallel_loop3A_348 = arith.addf %get3A_19, %parallel_loop3A_347 : vector<16xf32>
      %parallel_loop3A_349 = math.absf %parallel_loop3A_241 : vector<16xf32>
      %parallel_loop3A_350 = arith.constant 0.000000e+00 : f32
      %parallel_loop3A_351 = vector.broadcast %parallel_loop3A_350 : f32 to vector<16xf32>
      %parallel_loop3A_352 = arith.subf %parallel_loop3A_351, %parallel_loop3A_349 : vector<16xf32>
      %parallel_loop3A_353 = math.exp %parallel_loop3A_352 : vector<16xf32>
      %parallel_loop3A_354 = arith.constant 2.000000e+00 : f32
      %parallel_loop3A_355 = vector.broadcast %parallel_loop3A_354 : f32 to vector<16xf32>
      %parallel_loop3A_356 = arith.addf %parallel_loop3A_355, %parallel_loop3A_353 : vector<16xf32>
      %parallel_loop3A_357 = arith.divf %parallel_loop3A_353, %parallel_loop3A_356 : vector<16xf32>
      %parallel_loop3A_358 = arith.mulf %parallel_loop3A_357, %parallel_loop3A_357 : vector<16xf32>
      %parallel_loop3A_359 = arith.constant 4.000000e-01 : f32
      %parallel_loop3A_360 = vector.broadcast %parallel_loop3A_359 : f32 to vector<16xf32>
      %parallel_loop3A_361 = arith.mulf %parallel_loop3A_358, %parallel_loop3A_360 : vector<16xf32>
      %parallel_loop3A_362 = arith.constant 0.666666686 : f32
      %parallel_loop3A_363 = vector.broadcast %parallel_loop3A_362 : f32 to vector<16xf32>
      %parallel_loop3A_364 = arith.addf %parallel_loop3A_363, %parallel_loop3A_361 : vector<16xf32>
      %parallel_loop3A_365 = arith.mulf %parallel_loop3A_358, %parallel_loop3A_364 : vector<16xf32>
      %parallel_loop3A_366 = arith.constant 2.000000e+00 : f32
      %parallel_loop3A_367 = vector.broadcast %parallel_loop3A_366 : f32 to vector<16xf32>
      %parallel_loop3A_368 = arith.addf %parallel_loop3A_367, %parallel_loop3A_365 : vector<16xf32>
      %parallel_loop3A_369 = arith.mulf %parallel_loop3A_357, %parallel_loop3A_368 : vector<16xf32>
      %parallel_loop3A_370 = arith.constant 0.000000e+00 : f32
      %parallel_loop3A_371 = vector.broadcast %parallel_loop3A_370 : f32 to vector<16xf32>
      %parallel_loop3A_372 = arith.minimumf %parallel_loop3A_241, %parallel_loop3A_371 : vector<16xf32>
      %parallel_loop3A_373 = arith.subf %parallel_loop3A_372, %parallel_loop3A_369 : vector<16xf32>
      %parallel_loop3A_374 = arith.addf %get3A_19, %parallel_loop3A_373 : vector<16xf32>
      %parallel_loop3A_375 = math.absf %parallel_loop3A_242 : vector<16xf32>
      %parallel_loop3A_376 = arith.constant 0.000000e+00 : f32
      %parallel_loop3A_377 = vector.broadcast %parallel_loop3A_376 : f32 to vector<16xf32>
      %parallel_loop3A_378 = arith.subf %parallel_loop3A_377, %parallel_loop3A_375 : vector<16xf32>
      %parallel_loop3A_379 = math.exp %parallel_loop3A_378 : vector<16xf32>
      %parallel_loop3A_380 = arith.constant 2.000000e+00 : f32
      %parallel_loop3A_381 = vector.broadcast %parallel_loop3A_380 : f32 to vector<16xf32>
      %parallel_loop3A_382 = arith.addf %parallel_loop3A_381, %parallel_loop3A_379 : vector<16xf32>
      %parallel_loop3A_383 = arith.divf %parallel_loop3A_379, %parallel_loop3A_382 : vector<16xf32>
      %parallel_loop3A_384 = arith.mulf %parallel_loop3A_383, %parallel_loop3A_383 : vector<16xf32>
      %parallel_loop3A_385 = arith.constant 4.000000e-01 : f32
      %parallel_loop3A_386 = vector.broadcast %parallel_loop3A_385 : f32 to vector<16xf32>
      %parallel_loop3A_387 = arith.mulf %parallel_loop3A_384, %parallel_loop3A_386 : vector<16xf32>
      %parallel_loop3A_388 = arith.constant 0.666666686 : f32
      %parallel_loop3A_389 = vector.broadcast %parallel_loop3A_388 : f32 to vector<16xf32>
      %parallel_loop3A_390 = arith.addf %parallel_loop3A_389, %parallel_loop3A_387 : vector<16xf32>
      %parallel_loop3A_391 = arith.mulf %parallel_loop3A_384, %parallel_loop3A_390 : vector<16xf32>
      %parallel_loop3A_392 = arith.constant 2.000000e+00 : f32
      %parallel_loop3A_393 = vector.broadcast %parallel_loop3A_392 : f32 to vector<16xf32>
      %parallel_loop3A_394 = arith.addf %parallel_loop3A_393, %parallel_loop3A_391 : vector<16xf32>
      %parallel_loop3A_395 = arith.mulf %parallel_loop3A_383, %parallel_loop3A_394 : vector<16xf32>
      %parallel_loop3A_396 = arith.constant 0.000000e+00 : f32
      %parallel_loop3A_397 = vector.broadcast %parallel_loop3A_396 : f32 to vector<16xf32>
      %parallel_loop3A_398 = arith.minimumf %parallel_loop3A_242, %parallel_loop3A_397 : vector<16xf32>
      %parallel_loop3A_399 = arith.subf %parallel_loop3A_398, %parallel_loop3A_395 : vector<16xf32>
      %parallel_loop3A_400 = arith.addf %get3A_19, %parallel_loop3A_399 : vector<16xf32>
      %parallel_loop3A_401 = math.absf %parallel_loop3A_243 : vector<16xf32>
      %parallel_loop3A_402 = arith.constant 0.000000e+00 : f32
      %parallel_loop3A_403 = vector.broadcast %parallel_loop3A_402 : f32 to vector<16xf32>
      %parallel_loop3A_404 = arith.subf %parallel_loop3A_403, %parallel_loop3A_401 : vector<16xf32>
      %parallel_loop3A_405 = math.exp %parallel_loop3A_404 : vector<16xf32>
      %parallel_loop3A_406 = arith.constant 2.000000e+00 : f32
      %parallel_loop3A_407 = vector.broadcast %parallel_loop3A_406 : f32 to vector<16xf32>
      %parallel_loop3A_408 = arith.addf %parallel_loop3A_407, %parallel_loop3A_405 : vector<16xf32>
      %parallel_loop3A_409 = arith.divf %parallel_loop3A_405, %parallel_loop3A_408 : vector<16xf32>
      %parallel_loop3A_410 = arith.mulf %parallel_loop3A_409, %parallel_loop3A_409 : vector<16xf32>
      %parallel_loop3A_411 = arith.constant 4.000000e-01 : f32
      %parallel_loop3A_412 = vector.broadcast %parallel_loop3A_411 : f32 to vector<16xf32>
      %parallel_loop3A_413 = arith.mulf %parallel_loop3A_410, %parallel_loop3A_412 : vector<16xf32>
      %parallel_loop3A_414 = arith.constant 0.666666686 : f32
      %parallel_loop3A_415 = vector.broadcast %parallel_loop3A_414 : f32 to vector<16xf32>
      %parallel_loop3A_416 = arith.addf %parallel_loop3A_415, %parallel_loop3A_413 : vector<16xf32>
      %parallel_loop3A_417 = arith.mulf %parallel_loop3A_410, %parallel_loop3A_416 : vector<16xf32>
      %parallel_loop3A_418 = arith.constant 2.000000e+00 : f32
      %parallel_loop3A_419 = vector.broadcast %parallel_loop3A_418 : f32 to vector<16xf32>
      %parallel_loop3A_420 = arith.addf %parallel_loop3A_419, %parallel_loop3A_417 : vector<16xf32>
      %parallel_loop3A_421 = arith.mulf %parallel_loop3A_409, %parallel_loop3A_420 : vector<16xf32>
      %parallel_loop3A_422 = arith.constant 0.000000e+00 : f32
      %parallel_loop3A_423 = vector.broadcast %parallel_loop3A_422 : f32 to vector<16xf32>
      %parallel_loop3A_424 = arith.minimumf %parallel_loop3A_243, %parallel_loop3A_423 : vector<16xf32>
      %parallel_loop3A_425 = arith.subf %parallel_loop3A_424, %parallel_loop3A_421 : vector<16xf32>
      %parallel_loop3A_426 = arith.addf %get3A_19, %parallel_loop3A_425 : vector<16xf32>
      %parallel_loop3A_427 = math.absf %parallel_loop3A_244 : vector<16xf32>
      %parallel_loop3A_428 = arith.constant 0.000000e+00 : f32
      %parallel_loop3A_429 = vector.broadcast %parallel_loop3A_428 : f32 to vector<16xf32>
      %parallel_loop3A_430 = arith.subf %parallel_loop3A_429, %parallel_loop3A_427 : vector<16xf32>
      %parallel_loop3A_431 = math.exp %parallel_loop3A_430 : vector<16xf32>
      %parallel_loop3A_432 = arith.constant 2.000000e+00 : f32
      %parallel_loop3A_433 = vector.broadcast %parallel_loop3A_432 : f32 to vector<16xf32>
      %parallel_loop3A_434 = arith.addf %parallel_loop3A_433, %parallel_loop3A_431 : vector<16xf32>
      %parallel_loop3A_435 = arith.divf %parallel_loop3A_431, %parallel_loop3A_434 : vector<16xf32>
      %parallel_loop3A_436 = arith.mulf %parallel_loop3A_435, %parallel_loop3A_435 : vector<16xf32>
      %parallel_loop3A_437 = arith.constant 4.000000e-01 : f32
      %parallel_loop3A_438 = vector.broadcast %parallel_loop3A_437 : f32 to vector<16xf32>
      %parallel_loop3A_439 = arith.mulf %parallel_loop3A_436, %parallel_loop3A_438 : vector<16xf32>
      %parallel_loop3A_440 = arith.constant 0.666666686 : f32
      %parallel_loop3A_441 = vector.broadcast %parallel_loop3A_440 : f32 to vector<16xf32>
      %parallel_loop3A_442 = arith.addf %parallel_loop3A_441, %parallel_loop3A_439 : vector<16xf32>
      %parallel_loop3A_443 = arith.mulf %parallel_loop3A_436, %parallel_loop3A_442 : vector<16xf32>
      %parallel_loop3A_444 = arith.constant 2.000000e+00 : f32
      %parallel_loop3A_445 = vector.broadcast %parallel_loop3A_444 : f32 to vector<16xf32>
      %parallel_loop3A_446 = arith.addf %parallel_loop3A_445, %parallel_loop3A_443 : vector<16xf32>
      %parallel_loop3A_447 = arith.mulf %parallel_loop3A_435, %parallel_loop3A_446 : vector<16xf32>
      %parallel_loop3A_448 = arith.constant 0.000000e+00 : f32
      %parallel_loop3A_449 = vector.broadcast %parallel_loop3A_448 : f32 to vector<16xf32>
      %parallel_loop3A_450 = arith.minimumf %parallel_loop3A_244, %parallel_loop3A_449 : vector<16xf32>
      %parallel_loop3A_451 = arith.subf %parallel_loop3A_450, %parallel_loop3A_447 : vector<16xf32>
      %parallel_loop3A_452 = arith.addf %get3A_19, %parallel_loop3A_451 : vector<16xf32>
      tpu.vector_store_idx %arg8[%parallel_loop3A_236, %get3A_3], %parallel_loop3A_270 : memref<64x512xf32, #tpu.memory_space<vmem>>[vector<16xi32>, vector<16xi32>], vector<16xf32>,
      tpu.vector_store_idx %arg8[%parallel_loop3A_236, %get3A_5], %parallel_loop3A_296 : memref<64x512xf32, #tpu.memory_space<vmem>>[vector<16xi32>, vector<16xi32>], vector<16xf32>,
      tpu.vector_store_idx %arg8[%parallel_loop3A_236, %get3A_7], %parallel_loop3A_322 : memref<64x512xf32, #tpu.memory_space<vmem>>[vector<16xi32>, vector<16xi32>], vector<16xf32>,
      tpu.vector_store_idx %arg8[%parallel_loop3A_236, %get3A_9], %parallel_loop3A_348 : memref<64x512xf32, #tpu.memory_space<vmem>>[vector<16xi32>, vector<16xi32>], vector<16xf32>,
      tpu.vector_store_idx %arg8[%parallel_loop3A_236, %get3A_11], %parallel_loop3A_374 : memref<64x512xf32, #tpu.memory_space<vmem>>[vector<16xi32>, vector<16xi32>], vector<16xf32>,
      tpu.vector_store_idx %arg8[%parallel_loop3A_236, %get3A_13], %parallel_loop3A_400 : memref<64x512xf32, #tpu.memory_space<vmem>>[vector<16xi32>, vector<16xi32>], vector<16xf32>,
      tpu.vector_store_idx %arg8[%parallel_loop3A_236, %get3A_15], %parallel_loop3A_426 : memref<64x512xf32, #tpu.memory_space<vmem>>[vector<16xi32>, vector<16xi32>], vector<16xf32>,
      tpu.vector_store_idx %arg8[%parallel_loop3A_236, %get3A_17], %parallel_loop3A_452 : memref<64x512xf32, #tpu.memory_space<vmem>>[vector<16xi32>, vector<16xi32>], vector<16xf32>,
    } {sc.loop_unroll_factor = 1 : i64, sc.parallel_access}
    %add3A_195 = arith.constant 384 : i32
    %add3A_196 = arith.addi %mul3A_2, %add3A_195 : i32
    %dma_start3A_197 = arith.constant 0 : i32
    %dma_start3A_198 = tpu.memref_slice %arg5[%add3A_196, %dma_start3A_197] : memref<16384x512xf32, #tpu.memory_space<hbm>> -> memref<64x512xf32, #tpu.memory_space<hbm>>
    %dma_start3A_199 = arith.constant 0 : i32
    %dma_start3A_200 = tpu.memref_slice %arg5[%add3A_196, %dma_start3A_199] : memref<16384x512xf32, #tpu.memory_space<hbm>> -> memref<64x512xf32, #tpu.memory_space<hbm>>
    tpu.enqueue_dma source(%arg8 : memref<64x512xf32, #tpu.memory_space<vmem>>) target(%dma_start3A_200 : memref<64x512xf32, #tpu.memory_space<hbm>>) target_semaphore(%arg14 : memref<!tpu.dma_semaphore, #tpu.memory_space<semaphore_mem>>)
    %add3A_201 = arith.constant 448 : i32
    %add3A_202 = arith.addi %mul3A_2, %add3A_201 : i32
    %dma_wait3A_203 = arith.constant 0 : i32
    %dma_wait3A_204 = tpu.memref_slice %arg2[%add3A_202, %dma_wait3A_203] : memref<16384x512xf32, #tpu.memory_space<hbm>> -> memref<64x512xf32, #tpu.memory_space<hbm>>
    %dma_wait3A_205 = arith.constant 0 : i32
    %dma_wait3A_206 = tpu.memref_slice %arg2[%add3A_202, %dma_wait3A_205] : memref<16384x512xf32, #tpu.memory_space<hbm>> -> memref<64x512xf32, #tpu.memory_space<hbm>>
    tpu.wait_dma2 semaphore(%arg12 : memref<!tpu.dma_semaphore, #tpu.memory_space<semaphore_mem>>) src(%dma_wait3A_206 : memref<64x512xf32, #tpu.memory_space<hbm>>) dst(%arg9 : memref<64x512xf32, #tpu.memory_space<vmem>>)
    %parallel_loop3A_207 = arith.constant 0 : i32
    %parallel_loop3A_208 = arith.constant 64 : i32
    %parallel_loop3A_209 = arith.constant 1 : i32
    scf.for %parallel_loop3A_234 = %parallel_loop3A_207 to %parallel_loop3A_208 step %parallel_loop3A_209  : i32 {
      %parallel_loop3A_235 = vector.broadcast %parallel_loop3A_234 : i32 to vector<16xi32>
      %parallel_loop3A_236 = arith.addi %broadcast_in_dim3A_20, %parallel_loop3A_235 : vector<16xi32>
      %parallel_loop3A_237 = tpu.vector_load_idx %arg9[%parallel_loop3A_236, %get3A_3] : memref<64x512xf32, #tpu.memory_space<vmem>>[vector<16xi32>, vector<16xi32>], vector<16xf32>,
      %parallel_loop3A_238 = tpu.vector_load_idx %arg9[%parallel_loop3A_236, %get3A_5] : memref<64x512xf32, #tpu.memory_space<vmem>>[vector<16xi32>, vector<16xi32>], vector<16xf32>,
      %parallel_loop3A_239 = tpu.vector_load_idx %arg9[%parallel_loop3A_236, %get3A_7] : memref<64x512xf32, #tpu.memory_space<vmem>>[vector<16xi32>, vector<16xi32>], vector<16xf32>,
      %parallel_loop3A_240 = tpu.vector_load_idx %arg9[%parallel_loop3A_236, %get3A_9] : memref<64x512xf32, #tpu.memory_space<vmem>>[vector<16xi32>, vector<16xi32>], vector<16xf32>,
      %parallel_loop3A_241 = tpu.vector_load_idx %arg9[%parallel_loop3A_236, %get3A_11] : memref<64x512xf32, #tpu.memory_space<vmem>>[vector<16xi32>, vector<16xi32>], vector<16xf32>,
      %parallel_loop3A_242 = tpu.vector_load_idx %arg9[%parallel_loop3A_236, %get3A_13] : memref<64x512xf32, #tpu.memory_space<vmem>>[vector<16xi32>, vector<16xi32>], vector<16xf32>,
      %parallel_loop3A_243 = tpu.vector_load_idx %arg9[%parallel_loop3A_236, %get3A_15] : memref<64x512xf32, #tpu.memory_space<vmem>>[vector<16xi32>, vector<16xi32>], vector<16xf32>,
      %parallel_loop3A_244 = tpu.vector_load_idx %arg9[%parallel_loop3A_236, %get3A_17] : memref<64x512xf32, #tpu.memory_space<vmem>>[vector<16xi32>, vector<16xi32>], vector<16xf32>,
      %parallel_loop3A_245 = math.absf %parallel_loop3A_237 : vector<16xf32>
      %parallel_loop3A_246 = arith.constant 0.000000e+00 : f32
      %parallel_loop3A_247 = vector.broadcast %parallel_loop3A_246 : f32 to vector<16xf32>
      %parallel_loop3A_248 = arith.subf %parallel_loop3A_247, %parallel_loop3A_245 : vector<16xf32>
      %parallel_loop3A_249 = math.exp %parallel_loop3A_248 : vector<16xf32>
      %parallel_loop3A_250 = arith.constant 2.000000e+00 : f32
      %parallel_loop3A_251 = vector.broadcast %parallel_loop3A_250 : f32 to vector<16xf32>
      %parallel_loop3A_252 = arith.addf %parallel_loop3A_251, %parallel_loop3A_249 : vector<16xf32>
      %parallel_loop3A_253 = arith.divf %parallel_loop3A_249, %parallel_loop3A_252 : vector<16xf32>
      %parallel_loop3A_254 = arith.mulf %parallel_loop3A_253, %parallel_loop3A_253 : vector<16xf32>
      %parallel_loop3A_255 = arith.constant 4.000000e-01 : f32
      %parallel_loop3A_256 = vector.broadcast %parallel_loop3A_255 : f32 to vector<16xf32>
      %parallel_loop3A_257 = arith.mulf %parallel_loop3A_254, %parallel_loop3A_256 : vector<16xf32>
      %parallel_loop3A_258 = arith.constant 0.666666686 : f32
      %parallel_loop3A_259 = vector.broadcast %parallel_loop3A_258 : f32 to vector<16xf32>
      %parallel_loop3A_260 = arith.addf %parallel_loop3A_259, %parallel_loop3A_257 : vector<16xf32>
      %parallel_loop3A_261 = arith.mulf %parallel_loop3A_254, %parallel_loop3A_260 : vector<16xf32>
      %parallel_loop3A_262 = arith.constant 2.000000e+00 : f32
      %parallel_loop3A_263 = vector.broadcast %parallel_loop3A_262 : f32 to vector<16xf32>
      %parallel_loop3A_264 = arith.addf %parallel_loop3A_263, %parallel_loop3A_261 : vector<16xf32>
      %parallel_loop3A_265 = arith.mulf %parallel_loop3A_253, %parallel_loop3A_264 : vector<16xf32>
      %parallel_loop3A_266 = arith.constant 0.000000e+00 : f32
      %parallel_loop3A_267 = vector.broadcast %parallel_loop3A_266 : f32 to vector<16xf32>
      %parallel_loop3A_268 = arith.minimumf %parallel_loop3A_237, %parallel_loop3A_267 : vector<16xf32>
      %parallel_loop3A_269 = arith.subf %parallel_loop3A_268, %parallel_loop3A_265 : vector<16xf32>
      %parallel_loop3A_270 = arith.addf %get3A_19, %parallel_loop3A_269 : vector<16xf32>
      %parallel_loop3A_271 = math.absf %parallel_loop3A_238 : vector<16xf32>
      %parallel_loop3A_272 = arith.constant 0.000000e+00 : f32
      %parallel_loop3A_273 = vector.broadcast %parallel_loop3A_272 : f32 to vector<16xf32>
      %parallel_loop3A_274 = arith.subf %parallel_loop3A_273, %parallel_loop3A_271 : vector<16xf32>
      %parallel_loop3A_275 = math.exp %parallel_loop3A_274 : vector<16xf32>
      %parallel_loop3A_276 = arith.constant 2.000000e+00 : f32
      %parallel_loop3A_277 = vector.broadcast %parallel_loop3A_276 : f32 to vector<16xf32>
      %parallel_loop3A_278 = arith.addf %parallel_loop3A_277, %parallel_loop3A_275 : vector<16xf32>
      %parallel_loop3A_279 = arith.divf %parallel_loop3A_275, %parallel_loop3A_278 : vector<16xf32>
      %parallel_loop3A_280 = arith.mulf %parallel_loop3A_279, %parallel_loop3A_279 : vector<16xf32>
      %parallel_loop3A_281 = arith.constant 4.000000e-01 : f32
      %parallel_loop3A_282 = vector.broadcast %parallel_loop3A_281 : f32 to vector<16xf32>
      %parallel_loop3A_283 = arith.mulf %parallel_loop3A_280, %parallel_loop3A_282 : vector<16xf32>
      %parallel_loop3A_284 = arith.constant 0.666666686 : f32
      %parallel_loop3A_285 = vector.broadcast %parallel_loop3A_284 : f32 to vector<16xf32>
      %parallel_loop3A_286 = arith.addf %parallel_loop3A_285, %parallel_loop3A_283 : vector<16xf32>
      %parallel_loop3A_287 = arith.mulf %parallel_loop3A_280, %parallel_loop3A_286 : vector<16xf32>
      %parallel_loop3A_288 = arith.constant 2.000000e+00 : f32
      %parallel_loop3A_289 = vector.broadcast %parallel_loop3A_288 : f32 to vector<16xf32>
      %parallel_loop3A_290 = arith.addf %parallel_loop3A_289, %parallel_loop3A_287 : vector<16xf32>
      %parallel_loop3A_291 = arith.mulf %parallel_loop3A_279, %parallel_loop3A_290 : vector<16xf32>
      %parallel_loop3A_292 = arith.constant 0.000000e+00 : f32
      %parallel_loop3A_293 = vector.broadcast %parallel_loop3A_292 : f32 to vector<16xf32>
      %parallel_loop3A_294 = arith.minimumf %parallel_loop3A_238, %parallel_loop3A_293 : vector<16xf32>
      %parallel_loop3A_295 = arith.subf %parallel_loop3A_294, %parallel_loop3A_291 : vector<16xf32>
      %parallel_loop3A_296 = arith.addf %get3A_19, %parallel_loop3A_295 : vector<16xf32>
      %parallel_loop3A_297 = math.absf %parallel_loop3A_239 : vector<16xf32>
      %parallel_loop3A_298 = arith.constant 0.000000e+00 : f32
      %parallel_loop3A_299 = vector.broadcast %parallel_loop3A_298 : f32 to vector<16xf32>
      %parallel_loop3A_300 = arith.subf %parallel_loop3A_299, %parallel_loop3A_297 : vector<16xf32>
      %parallel_loop3A_301 = math.exp %parallel_loop3A_300 : vector<16xf32>
      %parallel_loop3A_302 = arith.constant 2.000000e+00 : f32
      %parallel_loop3A_303 = vector.broadcast %parallel_loop3A_302 : f32 to vector<16xf32>
      %parallel_loop3A_304 = arith.addf %parallel_loop3A_303, %parallel_loop3A_301 : vector<16xf32>
      %parallel_loop3A_305 = arith.divf %parallel_loop3A_301, %parallel_loop3A_304 : vector<16xf32>
      %parallel_loop3A_306 = arith.mulf %parallel_loop3A_305, %parallel_loop3A_305 : vector<16xf32>
      %parallel_loop3A_307 = arith.constant 4.000000e-01 : f32
      %parallel_loop3A_308 = vector.broadcast %parallel_loop3A_307 : f32 to vector<16xf32>
      %parallel_loop3A_309 = arith.mulf %parallel_loop3A_306, %parallel_loop3A_308 : vector<16xf32>
      %parallel_loop3A_310 = arith.constant 0.666666686 : f32
      %parallel_loop3A_311 = vector.broadcast %parallel_loop3A_310 : f32 to vector<16xf32>
      %parallel_loop3A_312 = arith.addf %parallel_loop3A_311, %parallel_loop3A_309 : vector<16xf32>
      %parallel_loop3A_313 = arith.mulf %parallel_loop3A_306, %parallel_loop3A_312 : vector<16xf32>
      %parallel_loop3A_314 = arith.constant 2.000000e+00 : f32
      %parallel_loop3A_315 = vector.broadcast %parallel_loop3A_314 : f32 to vector<16xf32>
      %parallel_loop3A_316 = arith.addf %parallel_loop3A_315, %parallel_loop3A_313 : vector<16xf32>
      %parallel_loop3A_317 = arith.mulf %parallel_loop3A_305, %parallel_loop3A_316 : vector<16xf32>
      %parallel_loop3A_318 = arith.constant 0.000000e+00 : f32
      %parallel_loop3A_319 = vector.broadcast %parallel_loop3A_318 : f32 to vector<16xf32>
      %parallel_loop3A_320 = arith.minimumf %parallel_loop3A_239, %parallel_loop3A_319 : vector<16xf32>
      %parallel_loop3A_321 = arith.subf %parallel_loop3A_320, %parallel_loop3A_317 : vector<16xf32>
      %parallel_loop3A_322 = arith.addf %get3A_19, %parallel_loop3A_321 : vector<16xf32>
      %parallel_loop3A_323 = math.absf %parallel_loop3A_240 : vector<16xf32>
      %parallel_loop3A_324 = arith.constant 0.000000e+00 : f32
      %parallel_loop3A_325 = vector.broadcast %parallel_loop3A_324 : f32 to vector<16xf32>
      %parallel_loop3A_326 = arith.subf %parallel_loop3A_325, %parallel_loop3A_323 : vector<16xf32>
      %parallel_loop3A_327 = math.exp %parallel_loop3A_326 : vector<16xf32>
      %parallel_loop3A_328 = arith.constant 2.000000e+00 : f32
      %parallel_loop3A_329 = vector.broadcast %parallel_loop3A_328 : f32 to vector<16xf32>
      %parallel_loop3A_330 = arith.addf %parallel_loop3A_329, %parallel_loop3A_327 : vector<16xf32>
      %parallel_loop3A_331 = arith.divf %parallel_loop3A_327, %parallel_loop3A_330 : vector<16xf32>
      %parallel_loop3A_332 = arith.mulf %parallel_loop3A_331, %parallel_loop3A_331 : vector<16xf32>
      %parallel_loop3A_333 = arith.constant 4.000000e-01 : f32
      %parallel_loop3A_334 = vector.broadcast %parallel_loop3A_333 : f32 to vector<16xf32>
      %parallel_loop3A_335 = arith.mulf %parallel_loop3A_332, %parallel_loop3A_334 : vector<16xf32>
      %parallel_loop3A_336 = arith.constant 0.666666686 : f32
      %parallel_loop3A_337 = vector.broadcast %parallel_loop3A_336 : f32 to vector<16xf32>
      %parallel_loop3A_338 = arith.addf %parallel_loop3A_337, %parallel_loop3A_335 : vector<16xf32>
      %parallel_loop3A_339 = arith.mulf %parallel_loop3A_332, %parallel_loop3A_338 : vector<16xf32>
      %parallel_loop3A_340 = arith.constant 2.000000e+00 : f32
      %parallel_loop3A_341 = vector.broadcast %parallel_loop3A_340 : f32 to vector<16xf32>
      %parallel_loop3A_342 = arith.addf %parallel_loop3A_341, %parallel_loop3A_339 : vector<16xf32>
      %parallel_loop3A_343 = arith.mulf %parallel_loop3A_331, %parallel_loop3A_342 : vector<16xf32>
      %parallel_loop3A_344 = arith.constant 0.000000e+00 : f32
      %parallel_loop3A_345 = vector.broadcast %parallel_loop3A_344 : f32 to vector<16xf32>
      %parallel_loop3A_346 = arith.minimumf %parallel_loop3A_240, %parallel_loop3A_345 : vector<16xf32>
      %parallel_loop3A_347 = arith.subf %parallel_loop3A_346, %parallel_loop3A_343 : vector<16xf32>
      %parallel_loop3A_348 = arith.addf %get3A_19, %parallel_loop3A_347 : vector<16xf32>
      %parallel_loop3A_349 = math.absf %parallel_loop3A_241 : vector<16xf32>
      %parallel_loop3A_350 = arith.constant 0.000000e+00 : f32
      %parallel_loop3A_351 = vector.broadcast %parallel_loop3A_350 : f32 to vector<16xf32>
      %parallel_loop3A_352 = arith.subf %parallel_loop3A_351, %parallel_loop3A_349 : vector<16xf32>
      %parallel_loop3A_353 = math.exp %parallel_loop3A_352 : vector<16xf32>
      %parallel_loop3A_354 = arith.constant 2.000000e+00 : f32
      %parallel_loop3A_355 = vector.broadcast %parallel_loop3A_354 : f32 to vector<16xf32>
      %parallel_loop3A_356 = arith.addf %parallel_loop3A_355, %parallel_loop3A_353 : vector<16xf32>
      %parallel_loop3A_357 = arith.divf %parallel_loop3A_353, %parallel_loop3A_356 : vector<16xf32>
      %parallel_loop3A_358 = arith.mulf %parallel_loop3A_357, %parallel_loop3A_357 : vector<16xf32>
      %parallel_loop3A_359 = arith.constant 4.000000e-01 : f32
      %parallel_loop3A_360 = vector.broadcast %parallel_loop3A_359 : f32 to vector<16xf32>
      %parallel_loop3A_361 = arith.mulf %parallel_loop3A_358, %parallel_loop3A_360 : vector<16xf32>
      %parallel_loop3A_362 = arith.constant 0.666666686 : f32
      %parallel_loop3A_363 = vector.broadcast %parallel_loop3A_362 : f32 to vector<16xf32>
      %parallel_loop3A_364 = arith.addf %parallel_loop3A_363, %parallel_loop3A_361 : vector<16xf32>
      %parallel_loop3A_365 = arith.mulf %parallel_loop3A_358, %parallel_loop3A_364 : vector<16xf32>
      %parallel_loop3A_366 = arith.constant 2.000000e+00 : f32
      %parallel_loop3A_367 = vector.broadcast %parallel_loop3A_366 : f32 to vector<16xf32>
      %parallel_loop3A_368 = arith.addf %parallel_loop3A_367, %parallel_loop3A_365 : vector<16xf32>
      %parallel_loop3A_369 = arith.mulf %parallel_loop3A_357, %parallel_loop3A_368 : vector<16xf32>
      %parallel_loop3A_370 = arith.constant 0.000000e+00 : f32
      %parallel_loop3A_371 = vector.broadcast %parallel_loop3A_370 : f32 to vector<16xf32>
      %parallel_loop3A_372 = arith.minimumf %parallel_loop3A_241, %parallel_loop3A_371 : vector<16xf32>
      %parallel_loop3A_373 = arith.subf %parallel_loop3A_372, %parallel_loop3A_369 : vector<16xf32>
      %parallel_loop3A_374 = arith.addf %get3A_19, %parallel_loop3A_373 : vector<16xf32>
      %parallel_loop3A_375 = math.absf %parallel_loop3A_242 : vector<16xf32>
      %parallel_loop3A_376 = arith.constant 0.000000e+00 : f32
      %parallel_loop3A_377 = vector.broadcast %parallel_loop3A_376 : f32 to vector<16xf32>
      %parallel_loop3A_378 = arith.subf %parallel_loop3A_377, %parallel_loop3A_375 : vector<16xf32>
      %parallel_loop3A_379 = math.exp %parallel_loop3A_378 : vector<16xf32>
      %parallel_loop3A_380 = arith.constant 2.000000e+00 : f32
      %parallel_loop3A_381 = vector.broadcast %parallel_loop3A_380 : f32 to vector<16xf32>
      %parallel_loop3A_382 = arith.addf %parallel_loop3A_381, %parallel_loop3A_379 : vector<16xf32>
      %parallel_loop3A_383 = arith.divf %parallel_loop3A_379, %parallel_loop3A_382 : vector<16xf32>
      %parallel_loop3A_384 = arith.mulf %parallel_loop3A_383, %parallel_loop3A_383 : vector<16xf32>
      %parallel_loop3A_385 = arith.constant 4.000000e-01 : f32
      %parallel_loop3A_386 = vector.broadcast %parallel_loop3A_385 : f32 to vector<16xf32>
      %parallel_loop3A_387 = arith.mulf %parallel_loop3A_384, %parallel_loop3A_386 : vector<16xf32>
      %parallel_loop3A_388 = arith.constant 0.666666686 : f32
      %parallel_loop3A_389 = vector.broadcast %parallel_loop3A_388 : f32 to vector<16xf32>
      %parallel_loop3A_390 = arith.addf %parallel_loop3A_389, %parallel_loop3A_387 : vector<16xf32>
      %parallel_loop3A_391 = arith.mulf %parallel_loop3A_384, %parallel_loop3A_390 : vector<16xf32>
      %parallel_loop3A_392 = arith.constant 2.000000e+00 : f32
      %parallel_loop3A_393 = vector.broadcast %parallel_loop3A_392 : f32 to vector<16xf32>
      %parallel_loop3A_394 = arith.addf %parallel_loop3A_393, %parallel_loop3A_391 : vector<16xf32>
      %parallel_loop3A_395 = arith.mulf %parallel_loop3A_383, %parallel_loop3A_394 : vector<16xf32>
      %parallel_loop3A_396 = arith.constant 0.000000e+00 : f32
      %parallel_loop3A_397 = vector.broadcast %parallel_loop3A_396 : f32 to vector<16xf32>
      %parallel_loop3A_398 = arith.minimumf %parallel_loop3A_242, %parallel_loop3A_397 : vector<16xf32>
      %parallel_loop3A_399 = arith.subf %parallel_loop3A_398, %parallel_loop3A_395 : vector<16xf32>
      %parallel_loop3A_400 = arith.addf %get3A_19, %parallel_loop3A_399 : vector<16xf32>
      %parallel_loop3A_401 = math.absf %parallel_loop3A_243 : vector<16xf32>
      %parallel_loop3A_402 = arith.constant 0.000000e+00 : f32
      %parallel_loop3A_403 = vector.broadcast %parallel_loop3A_402 : f32 to vector<16xf32>
      %parallel_loop3A_404 = arith.subf %parallel_loop3A_403, %parallel_loop3A_401 : vector<16xf32>
      %parallel_loop3A_405 = math.exp %parallel_loop3A_404 : vector<16xf32>
      %parallel_loop3A_406 = arith.constant 2.000000e+00 : f32
      %parallel_loop3A_407 = vector.broadcast %parallel_loop3A_406 : f32 to vector<16xf32>
      %parallel_loop3A_408 = arith.addf %parallel_loop3A_407, %parallel_loop3A_405 : vector<16xf32>
      %parallel_loop3A_409 = arith.divf %parallel_loop3A_405, %parallel_loop3A_408 : vector<16xf32>
      %parallel_loop3A_410 = arith.mulf %parallel_loop3A_409, %parallel_loop3A_409 : vector<16xf32>
      %parallel_loop3A_411 = arith.constant 4.000000e-01 : f32
      %parallel_loop3A_412 = vector.broadcast %parallel_loop3A_411 : f32 to vector<16xf32>
      %parallel_loop3A_413 = arith.mulf %parallel_loop3A_410, %parallel_loop3A_412 : vector<16xf32>
      %parallel_loop3A_414 = arith.constant 0.666666686 : f32
      %parallel_loop3A_415 = vector.broadcast %parallel_loop3A_414 : f32 to vector<16xf32>
      %parallel_loop3A_416 = arith.addf %parallel_loop3A_415, %parallel_loop3A_413 : vector<16xf32>
      %parallel_loop3A_417 = arith.mulf %parallel_loop3A_410, %parallel_loop3A_416 : vector<16xf32>
      %parallel_loop3A_418 = arith.constant 2.000000e+00 : f32
      %parallel_loop3A_419 = vector.broadcast %parallel_loop3A_418 : f32 to vector<16xf32>
      %parallel_loop3A_420 = arith.addf %parallel_loop3A_419, %parallel_loop3A_417 : vector<16xf32>
      %parallel_loop3A_421 = arith.mulf %parallel_loop3A_409, %parallel_loop3A_420 : vector<16xf32>
      %parallel_loop3A_422 = arith.constant 0.000000e+00 : f32
      %parallel_loop3A_423 = vector.broadcast %parallel_loop3A_422 : f32 to vector<16xf32>
      %parallel_loop3A_424 = arith.minimumf %parallel_loop3A_243, %parallel_loop3A_423 : vector<16xf32>
      %parallel_loop3A_425 = arith.subf %parallel_loop3A_424, %parallel_loop3A_421 : vector<16xf32>
      %parallel_loop3A_426 = arith.addf %get3A_19, %parallel_loop3A_425 : vector<16xf32>
      %parallel_loop3A_427 = math.absf %parallel_loop3A_244 : vector<16xf32>
      %parallel_loop3A_428 = arith.constant 0.000000e+00 : f32
      %parallel_loop3A_429 = vector.broadcast %parallel_loop3A_428 : f32 to vector<16xf32>
      %parallel_loop3A_430 = arith.subf %parallel_loop3A_429, %parallel_loop3A_427 : vector<16xf32>
      %parallel_loop3A_431 = math.exp %parallel_loop3A_430 : vector<16xf32>
      %parallel_loop3A_432 = arith.constant 2.000000e+00 : f32
      %parallel_loop3A_433 = vector.broadcast %parallel_loop3A_432 : f32 to vector<16xf32>
      %parallel_loop3A_434 = arith.addf %parallel_loop3A_433, %parallel_loop3A_431 : vector<16xf32>
      %parallel_loop3A_435 = arith.divf %parallel_loop3A_431, %parallel_loop3A_434 : vector<16xf32>
      %parallel_loop3A_436 = arith.mulf %parallel_loop3A_435, %parallel_loop3A_435 : vector<16xf32>
      %parallel_loop3A_437 = arith.constant 4.000000e-01 : f32
      %parallel_loop3A_438 = vector.broadcast %parallel_loop3A_437 : f32 to vector<16xf32>
      %parallel_loop3A_439 = arith.mulf %parallel_loop3A_436, %parallel_loop3A_438 : vector<16xf32>
      %parallel_loop3A_440 = arith.constant 0.666666686 : f32
      %parallel_loop3A_441 = vector.broadcast %parallel_loop3A_440 : f32 to vector<16xf32>
      %parallel_loop3A_442 = arith.addf %parallel_loop3A_441, %parallel_loop3A_439 : vector<16xf32>
      %parallel_loop3A_443 = arith.mulf %parallel_loop3A_436, %parallel_loop3A_442 : vector<16xf32>
      %parallel_loop3A_444 = arith.constant 2.000000e+00 : f32
      %parallel_loop3A_445 = vector.broadcast %parallel_loop3A_444 : f32 to vector<16xf32>
      %parallel_loop3A_446 = arith.addf %parallel_loop3A_445, %parallel_loop3A_443 : vector<16xf32>
      %parallel_loop3A_447 = arith.mulf %parallel_loop3A_435, %parallel_loop3A_446 : vector<16xf32>
      %parallel_loop3A_448 = arith.constant 0.000000e+00 : f32
      %parallel_loop3A_449 = vector.broadcast %parallel_loop3A_448 : f32 to vector<16xf32>
      %parallel_loop3A_450 = arith.minimumf %parallel_loop3A_244, %parallel_loop3A_449 : vector<16xf32>
      %parallel_loop3A_451 = arith.subf %parallel_loop3A_450, %parallel_loop3A_447 : vector<16xf32>
      %parallel_loop3A_452 = arith.addf %get3A_19, %parallel_loop3A_451 : vector<16xf32>
      tpu.vector_store_idx %arg9[%parallel_loop3A_236, %get3A_3], %parallel_loop3A_270 : memref<64x512xf32, #tpu.memory_space<vmem>>[vector<16xi32>, vector<16xi32>], vector<16xf32>,
      tpu.vector_store_idx %arg9[%parallel_loop3A_236, %get3A_5], %parallel_loop3A_296 : memref<64x512xf32, #tpu.memory_space<vmem>>[vector<16xi32>, vector<16xi32>], vector<16xf32>,
      tpu.vector_store_idx %arg9[%parallel_loop3A_236, %get3A_7], %parallel_loop3A_322 : memref<64x512xf32, #tpu.memory_space<vmem>>[vector<16xi32>, vector<16xi32>], vector<16xf32>,
      tpu.vector_store_idx %arg9[%parallel_loop3A_236, %get3A_9], %parallel_loop3A_348 : memref<64x512xf32, #tpu.memory_space<vmem>>[vector<16xi32>, vector<16xi32>], vector<16xf32>,
      tpu.vector_store_idx %arg9[%parallel_loop3A_236, %get3A_11], %parallel_loop3A_374 : memref<64x512xf32, #tpu.memory_space<vmem>>[vector<16xi32>, vector<16xi32>], vector<16xf32>,
      tpu.vector_store_idx %arg9[%parallel_loop3A_236, %get3A_13], %parallel_loop3A_400 : memref<64x512xf32, #tpu.memory_space<vmem>>[vector<16xi32>, vector<16xi32>], vector<16xf32>,
      tpu.vector_store_idx %arg9[%parallel_loop3A_236, %get3A_15], %parallel_loop3A_426 : memref<64x512xf32, #tpu.memory_space<vmem>>[vector<16xi32>, vector<16xi32>], vector<16xf32>,
      tpu.vector_store_idx %arg9[%parallel_loop3A_236, %get3A_17], %parallel_loop3A_452 : memref<64x512xf32, #tpu.memory_space<vmem>>[vector<16xi32>, vector<16xi32>], vector<16xf32>,
    } {sc.loop_unroll_factor = 1 : i64, sc.parallel_access}
    %add3A_210 = arith.constant 448 : i32
    %add3A_211 = arith.addi %mul3A_2, %add3A_210 : i32
    %dma_start3A_212 = arith.constant 0 : i32
    %dma_start3A_213 = tpu.memref_slice %arg5[%add3A_211, %dma_start3A_212] : memref<16384x512xf32, #tpu.memory_space<hbm>> -> memref<64x512xf32, #tpu.memory_space<hbm>>
    %dma_start3A_214 = arith.constant 0 : i32
    %dma_start3A_215 = tpu.memref_slice %arg5[%add3A_211, %dma_start3A_214] : memref<16384x512xf32, #tpu.memory_space<hbm>> -> memref<64x512xf32, #tpu.memory_space<hbm>>
    tpu.enqueue_dma source(%arg9 : memref<64x512xf32, #tpu.memory_space<vmem>>) target(%dma_start3A_215 : memref<64x512xf32, #tpu.memory_space<hbm>>) target_semaphore(%arg15 : memref<!tpu.dma_semaphore, #tpu.memory_space<semaphore_mem>>)
    %add3A_216 = arith.constant 320 : i32
    %add3A_217 = arith.addi %mul3A_2, %add3A_216 : i32
    %dma_wait3A_218 = arith.constant 0 : i32
    %dma_wait3A_219 = tpu.memref_slice %arg5[%add3A_217, %dma_wait3A_218] : memref<16384x512xf32, #tpu.memory_space<hbm>> -> memref<64x512xf32, #tpu.memory_space<hbm>>
    %dma_wait3A_220 = arith.constant 0 : i32
    %dma_wait3A_221 = tpu.memref_slice %arg5[%add3A_217, %dma_wait3A_220] : memref<16384x512xf32, #tpu.memory_space<hbm>> -> memref<64x512xf32, #tpu.memory_space<hbm>>
    tpu.wait_dma2 semaphore(%arg16 : memref<!tpu.dma_semaphore, #tpu.memory_space<semaphore_mem>>) src(%arg10 : memref<64x512xf32, #tpu.memory_space<vmem>>) dst(%dma_wait3A_221 : memref<64x512xf32, #tpu.memory_space<hbm>>)
    %add3A_222 = arith.constant 384 : i32
    %add3A_223 = arith.addi %mul3A_2, %add3A_222 : i32
    %dma_wait3A_224 = arith.constant 0 : i32
    %dma_wait3A_225 = tpu.memref_slice %arg5[%add3A_223, %dma_wait3A_224] : memref<16384x512xf32, #tpu.memory_space<hbm>> -> memref<64x512xf32, #tpu.memory_space<hbm>>
    %dma_wait3A_226 = arith.constant 0 : i32
    %dma_wait3A_227 = tpu.memref_slice %arg5[%add3A_223, %dma_wait3A_226] : memref<16384x512xf32, #tpu.memory_space<hbm>> -> memref<64x512xf32, #tpu.memory_space<hbm>>
    tpu.wait_dma2 semaphore(%arg14 : memref<!tpu.dma_semaphore, #tpu.memory_space<semaphore_mem>>) src(%arg8 : memref<64x512xf32, #tpu.memory_space<vmem>>) dst(%dma_wait3A_227 : memref<64x512xf32, #tpu.memory_space<hbm>>)
    %add3A_228 = arith.constant 448 : i32
    %add3A_229 = arith.addi %mul3A_2, %add3A_228 : i32
    %dma_wait3A_230 = arith.constant 0 : i32
    %dma_wait3A_231 = tpu.memref_slice %arg5[%add3A_229, %dma_wait3A_230] : memref<16384x512xf32, #tpu.memory_space<hbm>> -> memref<64x512xf32, #tpu.memory_space<hbm>>
    %dma_wait3A_232 = arith.constant 0 : i32
    %dma_wait3A_233 = tpu.memref_slice %arg5[%add3A_229, %dma_wait3A_232] : memref<16384x512xf32, #tpu.memory_space<hbm>> -> memref<64x512xf32, #tpu.memory_space<hbm>>
    tpu.wait_dma2 semaphore(%arg15 : memref<!tpu.dma_semaphore, #tpu.memory_space<semaphore_mem>>) src(%arg9 : memref<64x512xf32, #tpu.memory_space<vmem>>) dst(%dma_wait3A_233 : memref<64x512xf32, #tpu.memory_space<hbm>>)
    return
  }
}

</mosaic_0001>

<sc_bundles>
// kernel: kernel.3.cloned.1.call-start
scs
__scs_entry_jumppad:
0x0: {  	(pc) =	sbr.rel $0x88, $3  }
0x1: {  	(tag) =	ssettag $0x0;
	lr =	simm.s32 $0x1  }
0x2: {  	[smem:$0x3F9E] =	sst lr;
	_ =	strace $0xD0000000  }
0x3: {  	_ = 	snop  }
0x4: {  	_ = 	snop  }
0x5: {  	_ = 	snop  }
0x6: {  	_ = 	snop  }
0x7: {  	_ = 	snop  }
__scs_overlays_trampoline_lowered:
0x8: {  	[smem:$0x3FAD] =	sst s0  }
0x9: {  	[smem:$0x3FAE] =	sst s1  }
0xa: {  	[smem:$0x3FAF] =	sst s2  }
0xb: {  	[smem:$0x3FB0] =	sst s3  }
0xc: {  	[smem:$0x3FB1] =	sst s4  }
0xd: {  	[smem:$0x3FB2] =	sst s5  }
0xe: {  	[smem:$0x3FB3] =	sst s6  }
0xf: {  	[smem:$0x3FB4] =	sst s7  }
0x10: {  	[smem:$0x3FB5] =	sst s8  }
0x11: {  	[smem:$0x3FB6] =	sst s9;
	s0 =	simm.s32 @!p0 $0x0  }
0x12: {  	s1 =	sld [smem:$0x3F9C];
	s0 =	simm.s32 @p0 $0x1  }
0x13: {  	[smem:$0x3FB7] =	sst s0;
	s0 =	simm.s32 @!p1 $0x0  }
0x14: {  	s2 =	sld [smem:$0x3F9B];
	s0 =	simm.s32 @p1 $0x1  }
0x15: {  	[smem:$0x3FB8] =	sst s0;
	s0 =	simm.s32 @!p2 $0x0  }
0x16: {  	s3 =	sld [smem:$0x3FDB];
	s0 =	simm.s32 @p2 $0x1  }
0x17: {  	s4 =	simm.s32 $0x1BF5;
	[smem:$0x3FBA] =	sst s0  }
0x18: {  	s0 =	sld [smem:$0x3F9D];
	_ =	swait.ge [sflag:s4], $0x0  }
0x19: {  	s7 =	sld [smem:$0x3F9E]  }
0x1a: {  	s8 =	sadd.s32 $0xFFFFE003, lr  }
0x1b: {  	s9 =	sadd.s32 $0xFFFFFEF7, lr;
	s5 =	simm.s32 $0xFFFFFFFF;
	p2 =	slt.u32 s8, $0xFFFFF086  }
0x1c: {  	p1 =	slt.u32 s9, $0xF7A;
	s5 =	simm.s32 @!p2 $0x0  }
0x1d: {  	s5 =	simm.s32 @p1 $0x1;
	p0 =	seq.s32 s7, s2  }
0x1e: {  	s7 =	smul.u32 @!p0 $0xF7A, s2;
	p2 =	seq.s32 @!p0 s5, $0x0  }
0x1f: {  	s9 =	smul.u32 $0xF7A, s1;
	s8 =	simm.s32 @!p0 $0x1BF5;
	p2 =	por !p2, p0  }
0x20: {  	[sflag:s8] =	ssyncset.s32 @!p0 $0xFFFFF086;
	s6 =	sadd.s32 @!p0 s3, s7;
	s7 =	simm.s32 @!p0 $0x108  }
0x21: {  	s3 =	sadd.s32 s3, s9;
	s6 =	sadd.s32 @!p0 $0x88, s6;
	s7 =	simm.s32 @p2 $0x1082  }
0x22: {  	[simem:s7], [sflag:s8] =	dma.local @!p0 [hbm:s6], $0xF7A  }
0x23: {  	s9 =	sor.u32 $0xD0000000, s2;
	s6 =	simm.s32 $0x108;
	_ =	swait.ge @!p0 [sflag:s8], $0x0  }
0x24: {  	s3 =	sadd.s32 $0x88, s3;
	s6 =	simm.s32 @!p1 $0x1082;
	[sflag:s4] =	ssyncset.s32 $0xFFFFF086  }
0x25: {  	[simem:s6], [sflag:s4] =	dma.local [hbm:s3], $0xF7A  }
0x26: {  	[smem:$0x3F9E] =	sst s1;
	(tag) =	ssettag s2;
	_ =	strace s9  }
0x27: {  	s1 =	sld [smem:$0x3FAE]  }
0x28: {  	s2 =	sld [smem:$0x3FAF]  }
0x29: {  	s4 =	sld [smem:$0x3FB1]  }
0x2a: {  	p0 =	seq.s32 s5, $0x0;
	s5 =	sld [smem:$0x3FB2]  }
0x2b: {  	s6 =	sld [smem:$0x3FB3]  }
0x2c: {  	s7 =	sld [smem:$0x3FB4]  }
0x2d: {  	s3 =	simm.s32 $0x108;
	s8 =	sld [smem:$0x3FB5]  }
0x2e: {  	s3 =	simm.s32 @!p0 $0x1082;
	s9 =	sld [smem:$0x3FB6]  }
0x2f: {  	lr =	sadd.s32 s0, s3;
	s0 =	sld [smem:$0x3FAD]  }
0x30: {  	s3 =	sld [smem:$0x3FB0]  }
0x31: {  	[smem:$0x3FB9] =	sst s10  }
0x32: {  	s10 =	sld [smem:$0x3FB7];
	_ =	sdelay $0x3  }
0x33: {  	p0 =	seq.s32 s10, $0x1;
	s10 =	sld [smem:$0x3FB9];
	_ =	sdelay $0x3  }
0x34: {  	[smem:$0x3FB9] =	sst s10  }
0x35: {  	s10 =	sld [smem:$0x3FB8];
	_ =	sdelay $0x3  }
0x36: {  	p1 =	seq.s32 s10, $0x1;
	s10 =	sld [smem:$0x3FB9];
	_ =	sdelay $0x3  }
0x37: {  	[smem:$0x3FB9] =	sst s10  }
0x38: {  	s10 =	sld [smem:$0x3FBA]  }
0x39: {  	_ = 	snop;
	(pc) =	sbr.ind lr, $3  }
0x3a: {  	_ = 	snop  }
0x3b: {  	_ = 	snop  }
0x3c: {  	p2 =	seq.s32 s10, $0x1;
	s10 =	sld [smem:$0x3FB9]  }
0x3d: {  	_ =	shalt  }
0x3e: {  	_ =	shalt  }
0x3f: {  	_ =	shalt  }
0x40: {  	_ =	shalt  }
0x41: {  	_ =	shalt  }
0x42: {  	_ =	shalt  }
0x43: {  	_ =	shalt  }
0x44: {  	_ =	shalt  }
0x45: {  	_ =	shalt  }
0x46: {  	_ =	shalt  }
0x47: {  	_ =	shalt  }
0x48: {  	_ =	shalt  }
0x49: {  	_ =	shalt  }
0x4a: {  	_ =	shalt  }
0x4b: {  	_ =	shalt  }
0x4c: {  	_ =	shalt  }
0x4d: {  	_ =	shalt  }
0x4e: {  	_ =	shalt  }
0x4f: {  	_ =	shalt  }
0x50: {  	_ =	shalt  }
0x51: {  	_ =	shalt  }
0x52: {  	_ =	shalt  }
0x53: {  	_ =	shalt  }
0x54: {  	_ =	shalt  }
0x55: {  	_ =	shalt  }
0x56: {  	_ =	shalt  }
0x57: {  	_ =	shalt  }
0x58: {  	_ =	shalt  }
0x59: {  	_ =	shalt  }
0x5a: {  	_ =	shalt  }
0x5b: {  	_ =	shalt  }
0x5c: {  	_ =	shalt  }
0x5d: {  	_ =	shalt  }
0x5e: {  	_ =	shalt  }
0x5f: {  	_ =	shalt  }
0x60: {  	_ =	shalt  }
0x61: {  	_ =	shalt  }
0x62: {  	_ =	shalt  }
0x63: {  	_ =	shalt  }
0x64: {  	_ =	shalt  }
0x65: {  	_ =	shalt  }
0x66: {  	_ =	shalt  }
0x67: {  	_ =	shalt  }
0x68: {  	_ =	shalt  }
0x69: {  	_ =	shalt  }
0x6a: {  	_ =	shalt  }
0x6b: {  	_ =	shalt  }
0x6c: {  	_ =	shalt  }
0x6d: {  	_ =	shalt  }
0x6e: {  	_ =	shalt  }
0x6f: {  	_ =	shalt  }
0x70: {  	_ =	shalt  }
0x71: {  	_ =	shalt  }
0x72: {  	_ =	shalt  }
0x73: {  	_ =	shalt  }
0x74: {  	_ =	shalt  }
0x75: {  	_ =	shalt  }
0x76: {  	_ =	shalt  }
0x77: {  	_ =	shalt  }
0x78: {  	_ =	shalt  }
0x79: {  	_ =	shalt  }
0x7a: {  	_ =	shalt  }
0x7b: {  	_ =	shalt  }
0x7c: {  	_ =	shalt  }
0x7d: {  	_ =	shalt  }
0x7e: {  	_ =	shalt  }
0x7f: {  	_ =	shalt  }
0x80: {  	_ =	shalt  }
0x81: {  	_ =	shalt  }
0x82: {  	_ =	shalt  }
0x83: {  	_ =	shalt  }
0x84: {  	_ =	shalt  }
0x85: {  	_ =	shalt  }
0x86: {  	_ =	shalt  }
0x87: {  	_ =	shalt  }
.Lfunc_end0:
.L_simem_size_0:
called_computation_lowered:
.L_overlay_start_0:
0x88: {  	s2 =	sld [smem:$0x3FD9]  }
0x89: {  	s3 =	sld [smem:$0x3FFE];
	_ =	sdelay $0x1  }
0x8a: {  	s1 =	srdreg.scid  }
0x8b: {  	s0 =	sand.u32 $0x1, s1  }
0x8c: {  	s17 =	sshll.u32 s0, $0xA;
	s2 =	sadd.s32 s3, s2  }
0x8d: {  	s2 =	sadd.s32 s2, s17  }
0x8e: {  	[smem:$0x3FC5] =	sst s2  }
0x8f: {  	_ = 	snop  }
0x90: {  	s2 =	sld [smem:$0x3FC9]  }
0x91: {  	s18 =	sld [smem:$0x3FC8]  }
0x92: {  	s4 =	sld [smem:$0x3FD0];
	(tm) =	ssettm $0x1  }
0x93: {  	s5 =	sld [smem:$0x3FFB];
	_ =	sdelay $0x3  }
0x94: {  	_ =	strace s5  }
0x95: {  	s5 =	sld [smem:$0x3FFC];
	_ =	sdelay $0x3  }
0x96: {  	_ =	strace s5  }
0x97: {  	s5 =	sld [smem:$0x3FFD];
	_ =	sdelay $0x3  }
0x98: {  	_ =	strace s5  }
0x99: {  	_ =	strace $0x8FFFFFFF  }
0x9a: {  	s19 =	sld [smem:$0x3FDB];
	_ =	sdelay $0x1  }
0x9b: {  	s6 =	simm.s32 $_scs_section_size  }
0x9c: {  	s7 =	simm.s32 $_size__tile_overlayer_lowered;
	s8 =	simm.s32 $_tile_overlayer_lowered  }
0x9d: {  	s22 =	simm.s32 $0x1BFF;
	s21 =	sshll.u32 s8, $0x1;
	s5 =	sadd.s32 s6, s19  }
0x9e: {  	s9 =	simm.s32 $0x0;
	s20 =	sshll.u32 s7, $0x1;
	s7 =	sadd.s32 s21, s5  }
0x9f: {  	[timem:s9], [sflag:s22] =	dma.local [hbm:s7], s20  }
0xa0: {  	_ =	swait.ge [sflag:s22], s20  }
0xa1: {  	s6 =	ssub.s32 $0x0, s20;
	[sflag:s22] =	ssyncset.done $0x0  }
0xa2: {  	[sflag:s22] =	ssyncadd.s32 s6;
	_ =	sdelay $0x1  }
0xa3: {  	s23 =	simm.s32 $0x1B8B  }
0xa4: {  	_ =	swait.ge [sflag:s23], $0x1  }
0xa5: {  	[sflag:s23] =	ssyncset.done $0x0  }
0xa6: {  	s25 =	simm.s32 $0x1B8E;
	s24 =	sld [smem:$0x3FFE];
	[sflag:s23] =	ssyncadd.s32 $0xFFFFFFFF  }
0xa7: {  	s26 =	simm.s32 $execute0_lowered;
	[smem:$0x3FD2] =	sst s25  }
0xa8: {  	s7 =	sshll.u32 s26, $0x1;
	_ =	strace $0x80000046;
	[dreg:$0x1] =	wrdreg $0xFFFFFFFF  }
0xa9: {  	s28 =	simm.s32 $_size_execute0_lowered;
	s5 =	sadd.s32 s5, s7;
	[dreg:$0x0] =	wrdreg $0x0  }
0xaa: {  	s7 =	sshll.u32 s28, $0x1;
	[dreg:$0x2] =	wrdreg s5  }
0xab: {  	[dreg:$0x3] =	wrdreg s7  }
0xac: {  	[dreg:$0x4] =	wrdreg $0xC0  }
0xad: {  	_ =	task [dreg:s9], $0x5FFFF  }
0xae: {  	[dreg:$0x1] =	wrdreg $0xFFFFFFFF  }
0xaf: {  	[dreg:$0x0] =	wrdreg $0x60  }
0xb0: {  	[dreg:$0x2] =	wrdreg s2  }
0xb1: {  	[dreg:$0x3] =	wrdreg s18  }
0xb2: {  	[dreg:$0x4] =	wrdreg s24  }
0xb3: {  	[dreg:$0x5] =	wrdreg s4  }
0xb4: {  	[dreg:$0x6] =	wrdreg $0x9  }
0xb5: {  	_ =	task.clear_ibuf [dreg:s9], $0x7FFFF;
	_ =	strace $0x90000046  }
0xb6: {  	s29 =	simm.s32 $0x9;
	_ =	strace $0x80000048  }
0xb7: {  	_ =	swait.ge [sflag:s29], $0x1  }
0xb8: {  	[sflag:s29] =	ssyncadd.s32 $0xFFFFFFFF  }
0xb9: {  	_ =	strace $0x90000048  }
0xba: {  	_ =	sfence  }
0xbb: {  	s30 =	sld [smem:$0x0];
	_ =	sdelay $0x2  }
0xbc: {  	s31 =	sshll.u32 s1, $0xD;
	s1 =	sshrl.u32 s1, $0x2  }
0xbd: {  	s3 =	sand.u32 $0x4000, s31;
	s1 =	sadd.s32 s1, s30  }
0xbe: {  	s0 =	sor.u32 s3, s0;
	s1 =	sshll.u32 s1, $0x11  }
0xbf: {  	s0 =	sor.u32 s1, s0  }
0xc0: {  	s0 =	sadd.s32 $0x8F2B, s0  }
0xc1: {  	[sflag:s0] =	ssyncadd.remote.s32 $0x1  }
0xc2: {  	_ =	sfence.sel $0xFFFF  }
0xc3: {  	[dreg:$0x0] =	wrdreg $0xFFFFFFFF;
	(pc) =	sbr.abs _section_cstart, $3  }
0xc4: {  	[dreg:$0x1] =	wrdreg $0xFFFFFFFF  }
0xc5: {  	_ =	task.clear_ibuf [dreg:s9], $0x2FFFF;
	_ =	strace $0x9FFFFFFF  }
0xc6: {  	(tm) =	ssettm $0x7FFFFFFF  }
0xc7: {  	_ =	shalt  }
tec
execute0_lowered:
.L_overlay_start_1:
0x0: {  	(tag) =	ssettag $0x1  }
0x1: {  	s0 =	rddreg [dreg:$0x0]  }
0x2: {  	s1 =	rddreg [dreg:$0x2]  }
0x3: {  	s2 =	rddreg [dreg:$0x3];
	s4 =	srdreg.scid  }
0x4: {  	s3 =	simm.s32 $0x0;
	s6 =	stileid.u32;
	s22 =	simm.s32 $0x7  }
0x5: {  	s28 =	simm.s32 $0x10100;
	s29 =	simm.s32 $0x2;
	s30 =	simm.s32 $0x4  }
0x6: {  	s31 =	simm.s32 $0x3;
	s4 =	sand.u32 $0x1, s4;
	[smem:$0x7FF] =	sst s3  }
0x7: {  	s6 =	sshll.u32 s6, $0xF;
	s1 =	sadd.s32 $0x400, s1;
	s5 =	sshll.u32 s4, $0x13  }
0x8: {  	_ =	strace $0x80000047;
	s4 =	ssub.s32 $0x2, s4;
	s16 =	sor.u32 s6, s5  }
0x9: {  	[dreg:$0x5] =	wrdreg s1;
	s23 =	sshrl.u32 s4, $0x1;
	s9 =	sor.u32 $0x1000, s16  }
0xa: {  	s1 =	ssub.s32 s4, s23;
	s5 =	sadd.s32 s0, s16;
	s7 =	sadd.s32 s2, s16  }
0xb: {  	s24 =	sor.u32 $0x2000, s16;
	s13 =	sor.u32 $0x3000, s16;
	s25 =	sor.u32 $0x4000, s16  }
0xc: {  	s17 =	sor.u32 $0x5000, s16;
	s26 =	sor.u32 $0x6000, s16;
	s20 =	sor.u32 $0x7000, s16  }
0xd: {  	s6 =	sadd.s32 s0, s9;
	s8 =	sadd.s32 s0, s24;
	s9 =	sadd.s32 s2, s9  }
0xe: {  	s10 =	sadd.s32 s0, s13;
	s11 =	sadd.s32 s2, s24;
	s12 =	sadd.s32 s0, s25  }
0xf: {  	s13 =	sadd.s32 s2, s13;
	s14 =	sadd.s32 s0, s17;
	s15 =	sadd.s32 s2, s25  }
0x10: {  	s16 =	sadd.s32 s0, s26;
	s17 =	sadd.s32 s2, s17;
	s18 =	sadd.s32 s0, s20  }
0x11: {  	s19 =	sadd.s32 s2, s26;
	s20 =	sadd.s32 s2, s20;
	s21 =	smax.u32 s1, $0x1  }
0x12: {  	s24 =	simm.s32 $0x100;
	s25 =	simm.s32 $0x8100;
	s26 =	simm.s32 $0x1  }
0x13: {  	s0 =	simm.s32 $0x5;
	s2 =	simm.s32 $0x6;
	s1 =	simm.s32 $0x0  }
.LBB2_1:
0x14: {  	s4 =	rddreg [dreg:$0x1]  }
0x15: {  	[tilespmem:s3], [sflag:$0x7] =	stream.linear.gather [hbm4b:s4+s3], $0x80, $0x38;
	[tilespmem:$0x18100] =	vst v63  }
0x16: {  	_ =	swait.ge [sflag:s22], $0x80  }
0x17: {  	[sflag:s22] =	ssyncset.done $0x0  }
0x18: {  	s23 =	simm.s32 $0x80;
	s4 =	rddreg [dreg:$0x5];
	[sflag:s22] =	ssyncadd.s32 $0xFFFFFF80  }
0x19: {  	[tilespmem:s23], [sflag:$0x7] =	stream.linear.gather [hbm4b:s4+s3], $0x80, $0x38;
	[tilespmem:$0x18100] =	vst v63  }
0x1a: {  	_ =	swait.ge [sflag:s22], $0x80  }
0x1b: {  	[sflag:s22] =	ssyncset.done $0x0  }
0x1c: {  	[sflag:s22] =	ssyncadd.s32 $0xFFFFFF80  }
0x1d: {  	v0 =	vld [tilespmem:$0x0]  }
0x1e: {  	v2 =	vld [tilespmem:$0x10]  }
0x1f: {  	v3 =	vld [tilespmem:$0x20]  }
0x20: {  	v6 =	vld [tilespmem:$0x50]  }
0x21: {  	v8 =	vmov s3;
	v4 =	vld [tilespmem:$0x40]  }
0x22: {  	v10 =	vshll.u32 v8, $0x9;
	v8 =	vshll.u32 v8, $0x7;
	v5 =	vld [tilespmem:$0x30];
	v1 =	vshll.u32 v0, $0x3  }
0x23: {  	v17 =	vand.u32 $0x7000, v10;
	v7 =	vld [tilespmem:$0x60];
	v0 =	vand.u32 $0x7F, v0;
	v1 =	vand.u32 $0xFFFFFC00, v1  }
0x24: {  	v18 =	vand.u32 $0x380, v8;
	v15 =	vld [tilespmem:$0x70];
	v9 =	vand.u32 $0x7F, v2;
	v1 =	vor.u32 v0, v1  }
0x25: {  	v2 =	vshll.u32 v2, $0x3;
	v11 =	vshll.u32 v6, $0x3;
	v0 =	vld [tilespmem:$0x80];
	[tilespmem:s24], [sflag:$0x1] =	stream.linear.gather [hbm4b:s5+s3], $0x8000, $0x38;
	v8 =	vadd.s32 v1, v17  }
0x26: {  	v12 =	vshll.u32 v4, $0x3;
	v2 =	vand.u32 $0xFFFFFC00, v2;
	v10 =	vor.u32 v18, v8  }
0x27: {  	v6 =	vand.u32 $0x7F, v6;
	v13 =	vand.u32 $0x7F, v4;
	v2 =	vor.u32 v9, v2;
	[tilespmem:s25], [sflag:$0x2] =	stream.linear.gather [hbm4b:s6+s3], $0x8000, $0x38;
	[tilespmem:$0x18100] =	vst v63  }
0x28: {  	v11 =	vand.u32 $0xFFFFFC00, v11;
	v12 =	vand.u32 $0xFFFFFC00, v12;
	v9 =	vadd.s32 v2, v17;
	_ =	swait.ge [sflag:s26], $0x8000  }
0x29: {  	v4 =	vor.u32 v6, v11;
	v6 =	vshll.u32 v5, $0x3;
	v9 =	vor.u32 v18, v9;
	[sflag:s26] =	ssyncset.done $0x0  }
0x2a: {  	v11 =	vadd.s32 v4, v17;
	v6 =	vand.u32 $0xFFFFFC00, v6;
	v8 =	vshll.u32 v3, $0x3;
	[sflag:s26] =	ssyncadd.s32 $0xFFFF8000  }
0x2b: {  	v3 =	vand.u32 $0x7F, v3;
	v11 =	vor.u32 v18, v11;
	v8 =	vand.u32 $0xFFFFFC00, v8;
	v19 =	vld.idx.msk [tilespmem:v10+s24+$0x0], $0xffff  }
0x2c: {  	v3 =	vor.u32 v3, v8;
	v8 =	vand.u32 $0x7F, v5;
	v5 =	vor.u32 v13, v12  }
0x2d: {  	v12 =	vadd.s32 v5, v17;
	v6 =	vor.u32 v8, v6  }
0x2e: {  	v12 =	vor.u32 v18, v12;
	v13 =	vadd.s32 v6, v17;
	v20 =	vld.idx.msk [tilespmem:v9+s24+$0x0], $0xffff  }
0x2f: {  	v14 =	vadd.s32 v3, v17;
	v13 =	vor.u32 v18, v13  }
0x30: {  	v8 =	vshll.u32 v7, $0x3;
	v14 =	vor.u32 v18, v14;
	v16 =	vand.u32 $0x7FFFFFFF, v19  }
0x31: {  	v7 =	vand.u32 $0x7F, v7;
	v8 =	vand.u32 $0xFFFFFC00, v8;
	v22 =	vld.idx.msk [tilespmem:v11+s24+$0x0], $0xffff;
	v16 =	vsub.f32 $0.0e+00, v16  }
0x32: {  	v7 =	vor.u32 v7, v8;
	v8 =	vand.u32 $0x7F, v15;
	v15 =	vshll.u32 v15, $0x3  }
0x33: {  	v23 =	vadd.s32 v7, v17;
	v24 =	vld.idx.msk [tilespmem:v12+s24+$0x0], $0xffff;
	v21 =	vand.u32 $0x7FFFFFFF, v20;
	v25 =	vmul.f32 $1.442695020e+00, v16  }
0x34: {  	v15 =	vand.u32 $0xFFFFFC00, v15;
	v21 =	vsub.f32 $0.0e+00, v21;
	v16 =	vor.u32 v18, v23;
	v23 =	vld.idx.msk [tilespmem:v13+s24+$0x0], $0xffff  }
0x35: {  	v8 =	vor.u32 v8, v15;
	(erf) = vpow2.f32 v25;
	v25 =	vld.idx.msk [tilespmem:v14+s24+$0x0], $0xffff  }
0x36: {  	v15 =	vadd.s32 v8, v17;
	v17 =	vand.u32 $0x7FFFFFFF, v22;
	v21 =	vmul.f32 $1.442695020e+00, v21  }
0x37: {  	v15 =	vor.u32 v18, v15;
	v17 =	vsub.f32 $0.0e+00, v17  }
0x38: {  	(erf) = vpow2.f32 v21  }
0x39: {  	v27 =	vmul.f32 $1.442695020e+00, v17;
	v18 =	vand.u32 $0x7FFFFFFF, v24  }
0x3a: {  	v18 =	vsub.f32 $0.0e+00, v18;
	v26 =	vand.u32 $0x7FFFFFFF, v23;
	v17 =	vand.u32 $0x7FFFFFFF, v25  }
0x3b: {  	v21 =	vld.idx.msk [tilespmem:v16+s24+$0x0], $0xffff;
	v26 =	vsub.f32 $0.0e+00, v26;
	v28 =	vsub.f32 $0.0e+00, v17  }
0x3c: {  	v18 =	vmul.f32 $1.442695020e+00, v18;
	v17 =	vld.idx.msk [tilespmem:v15+s24+$0x0], $0xffff  }
0x3d: {  	(erf) = vpow2.f32 v27;
	v26 =	vmul.f32 $1.442695020e+00, v26  }
0x3e: {  	(erf) = vpow2.f32 v18  }
0x3f: {  	v18 =	vmul.f32 $1.442695020e+00, v28;
	v28 =	vpop (erf);
	(erf) = vpow2.f32 v26  }
0x40: {  	v27 =	vand.u32 $0x7FFFFFFF, v21;
	v26 =	vadd.f32 $2.000000000e+00, v28  }
0x41: {  	v27 =	vsub.f32 $0.0e+00, v27;
	v29 =	vpop (erf);
	(erf) = vpow2.f32 v18;
	v30 =	vand.u32 $0x7FFFFFFF, v17  }
0x42: {  	v18 =	vadd.f32 $2.000000000e+00, v29;
	(erf) = vrcp.f32 v26;
	v26 =	vsub.f32 $0.0e+00, v30;
	_ =	sdelay $0x1  }
0x43: {  	v27 =	vmul.f32 $1.442695020e+00, v27;
	(erf) = vrcp.f32 v18  }
0x44: {  	v18 =	vmul.f32 $1.442695020e+00, v26  }
0x45: {  	(erf) = vpow2.f32 v27;
	v26 =	vpop (erf)  }
0x46: {  	(erf) = vpow2.f32 v18;
	v27 =	vadd.f32 $2.000000000e+00, v26;
	v31 =	vpop (erf)  }
0x47: {  	v18 =	vadd.f32 $2.000000000e+00, v31;
	v33 =	vpop (erf)  }
0x48: {  	(erf) = vrcp.f32 v27;
	v27 =	vadd.f32 $2.000000000e+00, v33  }
0x49: {  	v35 =	vpop (erf);
	(erf) = vrcp.f32 v18  }
0x4a: {  	v18 =	vadd.f32 $2.000000000e+00, v35;
	v30 =	vpop (erf)  }
0x4b: {  	(erf) = vrcp.f32 v27;
	v36 =	vmul.f32 v30, v28  }
0x4c: {  	v41 =	vmin.f32 v19, $0.0e+00;
	(erf) = vrcp.f32 v18;
	v27 =	vpop (erf)  }
0x4d: {  	v43 =	vmin.f32 v20, $0.0e+00;
	v37 =	vmul.f32 v27, v29;
	v18 =	vmul.f32 v36, v36  }
0x4e: {  	v24 =	vmin.f32 v24, $0.0e+00;
	v32 =	vmin.f32 v23, $0.0e+00;
	v39 =	vpop (erf);
	v29 =	vmin.f32 v22, $0.0e+00  }
0x4f: {  	v27 =	vadd.f32 $2.000000000e+00, v39;
	v23 =	vpop (erf);
	v28 =	vmul.f32 v37, v37;
	v22 =	vmul.f32 $4.000000060e-01, v18  }
0x50: {  	v30 =	vmin.f32 v25, $0.0e+00;
	v25 =	vmin.f32 v21, $0.0e+00;
	v21 =	vadd.f32 $2.000000000e+00, v23  }
0x51: {  	s23 =	simm.s32 $0x1;
	(erf) = vrcp.f32 v27;
	v27 =	vmul.f32 $4.000000060e-01, v28;
	v22 =	vadd.f32 $6.666666860e-01, v22;
	v19 =	vpop (erf)  }
0x52: {  	(erf) = vrcp.f32 v21;
	v21 =	vmov s23;
	v34 =	vmul.f32 v19, v26;
	v19 =	vpop (erf)  }
0x53: {  	v20 =	vadd.f32 $6.666666860e-01, v27;
	v42 =	vmul.f32 v19, v31;
	v19 =	vshll.u32 v21, $0x9  }
0x54: {  	v22 =	vmul.f32 v22, v18;
	v18 =	vpop (erf);
	v21 =	vshll.u32 v21, $0x7;
	v48 =	vand.u32 $0x7000, v19  }
0x55: {  	v49 =	vand.u32 $0x380, v21;
	v44 =	vmul.f32 v18, v33;
	v47 =	vmul.f32 v34, v34  }
0x56: {  	v18 =	vpop (erf);
	v20 =	vmul.f32 v20, v28;
	v19 =	vadd.s32 v1, v48;
	v21 =	vadd.s32 v2, v48  }
0x57: {  	v38 =	vmul.f32 v18, v35;
	v18 =	vadd.s32 v3, v48;
	v50 =	vmul.f32 v42, v42  }
0x58: {  	v22 =	vadd.f32 $2.000000000e+00, v22;
	v60 =	vadd.s32 v4, v48;
	v28 =	vor.u32 v49, v19  }
0x59: {  	v62 =	vadd.s32 v8, v48;
	v27 =	vor.u32 v49, v21;
	v20 =	vadd.f32 $2.000000000e+00, v20  }
0x5a: {  	v46 =	vmul.f32 v44, v44;
	v19 =	vor.u32 v49, v18;
	v55 =	vmul.f32 $4.000000060e-01, v47  }
0x5b: {  	v18 =	vadd.s32 v6, v48;
	v51 =	vmul.f32 v38, v38;
	v26 =	vmul.f32 v20, v37  }
0x5c: {  	v18 =	vor.u32 v49, v18;
	v61 =	vmul.f32 $4.000000060e-01, v50;
	v21 =	vpop (erf);
	v20 =	vadd.s32 v5, v48  }
0x5d: {  	v40 =	vmul.f32 v21, v39;
	v21 =	vpop (erf);
	v20 =	vor.u32 v49, v20;
	v59 =	vsub.f32 v43, v26;
	v26 =	vld.idx.msk [tilespmem:v28+s24+$0x0], $0xffff  }
0x5e: {  	v58 =	vmul.f32 $4.000000060e-01, v46;
	v43 =	vmul.f32 v21, v23;
	v31 =	vld.idx.msk [tilespmem:v27+s24+$0x0], $0xffff;
	v21 =	vor.u32 v49, v60  }
0x5f: {  	v52 =	vmul.f32 v22, v36;
	v22 =	vadd.s32 v7, v48;
	v54 =	vadd.f32 $6.666666860e-01, v61;
	v35 =	vld.idx.msk [tilespmem:v19+s24+$0x0], $0xffff  }
0x60: {  	v57 =	vmul.f32 $4.000000060e-01, v51;
	v58 =	vadd.f32 $6.666666860e-01, v58;
	v45 =	vmul.f32 v40, v40  }
0x61: {  	v23 =	vor.u32 v49, v22;
	v22 =	vor.u32 v49, v62;
	v33 =	vld.idx.msk [tilespmem:v18+s24+$0x0], $0xffff;
	v48 =	vmul.f32 v43, v43  }
0x62: {  	v39 =	vadd.f32 v59, v0;
	v56 =	vmul.f32 $4.000000060e-01, v45;
	v37 =	vld.idx.msk [tilespmem:v20+s24+$0x0], $0xffff;
	v63 =	vand.u32 $0x7FFFFFFF, v26  }
0x63: {  	s23 =	simm.s32 $0x2;
	v53 =	vmul.f32 $4.000000060e-01, v48;
	v36 =	vld.idx.msk [tilespmem:v21+s24+$0x0], $0xffff;
	v59 =	vand.u32 $0x7FFFFFFF, v31;
	v49 =	vsub.f32 $0.0e+00, v63  }
.LBB2_2:
0x64: {  	p0 =	sne.s32 s23, $0x3F;
	v59 =	vsub.f32 $0.0e+00, v59;
	v60 =	vand.u32 $0x7FFFFFFF, v35;
	v57 =	vadd.f32 $6.666666860e-01, v57;
	s4 =	smov.u32 s23;
	s23 =	sadd.s32 $0x1, s23  }
0x65: {  	v49 =	vmul.f32 $1.442695020e+00, v49;
	v60 =	vsub.f32 $0.0e+00, v60;
	v46 =	vmul.f32 v58, v46  }
0x66: {  	v55 =	vadd.f32 $6.666666860e-01, v55;
	v58 =	vmul.f32 $1.442695020e+00, v59;
	v59 =	vand.u32 $0x7FFFFFFF, v33  }
0x67: {  	(erf) = vpow2.f32 v49;
	v49 =	vmul.f32 v57, v51;
	v51 =	vadd.f32 $6.666666860e-01, v56  }
0x68: {  	v50 =	vmul.f32 v54, v50;
	v57 =	vand.u32 $0x7FFFFFFF, v37;
	v56 =	vld.idx.msk [tilespmem:v22+s24+$0x0], $0xffff;
	(erf) = vpow2.f32 v58  }
0x69: {  	v46 =	vadd.f32 $2.000000000e+00, v46;
	v57 =	vsub.f32 $0.0e+00, v57;
	v58 =	vand.u32 $0x7FFFFFFF, v36;
	v54 =	vld.idx.msk [tilespmem:v23+s24+$0x0], $0xffff  }
0x6a: {  	v50 =	vadd.f32 $2.000000000e+00, v50;
	v60 =	vmul.f32 $1.442695020e+00, v60;
	v58 =	vsub.f32 $0.0e+00, v58  }
0x6b: {  	v59 =	vsub.f32 $0.0e+00, v59;
	v49 =	vadd.f32 $2.000000000e+00, v49;
	v57 =	vmul.f32 $1.442695020e+00, v57  }
0x6c: {  	v41 =	vsub.f32 v41, v52;
	v47 =	vmul.f32 v55, v47;
	v58 =	vmul.f32 $1.442695020e+00, v58  }
0x6d: {  	v52 =	vmul.f32 $1.442695020e+00, v59;
	v44 =	vmul.f32 v46, v44;
	v46 =	vadd.f32 $6.666666860e-01, v53  }
0x6e: {  	v41 =	vadd.f32 v41, v0;
	v53 =	vand.u32 $0x7FFFFFFF, v56;
	(erf) = vpow2.f32 v58  }
0x6f: {  	v42 =	vmul.f32 v50, v42;
	v58 =	vand.u32 $0x7FFFFFFF, v54;
	(erf) = vpow2.f32 v57  }
0x70: {  	v47 =	vadd.f32 $2.000000000e+00, v47;
	v50 =	vsub.f32 $0.0e+00, v58;
	v55 =	vpop (erf);
	(erf) = vpow2.f32 v52;
	[tilespmem:v10+s24+$0x0] =	vst.idx.msk $0xffff, v41  }
0x71: {  	v46 =	vmul.f32 v46, v48;
	v41 =	vadd.f32 $2.000000000e+00, v55;
	v52 =	vpop (erf);
	(erf) = vpow2.f32 v60;
	[tilespmem:v9+s24+$0x0] =	vst.idx.msk $0xffff, v39  }
0x72: {  	v45 =	vmul.f32 v51, v45;
	v10 =	vmovc v28;
	v48 =	vmul.f32 $1.442695020e+00, v50;
	v9 =	vmovc v27;
	v39 =	vadd.f32 $2.000000000e+00, v52  }
0x73: {  	v28 =	vadd.f32 $2.000000000e+00, v46;
	v27 =	vsub.f32 v32, v44;
	(erf) = vrcp.f32 v41  }
0x74: {  	v32 =	vsub.f32 $0.0e+00, v53;
	v41 =	vmul.f32 v49, v38;
	(erf) = vrcp.f32 v39  }
0x75: {  	v34 =	vmul.f32 v47, v34;
	v39 =	vadd.f32 $2.000000000e+00, v45;
	(erf) = vpow2.f32 v48  }
0x76: {  	v32 =	vmul.f32 $1.442695020e+00, v32;
	v27 =	vadd.f32 v27, v0;
	v30 =	vsub.f32 v30, v41  }
0x77: {  	v29 =	vsub.f32 v29, v34;
	v28 =	vmul.f32 v28, v43;
	v34 =	vmul.f32 v39, v40;
	v38 =	vpop (erf)  }
0x78: {  	v24 =	vsub.f32 v24, v42;
	v39 =	vadd.f32 $2.000000000e+00, v38;
	v40 =	vpop (erf);
	(erf) = vpow2.f32 v32  }
0x79: {  	v17 =	vmin.f32 v17, $0.0e+00;
	v30 =	vadd.f32 v30, v0;
	v32 =	vadd.f32 $2.000000000e+00, v40;
	v43 =	vpop (erf)  }
0x7a: {  	v28 =	vsub.f32 v17, v28;
	v41 =	vadd.f32 $2.000000000e+00, v43;
	v45 =	vpop (erf);
	(erf) = vrcp.f32 v39  }
0x7b: {  	(erf) = vrcp.f32 v32;
	v32 =	vadd.f32 v24, v0;
	v24 =	vsub.f32 v25, v34;
	[tilespmem:v14+s24+$0x0] =	vst.idx.msk $0xffff, v30  }
0x7c: {  	v29 =	vadd.f32 v29, v0;
	v30 =	vadd.f32 $2.000000000e+00, v45;
	v25 =	vpop (erf);
	(erf) = vrcp.f32 v41;
	[tilespmem:v13+s24+$0x0] =	vst.idx.msk $0xffff, v27  }
0x7d: {  	v17 =	vmov v56;
	v39 =	vmul.f32 v25, v55;
	v13 =	vpop (erf);
	v25 =	vadd.f32 v24, v0;
	[tilespmem:v12+s24+$0x0] =	vst.idx.msk $0xffff, v32  }
0x7e: {  	v12 =	vadd.f32 v28, v0;
	v47 =	vmul.f32 v13, v52;
	(erf) = vrcp.f32 v30;
	v48 =	vpop (erf);
	[tilespmem:v11+s24+$0x0] =	vst.idx.msk $0xffff, v29  }
0x7f: {  	v14 =	vmovc v19;
	v24 =	vmin.f32 v37, $0.0e+00;
	v27 =	vmul.f32 v39, v39;
	v28 =	vadd.f32 $2.000000000e+00, v48;
	[tilespmem:v16+s24+$0x0] =	vst.idx.msk $0xffff, v25  }
0x80: {  	v30 =	vmin.f32 v35, $0.0e+00;
	v29 =	vmin.f32 v36, $0.0e+00;
	v13 =	vmovc v18;
	v16 =	vmul.f32 v47, v47;
	[tilespmem:v15+s24+$0x0] =	vst.idx.msk $0xffff, v12  }
0x81: {  	v32 =	vmin.f32 v33, $0.0e+00;
	v15 =	vmul.f32 $4.000000060e-01, v27;
	(erf) = vrcp.f32 v28;
	v33 =	vpop (erf)  }
0x82: {  	v11 =	vmovc v21;
	v25 =	vmin.f32 v54, $0.0e+00;
	v12 =	vmovc v20;
	v18 =	vmul.f32 $4.000000060e-01, v16;
	v19 =	vadd.f32 $2.000000000e+00, v33  }
0x83: {  	v41 =	vmin.f32 v26, $0.0e+00;
	v21 =	vmin.f32 v31, $0.0e+00;
	v28 =	vadd.f32 $6.666666860e-01, v15;
	v20 =	vpop (erf)  }
0x84: {  	v18 =	vadd.f32 $6.666666860e-01, v18;
	v34 =	vmul.f32 v20, v38;
	v20 =	vpop (erf);
	(erf) = vrcp.f32 v19  }
0x85: {  	v31 =	vmov s4;
	v26 =	vmul.f32 v28, v27;
	v42 =	vmul.f32 v20, v40;
	v20 =	vpop (erf)  }
0x86: {  	v27 =	vshll.u32 v31, $0x9;
	v28 =	vshll.u32 v31, $0x7;
	v15 =	vmovc v22;
	v18 =	vmul.f32 v18, v16;
	v16 =	vmovc v23  }
0x87: {  	v22 =	vand.u32 $0x7000, v27;
	v36 =	vand.u32 $0x380, v28;
	v44 =	vmul.f32 v20, v43;
	v19 =	vpop (erf)  }
0x88: {  	v20 =	vadd.s32 v1, v22;
	v31 =	vadd.s32 v2, v22;
	v38 =	vmul.f32 v19, v45  }
0x89: {  	v28 =	vor.u32 v36, v20;
	v27 =	vor.u32 v36, v31;
	v46 =	vmul.f32 v44, v44  }
0x8a: {  	v19 =	vadd.s32 v3, v22;
	v20 =	vadd.f32 $2.000000000e+00, v18;
	v51 =	vmul.f32 v38, v38;
	v23 =	vpop (erf)  }
0x8b: {  	v50 =	vmul.f32 v42, v42;
	v18 =	vadd.s32 v6, v22;
	v19 =	vor.u32 v36, v19  }
0x8c: {  	v18 =	vor.u32 v36, v18;
	v31 =	vmul.f32 v20, v47;
	v40 =	vmul.f32 v23, v48  }
0x8d: {  	v20 =	vadd.s32 v5, v22;
	v47 =	vmul.f32 v34, v34;
	v23 =	vadd.f32 $2.000000000e+00, v26;
	v35 =	vpop (erf)  }
0x8e: {  	v20 =	vor.u32 v36, v20;
	v37 =	vsub.f32 v21, v31;
	v45 =	vmul.f32 v40, v40;
	v26 =	vld.idx.msk [tilespmem:v28+s24+$0x0], $0xffff  }
0x8f: {  	v49 =	vmul.f32 $4.000000060e-01, v50;
	v21 =	vadd.s32 v4, v22;
	v43 =	vmul.f32 v35, v33;
	v31 =	vld.idx.msk [tilespmem:v27+s24+$0x0], $0xffff  }
0x90: {  	v21 =	vor.u32 v36, v21;
	v52 =	vmul.f32 v23, v39;
	v39 =	vadd.f32 v37, v0;
	v35 =	vld.idx.msk [tilespmem:v19+s24+$0x0], $0xffff  }
.Ltmp0:
0x91: {  	v23 =	vadd.s32 v7, v22;
	v22 =	vadd.s32 v8, v22;
	v48 =	vmul.f32 v43, v43;
	v33 =	vld.idx.msk [tilespmem:v18+s24+$0x0], $0xffff;
	(pc) =	sbr.rel @p0 .LBB2_2-.Ltmp0, $4  }
0x92: {  	v58 =	vmul.f32 $4.000000060e-01, v46;
	v54 =	vadd.f32 $6.666666860e-01, v49;
	v55 =	vmul.f32 $4.000000060e-01, v47  }
0x93: {  	v23 =	vor.u32 v36, v23;
	v22 =	vor.u32 v36, v22;
	v56 =	vmul.f32 $4.000000060e-01, v45;
	v37 =	vld.idx.msk [tilespmem:v20+s24+$0x0], $0xffff  }
0x94: {  	v57 =	vmul.f32 $4.000000060e-01, v51;
	v53 =	vmul.f32 $4.000000060e-01, v48;
	v49 =	vand.u32 $0x7FFFFFFF, v26  }
0x95: {  	v58 =	vadd.f32 $6.666666860e-01, v58;
	v49 =	vsub.f32 $0.0e+00, v49;
	v59 =	vand.u32 $0x7FFFFFFF, v31;
	v36 =	vld.idx.msk [tilespmem:v21+s24+$0x0], $0xffff  }
0x96: {  	_ = 	snop  }
0x97: {  	v59 =	vsub.f32 $0.0e+00, v59;
	v49 =	vmul.f32 $1.442695020e+00, v49;
	_ =	sdelay $0x1  }
0x98: {  	v59 =	vmul.f32 $1.442695020e+00, v59;
	(erf) = vpow2.f32 v49  }
0x99: {  	v61 =	vand.u32 $0x7FFFFFFF, v33  }
0x9a: {  	(erf) = vpow2.f32 v59;
	v60 =	vand.u32 $0x7FFFFFFF, v36;
	v59 =	vand.u32 $0x7FFFFFFF, v37  }
0x9b: {  	v62 =	vand.u32 $0x7FFFFFFF, v35;
	v60 =	vsub.f32 $0.0e+00, v60;
	v59 =	vsub.f32 $0.0e+00, v59  }
0x9c: {  	v57 =	vadd.f32 $6.666666860e-01, v57;
	v50 =	vmul.f32 v54, v50;
	v55 =	vadd.f32 $6.666666860e-01, v55  }
0x9d: {  	v62 =	vsub.f32 $0.0e+00, v62;
	v49 =	vld.idx.msk [tilespmem:v23+s24+$0x0], $0xffff;
	v60 =	vmul.f32 $1.442695020e+00, v60;
	v59 =	vmul.f32 $1.442695020e+00, v59  }
0x9e: {  	v56 =	vadd.f32 $6.666666860e-01, v56;
	v61 =	vsub.f32 $0.0e+00, v61;
	v58 =	vmul.f32 v58, v46  }
0x9f: {  	v41 =	vsub.f32 v41, v52;
	v46 =	vld.idx.msk [tilespmem:v22+s24+$0x0], $0xffff;
	(erf) = vpow2.f32 v60;
	v60 =	vmul.f32 $1.442695020e+00, v62  }
0xa0: {  	v63 =	vadd.f32 $6.666666860e-01, v53;
	v17 =	vmin.f32 v17, $0.0e+00;
	v61 =	vmul.f32 $1.442695020e+00, v61  }
0xa1: {  	v51 =	vmul.f32 v57, v51;
	v50 =	vadd.f32 $2.000000000e+00, v50;
	(erf) = vpow2.f32 v59;
	v59 =	vpop (erf)  }
0xa2: {  	v62 =	vand.u32 $0x7FFFFFFF, v49;
	(erf) = vpow2.f32 v61;
	v61 =	vadd.f32 $2.000000000e+00, v59  }
0xa3: {  	v58 =	vadd.f32 $2.000000000e+00, v58;
	v57 =	vsub.f32 $0.0e+00, v62;
	(erf) = vpow2.f32 v60;
	v60 =	vpop (erf)  }
0xa4: {  	v62 =	vand.u32 $0x7FFFFFFF, v46;
	(erf) = vrcp.f32 v61;
	v61 =	vadd.f32 $2.000000000e+00, v60  }
0xa5: {  	v47 =	vmul.f32 v55, v47;
	v54 =	vsub.f32 $0.0e+00, v62;
	v57 =	vmul.f32 $1.442695020e+00, v57  }
0xa6: {  	v35 =	vmin.f32 v35, $0.0e+00;
	v44 =	vmul.f32 v58, v44;
	(erf) = vrcp.f32 v61  }
0xa7: {  	v33 =	vmin.f32 v33, $0.0e+00;
	(erf) = vpow2.f32 v57;
	v57 =	vmul.f32 $1.442695020e+00, v54  }
0xa8: {  	v41 =	vadd.f32 v41, v0;
	v48 =	vmul.f32 v63, v48;
	v51 =	vadd.f32 $2.000000000e+00, v51  }
0xa9: {  	v42 =	vmul.f32 v50, v42;
	v47 =	vadd.f32 $2.000000000e+00, v47;
	v50 =	vpop (erf);
	(erf) = vpow2.f32 v57  }
0xaa: {  	v31 =	vmin.f32 v31, $0.0e+00;
	v32 =	vsub.f32 v32, v44;
	v44 =	vpop (erf);
	v58 =	vadd.f32 $2.000000000e+00, v50  }
0xab: {  	v45 =	vmul.f32 v56, v45;
	v48 =	vadd.f32 $2.000000000e+00, v48;
	v61 =	vadd.f32 $2.000000000e+00, v44;
	v53 =	vpop (erf)  }
0xac: {  	v38 =	vmul.f32 v51, v38;
	(erf) = vrcp.f32 v58;
	v62 =	vadd.f32 $2.000000000e+00, v53  }
0xad: {  	v45 =	vadd.f32 $2.000000000e+00, v45;
	v34 =	vmul.f32 v47, v34;
	v51 =	vpop (erf);
	(erf) = vrcp.f32 v61  }
0xae: {  	v43 =	vmul.f32 v48, v43;
	v56 =	vadd.f32 $2.000000000e+00, v51;
	v63 =	vpop (erf);
	(erf) = vrcp.f32 v62  }
0xaf: {  	v40 =	vmul.f32 v45, v40;
	v24 =	vsub.f32 v24, v42;
	v45 =	vmul.f32 v63, v59  }
0xb0: {  	v30 =	vsub.f32 v30, v38;
	v29 =	vsub.f32 v29, v34;
	v57 =	vpop (erf);
	(erf) = vrcp.f32 v56  }
0xb1: {  	v25 =	vsub.f32 v25, v40;
	v34 =	vpop (erf);
	v42 =	vmul.f32 v57, v60;
	v40 =	vmul.f32 v45, v45  }
0xb2: {  	v26 =	vmin.f32 v26, $0.0e+00;
	v17 =	vsub.f32 v17, v43;
	v58 =	vadd.f32 $2.000000000e+00, v34;
	v43 =	vpop (erf)  }
0xb3: {  	v38 =	vmul.f32 v42, v42;
	v62 =	vmul.f32 $4.000000060e-01, v40;
	v60 =	vadd.f32 $2.000000000e+00, v43  }
0xb4: {  	v24 =	vadd.f32 v24, v0;
	v32 =	vadd.f32 v32, v0;
	(erf) = vrcp.f32 v58  }
0xb5: {  	v63 =	vpop (erf);
	v61 =	vmul.f32 $4.000000060e-01, v38;
	v52 =	vadd.f32 $6.666666860e-01, v62;
	(erf) = vrcp.f32 v60  }
0xb6: {  	v37 =	vmin.f32 v37, $0.0e+00;
	[tilespmem:v10+s24+$0x0] =	vst.idx.msk $0xffff, v41;
	v30 =	vadd.f32 v30, v0;
	v29 =	vadd.f32 v29, v0;
	v58 =	vpop (erf)  }
0xb7: {  	[tilespmem:v9+s24+$0x0] =	vst.idx.msk $0xffff, v39;
	v25 =	vadd.f32 v25, v0;
	v57 =	vadd.f32 $6.666666860e-01, v61;
	v59 =	vpop (erf);
	v40 =	vmul.f32 v52, v40  }
0xb8: {  	v17 =	vadd.f32 v17, v0;
	v50 =	vmul.f32 v63, v50;
	v47 =	vmul.f32 v59, v53  }
0xb9: {  	[tilespmem:v14+s24+$0x0] =	vst.idx.msk $0xffff, v30;
	v44 =	vmul.f32 v58, v44;
	v38 =	vmul.f32 v57, v38;
	v60 =	vpop (erf);
	v40 =	vadd.f32 $2.000000000e+00, v40  }
0xba: {  	v36 =	vmin.f32 v36, $0.0e+00;
	[tilespmem:v13+s24+$0x0] =	vst.idx.msk $0xffff, v32;
	v51 =	vmul.f32 v60, v51;
	v48 =	vmul.f32 v47, v47  }
0xbb: {  	[tilespmem:v12+s24+$0x0] =	vst.idx.msk $0xffff, v24;
	v52 =	vmul.f32 v44, v44;
	v38 =	vadd.f32 $2.000000000e+00, v38;
	v10 =	vmul.f32 v40, v45  }
0xbc: {  	[tilespmem:v11+s24+$0x0] =	vst.idx.msk $0xffff, v29;
	v11 =	vmin.f32 v49, $0.0e+00;
	v53 =	vmul.f32 v51, v51;
	v63 =	vmul.f32 $4.000000060e-01, v48  }
0xbd: {  	v61 =	vpop (erf);
	v38 =	vmul.f32 v38, v42;
	v42 =	vmul.f32 v50, v50;
	v10 =	vsub.f32 v26, v10  }
0xbe: {  	v34 =	vmul.f32 v61, v34;
	v60 =	vmul.f32 $4.000000060e-01, v53;
	v61 =	vadd.f32 $6.666666860e-01, v63;
	v62 =	vpop (erf)  }
0xbf: {  	v31 =	vsub.f32 v31, v38;
	v38 =	vmul.f32 $4.000000060e-01, v52;
	v43 =	vmul.f32 v62, v43  }
0xc0: {  	v54 =	vmul.f32 v34, v34;
	v62 =	vmul.f32 $4.000000060e-01, v42;
	v63 =	vadd.f32 $6.666666860e-01, v60  }
0xc1: {  	v10 =	vadd.f32 v10, v0;
	v45 =	vmul.f32 v61, v48;
	v9 =	vmul.f32 v43, v43  }
0xc2: {  	v14 =	vadd.f32 $6.666666860e-01, v38;
	v30 =	vmul.f32 $4.000000060e-01, v54;
	v53 =	vmul.f32 v63, v53  }
0xc3: {  	v31 =	vadd.f32 v31, v0;
	v48 =	vadd.f32 $6.666666860e-01, v62;
	v13 =	vmul.f32 $4.000000060e-01, v9  }
0xc4: {  	v14 =	vmul.f32 v14, v52;
	v12 =	vadd.f32 $6.666666860e-01, v30;
	v29 =	vadd.f32 $2.000000000e+00, v53  }
0xc5: {  	[tilespmem:v16+s24+$0x0] =	vst.idx.msk $0xffff, v25;
	v24 =	vadd.f32 $2.000000000e+00, v45;
	v16 =	vmul.f32 v48, v42;
	v13 =	vadd.f32 $6.666666860e-01, v13  }
0xc6: {  	v14 =	vadd.f32 $2.000000000e+00, v14;
	v12 =	vmul.f32 v12, v54;
	v25 =	vmul.f32 v29, v51  }
0xc7: {  	[tilespmem:v15+s24+$0x0] =	vst.idx.msk $0xffff, v17;
	v15 =	vmul.f32 v24, v47;
	v16 =	vadd.f32 $2.000000000e+00, v16;
	v9 =	vmul.f32 v13, v9  }
0xc8: {  	[tilespmem:v28+s24+$0x0] =	vst.idx.msk $0xffff, v10;
	v13 =	vmul.f32 v14, v44;
	v10 =	vadd.f32 $2.000000000e+00, v12;
	v12 =	vsub.f32 v35, v25  }
0xc9: {  	[tilespmem:v27+s24+$0x0] =	vst.idx.msk $0xffff, v31;
	v14 =	vsub.f32 v33, v15;
	v15 =	vmul.f32 v16, v50;
	v9 =	vadd.f32 $2.000000000e+00, v9  }
0xca: {  	v10 =	vmul.f32 v10, v34;
	v13 =	vsub.f32 v37, v13;
	v12 =	vadd.f32 v12, v0  }
0xcb: {  	v14 =	vadd.f32 v14, v0;
	v15 =	vsub.f32 v36, v15;
	v9 =	vmul.f32 v9, v43  }
0xcc: {  	v16 =	vmin.f32 v46, $0.0e+00;
	v13 =	vadd.f32 v13, v0;
	v10 =	vsub.f32 v11, v10;
	[tilespmem:v19+s24+$0x0] =	vst.idx.msk $0xffff, v12  }
0xcd: {  	v11 =	vadd.f32 v15, v0;
	[tilespmem:v18+s24+$0x0] =	vst.idx.msk $0xffff, v14;
	v9 =	vsub.f32 v16, v9  }
0xce: {  	s4 =	simm.s32 $0x0;
	v10 =	vadd.f32 v10, v0;
	[tilespmem:v20+s24+$0x0] =	vst.idx.msk $0xffff, v13  }
0xcf: {  	[tilespmem:v21+s24+$0x0] =	vst.idx.msk $0xffff, v11;
	v11 =	vmov s4;
	v9 =	vadd.f32 v9, v0  }
0xd0: {  	[tilespmem:v23+s24+$0x0] =	vst.idx.msk $0xffff, v10;
	v10 =	vshll.u32 v11, $0x9  }
0xd1: {  	v15 =	vand.u32 $0x7000, v10;
	[tilespmem:v22+s24+$0x0] =	vst.idx.msk $0xffff, v9;
	v9 =	vshll.u32 v11, $0x7  }
0xd2: {  	[hbm4b:s7+s4] =	stream.linear.scatter [tilespmem:s24], [sflag:$0x4], $0x8000, $0x38;
	v17 =	vand.u32 $0x380, v9;
	v9 =	vadd.s32 v1, v15;
	[tilespmem:$0x18100] =	vst v63  }
0xd3: {  	v11 =	vadd.s32 v2, v15;
	v10 =	vor.u32 v17, v9  }
0xd4: {  	v9 =	vor.u32 v17, v11;
	[tilespmem:s28], [sflag:$0x3] =	stream.linear.gather [hbm4b:s8+s4], $0x8000, $0x38;
	[tilespmem:$0x18100] =	vst v63  }
0xd5: {  	_ =	swait.ge [sflag:s29], $0x8000  }
0xd6: {  	[sflag:s29] =	ssyncset.done $0x0  }
0xd7: {  	[sflag:s29] =	ssyncadd.s32 $0xFFFF8000  }
0xd8: {  	v11 =	vadd.s32 v4, v15;
	v18 =	vld.idx.msk [tilespmem:v10+s25+$0x0], $0xffff  }
0xd9: {  	v12 =	vadd.s32 v5, v15;
	v11 =	vor.u32 v17, v11;
	v19 =	vld.idx.msk [tilespmem:v9+s25+$0x0], $0xffff  }
0xda: {  	v13 =	vadd.s32 v6, v15;
	v12 =	vor.u32 v17, v12  }
0xdb: {  	v14 =	vadd.s32 v3, v15;
	v13 =	vor.u32 v17, v13  }
0xdc: {  	v14 =	vor.u32 v17, v14  }
0xdd: {  	v16 =	vand.u32 $0x7FFFFFFF, v18  }
0xde: {  	v21 =	vld.idx.msk [tilespmem:v11+s25+$0x0], $0xffff;
	v20 =	vand.u32 $0x7FFFFFFF, v19;
	v16 =	vsub.f32 $0.0e+00, v16  }
0xdf: {  	v22 =	vadd.s32 v7, v15;
	v23 =	vld.idx.msk [tilespmem:v12+s25+$0x0], $0xffff;
	v20 =	vsub.f32 $0.0e+00, v20  }
0xe0: {  	v24 =	vmul.f32 $1.442695020e+00, v16;
	v16 =	vor.u32 v17, v22;
	v22 =	vld.idx.msk [tilespmem:v13+s25+$0x0], $0xffff  }
0xe1: {  	v25 =	vld.idx.msk [tilespmem:v14+s25+$0x0], $0xffff;
	v20 =	vmul.f32 $1.442695020e+00, v20  }
0xe2: {  	v15 =	vadd.s32 v8, v15;
	(erf) = vpow2.f32 v24  }
0xe3: {  	v15 =	vor.u32 v17, v15;
	v17 =	vand.u32 $0x7FFFFFFF, v21;
	(erf) = vpow2.f32 v20  }
0xe4: {  	v17 =	vsub.f32 $0.0e+00, v17;
	v20 =	vand.u32 $0x7FFFFFFF, v23  }
0xe5: {  	v20 =	vsub.f32 $0.0e+00, v20;
	v26 =	vld.idx.msk [tilespmem:v16+s25+$0x0], $0xffff;
	v24 =	vand.u32 $0x7FFFFFFF, v22  }
0xe6: {  	v27 =	vmul.f32 $1.442695020e+00, v17;
	v17 =	vand.u32 $0x7FFFFFFF, v25;
	v24 =	vsub.f32 $0.0e+00, v24  }
0xe7: {  	v28 =	vsub.f32 $0.0e+00, v17;
	v20 =	vmul.f32 $1.442695020e+00, v20  }
0xe8: {  	(erf) = vpow2.f32 v27;
	v24 =	vmul.f32 $1.442695020e+00, v24  }
0xe9: {  	v17 =	vld.idx.msk [tilespmem:v15+s25+$0x0], $0xffff;
	(erf) = vpow2.f32 v20  }
0xea: {  	v20 =	vmul.f32 $1.442695020e+00, v28;
	v27 =	vand.u32 $0x7FFFFFFF, v26;
	(erf) = vpow2.f32 v24  }
0xeb: {  	v28 =	vpop (erf);
	v27 =	vsub.f32 $0.0e+00, v27  }
0xec: {  	(erf) = vpow2.f32 v20;
	v24 =	vadd.f32 $2.000000000e+00, v28;
	v29 =	vpop (erf)  }
0xed: {  	v20 =	vadd.f32 $2.000000000e+00, v29;
	v27 =	vmul.f32 $1.442695020e+00, v27  }
0xee: {  	v30 =	vand.u32 $0x7FFFFFFF, v17;
	(erf) = vrcp.f32 v24  }
0xef: {  	v24 =	vsub.f32 $0.0e+00, v30;
	(erf) = vrcp.f32 v20;
	_ =	sdelay $0x1  }
0xf0: {  	(erf) = vpow2.f32 v27;
	v20 =	vmul.f32 $1.442695020e+00, v24;
	v27 =	vpop (erf)  }
0xf1: {  	v24 =	vadd.f32 $2.000000000e+00, v27;
	v31 =	vpop (erf)  }
0xf2: {  	(erf) = vpow2.f32 v20;
	v55 =	vpop (erf)  }
0xf3: {  	v20 =	vadd.f32 $2.000000000e+00, v31;
	(erf) = vrcp.f32 v24;
	v24 =	vadd.f32 $2.000000000e+00, v55  }
0xf4: {  	v56 =	vpop (erf)  }
0xf5: {  	(erf) = vrcp.f32 v20;
	v20 =	vadd.f32 $2.000000000e+00, v56  }
0xf6: {  	(erf) = vrcp.f32 v24;
	v30 =	vpop (erf)  }
0xf7: {  	v57 =	vmul.f32 v30, v28;
	v24 =	vpop (erf)  }
0xf8: {  	(erf) = vrcp.f32 v20;
	v59 =	vmul.f32 v24, v29  }
0xf9: {  	v32 =	vmin.f32 v22, $0.0e+00;
	v30 =	vmin.f32 v25, $0.0e+00;
	v20 =	vpop (erf);
	v28 =	vmul.f32 v57, v57  }
0xfa: {  	v24 =	vmin.f32 v23, $0.0e+00;
	v23 =	vadd.f32 $2.000000000e+00, v20;
	v60 =	vmul.f32 v59, v59  }
0xfb: {  	v25 =	vmin.f32 v26, $0.0e+00;
	v29 =	vmin.f32 v21, $0.0e+00;
	v22 =	vpop (erf);
	v21 =	vmul.f32 $4.000000060e-01, v28  }
0xfc: {  	(erf) = vrcp.f32 v23;
	v26 =	vadd.f32 $2.000000000e+00, v22;
	v23 =	vmul.f32 $4.000000060e-01, v60  }
0xfd: {  	v41 =	vmin.f32 v18, $0.0e+00;
	v61 =	vmin.f32 v19, $0.0e+00;
	v18 =	vpop (erf);
	v21 =	vadd.f32 $6.666666860e-01, v21  }
0xfe: {  	s23 =	simm.s32 $0x1;
	v34 =	vmul.f32 v18, v27;
	v18 =	vpop (erf);
	(erf) = vrcp.f32 v26;
	v19 =	vadd.f32 $6.666666860e-01, v23  }
0xff: {  	v23 =	vmov s23;
	v42 =	vmul.f32 v18, v31;
	v18 =	vpop (erf);
	v21 =	vmul.f32 v21, v28  }
0x100: {  	v26 =	vshll.u32 v23, $0x9;
	v23 =	vshll.u32 v23, $0x7;
	v44 =	vmul.f32 v18, v55  }
0x101: {  	v18 =	vpop (erf);
	v47 =	vmul.f32 v34, v34;
	v19 =	vmul.f32 v19, v60;
	v62 =	vand.u32 $0x7000, v26  }
0x102: {  	v63 =	vand.u32 $0x380, v23;
	v38 =	vmul.f32 v18, v56;
	v50 =	vmul.f32 v42, v42  }
0x103: {  	v23 =	vadd.s32 v1, v62;
	v26 =	vadd.s32 v2, v62;
	v46 =	vmul.f32 v44, v44  }
0x104: {  	v18 =	vadd.s32 v3, v62;
	v58 =	vadd.f32 $2.000000000e+00, v21;
	v28 =	vor.u32 v63, v23  }
0x105: {  	v55 =	vmul.f32 $4.000000060e-01, v47;
	v27 =	vor.u32 v63, v26;
	v23 =	vadd.f32 $2.000000000e+00, v19  }
0x106: {  	v51 =	vmul.f32 v38, v38;
	v19 =	vor.u32 v63, v18;
	v18 =	vadd.s32 v6, v62  }
0x107: {  	v60 =	vmul.f32 $4.000000060e-01, v50;
	v18 =	vor.u32 v63, v18;
	v52 =	vmul.f32 v58, v57;
	v26 =	vpop (erf)  }
0x108: {  	v23 =	vmul.f32 v23, v59;
	v40 =	vmul.f32 v26, v20;
	v20 =	vadd.s32 v5, v62  }
0x109: {  	v59 =	vadd.s32 v4, v62;
	v54 =	vadd.f32 $6.666666860e-01, v60;
	v21 =	vpop (erf);
	v20 =	vor.u32 v63, v20;
	v26 =	vld.idx.msk [tilespmem:v28+s25+$0x0], $0xffff  }
0x10a: {  	v23 =	vsub.f32 v61, v23;
	v43 =	vmul.f32 v21, v22;
	v31 =	vld.idx.msk [tilespmem:v27+s25+$0x0], $0xffff;
	v21 =	vor.u32 v63, v59  }
0x10b: {  	v57 =	vmul.f32 $4.000000060e-01, v51;
	v61 =	vadd.s32 v8, v62;
	v45 =	vmul.f32 v40, v40;
	v35 =	vld.idx.msk [tilespmem:v19+s25+$0x0], $0xffff  }
0x10c: {  	v22 =	vadd.s32 v7, v62;
	v62 =	vmul.f32 $4.000000060e-01, v46;
	v39 =	vadd.f32 v23, v0  }
0x10d: {  	v33 =	vld.idx.msk [tilespmem:v18+s25+$0x0], $0xffff;
	v23 =	vor.u32 v63, v22;
	v22 =	vor.u32 v63, v61;
	v48 =	vmul.f32 v43, v43  }
0x10e: {  	v56 =	vmul.f32 $4.000000060e-01, v45;
	v58 =	vadd.f32 $6.666666860e-01, v62;
	v37 =	vld.idx.msk [tilespmem:v20+s25+$0x0], $0xffff;
	v63 =	vand.u32 $0x7FFFFFFF, v26  }
0x10f: {  	s23 =	simm.s32 $0x2;
	v53 =	vmul.f32 $4.000000060e-01, v48;
	v36 =	vld.idx.msk [tilespmem:v21+s25+$0x0], $0xffff;
	v59 =	vand.u32 $0x7FFFFFFF, v31;
	v49 =	vsub.f32 $0.0e+00, v63  }
.LBB2_4:
0x110: {  	p0 =	sne.s32 s23, $0x3F;
	v59 =	vsub.f32 $0.0e+00, v59;
	v60 =	vand.u32 $0x7FFFFFFF, v35;
	v57 =	vadd.f32 $6.666666860e-01, v57;
	s4 =	smov.u32 s23;
	s23 =	sadd.s32 $0x1, s23  }
0x111: {  	v49 =	vmul.f32 $1.442695020e+00, v49;
	v60 =	vsub.f32 $0.0e+00, v60;
	v46 =	vmul.f32 v58, v46  }
0x112: {  	v55 =	vadd.f32 $6.666666860e-01, v55;
	v58 =	vmul.f32 $1.442695020e+00, v59;
	v59 =	vand.u32 $0x7FFFFFFF, v33  }
0x113: {  	(erf) = vpow2.f32 v49;
	v49 =	vmul.f32 v57, v51;
	v51 =	vadd.f32 $6.666666860e-01, v56  }
0x114: {  	v50 =	vmul.f32 v54, v50;
	v57 =	vand.u32 $0x7FFFFFFF, v37;
	v56 =	vld.idx.msk [tilespmem:v22+s25+$0x0], $0xffff;
	(erf) = vpow2.f32 v58  }
0x115: {  	v46 =	vadd.f32 $2.000000000e+00, v46;
	v57 =	vsub.f32 $0.0e+00, v57;
	v58 =	vand.u32 $0x7FFFFFFF, v36;
	v54 =	vld.idx.msk [tilespmem:v23+s25+$0x0], $0xffff  }
0x116: {  	v50 =	vadd.f32 $2.000000000e+00, v50;
	v60 =	vmul.f32 $1.442695020e+00, v60;
	v58 =	vsub.f32 $0.0e+00, v58  }
0x117: {  	v59 =	vsub.f32 $0.0e+00, v59;
	v49 =	vadd.f32 $2.000000000e+00, v49;
	v57 =	vmul.f32 $1.442695020e+00, v57  }
0x118: {  	v41 =	vsub.f32 v41, v52;
	v47 =	vmul.f32 v55, v47;
	v58 =	vmul.f32 $1.442695020e+00, v58  }
0x119: {  	v52 =	vmul.f32 $1.442695020e+00, v59;
	v44 =	vmul.f32 v46, v44;
	v46 =	vadd.f32 $6.666666860e-01, v53  }
0x11a: {  	v41 =	vadd.f32 v41, v0;
	v53 =	vand.u32 $0x7FFFFFFF, v56;
	(erf) = vpow2.f32 v58  }
0x11b: {  	v42 =	vmul.f32 v50, v42;
	v58 =	vand.u32 $0x7FFFFFFF, v54;
	(erf) = vpow2.f32 v57  }
0x11c: {  	v47 =	vadd.f32 $2.000000000e+00, v47;
	v50 =	vsub.f32 $0.0e+00, v58;
	v55 =	vpop (erf);
	(erf) = vpow2.f32 v52;
	[tilespmem:v10+s25+$0x0] =	vst.idx.msk $0xffff, v41  }
0x11d: {  	v46 =	vmul.f32 v46, v48;
	v41 =	vadd.f32 $2.000000000e+00, v55;
	v52 =	vpop (erf);
	(erf) = vpow2.f32 v60;
	[tilespmem:v9+s25+$0x0] =	vst.idx.msk $0xffff, v39  }
0x11e: {  	v45 =	vmul.f32 v51, v45;
	v10 =	vmovc v28;
	v48 =	vmul.f32 $1.442695020e+00, v50;
	v9 =	vmovc v27;
	v39 =	vadd.f32 $2.000000000e+00, v52  }
0x11f: {  	v28 =	vadd.f32 $2.000000000e+00, v46;
	v27 =	vsub.f32 v32, v44;
	(erf) = vrcp.f32 v41  }
0x120: {  	v32 =	vsub.f32 $0.0e+00, v53;
	v41 =	vmul.f32 v49, v38;
	(erf) = vrcp.f32 v39  }
0x121: {  	v34 =	vmul.f32 v47, v34;
	v39 =	vadd.f32 $2.000000000e+00, v45;
	(erf) = vpow2.f32 v48  }
0x122: {  	v32 =	vmul.f32 $1.442695020e+00, v32;
	v27 =	vadd.f32 v27, v0;
	v30 =	vsub.f32 v30, v41  }
0x123: {  	v29 =	vsub.f32 v29, v34;
	v28 =	vmul.f32 v28, v43;
	v34 =	vmul.f32 v39, v40;
	v38 =	vpop (erf)  }
0x124: {  	v24 =	vsub.f32 v24, v42;
	v39 =	vadd.f32 $2.000000000e+00, v38;
	v40 =	vpop (erf);
	(erf) = vpow2.f32 v32  }
0x125: {  	v17 =	vmin.f32 v17, $0.0e+00;
	v30 =	vadd.f32 v30, v0;
	v32 =	vadd.f32 $2.000000000e+00, v40;
	v43 =	vpop (erf)  }
0x126: {  	v28 =	vsub.f32 v17, v28;
	v41 =	vadd.f32 $2.000000000e+00, v43;
	v45 =	vpop (erf);
	(erf) = vrcp.f32 v39  }
0x127: {  	(erf) = vrcp.f32 v32;
	v32 =	vadd.f32 v24, v0;
	v24 =	vsub.f32 v25, v34;
	[tilespmem:v14+s25+$0x0] =	vst.idx.msk $0xffff, v30  }
0x128: {  	v29 =	vadd.f32 v29, v0;
	v30 =	vadd.f32 $2.000000000e+00, v45;
	v25 =	vpop (erf);
	(erf) = vrcp.f32 v41;
	[tilespmem:v13+s25+$0x0] =	vst.idx.msk $0xffff, v27  }
0x129: {  	v17 =	vmov v56;
	v39 =	vmul.f32 v25, v55;
	v13 =	vpop (erf);
	v25 =	vadd.f32 v24, v0;
	[tilespmem:v12+s25+$0x0] =	vst.idx.msk $0xffff, v32  }
0x12a: {  	v12 =	vadd.f32 v28, v0;
	v47 =	vmul.f32 v13, v52;
	(erf) = vrcp.f32 v30;
	v48 =	vpop (erf);
	[tilespmem:v11+s25+$0x0] =	vst.idx.msk $0xffff, v29  }
0x12b: {  	v14 =	vmovc v19;
	v24 =	vmin.f32 v37, $0.0e+00;
	v27 =	vmul.f32 v39, v39;
	v28 =	vadd.f32 $2.000000000e+00, v48;
	[tilespmem:v16+s25+$0x0] =	vst.idx.msk $0xffff, v25  }
0x12c: {  	v30 =	vmin.f32 v35, $0.0e+00;
	v29 =	vmin.f32 v36, $0.0e+00;
	v13 =	vmovc v18;
	v16 =	vmul.f32 v47, v47;
	[tilespmem:v15+s25+$0x0] =	vst.idx.msk $0xffff, v12  }
0x12d: {  	v32 =	vmin.f32 v33, $0.0e+00;
	v15 =	vmul.f32 $4.000000060e-01, v27;
	(erf) = vrcp.f32 v28;
	v33 =	vpop (erf)  }
0x12e: {  	v11 =	vmovc v21;
	v25 =	vmin.f32 v54, $0.0e+00;
	v12 =	vmovc v20;
	v18 =	vmul.f32 $4.000000060e-01, v16;
	v19 =	vadd.f32 $2.000000000e+00, v33  }
0x12f: {  	v41 =	vmin.f32 v26, $0.0e+00;
	v21 =	vmin.f32 v31, $0.0e+00;
	v28 =	vadd.f32 $6.666666860e-01, v15;
	v20 =	vpop (erf)  }
0x130: {  	v18 =	vadd.f32 $6.666666860e-01, v18;
	v34 =	vmul.f32 v20, v38;
	v20 =	vpop (erf);
	(erf) = vrcp.f32 v19  }
0x131: {  	v31 =	vmov s4;
	v26 =	vmul.f32 v28, v27;
	v42 =	vmul.f32 v20, v40;
	v20 =	vpop (erf)  }
0x132: {  	v27 =	vshll.u32 v31, $0x9;
	v28 =	vshll.u32 v31, $0x7;
	v15 =	vmovc v22;
	v18 =	vmul.f32 v18, v16;
	v16 =	vmovc v23  }
0x133: {  	v22 =	vand.u32 $0x7000, v27;
	v36 =	vand.u32 $0x380, v28;
	v44 =	vmul.f32 v20, v43;
	v19 =	vpop (erf)  }
0x134: {  	v20 =	vadd.s32 v1, v22;
	v31 =	vadd.s32 v2, v22;
	v38 =	vmul.f32 v19, v45  }
0x135: {  	v28 =	vor.u32 v36, v20;
	v27 =	vor.u32 v36, v31;
	v46 =	vmul.f32 v44, v44  }
0x136: {  	v19 =	vadd.s32 v3, v22;
	v20 =	vadd.f32 $2.000000000e+00, v18;
	v51 =	vmul.f32 v38, v38;
	v23 =	vpop (erf)  }
0x137: {  	v50 =	vmul.f32 v42, v42;
	v18 =	vadd.s32 v6, v22;
	v19 =	vor.u32 v36, v19  }
0x138: {  	v18 =	vor.u32 v36, v18;
	v31 =	vmul.f32 v20, v47;
	v40 =	vmul.f32 v23, v48  }
0x139: {  	v20 =	vadd.s32 v5, v22;
	v47 =	vmul.f32 v34, v34;
	v23 =	vadd.f32 $2.000000000e+00, v26;
	v35 =	vpop (erf)  }
0x13a: {  	v20 =	vor.u32 v36, v20;
	v37 =	vsub.f32 v21, v31;
	v45 =	vmul.f32 v40, v40;
	v26 =	vld.idx.msk [tilespmem:v28+s25+$0x0], $0xffff  }
0x13b: {  	v49 =	vmul.f32 $4.000000060e-01, v50;
	v21 =	vadd.s32 v4, v22;
	v43 =	vmul.f32 v35, v33;
	v31 =	vld.idx.msk [tilespmem:v27+s25+$0x0], $0xffff  }
0x13c: {  	v21 =	vor.u32 v36, v21;
	v52 =	vmul.f32 v23, v39;
	v39 =	vadd.f32 v37, v0;
	v35 =	vld.idx.msk [tilespmem:v19+s25+$0x0], $0xffff  }
.Ltmp1:
0x13d: {  	v23 =	vadd.s32 v7, v22;
	v22 =	vadd.s32 v8, v22;
	v48 =	vmul.f32 v43, v43;
	v33 =	vld.idx.msk [tilespmem:v18+s25+$0x0], $0xffff;
	(pc) =	sbr.rel @p0 .LBB2_4-.Ltmp1, $4  }
0x13e: {  	v58 =	vmul.f32 $4.000000060e-01, v46;
	v54 =	vadd.f32 $6.666666860e-01, v49;
	v55 =	vmul.f32 $4.000000060e-01, v47  }
0x13f: {  	v23 =	vor.u32 v36, v23;
	v22 =	vor.u32 v36, v22;
	v56 =	vmul.f32 $4.000000060e-01, v45;
	v37 =	vld.idx.msk [tilespmem:v20+s25+$0x0], $0xffff  }
0x140: {  	v57 =	vmul.f32 $4.000000060e-01, v51;
	v53 =	vmul.f32 $4.000000060e-01, v48;
	v49 =	vand.u32 $0x7FFFFFFF, v26  }
0x141: {  	v58 =	vadd.f32 $6.666666860e-01, v58;
	v49 =	vsub.f32 $0.0e+00, v49;
	v59 =	vand.u32 $0x7FFFFFFF, v31;
	v36 =	vld.idx.msk [tilespmem:v21+s25+$0x0], $0xffff  }
0x142: {  	_ = 	snop  }
0x143: {  	v59 =	vsub.f32 $0.0e+00, v59;
	v49 =	vmul.f32 $1.442695020e+00, v49;
	_ =	sdelay $0x1  }
0x144: {  	v59 =	vmul.f32 $1.442695020e+00, v59;
	(erf) = vpow2.f32 v49  }
0x145: {  	v61 =	vand.u32 $0x7FFFFFFF, v33  }
0x146: {  	(erf) = vpow2.f32 v59;
	v60 =	vand.u32 $0x7FFFFFFF, v36;
	v59 =	vand.u32 $0x7FFFFFFF, v37  }
0x147: {  	v62 =	vand.u32 $0x7FFFFFFF, v35;
	v60 =	vsub.f32 $0.0e+00, v60;
	v59 =	vsub.f32 $0.0e+00, v59  }
0x148: {  	v57 =	vadd.f32 $6.666666860e-01, v57;
	v50 =	vmul.f32 v54, v50;
	v55 =	vadd.f32 $6.666666860e-01, v55  }
0x149: {  	v62 =	vsub.f32 $0.0e+00, v62;
	v49 =	vld.idx.msk [tilespmem:v23+s25+$0x0], $0xffff;
	v60 =	vmul.f32 $1.442695020e+00, v60;
	v59 =	vmul.f32 $1.442695020e+00, v59  }
0x14a: {  	v56 =	vadd.f32 $6.666666860e-01, v56;
	v61 =	vsub.f32 $0.0e+00, v61;
	v58 =	vmul.f32 v58, v46  }
0x14b: {  	v41 =	vsub.f32 v41, v52;
	v46 =	vld.idx.msk [tilespmem:v22+s25+$0x0], $0xffff;
	(erf) = vpow2.f32 v60;
	v60 =	vmul.f32 $1.442695020e+00, v62  }
0x14c: {  	v63 =	vadd.f32 $6.666666860e-01, v53;
	v17 =	vmin.f32 v17, $0.0e+00;
	v61 =	vmul.f32 $1.442695020e+00, v61  }
0x14d: {  	v51 =	vmul.f32 v57, v51;
	v50 =	vadd.f32 $2.000000000e+00, v50;
	(erf) = vpow2.f32 v59;
	v59 =	vpop (erf)  }
0x14e: {  	v62 =	vand.u32 $0x7FFFFFFF, v49;
	(erf) = vpow2.f32 v61;
	v61 =	vadd.f32 $2.000000000e+00, v59  }
0x14f: {  	v58 =	vadd.f32 $2.000000000e+00, v58;
	v57 =	vsub.f32 $0.0e+00, v62;
	(erf) = vpow2.f32 v60;
	v60 =	vpop (erf)  }
0x150: {  	v62 =	vand.u32 $0x7FFFFFFF, v46;
	(erf) = vrcp.f32 v61;
	v61 =	vadd.f32 $2.000000000e+00, v60  }
0x151: {  	v47 =	vmul.f32 v55, v47;
	v54 =	vsub.f32 $0.0e+00, v62;
	v57 =	vmul.f32 $1.442695020e+00, v57  }
0x152: {  	v35 =	vmin.f32 v35, $0.0e+00;
	v44 =	vmul.f32 v58, v44;
	(erf) = vrcp.f32 v61  }
0x153: {  	v33 =	vmin.f32 v33, $0.0e+00;
	(erf) = vpow2.f32 v57;
	v57 =	vmul.f32 $1.442695020e+00, v54  }
0x154: {  	v41 =	vadd.f32 v41, v0;
	v48 =	vmul.f32 v63, v48;
	v51 =	vadd.f32 $2.000000000e+00, v51  }
0x155: {  	v42 =	vmul.f32 v50, v42;
	v47 =	vadd.f32 $2.000000000e+00, v47;
	v50 =	vpop (erf);
	(erf) = vpow2.f32 v57  }
0x156: {  	v31 =	vmin.f32 v31, $0.0e+00;
	v32 =	vsub.f32 v32, v44;
	v44 =	vpop (erf);
	v58 =	vadd.f32 $2.000000000e+00, v50  }
0x157: {  	v45 =	vmul.f32 v56, v45;
	v48 =	vadd.f32 $2.000000000e+00, v48;
	v61 =	vadd.f32 $2.000000000e+00, v44;
	v53 =	vpop (erf)  }
0x158: {  	v38 =	vmul.f32 v51, v38;
	(erf) = vrcp.f32 v58;
	v62 =	vadd.f32 $2.000000000e+00, v53  }
0x159: {  	v45 =	vadd.f32 $2.000000000e+00, v45;
	v34 =	vmul.f32 v47, v34;
	v51 =	vpop (erf);
	(erf) = vrcp.f32 v61  }
0x15a: {  	v43 =	vmul.f32 v48, v43;
	v56 =	vadd.f32 $2.000000000e+00, v51;
	v63 =	vpop (erf);
	(erf) = vrcp.f32 v62  }
0x15b: {  	v40 =	vmul.f32 v45, v40;
	v24 =	vsub.f32 v24, v42;
	v45 =	vmul.f32 v63, v59  }
0x15c: {  	v30 =	vsub.f32 v30, v38;
	v29 =	vsub.f32 v29, v34;
	v57 =	vpop (erf);
	(erf) = vrcp.f32 v56  }
0x15d: {  	v25 =	vsub.f32 v25, v40;
	v34 =	vpop (erf);
	v42 =	vmul.f32 v57, v60;
	v40 =	vmul.f32 v45, v45  }
0x15e: {  	v26 =	vmin.f32 v26, $0.0e+00;
	v17 =	vsub.f32 v17, v43;
	v58 =	vadd.f32 $2.000000000e+00, v34;
	v43 =	vpop (erf)  }
0x15f: {  	v38 =	vmul.f32 v42, v42;
	v62 =	vmul.f32 $4.000000060e-01, v40;
	v60 =	vadd.f32 $2.000000000e+00, v43  }
0x160: {  	v24 =	vadd.f32 v24, v0;
	v32 =	vadd.f32 v32, v0;
	(erf) = vrcp.f32 v58  }
0x161: {  	v63 =	vpop (erf);
	v61 =	vmul.f32 $4.000000060e-01, v38;
	v52 =	vadd.f32 $6.666666860e-01, v62;
	(erf) = vrcp.f32 v60  }
0x162: {  	v37 =	vmin.f32 v37, $0.0e+00;
	[tilespmem:v10+s25+$0x0] =	vst.idx.msk $0xffff, v41;
	v30 =	vadd.f32 v30, v0;
	v29 =	vadd.f32 v29, v0;
	v58 =	vpop (erf)  }
0x163: {  	[tilespmem:v9+s25+$0x0] =	vst.idx.msk $0xffff, v39;
	v25 =	vadd.f32 v25, v0;
	v57 =	vadd.f32 $6.666666860e-01, v61;
	v59 =	vpop (erf);
	v40 =	vmul.f32 v52, v40  }
0x164: {  	v17 =	vadd.f32 v17, v0;
	v50 =	vmul.f32 v63, v50;
	v47 =	vmul.f32 v59, v53  }
0x165: {  	[tilespmem:v14+s25+$0x0] =	vst.idx.msk $0xffff, v30;
	v44 =	vmul.f32 v58, v44;
	v38 =	vmul.f32 v57, v38;
	v60 =	vpop (erf);
	v40 =	vadd.f32 $2.000000000e+00, v40  }
0x166: {  	v36 =	vmin.f32 v36, $0.0e+00;
	[tilespmem:v13+s25+$0x0] =	vst.idx.msk $0xffff, v32;
	v51 =	vmul.f32 v60, v51;
	v48 =	vmul.f32 v47, v47  }
0x167: {  	[tilespmem:v12+s25+$0x0] =	vst.idx.msk $0xffff, v24;
	v52 =	vmul.f32 v44, v44;
	v38 =	vadd.f32 $2.000000000e+00, v38;
	v10 =	vmul.f32 v40, v45  }
0x168: {  	[tilespmem:v11+s25+$0x0] =	vst.idx.msk $0xffff, v29;
	v11 =	vmin.f32 v49, $0.0e+00;
	v53 =	vmul.f32 v51, v51;
	v63 =	vmul.f32 $4.000000060e-01, v48  }
0x169: {  	v61 =	vpop (erf);
	v38 =	vmul.f32 v38, v42;
	v42 =	vmul.f32 v50, v50;
	v10 =	vsub.f32 v26, v10  }
0x16a: {  	v34 =	vmul.f32 v61, v34;
	v60 =	vmul.f32 $4.000000060e-01, v53;
	v61 =	vadd.f32 $6.666666860e-01, v63;
	v62 =	vpop (erf)  }
0x16b: {  	v31 =	vsub.f32 v31, v38;
	v38 =	vmul.f32 $4.000000060e-01, v52;
	v43 =	vmul.f32 v62, v43  }
0x16c: {  	v54 =	vmul.f32 v34, v34;
	v62 =	vmul.f32 $4.000000060e-01, v42;
	v63 =	vadd.f32 $6.666666860e-01, v60  }
0x16d: {  	v10 =	vadd.f32 v10, v0;
	v45 =	vmul.f32 v61, v48;
	v9 =	vmul.f32 v43, v43  }
0x16e: {  	v14 =	vadd.f32 $6.666666860e-01, v38;
	v30 =	vmul.f32 $4.000000060e-01, v54;
	v53 =	vmul.f32 v63, v53  }
0x16f: {  	v31 =	vadd.f32 v31, v0;
	v48 =	vadd.f32 $6.666666860e-01, v62;
	v13 =	vmul.f32 $4.000000060e-01, v9  }
0x170: {  	v14 =	vmul.f32 v14, v52;
	v12 =	vadd.f32 $6.666666860e-01, v30;
	v29 =	vadd.f32 $2.000000000e+00, v53  }
0x171: {  	[tilespmem:v16+s25+$0x0] =	vst.idx.msk $0xffff, v25;
	v24 =	vadd.f32 $2.000000000e+00, v45;
	v16 =	vmul.f32 v48, v42;
	v13 =	vadd.f32 $6.666666860e-01, v13  }
0x172: {  	v14 =	vadd.f32 $2.000000000e+00, v14;
	v12 =	vmul.f32 v12, v54;
	v25 =	vmul.f32 v29, v51  }
0x173: {  	[tilespmem:v15+s25+$0x0] =	vst.idx.msk $0xffff, v17;
	v15 =	vmul.f32 v24, v47;
	v16 =	vadd.f32 $2.000000000e+00, v16;
	v9 =	vmul.f32 v13, v9  }
0x174: {  	[tilespmem:v28+s25+$0x0] =	vst.idx.msk $0xffff, v10;
	v13 =	vmul.f32 v14, v44;
	v10 =	vadd.f32 $2.000000000e+00, v12;
	v12 =	vsub.f32 v35, v25  }
0x175: {  	[tilespmem:v27+s25+$0x0] =	vst.idx.msk $0xffff, v31;
	v14 =	vsub.f32 v33, v15;
	v15 =	vmul.f32 v16, v50;
	v9 =	vadd.f32 $2.000000000e+00, v9  }
0x176: {  	v10 =	vmul.f32 v10, v34;
	v13 =	vsub.f32 v37, v13;
	v12 =	vadd.f32 v12, v0  }
0x177: {  	v14 =	vadd.f32 v14, v0;
	v15 =	vsub.f32 v36, v15;
	v9 =	vmul.f32 v9, v43  }
0x178: {  	v16 =	vmin.f32 v46, $0.0e+00;
	v13 =	vadd.f32 v13, v0;
	v10 =	vsub.f32 v11, v10;
	[tilespmem:v19+s25+$0x0] =	vst.idx.msk $0xffff, v12  }
0x179: {  	v11 =	vadd.f32 v15, v0;
	[tilespmem:v18+s25+$0x0] =	vst.idx.msk $0xffff, v14;
	v9 =	vsub.f32 v16, v9  }
0x17a: {  	v10 =	vadd.f32 v10, v0;
	[tilespmem:v20+s25+$0x0] =	vst.idx.msk $0xffff, v13  }
0x17b: {  	[tilespmem:v21+s25+$0x0] =	vst.idx.msk $0xffff, v11;
	v9 =	vadd.f32 v9, v0  }
0x17c: {  	s4 =	simm.s32 $0x0;
	[tilespmem:v23+s25+$0x0] =	vst.idx.msk $0xffff, v10  }
0x17d: {  	[tilespmem:v22+s25+$0x0] =	vst.idx.msk $0xffff, v9;
	v9 =	vmov s4  }
0x17e: {  	[hbm4b:s9+s4] =	stream.linear.scatter [tilespmem:s25], [sflag:$0x5], $0x8000, $0x38;
	v10 =	vshll.u32 v9, $0x9;
	[tilespmem:$0x18100] =	vst v63  }
0x17f: {  	v9 =	vshll.u32 v9, $0x7;
	_ =	swait.ge [sflag:s30], $0x8000;
	v15 =	vand.u32 $0x7000, v10  }
0x180: {  	v17 =	vand.u32 $0x380, v9;
	[sflag:s30] =	ssyncset.done $0x0;
	v9 =	vadd.s32 v1, v15  }
0x181: {  	v11 =	vadd.s32 v2, v15;
	[sflag:s30] =	ssyncadd.s32 $0xFFFF8000;
	v10 =	vor.u32 v17, v9  }
0x182: {  	v9 =	vor.u32 v17, v11;
	[tilespmem:s24], [sflag:$0x1] =	stream.linear.gather [hbm4b:s10+s4], $0x8000, $0x38;
	[tilespmem:$0x18100] =	vst v63  }
0x183: {  	_ =	swait.ge [sflag:s31], $0x8000  }
0x184: {  	[sflag:s31] =	ssyncset.done $0x0  }
0x185: {  	[sflag:s31] =	ssyncadd.s32 $0xFFFF8000  }
0x186: {  	v11 =	vadd.s32 v4, v15;
	v18 =	vld.idx.msk [tilespmem:v10+s28+$0x0], $0xffff  }
0x187: {  	v12 =	vadd.s32 v5, v15;
	v11 =	vor.u32 v17, v11;
	v19 =	vld.idx.msk [tilespmem:v9+s28+$0x0], $0xffff  }
0x188: {  	v13 =	vadd.s32 v6, v15;
	v12 =	vor.u32 v17, v12  }
0x189: {  	v14 =	vadd.s32 v3, v15;
	v13 =	vor.u32 v17, v13  }
0x18a: {  	v14 =	vor.u32 v17, v14  }
0x18b: {  	v16 =	vand.u32 $0x7FFFFFFF, v18  }
0x18c: {  	v21 =	vld.idx.msk [tilespmem:v11+s28+$0x0], $0xffff;
	v20 =	vand.u32 $0x7FFFFFFF, v19;
	v16 =	vsub.f32 $0.0e+00, v16  }
0x18d: {  	v22 =	vadd.s32 v7, v15;
	v23 =	vld.idx.msk [tilespmem:v12+s28+$0x0], $0xffff;
	v20 =	vsub.f32 $0.0e+00, v20  }
0x18e: {  	v24 =	vmul.f32 $1.442695020e+00, v16;
	v16 =	vor.u32 v17, v22;
	v22 =	vld.idx.msk [tilespmem:v13+s28+$0x0], $0xffff  }
0x18f: {  	v25 =	vld.idx.msk [tilespmem:v14+s28+$0x0], $0xffff;
	v20 =	vmul.f32 $1.442695020e+00, v20  }
0x190: {  	v15 =	vadd.s32 v8, v15;
	(erf) = vpow2.f32 v24  }
0x191: {  	v15 =	vor.u32 v17, v15;
	v17 =	vand.u32 $0x7FFFFFFF, v21;
	(erf) = vpow2.f32 v20  }
0x192: {  	v17 =	vsub.f32 $0.0e+00, v17;
	v20 =	vand.u32 $0x7FFFFFFF, v23  }
0x193: {  	v20 =	vsub.f32 $0.0e+00, v20;
	v26 =	vld.idx.msk [tilespmem:v16+s28+$0x0], $0xffff;
	v24 =	vand.u32 $0x7FFFFFFF, v22  }
0x194: {  	v27 =	vmul.f32 $1.442695020e+00, v17;
	v17 =	vand.u32 $0x7FFFFFFF, v25;
	v24 =	vsub.f32 $0.0e+00, v24  }
0x195: {  	v28 =	vsub.f32 $0.0e+00, v17;
	v20 =	vmul.f32 $1.442695020e+00, v20  }
0x196: {  	(erf) = vpow2.f32 v27;
	v24 =	vmul.f32 $1.442695020e+00, v24  }
0x197: {  	v17 =	vld.idx.msk [tilespmem:v15+s28+$0x0], $0xffff;
	(erf) = vpow2.f32 v20  }
0x198: {  	v20 =	vmul.f32 $1.442695020e+00, v28;
	v27 =	vand.u32 $0x7FFFFFFF, v26;
	(erf) = vpow2.f32 v24  }
0x199: {  	v28 =	vpop (erf);
	v27 =	vsub.f32 $0.0e+00, v27  }
0x19a: {  	(erf) = vpow2.f32 v20;
	v24 =	vadd.f32 $2.000000000e+00, v28;
	v29 =	vpop (erf)  }
0x19b: {  	v20 =	vadd.f32 $2.000000000e+00, v29;
	v27 =	vmul.f32 $1.442695020e+00, v27  }
0x19c: {  	v30 =	vand.u32 $0x7FFFFFFF, v17;
	(erf) = vrcp.f32 v24  }
0x19d: {  	v24 =	vsub.f32 $0.0e+00, v30;
	(erf) = vrcp.f32 v20;
	_ =	sdelay $0x1  }
0x19e: {  	(erf) = vpow2.f32 v27;
	v20 =	vmul.f32 $1.442695020e+00, v24;
	v27 =	vpop (erf)  }
0x19f: {  	v24 =	vadd.f32 $2.000000000e+00, v27;
	v31 =	vpop (erf)  }
0x1a0: {  	(erf) = vpow2.f32 v20;
	v55 =	vpop (erf)  }
0x1a1: {  	v20 =	vadd.f32 $2.000000000e+00, v31;
	(erf) = vrcp.f32 v24;
	v24 =	vadd.f32 $2.000000000e+00, v55  }
0x1a2: {  	v56 =	vpop (erf)  }
0x1a3: {  	(erf) = vrcp.f32 v20;
	v20 =	vadd.f32 $2.000000000e+00, v56  }
0x1a4: {  	(erf) = vrcp.f32 v24;
	v30 =	vpop (erf)  }
0x1a5: {  	v57 =	vmul.f32 v30, v28;
	v24 =	vpop (erf)  }
0x1a6: {  	(erf) = vrcp.f32 v20;
	v59 =	vmul.f32 v24, v29  }
0x1a7: {  	v32 =	vmin.f32 v22, $0.0e+00;
	v30 =	vmin.f32 v25, $0.0e+00;
	v20 =	vpop (erf);
	v28 =	vmul.f32 v57, v57  }
0x1a8: {  	v24 =	vmin.f32 v23, $0.0e+00;
	v23 =	vadd.f32 $2.000000000e+00, v20;
	v60 =	vmul.f32 v59, v59  }
0x1a9: {  	v25 =	vmin.f32 v26, $0.0e+00;
	v29 =	vmin.f32 v21, $0.0e+00;
	v22 =	vpop (erf);
	v21 =	vmul.f32 $4.000000060e-01, v28  }
0x1aa: {  	(erf) = vrcp.f32 v23;
	v26 =	vadd.f32 $2.000000000e+00, v22;
	v23 =	vmul.f32 $4.000000060e-01, v60  }
0x1ab: {  	v41 =	vmin.f32 v18, $0.0e+00;
	v61 =	vmin.f32 v19, $0.0e+00;
	v18 =	vpop (erf);
	v21 =	vadd.f32 $6.666666860e-01, v21  }
0x1ac: {  	s23 =	simm.s32 $0x1;
	v34 =	vmul.f32 v18, v27;
	v18 =	vpop (erf);
	(erf) = vrcp.f32 v26;
	v19 =	vadd.f32 $6.666666860e-01, v23  }
0x1ad: {  	v23 =	vmov s23;
	v42 =	vmul.f32 v18, v31;
	v18 =	vpop (erf);
	v21 =	vmul.f32 v21, v28  }
0x1ae: {  	v26 =	vshll.u32 v23, $0x9;
	v23 =	vshll.u32 v23, $0x7;
	v44 =	vmul.f32 v18, v55  }
0x1af: {  	v18 =	vpop (erf);
	v47 =	vmul.f32 v34, v34;
	v19 =	vmul.f32 v19, v60;
	v62 =	vand.u32 $0x7000, v26  }
0x1b0: {  	v63 =	vand.u32 $0x380, v23;
	v38 =	vmul.f32 v18, v56;
	v50 =	vmul.f32 v42, v42  }
0x1b1: {  	v23 =	vadd.s32 v1, v62;
	v26 =	vadd.s32 v2, v62;
	v46 =	vmul.f32 v44, v44  }
0x1b2: {  	v18 =	vadd.s32 v3, v62;
	v58 =	vadd.f32 $2.000000000e+00, v21;
	v28 =	vor.u32 v63, v23  }
0x1b3: {  	v55 =	vmul.f32 $4.000000060e-01, v47;
	v27 =	vor.u32 v63, v26;
	v23 =	vadd.f32 $2.000000000e+00, v19  }
0x1b4: {  	v51 =	vmul.f32 v38, v38;
	v19 =	vor.u32 v63, v18;
	v18 =	vadd.s32 v6, v62  }
0x1b5: {  	v60 =	vmul.f32 $4.000000060e-01, v50;
	v18 =	vor.u32 v63, v18;
	v52 =	vmul.f32 v58, v57;
	v26 =	vpop (erf)  }
0x1b6: {  	v23 =	vmul.f32 v23, v59;
	v40 =	vmul.f32 v26, v20;
	v20 =	vadd.s32 v5, v62  }
0x1b7: {  	v59 =	vadd.s32 v4, v62;
	v54 =	vadd.f32 $6.666666860e-01, v60;
	v21 =	vpop (erf);
	v20 =	vor.u32 v63, v20;
	v26 =	vld.idx.msk [tilespmem:v28+s28+$0x0], $0xffff  }
0x1b8: {  	v23 =	vsub.f32 v61, v23;
	v43 =	vmul.f32 v21, v22;
	v31 =	vld.idx.msk [tilespmem:v27+s28+$0x0], $0xffff;
	v21 =	vor.u32 v63, v59  }
0x1b9: {  	v57 =	vmul.f32 $4.000000060e-01, v51;
	v61 =	vadd.s32 v8, v62;
	v45 =	vmul.f32 v40, v40;
	v35 =	vld.idx.msk [tilespmem:v19+s28+$0x0], $0xffff  }
0x1ba: {  	v22 =	vadd.s32 v7, v62;
	v62 =	vmul.f32 $4.000000060e-01, v46;
	v39 =	vadd.f32 v23, v0  }
0x1bb: {  	v33 =	vld.idx.msk [tilespmem:v18+s28+$0x0], $0xffff;
	v23 =	vor.u32 v63, v22;
	v22 =	vor.u32 v63, v61;
	v48 =	vmul.f32 v43, v43  }
0x1bc: {  	v56 =	vmul.f32 $4.000000060e-01, v45;
	v58 =	vadd.f32 $6.666666860e-01, v62;
	v37 =	vld.idx.msk [tilespmem:v20+s28+$0x0], $0xffff;
	v63 =	vand.u32 $0x7FFFFFFF, v26  }
0x1bd: {  	s23 =	simm.s32 $0x2;
	v53 =	vmul.f32 $4.000000060e-01, v48;
	v36 =	vld.idx.msk [tilespmem:v21+s28+$0x0], $0xffff;
	v59 =	vand.u32 $0x7FFFFFFF, v31;
	v49 =	vsub.f32 $0.0e+00, v63  }
.LBB2_6:
0x1be: {  	p0 =	sne.s32 s23, $0x3F;
	v59 =	vsub.f32 $0.0e+00, v59;
	v60 =	vand.u32 $0x7FFFFFFF, v35;
	v57 =	vadd.f32 $6.666666860e-01, v57;
	s4 =	smov.u32 s23;
	s23 =	sadd.s32 $0x1, s23  }
0x1bf: {  	v49 =	vmul.f32 $1.442695020e+00, v49;
	v60 =	vsub.f32 $0.0e+00, v60;
	v46 =	vmul.f32 v58, v46  }
0x1c0: {  	v55 =	vadd.f32 $6.666666860e-01, v55;
	v58 =	vmul.f32 $1.442695020e+00, v59;
	v59 =	vand.u32 $0x7FFFFFFF, v33  }
0x1c1: {  	(erf) = vpow2.f32 v49;
	v49 =	vmul.f32 v57, v51;
	v51 =	vadd.f32 $6.666666860e-01, v56  }
0x1c2: {  	v50 =	vmul.f32 v54, v50;
	v57 =	vand.u32 $0x7FFFFFFF, v37;
	v56 =	vld.idx.msk [tilespmem:v22+s28+$0x0], $0xffff;
	(erf) = vpow2.f32 v58  }
0x1c3: {  	v46 =	vadd.f32 $2.000000000e+00, v46;
	v57 =	vsub.f32 $0.0e+00, v57;
	v58 =	vand.u32 $0x7FFFFFFF, v36;
	v54 =	vld.idx.msk [tilespmem:v23+s28+$0x0], $0xffff  }
0x1c4: {  	v50 =	vadd.f32 $2.000000000e+00, v50;
	v60 =	vmul.f32 $1.442695020e+00, v60;
	v58 =	vsub.f32 $0.0e+00, v58  }
0x1c5: {  	v59 =	vsub.f32 $0.0e+00, v59;
	v49 =	vadd.f32 $2.000000000e+00, v49;
	v57 =	vmul.f32 $1.442695020e+00, v57  }
0x1c6: {  	v41 =	vsub.f32 v41, v52;
	v47 =	vmul.f32 v55, v47;
	v58 =	vmul.f32 $1.442695020e+00, v58  }
0x1c7: {  	v52 =	vmul.f32 $1.442695020e+00, v59;
	v44 =	vmul.f32 v46, v44;
	v46 =	vadd.f32 $6.666666860e-01, v53  }
0x1c8: {  	v41 =	vadd.f32 v41, v0;
	v53 =	vand.u32 $0x7FFFFFFF, v56;
	(erf) = vpow2.f32 v58  }
0x1c9: {  	v42 =	vmul.f32 v50, v42;
	v58 =	vand.u32 $0x7FFFFFFF, v54;
	(erf) = vpow2.f32 v57  }
0x1ca: {  	v47 =	vadd.f32 $2.000000000e+00, v47;
	v50 =	vsub.f32 $0.0e+00, v58;
	v55 =	vpop (erf);
	(erf) = vpow2.f32 v52;
	[tilespmem:v10+s28+$0x0] =	vst.idx.msk $0xffff, v41  }
0x1cb: {  	v46 =	vmul.f32 v46, v48;
	v41 =	vadd.f32 $2.000000000e+00, v55;
	v52 =	vpop (erf);
	(erf) = vpow2.f32 v60;
	[tilespmem:v9+s28+$0x0] =	vst.idx.msk $0xffff, v39  }
0x1cc: {  	v45 =	vmul.f32 v51, v45;
	v10 =	vmovc v28;
	v48 =	vmul.f32 $1.442695020e+00, v50;
	v9 =	vmovc v27;
	v39 =	vadd.f32 $2.000000000e+00, v52  }
0x1cd: {  	v28 =	vadd.f32 $2.000000000e+00, v46;
	v27 =	vsub.f32 v32, v44;
	(erf) = vrcp.f32 v41  }
0x1ce: {  	v32 =	vsub.f32 $0.0e+00, v53;
	v41 =	vmul.f32 v49, v38;
	(erf) = vrcp.f32 v39  }
0x1cf: {  	v34 =	vmul.f32 v47, v34;
	v39 =	vadd.f32 $2.000000000e+00, v45;
	(erf) = vpow2.f32 v48  }
0x1d0: {  	v32 =	vmul.f32 $1.442695020e+00, v32;
	v27 =	vadd.f32 v27, v0;
	v30 =	vsub.f32 v30, v41  }
0x1d1: {  	v29 =	vsub.f32 v29, v34;
	v28 =	vmul.f32 v28, v43;
	v34 =	vmul.f32 v39, v40;
	v38 =	vpop (erf)  }
0x1d2: {  	v24 =	vsub.f32 v24, v42;
	v39 =	vadd.f32 $2.000000000e+00, v38;
	v40 =	vpop (erf);
	(erf) = vpow2.f32 v32  }
0x1d3: {  	v17 =	vmin.f32 v17, $0.0e+00;
	v30 =	vadd.f32 v30, v0;
	v32 =	vadd.f32 $2.000000000e+00, v40;
	v43 =	vpop (erf)  }
0x1d4: {  	v28 =	vsub.f32 v17, v28;
	v41 =	vadd.f32 $2.000000000e+00, v43;
	v45 =	vpop (erf);
	(erf) = vrcp.f32 v39  }
0x1d5: {  	(erf) = vrcp.f32 v32;
	v32 =	vadd.f32 v24, v0;
	v24 =	vsub.f32 v25, v34;
	[tilespmem:v14+s28+$0x0] =	vst.idx.msk $0xffff, v30  }
0x1d6: {  	v29 =	vadd.f32 v29, v0;
	v30 =	vadd.f32 $2.000000000e+00, v45;
	v25 =	vpop (erf);
	(erf) = vrcp.f32 v41;
	[tilespmem:v13+s28+$0x0] =	vst.idx.msk $0xffff, v27  }
0x1d7: {  	v17 =	vmov v56;
	v39 =	vmul.f32 v25, v55;
	v13 =	vpop (erf);
	v25 =	vadd.f32 v24, v0;
	[tilespmem:v12+s28+$0x0] =	vst.idx.msk $0xffff, v32  }
0x1d8: {  	v12 =	vadd.f32 v28, v0;
	v47 =	vmul.f32 v13, v52;
	(erf) = vrcp.f32 v30;
	v48 =	vpop (erf);
	[tilespmem:v11+s28+$0x0] =	vst.idx.msk $0xffff, v29  }
0x1d9: {  	v14 =	vmovc v19;
	v24 =	vmin.f32 v37, $0.0e+00;
	v27 =	vmul.f32 v39, v39;
	v28 =	vadd.f32 $2.000000000e+00, v48;
	[tilespmem:v16+s28+$0x0] =	vst.idx.msk $0xffff, v25  }
0x1da: {  	v30 =	vmin.f32 v35, $0.0e+00;
	v29 =	vmin.f32 v36, $0.0e+00;
	v13 =	vmovc v18;
	v16 =	vmul.f32 v47, v47;
	[tilespmem:v15+s28+$0x0] =	vst.idx.msk $0xffff, v12  }
0x1db: {  	v32 =	vmin.f32 v33, $0.0e+00;
	v15 =	vmul.f32 $4.000000060e-01, v27;
	(erf) = vrcp.f32 v28;
	v33 =	vpop (erf)  }
0x1dc: {  	v11 =	vmovc v21;
	v25 =	vmin.f32 v54, $0.0e+00;
	v12 =	vmovc v20;
	v18 =	vmul.f32 $4.000000060e-01, v16;
	v19 =	vadd.f32 $2.000000000e+00, v33  }
0x1dd: {  	v41 =	vmin.f32 v26, $0.0e+00;
	v21 =	vmin.f32 v31, $0.0e+00;
	v28 =	vadd.f32 $6.666666860e-01, v15;
	v20 =	vpop (erf)  }
0x1de: {  	v18 =	vadd.f32 $6.666666860e-01, v18;
	v34 =	vmul.f32 v20, v38;
	v20 =	vpop (erf);
	(erf) = vrcp.f32 v19  }
0x1df: {  	v31 =	vmov s4;
	v26 =	vmul.f32 v28, v27;
	v42 =	vmul.f32 v20, v40;
	v20 =	vpop (erf)  }
0x1e0: {  	v27 =	vshll.u32 v31, $0x9;
	v28 =	vshll.u32 v31, $0x7;
	v15 =	vmovc v22;
	v18 =	vmul.f32 v18, v16;
	v16 =	vmovc v23  }
0x1e1: {  	v22 =	vand.u32 $0x7000, v27;
	v36 =	vand.u32 $0x380, v28;
	v44 =	vmul.f32 v20, v43;
	v19 =	vpop (erf)  }
0x1e2: {  	v20 =	vadd.s32 v1, v22;
	v31 =	vadd.s32 v2, v22;
	v38 =	vmul.f32 v19, v45  }
0x1e3: {  	v28 =	vor.u32 v36, v20;
	v27 =	vor.u32 v36, v31;
	v46 =	vmul.f32 v44, v44  }
0x1e4: {  	v19 =	vadd.s32 v3, v22;
	v20 =	vadd.f32 $2.000000000e+00, v18;
	v51 =	vmul.f32 v38, v38;
	v23 =	vpop (erf)  }
0x1e5: {  	v50 =	vmul.f32 v42, v42;
	v18 =	vadd.s32 v6, v22;
	v19 =	vor.u32 v36, v19  }
0x1e6: {  	v18 =	vor.u32 v36, v18;
	v31 =	vmul.f32 v20, v47;
	v40 =	vmul.f32 v23, v48  }
0x1e7: {  	v20 =	vadd.s32 v5, v22;
	v47 =	vmul.f32 v34, v34;
	v23 =	vadd.f32 $2.000000000e+00, v26;
	v35 =	vpop (erf)  }
0x1e8: {  	v20 =	vor.u32 v36, v20;
	v37 =	vsub.f32 v21, v31;
	v45 =	vmul.f32 v40, v40;
	v26 =	vld.idx.msk [tilespmem:v28+s28+$0x0], $0xffff  }
0x1e9: {  	v49 =	vmul.f32 $4.000000060e-01, v50;
	v21 =	vadd.s32 v4, v22;
	v43 =	vmul.f32 v35, v33;
	v31 =	vld.idx.msk [tilespmem:v27+s28+$0x0], $0xffff  }
0x1ea: {  	v21 =	vor.u32 v36, v21;
	v52 =	vmul.f32 v23, v39;
	v39 =	vadd.f32 v37, v0;
	v35 =	vld.idx.msk [tilespmem:v19+s28+$0x0], $0xffff  }
.Ltmp2:
0x1eb: {  	v23 =	vadd.s32 v7, v22;
	v22 =	vadd.s32 v8, v22;
	v48 =	vmul.f32 v43, v43;
	v33 =	vld.idx.msk [tilespmem:v18+s28+$0x0], $0xffff;
	(pc) =	sbr.rel @p0 .LBB2_6-.Ltmp2, $4  }
0x1ec: {  	v58 =	vmul.f32 $4.000000060e-01, v46;
	v54 =	vadd.f32 $6.666666860e-01, v49;
	v55 =	vmul.f32 $4.000000060e-01, v47  }
0x1ed: {  	v23 =	vor.u32 v36, v23;
	v22 =	vor.u32 v36, v22;
	v56 =	vmul.f32 $4.000000060e-01, v45;
	v37 =	vld.idx.msk [tilespmem:v20+s28+$0x0], $0xffff  }
0x1ee: {  	v57 =	vmul.f32 $4.000000060e-01, v51;
	v53 =	vmul.f32 $4.000000060e-01, v48;
	v49 =	vand.u32 $0x7FFFFFFF, v26  }
0x1ef: {  	v58 =	vadd.f32 $6.666666860e-01, v58;
	v49 =	vsub.f32 $0.0e+00, v49;
	v59 =	vand.u32 $0x7FFFFFFF, v31;
	v36 =	vld.idx.msk [tilespmem:v21+s28+$0x0], $0xffff  }
0x1f0: {  	_ = 	snop  }
0x1f1: {  	v59 =	vsub.f32 $0.0e+00, v59;
	v49 =	vmul.f32 $1.442695020e+00, v49;
	_ =	sdelay $0x1  }
0x1f2: {  	v59 =	vmul.f32 $1.442695020e+00, v59;
	(erf) = vpow2.f32 v49  }
0x1f3: {  	v61 =	vand.u32 $0x7FFFFFFF, v33  }
0x1f4: {  	(erf) = vpow2.f32 v59;
	v60 =	vand.u32 $0x7FFFFFFF, v36;
	v59 =	vand.u32 $0x7FFFFFFF, v37  }
0x1f5: {  	v62 =	vand.u32 $0x7FFFFFFF, v35;
	v60 =	vsub.f32 $0.0e+00, v60;
	v59 =	vsub.f32 $0.0e+00, v59  }
0x1f6: {  	v57 =	vadd.f32 $6.666666860e-01, v57;
	v50 =	vmul.f32 v54, v50;
	v55 =	vadd.f32 $6.666666860e-01, v55  }
0x1f7: {  	v62 =	vsub.f32 $0.0e+00, v62;
	v49 =	vld.idx.msk [tilespmem:v23+s28+$0x0], $0xffff;
	v60 =	vmul.f32 $1.442695020e+00, v60;
	v59 =	vmul.f32 $1.442695020e+00, v59  }
0x1f8: {  	v56 =	vadd.f32 $6.666666860e-01, v56;
	v61 =	vsub.f32 $0.0e+00, v61;
	v58 =	vmul.f32 v58, v46  }
0x1f9: {  	v41 =	vsub.f32 v41, v52;
	v46 =	vld.idx.msk [tilespmem:v22+s28+$0x0], $0xffff;
	(erf) = vpow2.f32 v60;
	v60 =	vmul.f32 $1.442695020e+00, v62  }
0x1fa: {  	v63 =	vadd.f32 $6.666666860e-01, v53;
	v17 =	vmin.f32 v17, $0.0e+00;
	v61 =	vmul.f32 $1.442695020e+00, v61  }
0x1fb: {  	v51 =	vmul.f32 v57, v51;
	v50 =	vadd.f32 $2.000000000e+00, v50;
	(erf) = vpow2.f32 v59;
	v59 =	vpop (erf)  }
0x1fc: {  	v62 =	vand.u32 $0x7FFFFFFF, v49;
	(erf) = vpow2.f32 v61;
	v61 =	vadd.f32 $2.000000000e+00, v59  }
0x1fd: {  	v58 =	vadd.f32 $2.000000000e+00, v58;
	v57 =	vsub.f32 $0.0e+00, v62;
	(erf) = vpow2.f32 v60;
	v60 =	vpop (erf)  }
0x1fe: {  	v62 =	vand.u32 $0x7FFFFFFF, v46;
	(erf) = vrcp.f32 v61;
	v61 =	vadd.f32 $2.000000000e+00, v60  }
0x1ff: {  	v47 =	vmul.f32 v55, v47;
	v54 =	vsub.f32 $0.0e+00, v62;
	v57 =	vmul.f32 $1.442695020e+00, v57  }
0x200: {  	v35 =	vmin.f32 v35, $0.0e+00;
	v44 =	vmul.f32 v58, v44;
	(erf) = vrcp.f32 v61  }
0x201: {  	v33 =	vmin.f32 v33, $0.0e+00;
	(erf) = vpow2.f32 v57;
	v57 =	vmul.f32 $1.442695020e+00, v54  }
0x202: {  	v41 =	vadd.f32 v41, v0;
	v48 =	vmul.f32 v63, v48;
	v51 =	vadd.f32 $2.000000000e+00, v51  }
0x203: {  	v42 =	vmul.f32 v50, v42;
	v47 =	vadd.f32 $2.000000000e+00, v47;
	v50 =	vpop (erf);
	(erf) = vpow2.f32 v57  }
0x204: {  	v31 =	vmin.f32 v31, $0.0e+00;
	v32 =	vsub.f32 v32, v44;
	v44 =	vpop (erf);
	v58 =	vadd.f32 $2.000000000e+00, v50  }
0x205: {  	v45 =	vmul.f32 v56, v45;
	v48 =	vadd.f32 $2.000000000e+00, v48;
	v61 =	vadd.f32 $2.000000000e+00, v44;
	v53 =	vpop (erf)  }
0x206: {  	v38 =	vmul.f32 v51, v38;
	(erf) = vrcp.f32 v58;
	v62 =	vadd.f32 $2.000000000e+00, v53  }
0x207: {  	v45 =	vadd.f32 $2.000000000e+00, v45;
	v34 =	vmul.f32 v47, v34;
	v51 =	vpop (erf);
	(erf) = vrcp.f32 v61  }
0x208: {  	v43 =	vmul.f32 v48, v43;
	v56 =	vadd.f32 $2.000000000e+00, v51;
	v63 =	vpop (erf);
	(erf) = vrcp.f32 v62  }
0x209: {  	v40 =	vmul.f32 v45, v40;
	v24 =	vsub.f32 v24, v42;
	v45 =	vmul.f32 v63, v59  }
0x20a: {  	v30 =	vsub.f32 v30, v38;
	v29 =	vsub.f32 v29, v34;
	v57 =	vpop (erf);
	(erf) = vrcp.f32 v56  }
0x20b: {  	v25 =	vsub.f32 v25, v40;
	v34 =	vpop (erf);
	v42 =	vmul.f32 v57, v60;
	v40 =	vmul.f32 v45, v45  }
0x20c: {  	v26 =	vmin.f32 v26, $0.0e+00;
	v17 =	vsub.f32 v17, v43;
	v58 =	vadd.f32 $2.000000000e+00, v34;
	v43 =	vpop (erf)  }
0x20d: {  	v38 =	vmul.f32 v42, v42;
	v62 =	vmul.f32 $4.000000060e-01, v40;
	v60 =	vadd.f32 $2.000000000e+00, v43  }
0x20e: {  	v24 =	vadd.f32 v24, v0;
	v32 =	vadd.f32 v32, v0;
	(erf) = vrcp.f32 v58  }
0x20f: {  	v63 =	vpop (erf);
	v61 =	vmul.f32 $4.000000060e-01, v38;
	v52 =	vadd.f32 $6.666666860e-01, v62;
	(erf) = vrcp.f32 v60  }
0x210: {  	v37 =	vmin.f32 v37, $0.0e+00;
	[tilespmem:v10+s28+$0x0] =	vst.idx.msk $0xffff, v41;
	v30 =	vadd.f32 v30, v0;
	v29 =	vadd.f32 v29, v0;
	v58 =	vpop (erf)  }
0x211: {  	[tilespmem:v9+s28+$0x0] =	vst.idx.msk $0xffff, v39;
	v25 =	vadd.f32 v25, v0;
	v57 =	vadd.f32 $6.666666860e-01, v61;
	v59 =	vpop (erf);
	v40 =	vmul.f32 v52, v40  }
0x212: {  	v17 =	vadd.f32 v17, v0;
	v50 =	vmul.f32 v63, v50;
	v47 =	vmul.f32 v59, v53  }
0x213: {  	[tilespmem:v14+s28+$0x0] =	vst.idx.msk $0xffff, v30;
	v44 =	vmul.f32 v58, v44;
	v38 =	vmul.f32 v57, v38;
	v60 =	vpop (erf);
	v40 =	vadd.f32 $2.000000000e+00, v40  }
0x214: {  	v36 =	vmin.f32 v36, $0.0e+00;
	[tilespmem:v13+s28+$0x0] =	vst.idx.msk $0xffff, v32;
	v51 =	vmul.f32 v60, v51;
	v48 =	vmul.f32 v47, v47  }
0x215: {  	[tilespmem:v12+s28+$0x0] =	vst.idx.msk $0xffff, v24;
	v52 =	vmul.f32 v44, v44;
	v38 =	vadd.f32 $2.000000000e+00, v38;
	v10 =	vmul.f32 v40, v45  }
0x216: {  	[tilespmem:v11+s28+$0x0] =	vst.idx.msk $0xffff, v29;
	v11 =	vmin.f32 v49, $0.0e+00;
	v53 =	vmul.f32 v51, v51;
	v63 =	vmul.f32 $4.000000060e-01, v48  }
0x217: {  	v61 =	vpop (erf);
	v38 =	vmul.f32 v38, v42;
	v42 =	vmul.f32 v50, v50;
	v10 =	vsub.f32 v26, v10  }
0x218: {  	v34 =	vmul.f32 v61, v34;
	v60 =	vmul.f32 $4.000000060e-01, v53;
	v61 =	vadd.f32 $6.666666860e-01, v63;
	v62 =	vpop (erf)  }
0x219: {  	v31 =	vsub.f32 v31, v38;
	v38 =	vmul.f32 $4.000000060e-01, v52;
	v43 =	vmul.f32 v62, v43  }
0x21a: {  	v54 =	vmul.f32 v34, v34;
	v62 =	vmul.f32 $4.000000060e-01, v42;
	v63 =	vadd.f32 $6.666666860e-01, v60  }
0x21b: {  	v10 =	vadd.f32 v10, v0;
	v45 =	vmul.f32 v61, v48;
	v9 =	vmul.f32 v43, v43  }
0x21c: {  	v14 =	vadd.f32 $6.666666860e-01, v38;
	v30 =	vmul.f32 $4.000000060e-01, v54;
	v53 =	vmul.f32 v63, v53  }
0x21d: {  	v31 =	vadd.f32 v31, v0;
	v48 =	vadd.f32 $6.666666860e-01, v62;
	v13 =	vmul.f32 $4.000000060e-01, v9  }
0x21e: {  	v14 =	vmul.f32 v14, v52;
	v12 =	vadd.f32 $6.666666860e-01, v30;
	v29 =	vadd.f32 $2.000000000e+00, v53  }
0x21f: {  	[tilespmem:v16+s28+$0x0] =	vst.idx.msk $0xffff, v25;
	v24 =	vadd.f32 $2.000000000e+00, v45;
	v16 =	vmul.f32 v48, v42;
	v13 =	vadd.f32 $6.666666860e-01, v13  }
0x220: {  	v14 =	vadd.f32 $2.000000000e+00, v14;
	v12 =	vmul.f32 v12, v54;
	v25 =	vmul.f32 v29, v51  }
0x221: {  	[tilespmem:v15+s28+$0x0] =	vst.idx.msk $0xffff, v17;
	v15 =	vmul.f32 v24, v47;
	v16 =	vadd.f32 $2.000000000e+00, v16;
	v9 =	vmul.f32 v13, v9  }
0x222: {  	[tilespmem:v28+s28+$0x0] =	vst.idx.msk $0xffff, v10;
	v13 =	vmul.f32 v14, v44;
	v10 =	vadd.f32 $2.000000000e+00, v12;
	v12 =	vsub.f32 v35, v25  }
0x223: {  	[tilespmem:v27+s28+$0x0] =	vst.idx.msk $0xffff, v31;
	v14 =	vsub.f32 v33, v15;
	v15 =	vmul.f32 v16, v50;
	v9 =	vadd.f32 $2.000000000e+00, v9  }
0x224: {  	v10 =	vmul.f32 v10, v34;
	v13 =	vsub.f32 v37, v13;
	v12 =	vadd.f32 v12, v0  }
0x225: {  	v14 =	vadd.f32 v14, v0;
	v15 =	vsub.f32 v36, v15;
	v9 =	vmul.f32 v9, v43  }
0x226: {  	v16 =	vmin.f32 v46, $0.0e+00;
	v13 =	vadd.f32 v13, v0;
	v10 =	vsub.f32 v11, v10;
	[tilespmem:v19+s28+$0x0] =	vst.idx.msk $0xffff, v12  }
0x227: {  	v11 =	vadd.f32 v15, v0;
	[tilespmem:v18+s28+$0x0] =	vst.idx.msk $0xffff, v14;
	v9 =	vsub.f32 v16, v9  }
0x228: {  	v10 =	vadd.f32 v10, v0;
	[tilespmem:v20+s28+$0x0] =	vst.idx.msk $0xffff, v13  }
0x229: {  	[tilespmem:v21+s28+$0x0] =	vst.idx.msk $0xffff, v11;
	v9 =	vadd.f32 v9, v0  }
0x22a: {  	s4 =	simm.s32 $0x0;
	[tilespmem:v23+s28+$0x0] =	vst.idx.msk $0xffff, v10  }
0x22b: {  	[tilespmem:v22+s28+$0x0] =	vst.idx.msk $0xffff, v9;
	v9 =	vmov s4  }
0x22c: {  	[hbm4b:s11+s4] =	stream.linear.scatter [tilespmem:s28], [sflag:$0x6], $0x8000, $0x38;
	v10 =	vshll.u32 v9, $0x9;
	[tilespmem:$0x18100] =	vst v63  }
0x22d: {  	v9 =	vshll.u32 v9, $0x7;
	_ =	swait.ge [sflag:s0], $0x8000;
	v15 =	vand.u32 $0x7000, v10  }
0x22e: {  	v17 =	vand.u32 $0x380, v9;
	[sflag:s0] =	ssyncset.done $0x0;
	v9 =	vadd.s32 v1, v15  }
0x22f: {  	v11 =	vadd.s32 v2, v15;
	[sflag:s0] =	ssyncadd.s32 $0xFFFF8000;
	v10 =	vor.u32 v17, v9  }
0x230: {  	v9 =	vor.u32 v17, v11;
	[tilespmem:s25], [sflag:$0x2] =	stream.linear.gather [hbm4b:s12+s4], $0x8000, $0x38;
	[tilespmem:$0x18100] =	vst v63  }
0x231: {  	_ =	swait.ge [sflag:s26], $0x8000  }
0x232: {  	[sflag:s26] =	ssyncset.done $0x0  }
0x233: {  	[sflag:s26] =	ssyncadd.s32 $0xFFFF8000  }
0x234: {  	v11 =	vadd.s32 v4, v15;
	v18 =	vld.idx.msk [tilespmem:v10+s24+$0x0], $0xffff  }
0x235: {  	v12 =	vadd.s32 v5, v15;
	v11 =	vor.u32 v17, v11;
	v19 =	vld.idx.msk [tilespmem:v9+s24+$0x0], $0xffff  }
0x236: {  	v13 =	vadd.s32 v6, v15;
	v12 =	vor.u32 v17, v12  }
0x237: {  	v14 =	vadd.s32 v3, v15;
	v13 =	vor.u32 v17, v13  }
0x238: {  	v14 =	vor.u32 v17, v14  }
0x239: {  	v16 =	vand.u32 $0x7FFFFFFF, v18  }
0x23a: {  	v21 =	vld.idx.msk [tilespmem:v11+s24+$0x0], $0xffff;
	v20 =	vand.u32 $0x7FFFFFFF, v19;
	v16 =	vsub.f32 $0.0e+00, v16  }
0x23b: {  	v22 =	vadd.s32 v7, v15;
	v23 =	vld.idx.msk [tilespmem:v12+s24+$0x0], $0xffff;
	v20 =	vsub.f32 $0.0e+00, v20  }
0x23c: {  	v24 =	vmul.f32 $1.442695020e+00, v16;
	v16 =	vor.u32 v17, v22;
	v22 =	vld.idx.msk [tilespmem:v13+s24+$0x0], $0xffff  }
0x23d: {  	v25 =	vld.idx.msk [tilespmem:v14+s24+$0x0], $0xffff;
	v20 =	vmul.f32 $1.442695020e+00, v20  }
0x23e: {  	v15 =	vadd.s32 v8, v15;
	(erf) = vpow2.f32 v24  }
0x23f: {  	v15 =	vor.u32 v17, v15;
	v17 =	vand.u32 $0x7FFFFFFF, v21;
	(erf) = vpow2.f32 v20  }
0x240: {  	v17 =	vsub.f32 $0.0e+00, v17;
	v20 =	vand.u32 $0x7FFFFFFF, v23  }
0x241: {  	v20 =	vsub.f32 $0.0e+00, v20;
	v26 =	vld.idx.msk [tilespmem:v16+s24+$0x0], $0xffff;
	v24 =	vand.u32 $0x7FFFFFFF, v22  }
0x242: {  	v27 =	vmul.f32 $1.442695020e+00, v17;
	v17 =	vand.u32 $0x7FFFFFFF, v25;
	v24 =	vsub.f32 $0.0e+00, v24  }
0x243: {  	v28 =	vsub.f32 $0.0e+00, v17;
	v20 =	vmul.f32 $1.442695020e+00, v20  }
0x244: {  	(erf) = vpow2.f32 v27;
	v24 =	vmul.f32 $1.442695020e+00, v24  }
0x245: {  	v17 =	vld.idx.msk [tilespmem:v15+s24+$0x0], $0xffff;
	(erf) = vpow2.f32 v20  }
0x246: {  	v20 =	vmul.f32 $1.442695020e+00, v28;
	v27 =	vand.u32 $0x7FFFFFFF, v26;
	(erf) = vpow2.f32 v24  }
0x247: {  	v28 =	vpop (erf);
	v27 =	vsub.f32 $0.0e+00, v27  }
0x248: {  	(erf) = vpow2.f32 v20;
	v24 =	vadd.f32 $2.000000000e+00, v28;
	v29 =	vpop (erf)  }
0x249: {  	v20 =	vadd.f32 $2.000000000e+00, v29;
	v27 =	vmul.f32 $1.442695020e+00, v27  }
0x24a: {  	v30 =	vand.u32 $0x7FFFFFFF, v17;
	(erf) = vrcp.f32 v24  }
0x24b: {  	v24 =	vsub.f32 $0.0e+00, v30;
	(erf) = vrcp.f32 v20;
	_ =	sdelay $0x1  }
0x24c: {  	(erf) = vpow2.f32 v27;
	v20 =	vmul.f32 $1.442695020e+00, v24;
	v27 =	vpop (erf)  }
0x24d: {  	v24 =	vadd.f32 $2.000000000e+00, v27;
	v31 =	vpop (erf)  }
0x24e: {  	(erf) = vpow2.f32 v20;
	v55 =	vpop (erf)  }
0x24f: {  	v20 =	vadd.f32 $2.000000000e+00, v31;
	(erf) = vrcp.f32 v24;
	v24 =	vadd.f32 $2.000000000e+00, v55  }
0x250: {  	v56 =	vpop (erf)  }
0x251: {  	(erf) = vrcp.f32 v20;
	v20 =	vadd.f32 $2.000000000e+00, v56  }
0x252: {  	(erf) = vrcp.f32 v24;
	v30 =	vpop (erf)  }
0x253: {  	v57 =	vmul.f32 v30, v28;
	v24 =	vpop (erf)  }
0x254: {  	(erf) = vrcp.f32 v20;
	v59 =	vmul.f32 v24, v29  }
0x255: {  	v32 =	vmin.f32 v22, $0.0e+00;
	v30 =	vmin.f32 v25, $0.0e+00;
	v20 =	vpop (erf);
	v28 =	vmul.f32 v57, v57  }
0x256: {  	v24 =	vmin.f32 v23, $0.0e+00;
	v23 =	vadd.f32 $2.000000000e+00, v20;
	v60 =	vmul.f32 v59, v59  }
0x257: {  	v25 =	vmin.f32 v26, $0.0e+00;
	v29 =	vmin.f32 v21, $0.0e+00;
	v22 =	vpop (erf);
	v21 =	vmul.f32 $4.000000060e-01, v28  }
0x258: {  	(erf) = vrcp.f32 v23;
	v26 =	vadd.f32 $2.000000000e+00, v22;
	v23 =	vmul.f32 $4.000000060e-01, v60  }
0x259: {  	v41 =	vmin.f32 v18, $0.0e+00;
	v61 =	vmin.f32 v19, $0.0e+00;
	v18 =	vpop (erf);
	v21 =	vadd.f32 $6.666666860e-01, v21  }
0x25a: {  	s23 =	simm.s32 $0x1;
	v34 =	vmul.f32 v18, v27;
	v18 =	vpop (erf);
	(erf) = vrcp.f32 v26;
	v19 =	vadd.f32 $6.666666860e-01, v23  }
0x25b: {  	v23 =	vmov s23;
	v42 =	vmul.f32 v18, v31;
	v18 =	vpop (erf);
	v21 =	vmul.f32 v21, v28  }
0x25c: {  	v26 =	vshll.u32 v23, $0x9;
	v23 =	vshll.u32 v23, $0x7;
	v44 =	vmul.f32 v18, v55  }
0x25d: {  	v18 =	vpop (erf);
	v47 =	vmul.f32 v34, v34;
	v19 =	vmul.f32 v19, v60;
	v62 =	vand.u32 $0x7000, v26  }
0x25e: {  	v63 =	vand.u32 $0x380, v23;
	v38 =	vmul.f32 v18, v56;
	v50 =	vmul.f32 v42, v42  }
0x25f: {  	v23 =	vadd.s32 v1, v62;
	v26 =	vadd.s32 v2, v62;
	v46 =	vmul.f32 v44, v44  }
0x260: {  	v18 =	vadd.s32 v3, v62;
	v58 =	vadd.f32 $2.000000000e+00, v21;
	v28 =	vor.u32 v63, v23  }
0x261: {  	v55 =	vmul.f32 $4.000000060e-01, v47;
	v27 =	vor.u32 v63, v26;
	v23 =	vadd.f32 $2.000000000e+00, v19  }
0x262: {  	v51 =	vmul.f32 v38, v38;
	v19 =	vor.u32 v63, v18;
	v18 =	vadd.s32 v6, v62  }
0x263: {  	v60 =	vmul.f32 $4.000000060e-01, v50;
	v18 =	vor.u32 v63, v18;
	v52 =	vmul.f32 v58, v57;
	v26 =	vpop (erf)  }
0x264: {  	v23 =	vmul.f32 v23, v59;
	v40 =	vmul.f32 v26, v20;
	v20 =	vadd.s32 v5, v62  }
0x265: {  	v59 =	vadd.s32 v4, v62;
	v54 =	vadd.f32 $6.666666860e-01, v60;
	v21 =	vpop (erf);
	v20 =	vor.u32 v63, v20;
	v26 =	vld.idx.msk [tilespmem:v28+s24+$0x0], $0xffff  }
0x266: {  	v23 =	vsub.f32 v61, v23;
	v43 =	vmul.f32 v21, v22;
	v31 =	vld.idx.msk [tilespmem:v27+s24+$0x0], $0xffff;
	v21 =	vor.u32 v63, v59  }
0x267: {  	v57 =	vmul.f32 $4.000000060e-01, v51;
	v61 =	vadd.s32 v8, v62;
	v45 =	vmul.f32 v40, v40;
	v35 =	vld.idx.msk [tilespmem:v19+s24+$0x0], $0xffff  }
0x268: {  	v22 =	vadd.s32 v7, v62;
	v62 =	vmul.f32 $4.000000060e-01, v46;
	v39 =	vadd.f32 v23, v0  }
0x269: {  	v33 =	vld.idx.msk [tilespmem:v18+s24+$0x0], $0xffff;
	v23 =	vor.u32 v63, v22;
	v22 =	vor.u32 v63, v61;
	v48 =	vmul.f32 v43, v43  }
0x26a: {  	v56 =	vmul.f32 $4.000000060e-01, v45;
	v58 =	vadd.f32 $6.666666860e-01, v62;
	v37 =	vld.idx.msk [tilespmem:v20+s24+$0x0], $0xffff;
	v63 =	vand.u32 $0x7FFFFFFF, v26  }
0x26b: {  	s23 =	simm.s32 $0x2;
	v53 =	vmul.f32 $4.000000060e-01, v48;
	v36 =	vld.idx.msk [tilespmem:v21+s24+$0x0], $0xffff;
	v59 =	vand.u32 $0x7FFFFFFF, v31;
	v49 =	vsub.f32 $0.0e+00, v63  }
.LBB2_8:
0x26c: {  	p0 =	sne.s32 s23, $0x3F;
	v59 =	vsub.f32 $0.0e+00, v59;
	v60 =	vand.u32 $0x7FFFFFFF, v35;
	v57 =	vadd.f32 $6.666666860e-01, v57;
	s4 =	smov.u32 s23;
	s23 =	sadd.s32 $0x1, s23  }
0x26d: {  	v49 =	vmul.f32 $1.442695020e+00, v49;
	v60 =	vsub.f32 $0.0e+00, v60;
	v46 =	vmul.f32 v58, v46  }
0x26e: {  	v55 =	vadd.f32 $6.666666860e-01, v55;
	v58 =	vmul.f32 $1.442695020e+00, v59;
	v59 =	vand.u32 $0x7FFFFFFF, v33  }
0x26f: {  	(erf) = vpow2.f32 v49;
	v49 =	vmul.f32 v57, v51;
	v51 =	vadd.f32 $6.666666860e-01, v56  }
0x270: {  	v50 =	vmul.f32 v54, v50;
	v57 =	vand.u32 $0x7FFFFFFF, v37;
	v56 =	vld.idx.msk [tilespmem:v22+s24+$0x0], $0xffff;
	(erf) = vpow2.f32 v58  }
0x271: {  	v46 =	vadd.f32 $2.000000000e+00, v46;
	v57 =	vsub.f32 $0.0e+00, v57;
	v58 =	vand.u32 $0x7FFFFFFF, v36;
	v54 =	vld.idx.msk [tilespmem:v23+s24+$0x0], $0xffff  }
0x272: {  	v50 =	vadd.f32 $2.000000000e+00, v50;
	v60 =	vmul.f32 $1.442695020e+00, v60;
	v58 =	vsub.f32 $0.0e+00, v58  }
0x273: {  	v59 =	vsub.f32 $0.0e+00, v59;
	v49 =	vadd.f32 $2.000000000e+00, v49;
	v57 =	vmul.f32 $1.442695020e+00, v57  }
0x274: {  	v41 =	vsub.f32 v41, v52;
	v47 =	vmul.f32 v55, v47;
	v58 =	vmul.f32 $1.442695020e+00, v58  }
0x275: {  	v52 =	vmul.f32 $1.442695020e+00, v59;
	v44 =	vmul.f32 v46, v44;
	v46 =	vadd.f32 $6.666666860e-01, v53  }
0x276: {  	v41 =	vadd.f32 v41, v0;
	v53 =	vand.u32 $0x7FFFFFFF, v56;
	(erf) = vpow2.f32 v58  }
0x277: {  	v42 =	vmul.f32 v50, v42;
	v58 =	vand.u32 $0x7FFFFFFF, v54;
	(erf) = vpow2.f32 v57  }
0x278: {  	v47 =	vadd.f32 $2.000000000e+00, v47;
	v50 =	vsub.f32 $0.0e+00, v58;
	v55 =	vpop (erf);
	(erf) = vpow2.f32 v52;
	[tilespmem:v10+s24+$0x0] =	vst.idx.msk $0xffff, v41  }
0x279: {  	v46 =	vmul.f32 v46, v48;
	v41 =	vadd.f32 $2.000000000e+00, v55;
	v52 =	vpop (erf);
	(erf) = vpow2.f32 v60;
	[tilespmem:v9+s24+$0x0] =	vst.idx.msk $0xffff, v39  }
0x27a: {  	v45 =	vmul.f32 v51, v45;
	v10 =	vmovc v28;
	v48 =	vmul.f32 $1.442695020e+00, v50;
	v9 =	vmovc v27;
	v39 =	vadd.f32 $2.000000000e+00, v52  }
0x27b: {  	v28 =	vadd.f32 $2.000000000e+00, v46;
	v27 =	vsub.f32 v32, v44;
	(erf) = vrcp.f32 v41  }
0x27c: {  	v32 =	vsub.f32 $0.0e+00, v53;
	v41 =	vmul.f32 v49, v38;
	(erf) = vrcp.f32 v39  }
0x27d: {  	v34 =	vmul.f32 v47, v34;
	v39 =	vadd.f32 $2.000000000e+00, v45;
	(erf) = vpow2.f32 v48  }
0x27e: {  	v32 =	vmul.f32 $1.442695020e+00, v32;
	v27 =	vadd.f32 v27, v0;
	v30 =	vsub.f32 v30, v41  }
0x27f: {  	v29 =	vsub.f32 v29, v34;
	v28 =	vmul.f32 v28, v43;
	v34 =	vmul.f32 v39, v40;
	v38 =	vpop (erf)  }
0x280: {  	v24 =	vsub.f32 v24, v42;
	v39 =	vadd.f32 $2.000000000e+00, v38;
	v40 =	vpop (erf);
	(erf) = vpow2.f32 v32  }
0x281: {  	v17 =	vmin.f32 v17, $0.0e+00;
	v30 =	vadd.f32 v30, v0;
	v32 =	vadd.f32 $2.000000000e+00, v40;
	v43 =	vpop (erf)  }
0x282: {  	v28 =	vsub.f32 v17, v28;
	v41 =	vadd.f32 $2.000000000e+00, v43;
	v45 =	vpop (erf);
	(erf) = vrcp.f32 v39  }
0x283: {  	(erf) = vrcp.f32 v32;
	v32 =	vadd.f32 v24, v0;
	v24 =	vsub.f32 v25, v34;
	[tilespmem:v14+s24+$0x0] =	vst.idx.msk $0xffff, v30  }
0x284: {  	v29 =	vadd.f32 v29, v0;
	v30 =	vadd.f32 $2.000000000e+00, v45;
	v25 =	vpop (erf);
	(erf) = vrcp.f32 v41;
	[tilespmem:v13+s24+$0x0] =	vst.idx.msk $0xffff, v27  }
0x285: {  	v17 =	vmov v56;
	v39 =	vmul.f32 v25, v55;
	v13 =	vpop (erf);
	v25 =	vadd.f32 v24, v0;
	[tilespmem:v12+s24+$0x0] =	vst.idx.msk $0xffff, v32  }
0x286: {  	v12 =	vadd.f32 v28, v0;
	v47 =	vmul.f32 v13, v52;
	(erf) = vrcp.f32 v30;
	v48 =	vpop (erf);
	[tilespmem:v11+s24+$0x0] =	vst.idx.msk $0xffff, v29  }
0x287: {  	v14 =	vmovc v19;
	v24 =	vmin.f32 v37, $0.0e+00;
	v27 =	vmul.f32 v39, v39;
	v28 =	vadd.f32 $2.000000000e+00, v48;
	[tilespmem:v16+s24+$0x0] =	vst.idx.msk $0xffff, v25  }
0x288: {  	v30 =	vmin.f32 v35, $0.0e+00;
	v29 =	vmin.f32 v36, $0.0e+00;
	v13 =	vmovc v18;
	v16 =	vmul.f32 v47, v47;
	[tilespmem:v15+s24+$0x0] =	vst.idx.msk $0xffff, v12  }
0x289: {  	v32 =	vmin.f32 v33, $0.0e+00;
	v15 =	vmul.f32 $4.000000060e-01, v27;
	(erf) = vrcp.f32 v28;
	v33 =	vpop (erf)  }
0x28a: {  	v11 =	vmovc v21;
	v25 =	vmin.f32 v54, $0.0e+00;
	v12 =	vmovc v20;
	v18 =	vmul.f32 $4.000000060e-01, v16;
	v19 =	vadd.f32 $2.000000000e+00, v33  }
0x28b: {  	v41 =	vmin.f32 v26, $0.0e+00;
	v21 =	vmin.f32 v31, $0.0e+00;
	v28 =	vadd.f32 $6.666666860e-01, v15;
	v20 =	vpop (erf)  }
0x28c: {  	v18 =	vadd.f32 $6.666666860e-01, v18;
	v34 =	vmul.f32 v20, v38;
	v20 =	vpop (erf);
	(erf) = vrcp.f32 v19  }
0x28d: {  	v31 =	vmov s4;
	v26 =	vmul.f32 v28, v27;
	v42 =	vmul.f32 v20, v40;
	v20 =	vpop (erf)  }
0x28e: {  	v27 =	vshll.u32 v31, $0x9;
	v28 =	vshll.u32 v31, $0x7;
	v15 =	vmovc v22;
	v18 =	vmul.f32 v18, v16;
	v16 =	vmovc v23  }
0x28f: {  	v22 =	vand.u32 $0x7000, v27;
	v36 =	vand.u32 $0x380, v28;
	v44 =	vmul.f32 v20, v43;
	v19 =	vpop (erf)  }
0x290: {  	v20 =	vadd.s32 v1, v22;
	v31 =	vadd.s32 v2, v22;
	v38 =	vmul.f32 v19, v45  }
0x291: {  	v28 =	vor.u32 v36, v20;
	v27 =	vor.u32 v36, v31;
	v46 =	vmul.f32 v44, v44  }
0x292: {  	v19 =	vadd.s32 v3, v22;
	v20 =	vadd.f32 $2.000000000e+00, v18;
	v51 =	vmul.f32 v38, v38;
	v23 =	vpop (erf)  }
0x293: {  	v50 =	vmul.f32 v42, v42;
	v18 =	vadd.s32 v6, v22;
	v19 =	vor.u32 v36, v19  }
0x294: {  	v18 =	vor.u32 v36, v18;
	v31 =	vmul.f32 v20, v47;
	v40 =	vmul.f32 v23, v48  }
0x295: {  	v20 =	vadd.s32 v5, v22;
	v47 =	vmul.f32 v34, v34;
	v23 =	vadd.f32 $2.000000000e+00, v26;
	v35 =	vpop (erf)  }
0x296: {  	v20 =	vor.u32 v36, v20;
	v37 =	vsub.f32 v21, v31;
	v45 =	vmul.f32 v40, v40;
	v26 =	vld.idx.msk [tilespmem:v28+s24+$0x0], $0xffff  }
0x297: {  	v49 =	vmul.f32 $4.000000060e-01, v50;
	v21 =	vadd.s32 v4, v22;
	v43 =	vmul.f32 v35, v33;
	v31 =	vld.idx.msk [tilespmem:v27+s24+$0x0], $0xffff  }
0x298: {  	v21 =	vor.u32 v36, v21;
	v52 =	vmul.f32 v23, v39;
	v39 =	vadd.f32 v37, v0;
	v35 =	vld.idx.msk [tilespmem:v19+s24+$0x0], $0xffff  }
.Ltmp3:
0x299: {  	v23 =	vadd.s32 v7, v22;
	v22 =	vadd.s32 v8, v22;
	v48 =	vmul.f32 v43, v43;
	v33 =	vld.idx.msk [tilespmem:v18+s24+$0x0], $0xffff;
	(pc) =	sbr.rel @p0 .LBB2_8-.Ltmp3, $4  }
0x29a: {  	v58 =	vmul.f32 $4.000000060e-01, v46;
	v54 =	vadd.f32 $6.666666860e-01, v49;
	v55 =	vmul.f32 $4.000000060e-01, v47  }
0x29b: {  	v23 =	vor.u32 v36, v23;
	v22 =	vor.u32 v36, v22;
	v56 =	vmul.f32 $4.000000060e-01, v45;
	v37 =	vld.idx.msk [tilespmem:v20+s24+$0x0], $0xffff  }
0x29c: {  	v57 =	vmul.f32 $4.000000060e-01, v51;
	v53 =	vmul.f32 $4.000000060e-01, v48;
	v49 =	vand.u32 $0x7FFFFFFF, v26  }
0x29d: {  	v58 =	vadd.f32 $6.666666860e-01, v58;
	v49 =	vsub.f32 $0.0e+00, v49;
	v59 =	vand.u32 $0x7FFFFFFF, v31;
	v36 =	vld.idx.msk [tilespmem:v21+s24+$0x0], $0xffff  }
0x29e: {  	_ = 	snop  }
0x29f: {  	v59 =	vsub.f32 $0.0e+00, v59;
	v49 =	vmul.f32 $1.442695020e+00, v49;
	_ =	sdelay $0x1  }
0x2a0: {  	v59 =	vmul.f32 $1.442695020e+00, v59;
	(erf) = vpow2.f32 v49  }
0x2a1: {  	v61 =	vand.u32 $0x7FFFFFFF, v33  }
0x2a2: {  	(erf) = vpow2.f32 v59;
	v60 =	vand.u32 $0x7FFFFFFF, v36;
	v59 =	vand.u32 $0x7FFFFFFF, v37  }
0x2a3: {  	v62 =	vand.u32 $0x7FFFFFFF, v35;
	v60 =	vsub.f32 $0.0e+00, v60;
	v59 =	vsub.f32 $0.0e+00, v59  }
0x2a4: {  	v57 =	vadd.f32 $6.666666860e-01, v57;
	v50 =	vmul.f32 v54, v50;
	v55 =	vadd.f32 $6.666666860e-01, v55  }
0x2a5: {  	v62 =	vsub.f32 $0.0e+00, v62;
	v49 =	vld.idx.msk [tilespmem:v23+s24+$0x0], $0xffff;
	v60 =	vmul.f32 $1.442695020e+00, v60;
	v59 =	vmul.f32 $1.442695020e+00, v59  }
0x2a6: {  	v56 =	vadd.f32 $6.666666860e-01, v56;
	v61 =	vsub.f32 $0.0e+00, v61;
	v58 =	vmul.f32 v58, v46  }
0x2a7: {  	v41 =	vsub.f32 v41, v52;
	v46 =	vld.idx.msk [tilespmem:v22+s24+$0x0], $0xffff;
	(erf) = vpow2.f32 v60;
	v60 =	vmul.f32 $1.442695020e+00, v62  }
0x2a8: {  	v63 =	vadd.f32 $6.666666860e-01, v53;
	v17 =	vmin.f32 v17, $0.0e+00;
	v61 =	vmul.f32 $1.442695020e+00, v61  }
0x2a9: {  	v51 =	vmul.f32 v57, v51;
	v50 =	vadd.f32 $2.000000000e+00, v50;
	(erf) = vpow2.f32 v59;
	v59 =	vpop (erf)  }
0x2aa: {  	v62 =	vand.u32 $0x7FFFFFFF, v49;
	(erf) = vpow2.f32 v61;
	v61 =	vadd.f32 $2.000000000e+00, v59  }
0x2ab: {  	v58 =	vadd.f32 $2.000000000e+00, v58;
	v57 =	vsub.f32 $0.0e+00, v62;
	(erf) = vpow2.f32 v60;
	v60 =	vpop (erf)  }
0x2ac: {  	v62 =	vand.u32 $0x7FFFFFFF, v46;
	(erf) = vrcp.f32 v61;
	v61 =	vadd.f32 $2.000000000e+00, v60  }
0x2ad: {  	v47 =	vmul.f32 v55, v47;
	v54 =	vsub.f32 $0.0e+00, v62;
	v57 =	vmul.f32 $1.442695020e+00, v57  }
0x2ae: {  	v35 =	vmin.f32 v35, $0.0e+00;
	v44 =	vmul.f32 v58, v44;
	(erf) = vrcp.f32 v61  }
0x2af: {  	v33 =	vmin.f32 v33, $0.0e+00;
	(erf) = vpow2.f32 v57;
	v57 =	vmul.f32 $1.442695020e+00, v54  }
0x2b0: {  	v41 =	vadd.f32 v41, v0;
	v48 =	vmul.f32 v63, v48;
	v51 =	vadd.f32 $2.000000000e+00, v51  }
0x2b1: {  	v42 =	vmul.f32 v50, v42;
	v47 =	vadd.f32 $2.000000000e+00, v47;
	v50 =	vpop (erf);
	(erf) = vpow2.f32 v57  }
0x2b2: {  	v31 =	vmin.f32 v31, $0.0e+00;
	v32 =	vsub.f32 v32, v44;
	v44 =	vpop (erf);
	v58 =	vadd.f32 $2.000000000e+00, v50  }
0x2b3: {  	v45 =	vmul.f32 v56, v45;
	v48 =	vadd.f32 $2.000000000e+00, v48;
	v61 =	vadd.f32 $2.000000000e+00, v44;
	v53 =	vpop (erf)  }
0x2b4: {  	v38 =	vmul.f32 v51, v38;
	(erf) = vrcp.f32 v58;
	v62 =	vadd.f32 $2.000000000e+00, v53  }
0x2b5: {  	v45 =	vadd.f32 $2.000000000e+00, v45;
	v34 =	vmul.f32 v47, v34;
	v51 =	vpop (erf);
	(erf) = vrcp.f32 v61  }
0x2b6: {  	v43 =	vmul.f32 v48, v43;
	v56 =	vadd.f32 $2.000000000e+00, v51;
	v63 =	vpop (erf);
	(erf) = vrcp.f32 v62  }
0x2b7: {  	v40 =	vmul.f32 v45, v40;
	v24 =	vsub.f32 v24, v42;
	v45 =	vmul.f32 v63, v59  }
0x2b8: {  	v30 =	vsub.f32 v30, v38;
	v29 =	vsub.f32 v29, v34;
	v57 =	vpop (erf);
	(erf) = vrcp.f32 v56  }
0x2b9: {  	v25 =	vsub.f32 v25, v40;
	v34 =	vpop (erf);
	v42 =	vmul.f32 v57, v60;
	v40 =	vmul.f32 v45, v45  }
0x2ba: {  	v26 =	vmin.f32 v26, $0.0e+00;
	v17 =	vsub.f32 v17, v43;
	v58 =	vadd.f32 $2.000000000e+00, v34;
	v43 =	vpop (erf)  }
0x2bb: {  	v38 =	vmul.f32 v42, v42;
	v62 =	vmul.f32 $4.000000060e-01, v40;
	v60 =	vadd.f32 $2.000000000e+00, v43  }
0x2bc: {  	v24 =	vadd.f32 v24, v0;
	v32 =	vadd.f32 v32, v0;
	(erf) = vrcp.f32 v58  }
0x2bd: {  	v63 =	vpop (erf);
	v61 =	vmul.f32 $4.000000060e-01, v38;
	v52 =	vadd.f32 $6.666666860e-01, v62;
	(erf) = vrcp.f32 v60  }
0x2be: {  	v37 =	vmin.f32 v37, $0.0e+00;
	[tilespmem:v10+s24+$0x0] =	vst.idx.msk $0xffff, v41;
	v30 =	vadd.f32 v30, v0;
	v29 =	vadd.f32 v29, v0;
	v58 =	vpop (erf)  }
0x2bf: {  	[tilespmem:v9+s24+$0x0] =	vst.idx.msk $0xffff, v39;
	v25 =	vadd.f32 v25, v0;
	v57 =	vadd.f32 $6.666666860e-01, v61;
	v59 =	vpop (erf);
	v40 =	vmul.f32 v52, v40  }
0x2c0: {  	v17 =	vadd.f32 v17, v0;
	v50 =	vmul.f32 v63, v50;
	v47 =	vmul.f32 v59, v53  }
0x2c1: {  	[tilespmem:v14+s24+$0x0] =	vst.idx.msk $0xffff, v30;
	v44 =	vmul.f32 v58, v44;
	v38 =	vmul.f32 v57, v38;
	v60 =	vpop (erf);
	v40 =	vadd.f32 $2.000000000e+00, v40  }
0x2c2: {  	v36 =	vmin.f32 v36, $0.0e+00;
	[tilespmem:v13+s24+$0x0] =	vst.idx.msk $0xffff, v32;
	v51 =	vmul.f32 v60, v51;
	v48 =	vmul.f32 v47, v47  }
0x2c3: {  	[tilespmem:v12+s24+$0x0] =	vst.idx.msk $0xffff, v24;
	v52 =	vmul.f32 v44, v44;
	v38 =	vadd.f32 $2.000000000e+00, v38;
	v10 =	vmul.f32 v40, v45  }
0x2c4: {  	[tilespmem:v11+s24+$0x0] =	vst.idx.msk $0xffff, v29;
	v11 =	vmin.f32 v49, $0.0e+00;
	v53 =	vmul.f32 v51, v51;
	v63 =	vmul.f32 $4.000000060e-01, v48  }
0x2c5: {  	v61 =	vpop (erf);
	v38 =	vmul.f32 v38, v42;
	v42 =	vmul.f32 v50, v50;
	v10 =	vsub.f32 v26, v10  }
0x2c6: {  	v34 =	vmul.f32 v61, v34;
	v60 =	vmul.f32 $4.000000060e-01, v53;
	v61 =	vadd.f32 $6.666666860e-01, v63;
	v62 =	vpop (erf)  }
0x2c7: {  	v31 =	vsub.f32 v31, v38;
	v38 =	vmul.f32 $4.000000060e-01, v52;
	v43 =	vmul.f32 v62, v43  }
0x2c8: {  	v54 =	vmul.f32 v34, v34;
	v62 =	vmul.f32 $4.000000060e-01, v42;
	v63 =	vadd.f32 $6.666666860e-01, v60  }
0x2c9: {  	v10 =	vadd.f32 v10, v0;
	v45 =	vmul.f32 v61, v48;
	v9 =	vmul.f32 v43, v43  }
0x2ca: {  	v14 =	vadd.f32 $6.666666860e-01, v38;
	v30 =	vmul.f32 $4.000000060e-01, v54;
	v53 =	vmul.f32 v63, v53  }
0x2cb: {  	v31 =	vadd.f32 v31, v0;
	v48 =	vadd.f32 $6.666666860e-01, v62;
	v13 =	vmul.f32 $4.000000060e-01, v9  }
0x2cc: {  	v14 =	vmul.f32 v14, v52;
	v12 =	vadd.f32 $6.666666860e-01, v30;
	v29 =	vadd.f32 $2.000000000e+00, v53  }
0x2cd: {  	[tilespmem:v16+s24+$0x0] =	vst.idx.msk $0xffff, v25;
	v24 =	vadd.f32 $2.000000000e+00, v45;
	v16 =	vmul.f32 v48, v42;
	v13 =	vadd.f32 $6.666666860e-01, v13  }
0x2ce: {  	v14 =	vadd.f32 $2.000000000e+00, v14;
	v12 =	vmul.f32 v12, v54;
	v25 =	vmul.f32 v29, v51  }
0x2cf: {  	[tilespmem:v15+s24+$0x0] =	vst.idx.msk $0xffff, v17;
	v15 =	vmul.f32 v24, v47;
	v16 =	vadd.f32 $2.000000000e+00, v16;
	v9 =	vmul.f32 v13, v9  }
0x2d0: {  	[tilespmem:v28+s24+$0x0] =	vst.idx.msk $0xffff, v10;
	v13 =	vmul.f32 v14, v44;
	v10 =	vadd.f32 $2.000000000e+00, v12;
	v12 =	vsub.f32 v35, v25  }
0x2d1: {  	[tilespmem:v27+s24+$0x0] =	vst.idx.msk $0xffff, v31;
	v14 =	vsub.f32 v33, v15;
	v15 =	vmul.f32 v16, v50;
	v9 =	vadd.f32 $2.000000000e+00, v9  }
0x2d2: {  	v10 =	vmul.f32 v10, v34;
	v13 =	vsub.f32 v37, v13;
	v12 =	vadd.f32 v12, v0  }
0x2d3: {  	v14 =	vadd.f32 v14, v0;
	v15 =	vsub.f32 v36, v15;
	v9 =	vmul.f32 v9, v43  }
0x2d4: {  	v16 =	vmin.f32 v46, $0.0e+00;
	v13 =	vadd.f32 v13, v0;
	v10 =	vsub.f32 v11, v10;
	[tilespmem:v19+s24+$0x0] =	vst.idx.msk $0xffff, v12  }
0x2d5: {  	v11 =	vadd.f32 v15, v0;
	[tilespmem:v18+s24+$0x0] =	vst.idx.msk $0xffff, v14;
	v9 =	vsub.f32 v16, v9  }
0x2d6: {  	v10 =	vadd.f32 v10, v0;
	[tilespmem:v20+s24+$0x0] =	vst.idx.msk $0xffff, v13  }
0x2d7: {  	[tilespmem:v21+s24+$0x0] =	vst.idx.msk $0xffff, v11;
	v9 =	vadd.f32 v9, v0  }
0x2d8: {  	s4 =	simm.s32 $0x0;
	[tilespmem:v23+s24+$0x0] =	vst.idx.msk $0xffff, v10  }
0x2d9: {  	[tilespmem:v22+s24+$0x0] =	vst.idx.msk $0xffff, v9;
	v9 =	vmov s4  }
0x2da: {  	[hbm4b:s13+s4] =	stream.linear.scatter [tilespmem:s24], [sflag:$0x4], $0x8000, $0x38;
	v10 =	vshll.u32 v9, $0x9;
	[tilespmem:$0x18100] =	vst v63  }
0x2db: {  	v9 =	vshll.u32 v9, $0x7;
	_ =	swait.ge [sflag:s2], $0x8000;
	v15 =	vand.u32 $0x7000, v10  }
0x2dc: {  	v17 =	vand.u32 $0x380, v9;
	[sflag:s2] =	ssyncset.done $0x0;
	v9 =	vadd.s32 v1, v15  }
0x2dd: {  	v11 =	vadd.s32 v2, v15;
	[sflag:s2] =	ssyncadd.s32 $0xFFFF8000;
	v10 =	vor.u32 v17, v9  }
0x2de: {  	v9 =	vor.u32 v17, v11;
	[tilespmem:s28], [sflag:$0x3] =	stream.linear.gather [hbm4b:s14+s4], $0x8000, $0x38;
	[tilespmem:$0x18100] =	vst v63  }
0x2df: {  	_ =	swait.ge [sflag:s29], $0x8000  }
0x2e0: {  	[sflag:s29] =	ssyncset.done $0x0  }
0x2e1: {  	[sflag:s29] =	ssyncadd.s32 $0xFFFF8000  }
0x2e2: {  	v11 =	vadd.s32 v4, v15;
	v18 =	vld.idx.msk [tilespmem:v10+s25+$0x0], $0xffff  }
0x2e3: {  	v12 =	vadd.s32 v5, v15;
	v11 =	vor.u32 v17, v11;
	v19 =	vld.idx.msk [tilespmem:v9+s25+$0x0], $0xffff  }
0x2e4: {  	v13 =	vadd.s32 v6, v15;
	v12 =	vor.u32 v17, v12  }
0x2e5: {  	v14 =	vadd.s32 v3, v15;
	v13 =	vor.u32 v17, v13  }
0x2e6: {  	v14 =	vor.u32 v17, v14  }
0x2e7: {  	v16 =	vand.u32 $0x7FFFFFFF, v18  }
0x2e8: {  	v21 =	vld.idx.msk [tilespmem:v11+s25+$0x0], $0xffff;
	v20 =	vand.u32 $0x7FFFFFFF, v19;
	v16 =	vsub.f32 $0.0e+00, v16  }
0x2e9: {  	v22 =	vadd.s32 v7, v15;
	v23 =	vld.idx.msk [tilespmem:v12+s25+$0x0], $0xffff;
	v20 =	vsub.f32 $0.0e+00, v20  }
0x2ea: {  	v24 =	vmul.f32 $1.442695020e+00, v16;
	v16 =	vor.u32 v17, v22;
	v22 =	vld.idx.msk [tilespmem:v13+s25+$0x0], $0xffff  }
0x2eb: {  	v25 =	vld.idx.msk [tilespmem:v14+s25+$0x0], $0xffff;
	v20 =	vmul.f32 $1.442695020e+00, v20  }
0x2ec: {  	v15 =	vadd.s32 v8, v15;
	(erf) = vpow2.f32 v24  }
0x2ed: {  	v15 =	vor.u32 v17, v15;
	v17 =	vand.u32 $0x7FFFFFFF, v21;
	(erf) = vpow2.f32 v20  }
0x2ee: {  	v17 =	vsub.f32 $0.0e+00, v17;
	v20 =	vand.u32 $0x7FFFFFFF, v23  }
0x2ef: {  	v20 =	vsub.f32 $0.0e+00, v20;
	v26 =	vld.idx.msk [tilespmem:v16+s25+$0x0], $0xffff;
	v24 =	vand.u32 $0x7FFFFFFF, v22  }
0x2f0: {  	v27 =	vmul.f32 $1.442695020e+00, v17;
	v17 =	vand.u32 $0x7FFFFFFF, v25;
	v24 =	vsub.f32 $0.0e+00, v24  }
0x2f1: {  	v28 =	vsub.f32 $0.0e+00, v17;
	v20 =	vmul.f32 $1.442695020e+00, v20  }
0x2f2: {  	(erf) = vpow2.f32 v27;
	v24 =	vmul.f32 $1.442695020e+00, v24  }
0x2f3: {  	v17 =	vld.idx.msk [tilespmem:v15+s25+$0x0], $0xffff;
	(erf) = vpow2.f32 v20  }
0x2f4: {  	v20 =	vmul.f32 $1.442695020e+00, v28;
	v27 =	vand.u32 $0x7FFFFFFF, v26;
	(erf) = vpow2.f32 v24  }
0x2f5: {  	v28 =	vpop (erf);
	v27 =	vsub.f32 $0.0e+00, v27  }
0x2f6: {  	(erf) = vpow2.f32 v20;
	v24 =	vadd.f32 $2.000000000e+00, v28;
	v29 =	vpop (erf)  }
0x2f7: {  	v20 =	vadd.f32 $2.000000000e+00, v29;
	v27 =	vmul.f32 $1.442695020e+00, v27  }
0x2f8: {  	v30 =	vand.u32 $0x7FFFFFFF, v17;
	(erf) = vrcp.f32 v24  }
0x2f9: {  	v24 =	vsub.f32 $0.0e+00, v30;
	(erf) = vrcp.f32 v20;
	_ =	sdelay $0x1  }
0x2fa: {  	(erf) = vpow2.f32 v27;
	v20 =	vmul.f32 $1.442695020e+00, v24;
	v27 =	vpop (erf)  }
0x2fb: {  	v24 =	vadd.f32 $2.000000000e+00, v27;
	v31 =	vpop (erf)  }
0x2fc: {  	(erf) = vpow2.f32 v20;
	v55 =	vpop (erf)  }
0x2fd: {  	v20 =	vadd.f32 $2.000000000e+00, v31;
	(erf) = vrcp.f32 v24;
	v24 =	vadd.f32 $2.000000000e+00, v55  }
0x2fe: {  	v56 =	vpop (erf)  }
0x2ff: {  	(erf) = vrcp.f32 v20;
	v20 =	vadd.f32 $2.000000000e+00, v56  }
0x300: {  	(erf) = vrcp.f32 v24;
	v30 =	vpop (erf)  }
0x301: {  	v57 =	vmul.f32 v30, v28;
	v24 =	vpop (erf)  }
0x302: {  	(erf) = vrcp.f32 v20;
	v59 =	vmul.f32 v24, v29  }
0x303: {  	v32 =	vmin.f32 v22, $0.0e+00;
	v30 =	vmin.f32 v25, $0.0e+00;
	v20 =	vpop (erf);
	v28 =	vmul.f32 v57, v57  }
0x304: {  	v24 =	vmin.f32 v23, $0.0e+00;
	v23 =	vadd.f32 $2.000000000e+00, v20;
	v60 =	vmul.f32 v59, v59  }
0x305: {  	v25 =	vmin.f32 v26, $0.0e+00;
	v29 =	vmin.f32 v21, $0.0e+00;
	v22 =	vpop (erf);
	v21 =	vmul.f32 $4.000000060e-01, v28  }
0x306: {  	(erf) = vrcp.f32 v23;
	v26 =	vadd.f32 $2.000000000e+00, v22;
	v23 =	vmul.f32 $4.000000060e-01, v60  }
0x307: {  	v41 =	vmin.f32 v18, $0.0e+00;
	v61 =	vmin.f32 v19, $0.0e+00;
	v18 =	vpop (erf);
	v21 =	vadd.f32 $6.666666860e-01, v21  }
0x308: {  	s23 =	simm.s32 $0x1;
	v34 =	vmul.f32 v18, v27;
	v18 =	vpop (erf);
	(erf) = vrcp.f32 v26;
	v19 =	vadd.f32 $6.666666860e-01, v23  }
0x309: {  	v23 =	vmov s23;
	v42 =	vmul.f32 v18, v31;
	v18 =	vpop (erf);
	v21 =	vmul.f32 v21, v28  }
0x30a: {  	v26 =	vshll.u32 v23, $0x9;
	v23 =	vshll.u32 v23, $0x7;
	v44 =	vmul.f32 v18, v55  }
0x30b: {  	v18 =	vpop (erf);
	v47 =	vmul.f32 v34, v34;
	v19 =	vmul.f32 v19, v60;
	v62 =	vand.u32 $0x7000, v26  }
0x30c: {  	v63 =	vand.u32 $0x380, v23;
	v38 =	vmul.f32 v18, v56;
	v50 =	vmul.f32 v42, v42  }
0x30d: {  	v23 =	vadd.s32 v1, v62;
	v26 =	vadd.s32 v2, v62;
	v46 =	vmul.f32 v44, v44  }
0x30e: {  	v18 =	vadd.s32 v3, v62;
	v58 =	vadd.f32 $2.000000000e+00, v21;
	v28 =	vor.u32 v63, v23  }
0x30f: {  	v55 =	vmul.f32 $4.000000060e-01, v47;
	v27 =	vor.u32 v63, v26;
	v23 =	vadd.f32 $2.000000000e+00, v19  }
0x310: {  	v51 =	vmul.f32 v38, v38;
	v19 =	vor.u32 v63, v18;
	v18 =	vadd.s32 v6, v62  }
0x311: {  	v60 =	vmul.f32 $4.000000060e-01, v50;
	v18 =	vor.u32 v63, v18;
	v52 =	vmul.f32 v58, v57;
	v26 =	vpop (erf)  }
0x312: {  	v23 =	vmul.f32 v23, v59;
	v40 =	vmul.f32 v26, v20;
	v20 =	vadd.s32 v5, v62  }
0x313: {  	v59 =	vadd.s32 v4, v62;
	v54 =	vadd.f32 $6.666666860e-01, v60;
	v21 =	vpop (erf);
	v20 =	vor.u32 v63, v20;
	v26 =	vld.idx.msk [tilespmem:v28+s25+$0x0], $0xffff  }
0x314: {  	v23 =	vsub.f32 v61, v23;
	v43 =	vmul.f32 v21, v22;
	v31 =	vld.idx.msk [tilespmem:v27+s25+$0x0], $0xffff;
	v21 =	vor.u32 v63, v59  }
0x315: {  	v57 =	vmul.f32 $4.000000060e-01, v51;
	v61 =	vadd.s32 v8, v62;
	v45 =	vmul.f32 v40, v40;
	v35 =	vld.idx.msk [tilespmem:v19+s25+$0x0], $0xffff  }
0x316: {  	v22 =	vadd.s32 v7, v62;
	v62 =	vmul.f32 $4.000000060e-01, v46;
	v39 =	vadd.f32 v23, v0  }
0x317: {  	v33 =	vld.idx.msk [tilespmem:v18+s25+$0x0], $0xffff;
	v23 =	vor.u32 v63, v22;
	v22 =	vor.u32 v63, v61;
	v48 =	vmul.f32 v43, v43  }
0x318: {  	v56 =	vmul.f32 $4.000000060e-01, v45;
	v58 =	vadd.f32 $6.666666860e-01, v62;
	v37 =	vld.idx.msk [tilespmem:v20+s25+$0x0], $0xffff;
	v63 =	vand.u32 $0x7FFFFFFF, v26  }
0x319: {  	s23 =	simm.s32 $0x2;
	v53 =	vmul.f32 $4.000000060e-01, v48;
	v36 =	vld.idx.msk [tilespmem:v21+s25+$0x0], $0xffff;
	v59 =	vand.u32 $0x7FFFFFFF, v31;
	v49 =	vsub.f32 $0.0e+00, v63  }
.LBB2_10:
0x31a: {  	p0 =	sne.s32 s23, $0x3F;
	v59 =	vsub.f32 $0.0e+00, v59;
	v60 =	vand.u32 $0x7FFFFFFF, v35;
	v57 =	vadd.f32 $6.666666860e-01, v57;
	s4 =	smov.u32 s23;
	s23 =	sadd.s32 $0x1, s23  }
0x31b: {  	v49 =	vmul.f32 $1.442695020e+00, v49;
	v60 =	vsub.f32 $0.0e+00, v60;
	v46 =	vmul.f32 v58, v46  }
0x31c: {  	v55 =	vadd.f32 $6.666666860e-01, v55;
	v58 =	vmul.f32 $1.442695020e+00, v59;
	v59 =	vand.u32 $0x7FFFFFFF, v33  }
0x31d: {  	(erf) = vpow2.f32 v49;
	v49 =	vmul.f32 v57, v51;
	v51 =	vadd.f32 $6.666666860e-01, v56  }
0x31e: {  	v50 =	vmul.f32 v54, v50;
	v57 =	vand.u32 $0x7FFFFFFF, v37;
	v56 =	vld.idx.msk [tilespmem:v22+s25+$0x0], $0xffff;
	(erf) = vpow2.f32 v58  }
0x31f: {  	v46 =	vadd.f32 $2.000000000e+00, v46;
	v57 =	vsub.f32 $0.0e+00, v57;
	v58 =	vand.u32 $0x7FFFFFFF, v36;
	v54 =	vld.idx.msk [tilespmem:v23+s25+$0x0], $0xffff  }
0x320: {  	v50 =	vadd.f32 $2.000000000e+00, v50;
	v60 =	vmul.f32 $1.442695020e+00, v60;
	v58 =	vsub.f32 $0.0e+00, v58  }
0x321: {  	v59 =	vsub.f32 $0.0e+00, v59;
	v49 =	vadd.f32 $2.000000000e+00, v49;
	v57 =	vmul.f32 $1.442695020e+00, v57  }
0x322: {  	v41 =	vsub.f32 v41, v52;
	v47 =	vmul.f32 v55, v47;
	v58 =	vmul.f32 $1.442695020e+00, v58  }
0x323: {  	v52 =	vmul.f32 $1.442695020e+00, v59;
	v44 =	vmul.f32 v46, v44;
	v46 =	vadd.f32 $6.666666860e-01, v53  }
0x324: {  	v41 =	vadd.f32 v41, v0;
	v53 =	vand.u32 $0x7FFFFFFF, v56;
	(erf) = vpow2.f32 v58  }
0x325: {  	v42 =	vmul.f32 v50, v42;
	v58 =	vand.u32 $0x7FFFFFFF, v54;
	(erf) = vpow2.f32 v57  }
0x326: {  	v47 =	vadd.f32 $2.000000000e+00, v47;
	v50 =	vsub.f32 $0.0e+00, v58;
	v55 =	vpop (erf);
	(erf) = vpow2.f32 v52;
	[tilespmem:v10+s25+$0x0] =	vst.idx.msk $0xffff, v41  }
0x327: {  	v46 =	vmul.f32 v46, v48;
	v41 =	vadd.f32 $2.000000000e+00, v55;
	v52 =	vpop (erf);
	(erf) = vpow2.f32 v60;
	[tilespmem:v9+s25+$0x0] =	vst.idx.msk $0xffff, v39  }
0x328: {  	v45 =	vmul.f32 v51, v45;
	v10 =	vmovc v28;
	v48 =	vmul.f32 $1.442695020e+00, v50;
	v9 =	vmovc v27;
	v39 =	vadd.f32 $2.000000000e+00, v52  }
0x329: {  	v28 =	vadd.f32 $2.000000000e+00, v46;
	v27 =	vsub.f32 v32, v44;
	(erf) = vrcp.f32 v41  }
0x32a: {  	v32 =	vsub.f32 $0.0e+00, v53;
	v41 =	vmul.f32 v49, v38;
	(erf) = vrcp.f32 v39  }
0x32b: {  	v34 =	vmul.f32 v47, v34;
	v39 =	vadd.f32 $2.000000000e+00, v45;
	(erf) = vpow2.f32 v48  }
0x32c: {  	v32 =	vmul.f32 $1.442695020e+00, v32;
	v27 =	vadd.f32 v27, v0;
	v30 =	vsub.f32 v30, v41  }
0x32d: {  	v29 =	vsub.f32 v29, v34;
	v28 =	vmul.f32 v28, v43;
	v34 =	vmul.f32 v39, v40;
	v38 =	vpop (erf)  }
0x32e: {  	v24 =	vsub.f32 v24, v42;
	v39 =	vadd.f32 $2.000000000e+00, v38;
	v40 =	vpop (erf);
	(erf) = vpow2.f32 v32  }
0x32f: {  	v17 =	vmin.f32 v17, $0.0e+00;
	v30 =	vadd.f32 v30, v0;
	v32 =	vadd.f32 $2.000000000e+00, v40;
	v43 =	vpop (erf)  }
0x330: {  	v28 =	vsub.f32 v17, v28;
	v41 =	vadd.f32 $2.000000000e+00, v43;
	v45 =	vpop (erf);
	(erf) = vrcp.f32 v39  }
0x331: {  	(erf) = vrcp.f32 v32;
	v32 =	vadd.f32 v24, v0;
	v24 =	vsub.f32 v25, v34;
	[tilespmem:v14+s25+$0x0] =	vst.idx.msk $0xffff, v30  }
0x332: {  	v29 =	vadd.f32 v29, v0;
	v30 =	vadd.f32 $2.000000000e+00, v45;
	v25 =	vpop (erf);
	(erf) = vrcp.f32 v41;
	[tilespmem:v13+s25+$0x0] =	vst.idx.msk $0xffff, v27  }
0x333: {  	v17 =	vmov v56;
	v39 =	vmul.f32 v25, v55;
	v13 =	vpop (erf);
	v25 =	vadd.f32 v24, v0;
	[tilespmem:v12+s25+$0x0] =	vst.idx.msk $0xffff, v32  }
0x334: {  	v12 =	vadd.f32 v28, v0;
	v47 =	vmul.f32 v13, v52;
	(erf) = vrcp.f32 v30;
	v48 =	vpop (erf);
	[tilespmem:v11+s25+$0x0] =	vst.idx.msk $0xffff, v29  }
0x335: {  	v14 =	vmovc v19;
	v24 =	vmin.f32 v37, $0.0e+00;
	v27 =	vmul.f32 v39, v39;
	v28 =	vadd.f32 $2.000000000e+00, v48;
	[tilespmem:v16+s25+$0x0] =	vst.idx.msk $0xffff, v25  }
0x336: {  	v30 =	vmin.f32 v35, $0.0e+00;
	v29 =	vmin.f32 v36, $0.0e+00;
	v13 =	vmovc v18;
	v16 =	vmul.f32 v47, v47;
	[tilespmem:v15+s25+$0x0] =	vst.idx.msk $0xffff, v12  }
0x337: {  	v32 =	vmin.f32 v33, $0.0e+00;
	v15 =	vmul.f32 $4.000000060e-01, v27;
	(erf) = vrcp.f32 v28;
	v33 =	vpop (erf)  }
0x338: {  	v11 =	vmovc v21;
	v25 =	vmin.f32 v54, $0.0e+00;
	v12 =	vmovc v20;
	v18 =	vmul.f32 $4.000000060e-01, v16;
	v19 =	vadd.f32 $2.000000000e+00, v33  }
0x339: {  	v41 =	vmin.f32 v26, $0.0e+00;
	v21 =	vmin.f32 v31, $0.0e+00;
	v28 =	vadd.f32 $6.666666860e-01, v15;
	v20 =	vpop (erf)  }
0x33a: {  	v18 =	vadd.f32 $6.666666860e-01, v18;
	v34 =	vmul.f32 v20, v38;
	v20 =	vpop (erf);
	(erf) = vrcp.f32 v19  }
0x33b: {  	v31 =	vmov s4;
	v26 =	vmul.f32 v28, v27;
	v42 =	vmul.f32 v20, v40;
	v20 =	vpop (erf)  }
0x33c: {  	v27 =	vshll.u32 v31, $0x9;
	v28 =	vshll.u32 v31, $0x7;
	v15 =	vmovc v22;
	v18 =	vmul.f32 v18, v16;
	v16 =	vmovc v23  }
0x33d: {  	v22 =	vand.u32 $0x7000, v27;
	v36 =	vand.u32 $0x380, v28;
	v44 =	vmul.f32 v20, v43;
	v19 =	vpop (erf)  }
0x33e: {  	v20 =	vadd.s32 v1, v22;
	v31 =	vadd.s32 v2, v22;
	v38 =	vmul.f32 v19, v45  }
0x33f: {  	v28 =	vor.u32 v36, v20;
	v27 =	vor.u32 v36, v31;
	v46 =	vmul.f32 v44, v44  }
0x340: {  	v19 =	vadd.s32 v3, v22;
	v20 =	vadd.f32 $2.000000000e+00, v18;
	v51 =	vmul.f32 v38, v38;
	v23 =	vpop (erf)  }
0x341: {  	v50 =	vmul.f32 v42, v42;
	v18 =	vadd.s32 v6, v22;
	v19 =	vor.u32 v36, v19  }
0x342: {  	v18 =	vor.u32 v36, v18;
	v31 =	vmul.f32 v20, v47;
	v40 =	vmul.f32 v23, v48  }
0x343: {  	v20 =	vadd.s32 v5, v22;
	v47 =	vmul.f32 v34, v34;
	v23 =	vadd.f32 $2.000000000e+00, v26;
	v35 =	vpop (erf)  }
0x344: {  	v20 =	vor.u32 v36, v20;
	v37 =	vsub.f32 v21, v31;
	v45 =	vmul.f32 v40, v40;
	v26 =	vld.idx.msk [tilespmem:v28+s25+$0x0], $0xffff  }
0x345: {  	v49 =	vmul.f32 $4.000000060e-01, v50;
	v21 =	vadd.s32 v4, v22;
	v43 =	vmul.f32 v35, v33;
	v31 =	vld.idx.msk [tilespmem:v27+s25+$0x0], $0xffff  }
0x346: {  	v21 =	vor.u32 v36, v21;
	v52 =	vmul.f32 v23, v39;
	v39 =	vadd.f32 v37, v0;
	v35 =	vld.idx.msk [tilespmem:v19+s25+$0x0], $0xffff  }
.Ltmp4:
0x347: {  	v23 =	vadd.s32 v7, v22;
	v22 =	vadd.s32 v8, v22;
	v48 =	vmul.f32 v43, v43;
	v33 =	vld.idx.msk [tilespmem:v18+s25+$0x0], $0xffff;
	(pc) =	sbr.rel @p0 .LBB2_10-.Ltmp4, $4  }
0x348: {  	v58 =	vmul.f32 $4.000000060e-01, v46;
	v54 =	vadd.f32 $6.666666860e-01, v49;
	v55 =	vmul.f32 $4.000000060e-01, v47  }
0x349: {  	v23 =	vor.u32 v36, v23;
	v22 =	vor.u32 v36, v22;
	v56 =	vmul.f32 $4.000000060e-01, v45;
	v37 =	vld.idx.msk [tilespmem:v20+s25+$0x0], $0xffff  }
0x34a: {  	v57 =	vmul.f32 $4.000000060e-01, v51;
	v53 =	vmul.f32 $4.000000060e-01, v48;
	v49 =	vand.u32 $0x7FFFFFFF, v26  }
0x34b: {  	v58 =	vadd.f32 $6.666666860e-01, v58;
	v49 =	vsub.f32 $0.0e+00, v49;
	v59 =	vand.u32 $0x7FFFFFFF, v31;
	v36 =	vld.idx.msk [tilespmem:v21+s25+$0x0], $0xffff  }
0x34c: {  	_ = 	snop  }
0x34d: {  	v59 =	vsub.f32 $0.0e+00, v59;
	v49 =	vmul.f32 $1.442695020e+00, v49;
	_ =	sdelay $0x1  }
0x34e: {  	v59 =	vmul.f32 $1.442695020e+00, v59;
	(erf) = vpow2.f32 v49  }
0x34f: {  	v61 =	vand.u32 $0x7FFFFFFF, v33  }
0x350: {  	(erf) = vpow2.f32 v59;
	v60 =	vand.u32 $0x7FFFFFFF, v36;
	v59 =	vand.u32 $0x7FFFFFFF, v37  }
0x351: {  	v62 =	vand.u32 $0x7FFFFFFF, v35;
	v60 =	vsub.f32 $0.0e+00, v60;
	v59 =	vsub.f32 $0.0e+00, v59  }
0x352: {  	v57 =	vadd.f32 $6.666666860e-01, v57;
	v50 =	vmul.f32 v54, v50;
	v55 =	vadd.f32 $6.666666860e-01, v55  }
0x353: {  	v62 =	vsub.f32 $0.0e+00, v62;
	v49 =	vld.idx.msk [tilespmem:v23+s25+$0x0], $0xffff;
	v60 =	vmul.f32 $1.442695020e+00, v60;
	v59 =	vmul.f32 $1.442695020e+00, v59  }
0x354: {  	v56 =	vadd.f32 $6.666666860e-01, v56;
	v61 =	vsub.f32 $0.0e+00, v61;
	v58 =	vmul.f32 v58, v46  }
0x355: {  	v41 =	vsub.f32 v41, v52;
	v46 =	vld.idx.msk [tilespmem:v22+s25+$0x0], $0xffff;
	(erf) = vpow2.f32 v60;
	v60 =	vmul.f32 $1.442695020e+00, v62  }
0x356: {  	v63 =	vadd.f32 $6.666666860e-01, v53;
	v17 =	vmin.f32 v17, $0.0e+00;
	v61 =	vmul.f32 $1.442695020e+00, v61  }
0x357: {  	v51 =	vmul.f32 v57, v51;
	v50 =	vadd.f32 $2.000000000e+00, v50;
	(erf) = vpow2.f32 v59;
	v59 =	vpop (erf)  }
0x358: {  	v62 =	vand.u32 $0x7FFFFFFF, v49;
	(erf) = vpow2.f32 v61;
	v61 =	vadd.f32 $2.000000000e+00, v59  }
0x359: {  	v58 =	vadd.f32 $2.000000000e+00, v58;
	v57 =	vsub.f32 $0.0e+00, v62;
	(erf) = vpow2.f32 v60;
	v60 =	vpop (erf)  }
0x35a: {  	v62 =	vand.u32 $0x7FFFFFFF, v46;
	(erf) = vrcp.f32 v61;
	v61 =	vadd.f32 $2.000000000e+00, v60  }
0x35b: {  	v47 =	vmul.f32 v55, v47;
	v54 =	vsub.f32 $0.0e+00, v62;
	v57 =	vmul.f32 $1.442695020e+00, v57  }
0x35c: {  	v35 =	vmin.f32 v35, $0.0e+00;
	v44 =	vmul.f32 v58, v44;
	(erf) = vrcp.f32 v61  }
0x35d: {  	v33 =	vmin.f32 v33, $0.0e+00;
	(erf) = vpow2.f32 v57;
	v57 =	vmul.f32 $1.442695020e+00, v54  }
0x35e: {  	v41 =	vadd.f32 v41, v0;
	v48 =	vmul.f32 v63, v48;
	v51 =	vadd.f32 $2.000000000e+00, v51  }
0x35f: {  	v42 =	vmul.f32 v50, v42;
	v47 =	vadd.f32 $2.000000000e+00, v47;
	v50 =	vpop (erf);
	(erf) = vpow2.f32 v57  }
0x360: {  	v31 =	vmin.f32 v31, $0.0e+00;
	v32 =	vsub.f32 v32, v44;
	v44 =	vpop (erf);
	v58 =	vadd.f32 $2.000000000e+00, v50  }
0x361: {  	v45 =	vmul.f32 v56, v45;
	v48 =	vadd.f32 $2.000000000e+00, v48;
	v61 =	vadd.f32 $2.000000000e+00, v44;
	v53 =	vpop (erf)  }
0x362: {  	v38 =	vmul.f32 v51, v38;
	(erf) = vrcp.f32 v58;
	v62 =	vadd.f32 $2.000000000e+00, v53  }
0x363: {  	v45 =	vadd.f32 $2.000000000e+00, v45;
	v34 =	vmul.f32 v47, v34;
	v51 =	vpop (erf);
	(erf) = vrcp.f32 v61  }
0x364: {  	v43 =	vmul.f32 v48, v43;
	v56 =	vadd.f32 $2.000000000e+00, v51;
	v63 =	vpop (erf);
	(erf) = vrcp.f32 v62  }
0x365: {  	v40 =	vmul.f32 v45, v40;
	v24 =	vsub.f32 v24, v42;
	v45 =	vmul.f32 v63, v59  }
0x366: {  	v30 =	vsub.f32 v30, v38;
	v29 =	vsub.f32 v29, v34;
	v57 =	vpop (erf);
	(erf) = vrcp.f32 v56  }
0x367: {  	v25 =	vsub.f32 v25, v40;
	v34 =	vpop (erf);
	v42 =	vmul.f32 v57, v60;
	v40 =	vmul.f32 v45, v45  }
0x368: {  	v26 =	vmin.f32 v26, $0.0e+00;
	v17 =	vsub.f32 v17, v43;
	v58 =	vadd.f32 $2.000000000e+00, v34;
	v43 =	vpop (erf)  }
0x369: {  	v38 =	vmul.f32 v42, v42;
	v62 =	vmul.f32 $4.000000060e-01, v40;
	v60 =	vadd.f32 $2.000000000e+00, v43  }
0x36a: {  	v24 =	vadd.f32 v24, v0;
	v32 =	vadd.f32 v32, v0;
	(erf) = vrcp.f32 v58  }
0x36b: {  	v63 =	vpop (erf);
	v61 =	vmul.f32 $4.000000060e-01, v38;
	v52 =	vadd.f32 $6.666666860e-01, v62;
	(erf) = vrcp.f32 v60  }
0x36c: {  	v37 =	vmin.f32 v37, $0.0e+00;
	[tilespmem:v10+s25+$0x0] =	vst.idx.msk $0xffff, v41;
	v30 =	vadd.f32 v30, v0;
	v29 =	vadd.f32 v29, v0;
	v58 =	vpop (erf)  }
0x36d: {  	[tilespmem:v9+s25+$0x0] =	vst.idx.msk $0xffff, v39;
	v25 =	vadd.f32 v25, v0;
	v57 =	vadd.f32 $6.666666860e-01, v61;
	v59 =	vpop (erf);
	v40 =	vmul.f32 v52, v40  }
0x36e: {  	v17 =	vadd.f32 v17, v0;
	v50 =	vmul.f32 v63, v50;
	v47 =	vmul.f32 v59, v53  }
0x36f: {  	[tilespmem:v14+s25+$0x0] =	vst.idx.msk $0xffff, v30;
	v44 =	vmul.f32 v58, v44;
	v38 =	vmul.f32 v57, v38;
	v60 =	vpop (erf);
	v40 =	vadd.f32 $2.000000000e+00, v40  }
0x370: {  	v36 =	vmin.f32 v36, $0.0e+00;
	[tilespmem:v13+s25+$0x0] =	vst.idx.msk $0xffff, v32;
	v51 =	vmul.f32 v60, v51;
	v48 =	vmul.f32 v47, v47  }
0x371: {  	[tilespmem:v12+s25+$0x0] =	vst.idx.msk $0xffff, v24;
	v52 =	vmul.f32 v44, v44;
	v38 =	vadd.f32 $2.000000000e+00, v38;
	v10 =	vmul.f32 v40, v45  }
0x372: {  	[tilespmem:v11+s25+$0x0] =	vst.idx.msk $0xffff, v29;
	v11 =	vmin.f32 v49, $0.0e+00;
	v53 =	vmul.f32 v51, v51;
	v63 =	vmul.f32 $4.000000060e-01, v48  }
0x373: {  	v61 =	vpop (erf);
	v38 =	vmul.f32 v38, v42;
	v42 =	vmul.f32 v50, v50;
	v10 =	vsub.f32 v26, v10  }
0x374: {  	v34 =	vmul.f32 v61, v34;
	v60 =	vmul.f32 $4.000000060e-01, v53;
	v61 =	vadd.f32 $6.666666860e-01, v63;
	v62 =	vpop (erf)  }
0x375: {  	v31 =	vsub.f32 v31, v38;
	v38 =	vmul.f32 $4.000000060e-01, v52;
	v43 =	vmul.f32 v62, v43  }
0x376: {  	v54 =	vmul.f32 v34, v34;
	v62 =	vmul.f32 $4.000000060e-01, v42;
	v63 =	vadd.f32 $6.666666860e-01, v60  }
0x377: {  	v10 =	vadd.f32 v10, v0;
	v45 =	vmul.f32 v61, v48;
	v9 =	vmul.f32 v43, v43  }
0x378: {  	v14 =	vadd.f32 $6.666666860e-01, v38;
	v30 =	vmul.f32 $4.000000060e-01, v54;
	v53 =	vmul.f32 v63, v53  }
0x379: {  	v31 =	vadd.f32 v31, v0;
	v48 =	vadd.f32 $6.666666860e-01, v62;
	v13 =	vmul.f32 $4.000000060e-01, v9  }
0x37a: {  	v14 =	vmul.f32 v14, v52;
	v12 =	vadd.f32 $6.666666860e-01, v30;
	v29 =	vadd.f32 $2.000000000e+00, v53  }
0x37b: {  	[tilespmem:v16+s25+$0x0] =	vst.idx.msk $0xffff, v25;
	v24 =	vadd.f32 $2.000000000e+00, v45;
	v16 =	vmul.f32 v48, v42;
	v13 =	vadd.f32 $6.666666860e-01, v13  }
0x37c: {  	v14 =	vadd.f32 $2.000000000e+00, v14;
	v12 =	vmul.f32 v12, v54;
	v25 =	vmul.f32 v29, v51  }
0x37d: {  	[tilespmem:v15+s25+$0x0] =	vst.idx.msk $0xffff, v17;
	v15 =	vmul.f32 v24, v47;
	v16 =	vadd.f32 $2.000000000e+00, v16;
	v9 =	vmul.f32 v13, v9  }
0x37e: {  	[tilespmem:v28+s25+$0x0] =	vst.idx.msk $0xffff, v10;
	v13 =	vmul.f32 v14, v44;
	v10 =	vadd.f32 $2.000000000e+00, v12;
	v12 =	vsub.f32 v35, v25  }
0x37f: {  	[tilespmem:v27+s25+$0x0] =	vst.idx.msk $0xffff, v31;
	v14 =	vsub.f32 v33, v15;
	v15 =	vmul.f32 v16, v50;
	v9 =	vadd.f32 $2.000000000e+00, v9  }
0x380: {  	v10 =	vmul.f32 v10, v34;
	v13 =	vsub.f32 v37, v13;
	v12 =	vadd.f32 v12, v0  }
0x381: {  	v14 =	vadd.f32 v14, v0;
	v15 =	vsub.f32 v36, v15;
	v9 =	vmul.f32 v9, v43  }
0x382: {  	v16 =	vmin.f32 v46, $0.0e+00;
	v13 =	vadd.f32 v13, v0;
	v10 =	vsub.f32 v11, v10;
	[tilespmem:v19+s25+$0x0] =	vst.idx.msk $0xffff, v12  }
0x383: {  	v11 =	vadd.f32 v15, v0;
	[tilespmem:v18+s25+$0x0] =	vst.idx.msk $0xffff, v14;
	v9 =	vsub.f32 v16, v9  }
0x384: {  	v10 =	vadd.f32 v10, v0;
	[tilespmem:v20+s25+$0x0] =	vst.idx.msk $0xffff, v13  }
0x385: {  	[tilespmem:v21+s25+$0x0] =	vst.idx.msk $0xffff, v11;
	v9 =	vadd.f32 v9, v0  }
0x386: {  	s4 =	simm.s32 $0x0;
	[tilespmem:v23+s25+$0x0] =	vst.idx.msk $0xffff, v10  }
0x387: {  	[tilespmem:v22+s25+$0x0] =	vst.idx.msk $0xffff, v9;
	v9 =	vmov s4  }
0x388: {  	[hbm4b:s15+s4] =	stream.linear.scatter [tilespmem:s25], [sflag:$0x5], $0x8000, $0x38;
	v10 =	vshll.u32 v9, $0x9;
	[tilespmem:$0x18100] =	vst v63  }
0x389: {  	v9 =	vshll.u32 v9, $0x7;
	_ =	swait.ge [sflag:s30], $0x8000;
	v15 =	vand.u32 $0x7000, v10  }
0x38a: {  	v17 =	vand.u32 $0x380, v9;
	[sflag:s30] =	ssyncset.done $0x0;
	v9 =	vadd.s32 v1, v15  }
0x38b: {  	v11 =	vadd.s32 v2, v15;
	[sflag:s30] =	ssyncadd.s32 $0xFFFF8000;
	v10 =	vor.u32 v17, v9  }
0x38c: {  	v9 =	vor.u32 v17, v11;
	[tilespmem:s24], [sflag:$0x1] =	stream.linear.gather [hbm4b:s16+s4], $0x8000, $0x38;
	[tilespmem:$0x18100] =	vst v63  }
0x38d: {  	_ =	swait.ge [sflag:s31], $0x8000  }
0x38e: {  	[sflag:s31] =	ssyncset.done $0x0  }
0x38f: {  	[sflag:s31] =	ssyncadd.s32 $0xFFFF8000  }
0x390: {  	v11 =	vadd.s32 v4, v15;
	v18 =	vld.idx.msk [tilespmem:v10+s28+$0x0], $0xffff  }
0x391: {  	v12 =	vadd.s32 v5, v15;
	v11 =	vor.u32 v17, v11;
	v19 =	vld.idx.msk [tilespmem:v9+s28+$0x0], $0xffff  }
0x392: {  	v13 =	vadd.s32 v6, v15;
	v12 =	vor.u32 v17, v12  }
0x393: {  	v14 =	vadd.s32 v3, v15;
	v13 =	vor.u32 v17, v13  }
0x394: {  	v14 =	vor.u32 v17, v14  }
0x395: {  	v16 =	vand.u32 $0x7FFFFFFF, v18  }
0x396: {  	v21 =	vld.idx.msk [tilespmem:v11+s28+$0x0], $0xffff;
	v20 =	vand.u32 $0x7FFFFFFF, v19;
	v16 =	vsub.f32 $0.0e+00, v16  }
0x397: {  	v22 =	vadd.s32 v7, v15;
	v23 =	vld.idx.msk [tilespmem:v12+s28+$0x0], $0xffff;
	v20 =	vsub.f32 $0.0e+00, v20  }
0x398: {  	v24 =	vmul.f32 $1.442695020e+00, v16;
	v16 =	vor.u32 v17, v22;
	v22 =	vld.idx.msk [tilespmem:v13+s28+$0x0], $0xffff  }
0x399: {  	v25 =	vld.idx.msk [tilespmem:v14+s28+$0x0], $0xffff;
	v20 =	vmul.f32 $1.442695020e+00, v20  }
0x39a: {  	v15 =	vadd.s32 v8, v15;
	(erf) = vpow2.f32 v24  }
0x39b: {  	v15 =	vor.u32 v17, v15;
	v17 =	vand.u32 $0x7FFFFFFF, v21;
	(erf) = vpow2.f32 v20  }
0x39c: {  	v17 =	vsub.f32 $0.0e+00, v17;
	v20 =	vand.u32 $0x7FFFFFFF, v23  }
0x39d: {  	v20 =	vsub.f32 $0.0e+00, v20;
	v26 =	vld.idx.msk [tilespmem:v16+s28+$0x0], $0xffff;
	v24 =	vand.u32 $0x7FFFFFFF, v22  }
0x39e: {  	v27 =	vmul.f32 $1.442695020e+00, v17;
	v17 =	vand.u32 $0x7FFFFFFF, v25;
	v24 =	vsub.f32 $0.0e+00, v24  }
0x39f: {  	v28 =	vsub.f32 $0.0e+00, v17;
	v20 =	vmul.f32 $1.442695020e+00, v20  }
0x3a0: {  	(erf) = vpow2.f32 v27;
	v24 =	vmul.f32 $1.442695020e+00, v24  }
0x3a1: {  	v17 =	vld.idx.msk [tilespmem:v15+s28+$0x0], $0xffff;
	(erf) = vpow2.f32 v20  }
0x3a2: {  	v20 =	vmul.f32 $1.442695020e+00, v28;
	v27 =	vand.u32 $0x7FFFFFFF, v26;
	(erf) = vpow2.f32 v24  }
0x3a3: {  	v28 =	vpop (erf);
	v27 =	vsub.f32 $0.0e+00, v27  }
0x3a4: {  	(erf) = vpow2.f32 v20;
	v24 =	vadd.f32 $2.000000000e+00, v28;
	v29 =	vpop (erf)  }
0x3a5: {  	v20 =	vadd.f32 $2.000000000e+00, v29;
	v27 =	vmul.f32 $1.442695020e+00, v27  }
0x3a6: {  	v30 =	vand.u32 $0x7FFFFFFF, v17;
	(erf) = vrcp.f32 v24  }
0x3a7: {  	v24 =	vsub.f32 $0.0e+00, v30;
	(erf) = vrcp.f32 v20;
	_ =	sdelay $0x1  }
0x3a8: {  	(erf) = vpow2.f32 v27;
	v20 =	vmul.f32 $1.442695020e+00, v24;
	v27 =	vpop (erf)  }
0x3a9: {  	v24 =	vadd.f32 $2.000000000e+00, v27;
	v31 =	vpop (erf)  }
0x3aa: {  	(erf) = vpow2.f32 v20;
	v55 =	vpop (erf)  }
0x3ab: {  	v20 =	vadd.f32 $2.000000000e+00, v31;
	(erf) = vrcp.f32 v24;
	v24 =	vadd.f32 $2.000000000e+00, v55  }
0x3ac: {  	v56 =	vpop (erf)  }
0x3ad: {  	(erf) = vrcp.f32 v20;
	v20 =	vadd.f32 $2.000000000e+00, v56  }
0x3ae: {  	(erf) = vrcp.f32 v24;
	v30 =	vpop (erf)  }
0x3af: {  	v57 =	vmul.f32 v30, v28;
	v24 =	vpop (erf)  }
0x3b0: {  	(erf) = vrcp.f32 v20;
	v59 =	vmul.f32 v24, v29  }
0x3b1: {  	v32 =	vmin.f32 v22, $0.0e+00;
	v30 =	vmin.f32 v25, $0.0e+00;
	v20 =	vpop (erf);
	v28 =	vmul.f32 v57, v57  }
0x3b2: {  	v24 =	vmin.f32 v23, $0.0e+00;
	v23 =	vadd.f32 $2.000000000e+00, v20;
	v60 =	vmul.f32 v59, v59  }
0x3b3: {  	v25 =	vmin.f32 v26, $0.0e+00;
	v29 =	vmin.f32 v21, $0.0e+00;
	v22 =	vpop (erf);
	v21 =	vmul.f32 $4.000000060e-01, v28  }
0x3b4: {  	(erf) = vrcp.f32 v23;
	v26 =	vadd.f32 $2.000000000e+00, v22;
	v23 =	vmul.f32 $4.000000060e-01, v60  }
0x3b5: {  	v41 =	vmin.f32 v18, $0.0e+00;
	v61 =	vmin.f32 v19, $0.0e+00;
	v18 =	vpop (erf);
	v21 =	vadd.f32 $6.666666860e-01, v21  }
0x3b6: {  	s23 =	simm.s32 $0x1;
	v34 =	vmul.f32 v18, v27;
	v18 =	vpop (erf);
	(erf) = vrcp.f32 v26;
	v19 =	vadd.f32 $6.666666860e-01, v23  }
0x3b7: {  	v23 =	vmov s23;
	v42 =	vmul.f32 v18, v31;
	v18 =	vpop (erf);
	v21 =	vmul.f32 v21, v28  }
0x3b8: {  	v26 =	vshll.u32 v23, $0x9;
	v23 =	vshll.u32 v23, $0x7;
	v44 =	vmul.f32 v18, v55  }
0x3b9: {  	v18 =	vpop (erf);
	v47 =	vmul.f32 v34, v34;
	v19 =	vmul.f32 v19, v60;
	v62 =	vand.u32 $0x7000, v26  }
0x3ba: {  	v63 =	vand.u32 $0x380, v23;
	v38 =	vmul.f32 v18, v56;
	v50 =	vmul.f32 v42, v42  }
0x3bb: {  	v23 =	vadd.s32 v1, v62;
	v26 =	vadd.s32 v2, v62;
	v46 =	vmul.f32 v44, v44  }
0x3bc: {  	v18 =	vadd.s32 v3, v62;
	v58 =	vadd.f32 $2.000000000e+00, v21;
	v28 =	vor.u32 v63, v23  }
0x3bd: {  	v55 =	vmul.f32 $4.000000060e-01, v47;
	v27 =	vor.u32 v63, v26;
	v23 =	vadd.f32 $2.000000000e+00, v19  }
0x3be: {  	v51 =	vmul.f32 v38, v38;
	v19 =	vor.u32 v63, v18;
	v18 =	vadd.s32 v6, v62  }
0x3bf: {  	v60 =	vmul.f32 $4.000000060e-01, v50;
	v18 =	vor.u32 v63, v18;
	v52 =	vmul.f32 v58, v57;
	v26 =	vpop (erf)  }
0x3c0: {  	v23 =	vmul.f32 v23, v59;
	v40 =	vmul.f32 v26, v20;
	v20 =	vadd.s32 v5, v62  }
0x3c1: {  	v59 =	vadd.s32 v4, v62;
	v54 =	vadd.f32 $6.666666860e-01, v60;
	v21 =	vpop (erf);
	v20 =	vor.u32 v63, v20;
	v26 =	vld.idx.msk [tilespmem:v28+s28+$0x0], $0xffff  }
0x3c2: {  	v23 =	vsub.f32 v61, v23;
	v43 =	vmul.f32 v21, v22;
	v31 =	vld.idx.msk [tilespmem:v27+s28+$0x0], $0xffff;
	v21 =	vor.u32 v63, v59  }
0x3c3: {  	v57 =	vmul.f32 $4.000000060e-01, v51;
	v61 =	vadd.s32 v8, v62;
	v45 =	vmul.f32 v40, v40;
	v35 =	vld.idx.msk [tilespmem:v19+s28+$0x0], $0xffff  }
0x3c4: {  	v22 =	vadd.s32 v7, v62;
	v62 =	vmul.f32 $4.000000060e-01, v46;
	v39 =	vadd.f32 v23, v0  }
0x3c5: {  	v33 =	vld.idx.msk [tilespmem:v18+s28+$0x0], $0xffff;
	v23 =	vor.u32 v63, v22;
	v22 =	vor.u32 v63, v61;
	v48 =	vmul.f32 v43, v43  }
0x3c6: {  	v56 =	vmul.f32 $4.000000060e-01, v45;
	v58 =	vadd.f32 $6.666666860e-01, v62;
	v37 =	vld.idx.msk [tilespmem:v20+s28+$0x0], $0xffff;
	v63 =	vand.u32 $0x7FFFFFFF, v26  }
0x3c7: {  	s23 =	simm.s32 $0x2;
	v53 =	vmul.f32 $4.000000060e-01, v48;
	v36 =	vld.idx.msk [tilespmem:v21+s28+$0x0], $0xffff;
	v59 =	vand.u32 $0x7FFFFFFF, v31;
	v49 =	vsub.f32 $0.0e+00, v63  }
.LBB2_12:
0x3c8: {  	p0 =	sne.s32 s23, $0x3F;
	v59 =	vsub.f32 $0.0e+00, v59;
	v60 =	vand.u32 $0x7FFFFFFF, v35;
	v57 =	vadd.f32 $6.666666860e-01, v57;
	s4 =	smov.u32 s23;
	s23 =	sadd.s32 $0x1, s23  }
0x3c9: {  	v49 =	vmul.f32 $1.442695020e+00, v49;
	v60 =	vsub.f32 $0.0e+00, v60;
	v46 =	vmul.f32 v58, v46  }
0x3ca: {  	v55 =	vadd.f32 $6.666666860e-01, v55;
	v58 =	vmul.f32 $1.442695020e+00, v59;
	v59 =	vand.u32 $0x7FFFFFFF, v33  }
0x3cb: {  	(erf) = vpow2.f32 v49;
	v49 =	vmul.f32 v57, v51;
	v51 =	vadd.f32 $6.666666860e-01, v56  }
0x3cc: {  	v50 =	vmul.f32 v54, v50;
	v57 =	vand.u32 $0x7FFFFFFF, v37;
	v56 =	vld.idx.msk [tilespmem:v22+s28+$0x0], $0xffff;
	(erf) = vpow2.f32 v58  }
0x3cd: {  	v46 =	vadd.f32 $2.000000000e+00, v46;
	v57 =	vsub.f32 $0.0e+00, v57;
	v58 =	vand.u32 $0x7FFFFFFF, v36;
	v54 =	vld.idx.msk [tilespmem:v23+s28+$0x0], $0xffff  }
0x3ce: {  	v50 =	vadd.f32 $2.000000000e+00, v50;
	v60 =	vmul.f32 $1.442695020e+00, v60;
	v58 =	vsub.f32 $0.0e+00, v58  }
0x3cf: {  	v59 =	vsub.f32 $0.0e+00, v59;
	v49 =	vadd.f32 $2.000000000e+00, v49;
	v57 =	vmul.f32 $1.442695020e+00, v57  }
0x3d0: {  	v41 =	vsub.f32 v41, v52;
	v47 =	vmul.f32 v55, v47;
	v58 =	vmul.f32 $1.442695020e+00, v58  }
0x3d1: {  	v52 =	vmul.f32 $1.442695020e+00, v59;
	v44 =	vmul.f32 v46, v44;
	v46 =	vadd.f32 $6.666666860e-01, v53  }
0x3d2: {  	v41 =	vadd.f32 v41, v0;
	v53 =	vand.u32 $0x7FFFFFFF, v56;
	(erf) = vpow2.f32 v58  }
0x3d3: {  	v42 =	vmul.f32 v50, v42;
	v58 =	vand.u32 $0x7FFFFFFF, v54;
	(erf) = vpow2.f32 v57  }
0x3d4: {  	v47 =	vadd.f32 $2.000000000e+00, v47;
	v50 =	vsub.f32 $0.0e+00, v58;
	v55 =	vpop (erf);
	(erf) = vpow2.f32 v52;
	[tilespmem:v10+s28+$0x0] =	vst.idx.msk $0xffff, v41  }
0x3d5: {  	v46 =	vmul.f32 v46, v48;
	v41 =	vadd.f32 $2.000000000e+00, v55;
	v52 =	vpop (erf);
	(erf) = vpow2.f32 v60;
	[tilespmem:v9+s28+$0x0] =	vst.idx.msk $0xffff, v39  }
0x3d6: {  	v45 =	vmul.f32 v51, v45;
	v10 =	vmovc v28;
	v48 =	vmul.f32 $1.442695020e+00, v50;
	v9 =	vmovc v27;
	v39 =	vadd.f32 $2.000000000e+00, v52  }
0x3d7: {  	v28 =	vadd.f32 $2.000000000e+00, v46;
	v27 =	vsub.f32 v32, v44;
	(erf) = vrcp.f32 v41  }
0x3d8: {  	v32 =	vsub.f32 $0.0e+00, v53;
	v41 =	vmul.f32 v49, v38;
	(erf) = vrcp.f32 v39  }
0x3d9: {  	v34 =	vmul.f32 v47, v34;
	v39 =	vadd.f32 $2.000000000e+00, v45;
	(erf) = vpow2.f32 v48  }
0x3da: {  	v32 =	vmul.f32 $1.442695020e+00, v32;
	v27 =	vadd.f32 v27, v0;
	v30 =	vsub.f32 v30, v41  }
0x3db: {  	v29 =	vsub.f32 v29, v34;
	v28 =	vmul.f32 v28, v43;
	v34 =	vmul.f32 v39, v40;
	v38 =	vpop (erf)  }
0x3dc: {  	v24 =	vsub.f32 v24, v42;
	v39 =	vadd.f32 $2.000000000e+00, v38;
	v40 =	vpop (erf);
	(erf) = vpow2.f32 v32  }
0x3dd: {  	v17 =	vmin.f32 v17, $0.0e+00;
	v30 =	vadd.f32 v30, v0;
	v32 =	vadd.f32 $2.000000000e+00, v40;
	v43 =	vpop (erf)  }
0x3de: {  	v28 =	vsub.f32 v17, v28;
	v41 =	vadd.f32 $2.000000000e+00, v43;
	v45 =	vpop (erf);
	(erf) = vrcp.f32 v39  }
0x3df: {  	(erf) = vrcp.f32 v32;
	v32 =	vadd.f32 v24, v0;
	v24 =	vsub.f32 v25, v34;
	[tilespmem:v14+s28+$0x0] =	vst.idx.msk $0xffff, v30  }
0x3e0: {  	v29 =	vadd.f32 v29, v0;
	v30 =	vadd.f32 $2.000000000e+00, v45;
	v25 =	vpop (erf);
	(erf) = vrcp.f32 v41;
	[tilespmem:v13+s28+$0x0] =	vst.idx.msk $0xffff, v27  }
0x3e1: {  	v17 =	vmov v56;
	v39 =	vmul.f32 v25, v55;
	v13 =	vpop (erf);
	v25 =	vadd.f32 v24, v0;
	[tilespmem:v12+s28+$0x0] =	vst.idx.msk $0xffff, v32  }
0x3e2: {  	v12 =	vadd.f32 v28, v0;
	v47 =	vmul.f32 v13, v52;
	(erf) = vrcp.f32 v30;
	v48 =	vpop (erf);
	[tilespmem:v11+s28+$0x0] =	vst.idx.msk $0xffff, v29  }
0x3e3: {  	v14 =	vmovc v19;
	v24 =	vmin.f32 v37, $0.0e+00;
	v27 =	vmul.f32 v39, v39;
	v28 =	vadd.f32 $2.000000000e+00, v48;
	[tilespmem:v16+s28+$0x0] =	vst.idx.msk $0xffff, v25  }
0x3e4: {  	v30 =	vmin.f32 v35, $0.0e+00;
	v29 =	vmin.f32 v36, $0.0e+00;
	v13 =	vmovc v18;
	v16 =	vmul.f32 v47, v47;
	[tilespmem:v15+s28+$0x0] =	vst.idx.msk $0xffff, v12  }
0x3e5: {  	v32 =	vmin.f32 v33, $0.0e+00;
	v15 =	vmul.f32 $4.000000060e-01, v27;
	(erf) = vrcp.f32 v28;
	v33 =	vpop (erf)  }
0x3e6: {  	v11 =	vmovc v21;
	v25 =	vmin.f32 v54, $0.0e+00;
	v12 =	vmovc v20;
	v18 =	vmul.f32 $4.000000060e-01, v16;
	v19 =	vadd.f32 $2.000000000e+00, v33  }
0x3e7: {  	v41 =	vmin.f32 v26, $0.0e+00;
	v21 =	vmin.f32 v31, $0.0e+00;
	v28 =	vadd.f32 $6.666666860e-01, v15;
	v20 =	vpop (erf)  }
0x3e8: {  	v18 =	vadd.f32 $6.666666860e-01, v18;
	v34 =	vmul.f32 v20, v38;
	v20 =	vpop (erf);
	(erf) = vrcp.f32 v19  }
0x3e9: {  	v31 =	vmov s4;
	v26 =	vmul.f32 v28, v27;
	v42 =	vmul.f32 v20, v40;
	v20 =	vpop (erf)  }
0x3ea: {  	v27 =	vshll.u32 v31, $0x9;
	v28 =	vshll.u32 v31, $0x7;
	v15 =	vmovc v22;
	v18 =	vmul.f32 v18, v16;
	v16 =	vmovc v23  }
0x3eb: {  	v22 =	vand.u32 $0x7000, v27;
	v36 =	vand.u32 $0x380, v28;
	v44 =	vmul.f32 v20, v43;
	v19 =	vpop (erf)  }
0x3ec: {  	v20 =	vadd.s32 v1, v22;
	v31 =	vadd.s32 v2, v22;
	v38 =	vmul.f32 v19, v45  }
0x3ed: {  	v28 =	vor.u32 v36, v20;
	v27 =	vor.u32 v36, v31;
	v46 =	vmul.f32 v44, v44  }
0x3ee: {  	v19 =	vadd.s32 v3, v22;
	v20 =	vadd.f32 $2.000000000e+00, v18;
	v51 =	vmul.f32 v38, v38;
	v23 =	vpop (erf)  }
0x3ef: {  	v50 =	vmul.f32 v42, v42;
	v18 =	vadd.s32 v6, v22;
	v19 =	vor.u32 v36, v19  }
0x3f0: {  	v18 =	vor.u32 v36, v18;
	v31 =	vmul.f32 v20, v47;
	v40 =	vmul.f32 v23, v48  }
0x3f1: {  	v20 =	vadd.s32 v5, v22;
	v47 =	vmul.f32 v34, v34;
	v23 =	vadd.f32 $2.000000000e+00, v26;
	v35 =	vpop (erf)  }
0x3f2: {  	v20 =	vor.u32 v36, v20;
	v37 =	vsub.f32 v21, v31;
	v45 =	vmul.f32 v40, v40;
	v26 =	vld.idx.msk [tilespmem:v28+s28+$0x0], $0xffff  }
0x3f3: {  	v49 =	vmul.f32 $4.000000060e-01, v50;
	v21 =	vadd.s32 v4, v22;
	v43 =	vmul.f32 v35, v33;
	v31 =	vld.idx.msk [tilespmem:v27+s28+$0x0], $0xffff  }
0x3f4: {  	v21 =	vor.u32 v36, v21;
	v52 =	vmul.f32 v23, v39;
	v39 =	vadd.f32 v37, v0;
	v35 =	vld.idx.msk [tilespmem:v19+s28+$0x0], $0xffff  }
.Ltmp5:
0x3f5: {  	v23 =	vadd.s32 v7, v22;
	v22 =	vadd.s32 v8, v22;
	v48 =	vmul.f32 v43, v43;
	v33 =	vld.idx.msk [tilespmem:v18+s28+$0x0], $0xffff;
	(pc) =	sbr.rel @p0 .LBB2_12-.Ltmp5, $4  }
0x3f6: {  	v58 =	vmul.f32 $4.000000060e-01, v46;
	v54 =	vadd.f32 $6.666666860e-01, v49;
	v55 =	vmul.f32 $4.000000060e-01, v47  }
0x3f7: {  	v23 =	vor.u32 v36, v23;
	v22 =	vor.u32 v36, v22;
	v56 =	vmul.f32 $4.000000060e-01, v45;
	v37 =	vld.idx.msk [tilespmem:v20+s28+$0x0], $0xffff  }
0x3f8: {  	v57 =	vmul.f32 $4.000000060e-01, v51;
	v53 =	vmul.f32 $4.000000060e-01, v48;
	v49 =	vand.u32 $0x7FFFFFFF, v26  }
0x3f9: {  	v58 =	vadd.f32 $6.666666860e-01, v58;
	v49 =	vsub.f32 $0.0e+00, v49;
	v59 =	vand.u32 $0x7FFFFFFF, v31;
	v36 =	vld.idx.msk [tilespmem:v21+s28+$0x0], $0xffff  }
0x3fa: {  	_ = 	snop  }
0x3fb: {  	v59 =	vsub.f32 $0.0e+00, v59;
	v49 =	vmul.f32 $1.442695020e+00, v49;
	_ =	sdelay $0x1  }
0x3fc: {  	v59 =	vmul.f32 $1.442695020e+00, v59;
	(erf) = vpow2.f32 v49  }
0x3fd: {  	v61 =	vand.u32 $0x7FFFFFFF, v33  }
0x3fe: {  	(erf) = vpow2.f32 v59;
	v60 =	vand.u32 $0x7FFFFFFF, v36;
	v59 =	vand.u32 $0x7FFFFFFF, v37  }
0x3ff: {  	v62 =	vand.u32 $0x7FFFFFFF, v35;
	v60 =	vsub.f32 $0.0e+00, v60;
	v59 =	vsub.f32 $0.0e+00, v59  }
0x400: {  	v57 =	vadd.f32 $6.666666860e-01, v57;
	v50 =	vmul.f32 v54, v50;
	v55 =	vadd.f32 $6.666666860e-01, v55  }
0x401: {  	v62 =	vsub.f32 $0.0e+00, v62;
	v49 =	vld.idx.msk [tilespmem:v23+s28+$0x0], $0xffff;
	v60 =	vmul.f32 $1.442695020e+00, v60;
	v59 =	vmul.f32 $1.442695020e+00, v59  }
0x402: {  	v56 =	vadd.f32 $6.666666860e-01, v56;
	v61 =	vsub.f32 $0.0e+00, v61;
	v58 =	vmul.f32 v58, v46  }
0x403: {  	v41 =	vsub.f32 v41, v52;
	v46 =	vld.idx.msk [tilespmem:v22+s28+$0x0], $0xffff;
	(erf) = vpow2.f32 v60;
	v60 =	vmul.f32 $1.442695020e+00, v62  }
0x404: {  	v63 =	vadd.f32 $6.666666860e-01, v53;
	v17 =	vmin.f32 v17, $0.0e+00;
	v61 =	vmul.f32 $1.442695020e+00, v61  }
0x405: {  	v51 =	vmul.f32 v57, v51;
	v50 =	vadd.f32 $2.000000000e+00, v50;
	(erf) = vpow2.f32 v59;
	v59 =	vpop (erf)  }
0x406: {  	v62 =	vand.u32 $0x7FFFFFFF, v49;
	(erf) = vpow2.f32 v61;
	v61 =	vadd.f32 $2.000000000e+00, v59  }
0x407: {  	v58 =	vadd.f32 $2.000000000e+00, v58;
	v57 =	vsub.f32 $0.0e+00, v62;
	(erf) = vpow2.f32 v60;
	v60 =	vpop (erf)  }
0x408: {  	v62 =	vand.u32 $0x7FFFFFFF, v46;
	(erf) = vrcp.f32 v61;
	v61 =	vadd.f32 $2.000000000e+00, v60  }
0x409: {  	v47 =	vmul.f32 v55, v47;
	v54 =	vsub.f32 $0.0e+00, v62;
	v57 =	vmul.f32 $1.442695020e+00, v57  }
0x40a: {  	v35 =	vmin.f32 v35, $0.0e+00;
	v44 =	vmul.f32 v58, v44;
	(erf) = vrcp.f32 v61  }
0x40b: {  	v33 =	vmin.f32 v33, $0.0e+00;
	(erf) = vpow2.f32 v57;
	v57 =	vmul.f32 $1.442695020e+00, v54  }
0x40c: {  	v41 =	vadd.f32 v41, v0;
	v48 =	vmul.f32 v63, v48;
	v51 =	vadd.f32 $2.000000000e+00, v51  }
0x40d: {  	v42 =	vmul.f32 v50, v42;
	v47 =	vadd.f32 $2.000000000e+00, v47;
	v50 =	vpop (erf);
	(erf) = vpow2.f32 v57  }
0x40e: {  	v31 =	vmin.f32 v31, $0.0e+00;
	v32 =	vsub.f32 v32, v44;
	v44 =	vpop (erf);
	v58 =	vadd.f32 $2.000000000e+00, v50  }
0x40f: {  	v45 =	vmul.f32 v56, v45;
	v48 =	vadd.f32 $2.000000000e+00, v48;
	v61 =	vadd.f32 $2.000000000e+00, v44;
	v53 =	vpop (erf)  }
0x410: {  	v38 =	vmul.f32 v51, v38;
	(erf) = vrcp.f32 v58;
	v62 =	vadd.f32 $2.000000000e+00, v53  }
0x411: {  	v45 =	vadd.f32 $2.000000000e+00, v45;
	v34 =	vmul.f32 v47, v34;
	v51 =	vpop (erf);
	(erf) = vrcp.f32 v61  }
0x412: {  	v43 =	vmul.f32 v48, v43;
	v56 =	vadd.f32 $2.000000000e+00, v51;
	v63 =	vpop (erf);
	(erf) = vrcp.f32 v62  }
0x413: {  	v40 =	vmul.f32 v45, v40;
	v24 =	vsub.f32 v24, v42;
	v45 =	vmul.f32 v63, v59  }
0x414: {  	v30 =	vsub.f32 v30, v38;
	v29 =	vsub.f32 v29, v34;
	v57 =	vpop (erf);
	(erf) = vrcp.f32 v56  }
0x415: {  	v25 =	vsub.f32 v25, v40;
	v34 =	vpop (erf);
	v42 =	vmul.f32 v57, v60;
	v40 =	vmul.f32 v45, v45  }
0x416: {  	v26 =	vmin.f32 v26, $0.0e+00;
	v17 =	vsub.f32 v17, v43;
	v58 =	vadd.f32 $2.000000000e+00, v34;
	v43 =	vpop (erf)  }
0x417: {  	v38 =	vmul.f32 v42, v42;
	v62 =	vmul.f32 $4.000000060e-01, v40;
	v60 =	vadd.f32 $2.000000000e+00, v43  }
0x418: {  	v24 =	vadd.f32 v24, v0;
	v32 =	vadd.f32 v32, v0;
	(erf) = vrcp.f32 v58  }
0x419: {  	v63 =	vpop (erf);
	v61 =	vmul.f32 $4.000000060e-01, v38;
	v52 =	vadd.f32 $6.666666860e-01, v62;
	(erf) = vrcp.f32 v60  }
0x41a: {  	v37 =	vmin.f32 v37, $0.0e+00;
	[tilespmem:v10+s28+$0x0] =	vst.idx.msk $0xffff, v41;
	v30 =	vadd.f32 v30, v0;
	v29 =	vadd.f32 v29, v0;
	v58 =	vpop (erf)  }
0x41b: {  	[tilespmem:v9+s28+$0x0] =	vst.idx.msk $0xffff, v39;
	v25 =	vadd.f32 v25, v0;
	v57 =	vadd.f32 $6.666666860e-01, v61;
	v59 =	vpop (erf);
	v40 =	vmul.f32 v52, v40  }
0x41c: {  	v17 =	vadd.f32 v17, v0;
	v50 =	vmul.f32 v63, v50;
	v47 =	vmul.f32 v59, v53  }
0x41d: {  	[tilespmem:v14+s28+$0x0] =	vst.idx.msk $0xffff, v30;
	v44 =	vmul.f32 v58, v44;
	v38 =	vmul.f32 v57, v38;
	v60 =	vpop (erf);
	v40 =	vadd.f32 $2.000000000e+00, v40  }
0x41e: {  	v36 =	vmin.f32 v36, $0.0e+00;
	[tilespmem:v13+s28+$0x0] =	vst.idx.msk $0xffff, v32;
	v51 =	vmul.f32 v60, v51;
	v48 =	vmul.f32 v47, v47  }
0x41f: {  	[tilespmem:v12+s28+$0x0] =	vst.idx.msk $0xffff, v24;
	v52 =	vmul.f32 v44, v44;
	v38 =	vadd.f32 $2.000000000e+00, v38;
	v10 =	vmul.f32 v40, v45  }
0x420: {  	[tilespmem:v11+s28+$0x0] =	vst.idx.msk $0xffff, v29;
	v11 =	vmin.f32 v49, $0.0e+00;
	v53 =	vmul.f32 v51, v51;
	v63 =	vmul.f32 $4.000000060e-01, v48  }
0x421: {  	v61 =	vpop (erf);
	v38 =	vmul.f32 v38, v42;
	v42 =	vmul.f32 v50, v50;
	v10 =	vsub.f32 v26, v10  }
0x422: {  	v34 =	vmul.f32 v61, v34;
	v60 =	vmul.f32 $4.000000060e-01, v53;
	v61 =	vadd.f32 $6.666666860e-01, v63;
	v62 =	vpop (erf)  }
0x423: {  	v31 =	vsub.f32 v31, v38;
	v38 =	vmul.f32 $4.000000060e-01, v52;
	v43 =	vmul.f32 v62, v43  }
0x424: {  	v54 =	vmul.f32 v34, v34;
	v62 =	vmul.f32 $4.000000060e-01, v42;
	v63 =	vadd.f32 $6.666666860e-01, v60  }
0x425: {  	v10 =	vadd.f32 v10, v0;
	v45 =	vmul.f32 v61, v48;
	v9 =	vmul.f32 v43, v43  }
0x426: {  	v14 =	vadd.f32 $6.666666860e-01, v38;
	v30 =	vmul.f32 $4.000000060e-01, v54;
	v55 =	vmul.f32 v63, v53  }
0x427: {  	v31 =	vadd.f32 v31, v0;
	v48 =	vadd.f32 $6.666666860e-01, v62;
	v13 =	vmul.f32 $4.000000060e-01, v9  }
0x428: {  	v14 =	vmul.f32 v14, v52;
	v12 =	vadd.f32 $6.666666860e-01, v30;
	v29 =	vadd.f32 $2.000000000e+00, v55  }
0x429: {  	[tilespmem:v16+s28+$0x0] =	vst.idx.msk $0xffff, v25;
	v24 =	vadd.f32 $2.000000000e+00, v45;
	v16 =	vmul.f32 v48, v42;
	v13 =	vadd.f32 $6.666666860e-01, v13  }
0x42a: {  	v14 =	vadd.f32 $2.000000000e+00, v14;
	v12 =	vmul.f32 v12, v54;
	v25 =	vmul.f32 v29, v51  }
0x42b: {  	[tilespmem:v15+s28+$0x0] =	vst.idx.msk $0xffff, v17;
	v15 =	vmul.f32 v24, v47;
	v16 =	vadd.f32 $2.000000000e+00, v16;
	v9 =	vmul.f32 v13, v9  }
0x42c: {  	[tilespmem:v28+s28+$0x0] =	vst.idx.msk $0xffff, v10;
	v13 =	vmul.f32 v14, v44;
	v10 =	vadd.f32 $2.000000000e+00, v12;
	v12 =	vsub.f32 v35, v25  }
0x42d: {  	[tilespmem:v27+s28+$0x0] =	vst.idx.msk $0xffff, v31;
	v14 =	vsub.f32 v33, v15;
	v15 =	vmul.f32 v16, v50;
	v9 =	vadd.f32 $2.000000000e+00, v9  }
0x42e: {  	v10 =	vmul.f32 v10, v34;
	v13 =	vsub.f32 v37, v13;
	v12 =	vadd.f32 v12, v0  }
0x42f: {  	v14 =	vadd.f32 v14, v0;
	v15 =	vsub.f32 v36, v15;
	v9 =	vmul.f32 v9, v43  }
0x430: {  	v16 =	vmin.f32 v46, $0.0e+00;
	v13 =	vadd.f32 v13, v0;
	v10 =	vsub.f32 v11, v10;
	[tilespmem:v19+s28+$0x0] =	vst.idx.msk $0xffff, v12  }
0x431: {  	v11 =	vadd.f32 v15, v0;
	[tilespmem:v18+s28+$0x0] =	vst.idx.msk $0xffff, v14;
	v9 =	vsub.f32 v16, v9  }
0x432: {  	v10 =	vadd.f32 v10, v0;
	[tilespmem:v20+s28+$0x0] =	vst.idx.msk $0xffff, v13  }
0x433: {  	[tilespmem:v21+s28+$0x0] =	vst.idx.msk $0xffff, v11;
	v9 =	vadd.f32 v9, v0  }
0x434: {  	s4 =	simm.s32 $0x0;
	[tilespmem:v23+s28+$0x0] =	vst.idx.msk $0xffff, v10  }
0x435: {  	[tilespmem:v22+s28+$0x0] =	vst.idx.msk $0xffff, v9;
	v9 =	vmov s4  }
0x436: {  	[hbm4b:s17+s4] =	stream.linear.scatter [tilespmem:s28], [sflag:$0x6], $0x8000, $0x38;
	v10 =	vshll.u32 v9, $0x9;
	[tilespmem:$0x18100] =	vst v63  }
0x437: {  	v9 =	vshll.u32 v9, $0x7;
	_ =	swait.ge [sflag:s0], $0x8000;
	v15 =	vand.u32 $0x7000, v10  }
0x438: {  	v17 =	vand.u32 $0x380, v9;
	[sflag:s0] =	ssyncset.done $0x0;
	v9 =	vadd.s32 v1, v15  }
0x439: {  	v11 =	vadd.s32 v2, v15;
	[sflag:s0] =	ssyncadd.s32 $0xFFFF8000;
	v10 =	vor.u32 v17, v9  }
0x43a: {  	v9 =	vor.u32 v17, v11;
	[tilespmem:s25], [sflag:$0x2] =	stream.linear.gather [hbm4b:s18+s4], $0x8000, $0x38;
	[tilespmem:$0x18100] =	vst v63  }
0x43b: {  	_ =	swait.ge [sflag:s26], $0x8000  }
0x43c: {  	[sflag:s26] =	ssyncset.done $0x0  }
0x43d: {  	[sflag:s26] =	ssyncadd.s32 $0xFFFF8000  }
0x43e: {  	v11 =	vadd.s32 v4, v15;
	v18 =	vld.idx.msk [tilespmem:v10+s24+$0x0], $0xffff  }
0x43f: {  	v12 =	vadd.s32 v5, v15;
	v11 =	vor.u32 v17, v11;
	v19 =	vld.idx.msk [tilespmem:v9+s24+$0x0], $0xffff  }
0x440: {  	v13 =	vadd.s32 v6, v15;
	v12 =	vor.u32 v17, v12  }
0x441: {  	v14 =	vadd.s32 v3, v15;
	v13 =	vor.u32 v17, v13  }
0x442: {  	v14 =	vor.u32 v17, v14  }
0x443: {  	v16 =	vand.u32 $0x7FFFFFFF, v18  }
0x444: {  	v21 =	vld.idx.msk [tilespmem:v11+s24+$0x0], $0xffff;
	v20 =	vand.u32 $0x7FFFFFFF, v19;
	v16 =	vsub.f32 $0.0e+00, v16  }
0x445: {  	v22 =	vadd.s32 v7, v15;
	v23 =	vld.idx.msk [tilespmem:v12+s24+$0x0], $0xffff;
	v20 =	vsub.f32 $0.0e+00, v20  }
0x446: {  	v24 =	vmul.f32 $1.442695020e+00, v16;
	v16 =	vor.u32 v17, v22;
	v22 =	vld.idx.msk [tilespmem:v13+s24+$0x0], $0xffff  }
0x447: {  	v25 =	vld.idx.msk [tilespmem:v14+s24+$0x0], $0xffff;
	v20 =	vmul.f32 $1.442695020e+00, v20  }
0x448: {  	v15 =	vadd.s32 v8, v15;
	(erf) = vpow2.f32 v24  }
0x449: {  	v15 =	vor.u32 v17, v15;
	v17 =	vand.u32 $0x7FFFFFFF, v21;
	(erf) = vpow2.f32 v20  }
0x44a: {  	v17 =	vsub.f32 $0.0e+00, v17;
	v20 =	vand.u32 $0x7FFFFFFF, v23  }
0x44b: {  	v20 =	vsub.f32 $0.0e+00, v20;
	v26 =	vld.idx.msk [tilespmem:v16+s24+$0x0], $0xffff;
	v24 =	vand.u32 $0x7FFFFFFF, v22  }
0x44c: {  	v27 =	vmul.f32 $1.442695020e+00, v17;
	v17 =	vand.u32 $0x7FFFFFFF, v25;
	v24 =	vsub.f32 $0.0e+00, v24  }
0x44d: {  	v28 =	vsub.f32 $0.0e+00, v17;
	v20 =	vmul.f32 $1.442695020e+00, v20  }
0x44e: {  	(erf) = vpow2.f32 v27;
	v24 =	vmul.f32 $1.442695020e+00, v24  }
0x44f: {  	v17 =	vld.idx.msk [tilespmem:v15+s24+$0x0], $0xffff;
	(erf) = vpow2.f32 v20  }
0x450: {  	v20 =	vmul.f32 $1.442695020e+00, v28;
	v27 =	vand.u32 $0x7FFFFFFF, v26;
	(erf) = vpow2.f32 v24  }
0x451: {  	v28 =	vpop (erf);
	v27 =	vsub.f32 $0.0e+00, v27  }
0x452: {  	(erf) = vpow2.f32 v20;
	v24 =	vadd.f32 $2.000000000e+00, v28;
	v29 =	vpop (erf)  }
0x453: {  	v20 =	vadd.f32 $2.000000000e+00, v29;
	v27 =	vmul.f32 $1.442695020e+00, v27  }
0x454: {  	v30 =	vand.u32 $0x7FFFFFFF, v17;
	(erf) = vrcp.f32 v24  }
0x455: {  	v24 =	vsub.f32 $0.0e+00, v30;
	(erf) = vrcp.f32 v20;
	_ =	sdelay $0x1  }
0x456: {  	(erf) = vpow2.f32 v27;
	v20 =	vmul.f32 $1.442695020e+00, v24;
	v27 =	vpop (erf)  }
0x457: {  	v24 =	vadd.f32 $2.000000000e+00, v27;
	v31 =	vpop (erf)  }
0x458: {  	(erf) = vpow2.f32 v20;
	v56 =	vpop (erf)  }
0x459: {  	v20 =	vadd.f32 $2.000000000e+00, v31;
	(erf) = vrcp.f32 v24;
	v24 =	vadd.f32 $2.000000000e+00, v56  }
0x45a: {  	v57 =	vpop (erf)  }
0x45b: {  	(erf) = vrcp.f32 v20;
	v20 =	vadd.f32 $2.000000000e+00, v57  }
0x45c: {  	(erf) = vrcp.f32 v24;
	v30 =	vpop (erf)  }
0x45d: {  	v58 =	vmul.f32 v30, v28;
	v24 =	vpop (erf)  }
0x45e: {  	(erf) = vrcp.f32 v20;
	v59 =	vmul.f32 v24, v29  }
0x45f: {  	v32 =	vmin.f32 v22, $0.0e+00;
	v30 =	vmin.f32 v25, $0.0e+00;
	v20 =	vpop (erf);
	v28 =	vmul.f32 v58, v58  }
0x460: {  	v24 =	vmin.f32 v23, $0.0e+00;
	v23 =	vadd.f32 $2.000000000e+00, v20;
	v60 =	vmul.f32 v59, v59  }
0x461: {  	v25 =	vmin.f32 v26, $0.0e+00;
	v29 =	vmin.f32 v21, $0.0e+00;
	v22 =	vpop (erf);
	v21 =	vmul.f32 $4.000000060e-01, v28  }
0x462: {  	(erf) = vrcp.f32 v23;
	v26 =	vadd.f32 $2.000000000e+00, v22;
	v23 =	vmul.f32 $4.000000060e-01, v60  }
0x463: {  	v41 =	vmin.f32 v18, $0.0e+00;
	v61 =	vmin.f32 v19, $0.0e+00;
	v18 =	vpop (erf);
	v21 =	vadd.f32 $6.666666860e-01, v21  }
0x464: {  	s23 =	simm.s32 $0x1;
	v34 =	vmul.f32 v18, v27;
	v18 =	vpop (erf);
	(erf) = vrcp.f32 v26;
	v19 =	vadd.f32 $6.666666860e-01, v23  }
0x465: {  	v23 =	vmov s23;
	v42 =	vmul.f32 v18, v31;
	v18 =	vpop (erf);
	v21 =	vmul.f32 v21, v28  }
0x466: {  	v26 =	vshll.u32 v23, $0x9;
	v23 =	vshll.u32 v23, $0x7;
	v44 =	vmul.f32 v18, v56  }
0x467: {  	v18 =	vpop (erf);
	v47 =	vmul.f32 v34, v34;
	v19 =	vmul.f32 v19, v60;
	v62 =	vand.u32 $0x7000, v26  }
0x468: {  	v63 =	vand.u32 $0x380, v23;
	v38 =	vmul.f32 v18, v57;
	v50 =	vmul.f32 v42, v42  }
0x469: {  	v23 =	vadd.s32 v1, v62;
	v26 =	vadd.s32 v2, v62;
	v46 =	vmul.f32 v44, v44  }
0x46a: {  	v18 =	vadd.s32 v3, v62;
	v21 =	vadd.f32 $2.000000000e+00, v21;
	v28 =	vor.u32 v63, v23  }
0x46b: {  	v55 =	vmul.f32 $4.000000060e-01, v47;
	v27 =	vor.u32 v63, v26;
	v23 =	vadd.f32 $2.000000000e+00, v19  }
0x46c: {  	v51 =	vmul.f32 v38, v38;
	v19 =	vor.u32 v63, v18;
	v18 =	vadd.s32 v6, v62  }
0x46d: {  	v60 =	vmul.f32 $4.000000060e-01, v50;
	v18 =	vor.u32 v63, v18;
	v52 =	vmul.f32 v21, v58;
	v26 =	vpop (erf)  }
0x46e: {  	v23 =	vmul.f32 v23, v59;
	v40 =	vmul.f32 v26, v20;
	v20 =	vadd.s32 v5, v62  }
0x46f: {  	v21 =	vadd.s32 v7, v62;
	v59 =	vadd.s32 v4, v62;
	v31 =	vpop (erf);
	v20 =	vor.u32 v63, v20;
	v26 =	vld.idx.msk [tilespmem:v28+s24+$0x0], $0xffff  }
0x470: {  	v23 =	vsub.f32 v61, v23;
	v43 =	vmul.f32 v31, v22;
	v31 =	vld.idx.msk [tilespmem:v27+s24+$0x0], $0xffff;
	v22 =	vor.u32 v63, v59  }
0x471: {  	v54 =	vadd.f32 $6.666666860e-01, v60;
	v57 =	vmul.f32 $4.000000060e-01, v51;
	v61 =	vadd.s32 v8, v62;
	v35 =	vld.idx.msk [tilespmem:v19+s24+$0x0], $0xffff  }
0x472: {  	v62 =	vmul.f32 $4.000000060e-01, v46;
	v45 =	vmul.f32 v40, v40;
	v39 =	vadd.f32 v23, v0  }
0x473: {  	v33 =	vld.idx.msk [tilespmem:v18+s24+$0x0], $0xffff;
	v23 =	vor.u32 v63, v21;
	v21 =	vor.u32 v63, v61;
	v48 =	vmul.f32 v43, v43  }
0x474: {  	v58 =	vadd.f32 $6.666666860e-01, v62;
	v56 =	vmul.f32 $4.000000060e-01, v45;
	v37 =	vld.idx.msk [tilespmem:v20+s24+$0x0], $0xffff;
	v63 =	vand.u32 $0x7FFFFFFF, v26  }
0x475: {  	s23 =	simm.s32 $0x2;
	v53 =	vmul.f32 $4.000000060e-01, v48;
	v36 =	vld.idx.msk [tilespmem:v22+s24+$0x0], $0xffff;
	v59 =	vand.u32 $0x7FFFFFFF, v31;
	v49 =	vsub.f32 $0.0e+00, v63  }
.LBB2_14:
0x476: {  	p0 =	sne.s32 s23, $0x3F;
	v59 =	vsub.f32 $0.0e+00, v59;
	v60 =	vand.u32 $0x7FFFFFFF, v35;
	v57 =	vadd.f32 $6.666666860e-01, v57;
	s4 =	smov.u32 s23;
	s23 =	sadd.s32 $0x1, s23  }
0x477: {  	v49 =	vmul.f32 $1.442695020e+00, v49;
	v60 =	vsub.f32 $0.0e+00, v60;
	v46 =	vmul.f32 v58, v46  }
0x478: {  	v55 =	vadd.f32 $6.666666860e-01, v55;
	v58 =	vmul.f32 $1.442695020e+00, v59;
	v59 =	vand.u32 $0x7FFFFFFF, v33  }
0x479: {  	(erf) = vpow2.f32 v49;
	v49 =	vmul.f32 v57, v51;
	v51 =	vadd.f32 $6.666666860e-01, v56  }
0x47a: {  	v50 =	vmul.f32 v54, v50;
	v57 =	vand.u32 $0x7FFFFFFF, v37;
	v56 =	vld.idx.msk [tilespmem:v21+s24+$0x0], $0xffff;
	(erf) = vpow2.f32 v58  }
0x47b: {  	v46 =	vadd.f32 $2.000000000e+00, v46;
	v57 =	vsub.f32 $0.0e+00, v57;
	v58 =	vand.u32 $0x7FFFFFFF, v36;
	v54 =	vld.idx.msk [tilespmem:v23+s24+$0x0], $0xffff  }
0x47c: {  	v50 =	vadd.f32 $2.000000000e+00, v50;
	v60 =	vmul.f32 $1.442695020e+00, v60;
	v58 =	vsub.f32 $0.0e+00, v58  }
0x47d: {  	v59 =	vsub.f32 $0.0e+00, v59;
	v49 =	vadd.f32 $2.000000000e+00, v49;
	v57 =	vmul.f32 $1.442695020e+00, v57  }
0x47e: {  	v41 =	vsub.f32 v41, v52;
	v47 =	vmul.f32 v55, v47;
	v58 =	vmul.f32 $1.442695020e+00, v58  }
0x47f: {  	v52 =	vmul.f32 $1.442695020e+00, v59;
	v44 =	vmul.f32 v46, v44;
	v46 =	vadd.f32 $6.666666860e-01, v53  }
0x480: {  	v41 =	vadd.f32 v41, v0;
	v53 =	vand.u32 $0x7FFFFFFF, v56;
	(erf) = vpow2.f32 v58  }
0x481: {  	v42 =	vmul.f32 v50, v42;
	v58 =	vand.u32 $0x7FFFFFFF, v54;
	(erf) = vpow2.f32 v57  }
0x482: {  	v47 =	vadd.f32 $2.000000000e+00, v47;
	v50 =	vsub.f32 $0.0e+00, v58;
	v55 =	vpop (erf);
	(erf) = vpow2.f32 v52;
	[tilespmem:v10+s24+$0x0] =	vst.idx.msk $0xffff, v41  }
0x483: {  	v46 =	vmul.f32 v46, v48;
	v41 =	vadd.f32 $2.000000000e+00, v55;
	v52 =	vpop (erf);
	(erf) = vpow2.f32 v60;
	[tilespmem:v9+s24+$0x0] =	vst.idx.msk $0xffff, v39  }
0x484: {  	v45 =	vmul.f32 v51, v45;
	v10 =	vmovc v28;
	v48 =	vmul.f32 $1.442695020e+00, v50;
	v9 =	vmovc v27;
	v39 =	vadd.f32 $2.000000000e+00, v52  }
0x485: {  	v28 =	vadd.f32 $2.000000000e+00, v46;
	v27 =	vsub.f32 v32, v44;
	(erf) = vrcp.f32 v41  }
0x486: {  	v32 =	vsub.f32 $0.0e+00, v53;
	v41 =	vmul.f32 v49, v38;
	(erf) = vrcp.f32 v39  }
0x487: {  	v34 =	vmul.f32 v47, v34;
	v39 =	vadd.f32 $2.000000000e+00, v45;
	(erf) = vpow2.f32 v48  }
0x488: {  	v32 =	vmul.f32 $1.442695020e+00, v32;
	v27 =	vadd.f32 v27, v0;
	v30 =	vsub.f32 v30, v41  }
0x489: {  	v29 =	vsub.f32 v29, v34;
	v28 =	vmul.f32 v28, v43;
	v34 =	vmul.f32 v39, v40;
	v38 =	vpop (erf)  }
0x48a: {  	v24 =	vsub.f32 v24, v42;
	v39 =	vadd.f32 $2.000000000e+00, v38;
	v40 =	vpop (erf);
	(erf) = vpow2.f32 v32  }
0x48b: {  	v17 =	vmin.f32 v17, $0.0e+00;
	v30 =	vadd.f32 v30, v0;
	v32 =	vadd.f32 $2.000000000e+00, v40;
	v43 =	vpop (erf)  }
0x48c: {  	v28 =	vsub.f32 v17, v28;
	v41 =	vadd.f32 $2.000000000e+00, v43;
	v45 =	vpop (erf);
	(erf) = vrcp.f32 v39  }
0x48d: {  	(erf) = vrcp.f32 v32;
	v32 =	vadd.f32 v24, v0;
	v24 =	vsub.f32 v25, v34;
	[tilespmem:v14+s24+$0x0] =	vst.idx.msk $0xffff, v30  }
0x48e: {  	v29 =	vadd.f32 v29, v0;
	v30 =	vadd.f32 $2.000000000e+00, v45;
	v25 =	vpop (erf);
	(erf) = vrcp.f32 v41;
	[tilespmem:v13+s24+$0x0] =	vst.idx.msk $0xffff, v27  }
0x48f: {  	v17 =	vmov v56;
	v39 =	vmul.f32 v25, v55;
	v13 =	vpop (erf);
	v25 =	vadd.f32 v24, v0;
	[tilespmem:v12+s24+$0x0] =	vst.idx.msk $0xffff, v32  }
0x490: {  	v12 =	vadd.f32 v28, v0;
	v47 =	vmul.f32 v13, v52;
	(erf) = vrcp.f32 v30;
	v48 =	vpop (erf);
	[tilespmem:v11+s24+$0x0] =	vst.idx.msk $0xffff, v29  }
0x491: {  	v14 =	vmovc v19;
	v24 =	vmin.f32 v37, $0.0e+00;
	v27 =	vmul.f32 v39, v39;
	v28 =	vadd.f32 $2.000000000e+00, v48;
	[tilespmem:v16+s24+$0x0] =	vst.idx.msk $0xffff, v25  }
0x492: {  	v30 =	vmin.f32 v35, $0.0e+00;
	v29 =	vmin.f32 v36, $0.0e+00;
	v13 =	vmovc v18;
	v16 =	vmul.f32 v47, v47;
	[tilespmem:v15+s24+$0x0] =	vst.idx.msk $0xffff, v12  }
0x493: {  	v32 =	vmin.f32 v33, $0.0e+00;
	v15 =	vmul.f32 $4.000000060e-01, v27;
	(erf) = vrcp.f32 v28;
	v33 =	vpop (erf)  }
0x494: {  	v11 =	vmovc v22;
	v25 =	vmin.f32 v54, $0.0e+00;
	v12 =	vmovc v20;
	v18 =	vmul.f32 $4.000000060e-01, v16;
	v19 =	vadd.f32 $2.000000000e+00, v33  }
0x495: {  	v41 =	vmin.f32 v26, $0.0e+00;
	v22 =	vmin.f32 v31, $0.0e+00;
	v28 =	vadd.f32 $6.666666860e-01, v15;
	v20 =	vpop (erf)  }
0x496: {  	v18 =	vadd.f32 $6.666666860e-01, v18;
	v34 =	vmul.f32 v20, v38;
	v20 =	vpop (erf);
	(erf) = vrcp.f32 v19  }
0x497: {  	v31 =	vmov s4;
	v26 =	vmul.f32 v28, v27;
	v42 =	vmul.f32 v20, v40;
	v20 =	vpop (erf)  }
0x498: {  	v27 =	vshll.u32 v31, $0x9;
	v28 =	vshll.u32 v31, $0x7;
	v15 =	vmovc v21;
	v18 =	vmul.f32 v18, v16;
	v16 =	vmovc v23  }
0x499: {  	v21 =	vand.u32 $0x7000, v27;
	v36 =	vand.u32 $0x380, v28;
	v44 =	vmul.f32 v20, v43;
	v19 =	vpop (erf)  }
0x49a: {  	v20 =	vadd.s32 v1, v21;
	v31 =	vadd.s32 v2, v21;
	v38 =	vmul.f32 v19, v45  }
0x49b: {  	v28 =	vor.u32 v36, v20;
	v27 =	vor.u32 v36, v31;
	v46 =	vmul.f32 v44, v44  }
0x49c: {  	v19 =	vadd.s32 v3, v21;
	v20 =	vadd.f32 $2.000000000e+00, v18;
	v51 =	vmul.f32 v38, v38;
	v23 =	vpop (erf)  }
0x49d: {  	v50 =	vmul.f32 v42, v42;
	v18 =	vadd.s32 v6, v21;
	v19 =	vor.u32 v36, v19  }
0x49e: {  	v18 =	vor.u32 v36, v18;
	v31 =	vmul.f32 v20, v47;
	v40 =	vmul.f32 v23, v48  }
0x49f: {  	v20 =	vadd.s32 v5, v21;
	v47 =	vmul.f32 v34, v34;
	v23 =	vadd.f32 $2.000000000e+00, v26;
	v35 =	vpop (erf)  }
0x4a0: {  	v20 =	vor.u32 v36, v20;
	v37 =	vsub.f32 v22, v31;
	v45 =	vmul.f32 v40, v40;
	v26 =	vld.idx.msk [tilespmem:v28+s24+$0x0], $0xffff  }
0x4a1: {  	v49 =	vmul.f32 $4.000000060e-01, v50;
	v22 =	vadd.s32 v4, v21;
	v43 =	vmul.f32 v35, v33;
	v31 =	vld.idx.msk [tilespmem:v27+s24+$0x0], $0xffff  }
0x4a2: {  	v22 =	vor.u32 v36, v22;
	v52 =	vmul.f32 v23, v39;
	v39 =	vadd.f32 v37, v0;
	v35 =	vld.idx.msk [tilespmem:v19+s24+$0x0], $0xffff  }
.Ltmp6:
0x4a3: {  	v23 =	vadd.s32 v7, v21;
	v21 =	vadd.s32 v8, v21;
	v48 =	vmul.f32 v43, v43;
	v33 =	vld.idx.msk [tilespmem:v18+s24+$0x0], $0xffff;
	(pc) =	sbr.rel @p0 .LBB2_14-.Ltmp6, $4  }
0x4a4: {  	v58 =	vmul.f32 $4.000000060e-01, v46;
	v54 =	vadd.f32 $6.666666860e-01, v49;
	v55 =	vmul.f32 $4.000000060e-01, v47  }
0x4a5: {  	v23 =	vor.u32 v36, v23;
	v21 =	vor.u32 v36, v21;
	v56 =	vmul.f32 $4.000000060e-01, v45;
	v37 =	vld.idx.msk [tilespmem:v20+s24+$0x0], $0xffff  }
0x4a6: {  	v57 =	vmul.f32 $4.000000060e-01, v51;
	v53 =	vmul.f32 $4.000000060e-01, v48;
	v49 =	vand.u32 $0x7FFFFFFF, v26  }
0x4a7: {  	v58 =	vadd.f32 $6.666666860e-01, v58;
	v49 =	vsub.f32 $0.0e+00, v49;
	v59 =	vand.u32 $0x7FFFFFFF, v31;
	v36 =	vld.idx.msk [tilespmem:v22+s24+$0x0], $0xffff  }
0x4a8: {  	_ = 	snop  }
0x4a9: {  	v59 =	vsub.f32 $0.0e+00, v59;
	v49 =	vmul.f32 $1.442695020e+00, v49;
	_ =	sdelay $0x1  }
0x4aa: {  	v59 =	vmul.f32 $1.442695020e+00, v59;
	(erf) = vpow2.f32 v49  }
0x4ab: {  	v61 =	vand.u32 $0x7FFFFFFF, v33  }
0x4ac: {  	(erf) = vpow2.f32 v59;
	v60 =	vand.u32 $0x7FFFFFFF, v36;
	v59 =	vand.u32 $0x7FFFFFFF, v37  }
0x4ad: {  	v62 =	vand.u32 $0x7FFFFFFF, v35;
	v60 =	vsub.f32 $0.0e+00, v60;
	v59 =	vsub.f32 $0.0e+00, v59  }
0x4ae: {  	v57 =	vadd.f32 $6.666666860e-01, v57;
	v50 =	vmul.f32 v54, v50;
	v55 =	vadd.f32 $6.666666860e-01, v55  }
0x4af: {  	v62 =	vsub.f32 $0.0e+00, v62;
	v49 =	vld.idx.msk [tilespmem:v23+s24+$0x0], $0xffff;
	v60 =	vmul.f32 $1.442695020e+00, v60;
	v59 =	vmul.f32 $1.442695020e+00, v59  }
0x4b0: {  	v56 =	vadd.f32 $6.666666860e-01, v56;
	v61 =	vsub.f32 $0.0e+00, v61;
	v58 =	vmul.f32 v58, v46  }
0x4b1: {  	v41 =	vsub.f32 v41, v52;
	v46 =	vld.idx.msk [tilespmem:v21+s24+$0x0], $0xffff;
	(erf) = vpow2.f32 v60;
	v60 =	vmul.f32 $1.442695020e+00, v62  }
0x4b2: {  	v63 =	vadd.f32 $6.666666860e-01, v53;
	v17 =	vmin.f32 v17, $0.0e+00;
	v61 =	vmul.f32 $1.442695020e+00, v61  }
0x4b3: {  	v51 =	vmul.f32 v57, v51;
	v50 =	vadd.f32 $2.000000000e+00, v50;
	(erf) = vpow2.f32 v59;
	v59 =	vpop (erf)  }
0x4b4: {  	v62 =	vand.u32 $0x7FFFFFFF, v49;
	(erf) = vpow2.f32 v61;
	v61 =	vadd.f32 $2.000000000e+00, v59  }
0x4b5: {  	v58 =	vadd.f32 $2.000000000e+00, v58;
	v57 =	vsub.f32 $0.0e+00, v62;
	(erf) = vpow2.f32 v60;
	v60 =	vpop (erf)  }
0x4b6: {  	v62 =	vand.u32 $0x7FFFFFFF, v46;
	(erf) = vrcp.f32 v61;
	v61 =	vadd.f32 $2.000000000e+00, v60  }
0x4b7: {  	v47 =	vmul.f32 v55, v47;
	v54 =	vsub.f32 $0.0e+00, v62;
	v57 =	vmul.f32 $1.442695020e+00, v57  }
0x4b8: {  	v35 =	vmin.f32 v35, $0.0e+00;
	v44 =	vmul.f32 v58, v44;
	(erf) = vrcp.f32 v61  }
0x4b9: {  	v33 =	vmin.f32 v33, $0.0e+00;
	(erf) = vpow2.f32 v57;
	v57 =	vmul.f32 $1.442695020e+00, v54  }
0x4ba: {  	v41 =	vadd.f32 v41, v0;
	v48 =	vmul.f32 v63, v48;
	v51 =	vadd.f32 $2.000000000e+00, v51  }
0x4bb: {  	v42 =	vmul.f32 v50, v42;
	v47 =	vadd.f32 $2.000000000e+00, v47;
	v50 =	vpop (erf);
	(erf) = vpow2.f32 v57  }
0x4bc: {  	v31 =	vmin.f32 v31, $0.0e+00;
	v32 =	vsub.f32 v32, v44;
	v44 =	vpop (erf);
	v58 =	vadd.f32 $2.000000000e+00, v50  }
0x4bd: {  	v45 =	vmul.f32 v56, v45;
	v48 =	vadd.f32 $2.000000000e+00, v48;
	v61 =	vadd.f32 $2.000000000e+00, v44;
	v53 =	vpop (erf)  }
0x4be: {  	v38 =	vmul.f32 v51, v38;
	(erf) = vrcp.f32 v58;
	v62 =	vadd.f32 $2.000000000e+00, v53  }
0x4bf: {  	v45 =	vadd.f32 $2.000000000e+00, v45;
	v34 =	vmul.f32 v47, v34;
	v51 =	vpop (erf);
	(erf) = vrcp.f32 v61  }
0x4c0: {  	v43 =	vmul.f32 v48, v43;
	v56 =	vadd.f32 $2.000000000e+00, v51;
	v63 =	vpop (erf);
	(erf) = vrcp.f32 v62  }
0x4c1: {  	v40 =	vmul.f32 v45, v40;
	v24 =	vsub.f32 v24, v42;
	v45 =	vmul.f32 v63, v59  }
0x4c2: {  	v30 =	vsub.f32 v30, v38;
	v29 =	vsub.f32 v29, v34;
	v57 =	vpop (erf);
	(erf) = vrcp.f32 v56  }
0x4c3: {  	v25 =	vsub.f32 v25, v40;
	v34 =	vpop (erf);
	v42 =	vmul.f32 v57, v60;
	v40 =	vmul.f32 v45, v45  }
0x4c4: {  	v26 =	vmin.f32 v26, $0.0e+00;
	v17 =	vsub.f32 v17, v43;
	v58 =	vadd.f32 $2.000000000e+00, v34;
	v43 =	vpop (erf)  }
0x4c5: {  	v38 =	vmul.f32 v42, v42;
	v62 =	vmul.f32 $4.000000060e-01, v40;
	v60 =	vadd.f32 $2.000000000e+00, v43  }
0x4c6: {  	v24 =	vadd.f32 v24, v0;
	v32 =	vadd.f32 v32, v0;
	(erf) = vrcp.f32 v58  }
0x4c7: {  	v63 =	vpop (erf);
	v61 =	vmul.f32 $4.000000060e-01, v38;
	v52 =	vadd.f32 $6.666666860e-01, v62;
	(erf) = vrcp.f32 v60  }
0x4c8: {  	v37 =	vmin.f32 v37, $0.0e+00;
	[tilespmem:v10+s24+$0x0] =	vst.idx.msk $0xffff, v41;
	v30 =	vadd.f32 v30, v0;
	v29 =	vadd.f32 v29, v0;
	v58 =	vpop (erf)  }
0x4c9: {  	[tilespmem:v9+s24+$0x0] =	vst.idx.msk $0xffff, v39;
	v25 =	vadd.f32 v25, v0;
	v57 =	vadd.f32 $6.666666860e-01, v61;
	v59 =	vpop (erf);
	v40 =	vmul.f32 v52, v40  }
0x4ca: {  	v17 =	vadd.f32 v17, v0;
	v50 =	vmul.f32 v63, v50;
	v47 =	vmul.f32 v59, v53  }
0x4cb: {  	[tilespmem:v14+s24+$0x0] =	vst.idx.msk $0xffff, v30;
	v44 =	vmul.f32 v58, v44;
	v38 =	vmul.f32 v57, v38;
	v60 =	vpop (erf);
	v40 =	vadd.f32 $2.000000000e+00, v40  }
0x4cc: {  	v36 =	vmin.f32 v36, $0.0e+00;
	[tilespmem:v13+s24+$0x0] =	vst.idx.msk $0xffff, v32;
	v51 =	vmul.f32 v60, v51;
	v48 =	vmul.f32 v47, v47  }
0x4cd: {  	[tilespmem:v12+s24+$0x0] =	vst.idx.msk $0xffff, v24;
	v52 =	vmul.f32 v44, v44;
	v38 =	vadd.f32 $2.000000000e+00, v38;
	v10 =	vmul.f32 v40, v45  }
0x4ce: {  	[tilespmem:v11+s24+$0x0] =	vst.idx.msk $0xffff, v29;
	v11 =	vmin.f32 v49, $0.0e+00;
	v53 =	vmul.f32 v51, v51;
	v63 =	vmul.f32 $4.000000060e-01, v48  }
0x4cf: {  	v61 =	vpop (erf);
	v38 =	vmul.f32 v38, v42;
	v42 =	vmul.f32 v50, v50;
	v10 =	vsub.f32 v26, v10  }
0x4d0: {  	v34 =	vmul.f32 v61, v34;
	v59 =	vmul.f32 $4.000000060e-01, v53;
	v60 =	vadd.f32 $6.666666860e-01, v63;
	v62 =	vpop (erf)  }
0x4d1: {  	v31 =	vsub.f32 v31, v38;
	v38 =	vmul.f32 $4.000000060e-01, v52;
	v43 =	vmul.f32 v62, v43  }
0x4d2: {  	v61 =	vmul.f32 $4.000000060e-01, v42;
	v54 =	vmul.f32 v34, v34;
	v62 =	vadd.f32 $6.666666860e-01, v59  }
0x4d3: {  	v10 =	vadd.f32 v10, v0;
	v63 =	vmul.f32 v60, v48;
	v9 =	vmul.f32 v43, v43  }
0x4d4: {  	v14 =	vadd.f32 $6.666666860e-01, v38;
	v30 =	vmul.f32 $4.000000060e-01, v54;
	v48 =	vmul.f32 v62, v53  }
0x4d5: {  	v31 =	vadd.f32 v31, v0;
	v45 =	vadd.f32 $6.666666860e-01, v61;
	v13 =	vmul.f32 $4.000000060e-01, v9  }
0x4d6: {  	v14 =	vmul.f32 v14, v52;
	v12 =	vadd.f32 $6.666666860e-01, v30;
	v29 =	vadd.f32 $2.000000000e+00, v48  }
0x4d7: {  	[tilespmem:v16+s24+$0x0] =	vst.idx.msk $0xffff, v25;
	v24 =	vadd.f32 $2.000000000e+00, v63;
	v16 =	vmul.f32 v45, v42;
	v13 =	vadd.f32 $6.666666860e-01, v13  }
0x4d8: {  	v14 =	vadd.f32 $2.000000000e+00, v14;
	v12 =	vmul.f32 v12, v54;
	v25 =	vmul.f32 v29, v51  }
0x4d9: {  	[tilespmem:v15+s24+$0x0] =	vst.idx.msk $0xffff, v17;
	v15 =	vmul.f32 v24, v47;
	v16 =	vadd.f32 $2.000000000e+00, v16;
	v9 =	vmul.f32 v13, v9  }
0x4da: {  	[tilespmem:v28+s24+$0x0] =	vst.idx.msk $0xffff, v10;
	v13 =	vmul.f32 v14, v44;
	v10 =	vadd.f32 $2.000000000e+00, v12;
	v12 =	vsub.f32 v35, v25  }
0x4db: {  	[tilespmem:v27+s24+$0x0] =	vst.idx.msk $0xffff, v31;
	v14 =	vsub.f32 v33, v15;
	v15 =	vmul.f32 v16, v50;
	v9 =	vadd.f32 $2.000000000e+00, v9  }
0x4dc: {  	v10 =	vmul.f32 v10, v34;
	v13 =	vsub.f32 v37, v13;
	v12 =	vadd.f32 v12, v0  }
0x4dd: {  	v14 =	vadd.f32 v14, v0;
	v15 =	vsub.f32 v36, v15;
	v9 =	vmul.f32 v9, v43  }
0x4de: {  	s4 =	simm.s32 $0x0;
	v16 =	vmin.f32 v46, $0.0e+00;
	v13 =	vadd.f32 v13, v0;
	v10 =	vsub.f32 v11, v10;
	[tilespmem:v19+s24+$0x0] =	vst.idx.msk $0xffff, v12  }
0x4df: {  	v11 =	vadd.f32 v15, v0;
	v12 =	vmov s4;
	[tilespmem:v18+s24+$0x0] =	vst.idx.msk $0xffff, v14;
	v9 =	vsub.f32 v16, v9  }
0x4e0: {  	v10 =	vadd.f32 v10, v0;
	[tilespmem:v20+s24+$0x0] =	vst.idx.msk $0xffff, v13;
	v13 =	vshll.u32 v12, $0x9  }
0x4e1: {  	[tilespmem:v22+s24+$0x0] =	vst.idx.msk $0xffff, v11;
	v11 =	vshll.u32 v12, $0x7;
	v15 =	vand.u32 $0x7000, v13;
	v9 =	vadd.f32 v9, v0  }
0x4e2: {  	[tilespmem:v23+s24+$0x0] =	vst.idx.msk $0xffff, v10;
	v17 =	vand.u32 $0x380, v11;
	v10 =	vadd.s32 v1, v15  }
0x4e3: {  	v10 =	vor.u32 v17, v10;
	[tilespmem:v21+s24+$0x0] =	vst.idx.msk $0xffff, v9;
	v9 =	vadd.s32 v2, v15  }
0x4e4: {  	[hbm4b:s19+s4] =	stream.linear.scatter [tilespmem:s24], [sflag:$0x4], $0x8000, $0x38;
	v9 =	vor.u32 v17, v9;
	[tilespmem:$0x18100] =	vst v63  }
0x4e5: {  	_ =	swait.ge [sflag:s29], $0x8000  }
0x4e6: {  	[sflag:s29] =	ssyncset.done $0x0  }
0x4e7: {  	[sflag:s29] =	ssyncadd.s32 $0xFFFF8000  }
0x4e8: {  	v11 =	vadd.s32 v4, v15;
	v18 =	vld.idx.msk [tilespmem:v10+s25+$0x0], $0xffff  }
0x4e9: {  	v12 =	vadd.s32 v5, v15;
	v11 =	vor.u32 v17, v11;
	v19 =	vld.idx.msk [tilespmem:v9+s25+$0x0], $0xffff  }
0x4ea: {  	v13 =	vadd.s32 v6, v15;
	v12 =	vor.u32 v17, v12  }
0x4eb: {  	v14 =	vadd.s32 v3, v15;
	v13 =	vor.u32 v17, v13  }
0x4ec: {  	v14 =	vor.u32 v17, v14  }
0x4ed: {  	v16 =	vand.u32 $0x7FFFFFFF, v18  }
0x4ee: {  	v21 =	vld.idx.msk [tilespmem:v11+s25+$0x0], $0xffff;
	v16 =	vsub.f32 $0.0e+00, v16;
	v20 =	vand.u32 $0x7FFFFFFF, v19  }
0x4ef: {  	v22 =	vadd.s32 v7, v15;
	v23 =	vld.idx.msk [tilespmem:v12+s25+$0x0], $0xffff;
	v20 =	vsub.f32 $0.0e+00, v20  }
0x4f0: {  	v24 =	vmul.f32 $1.442695020e+00, v16;
	v16 =	vor.u32 v17, v22;
	v22 =	vld.idx.msk [tilespmem:v13+s25+$0x0], $0xffff  }
0x4f1: {  	v25 =	vld.idx.msk [tilespmem:v14+s25+$0x0], $0xffff;
	v20 =	vmul.f32 $1.442695020e+00, v20  }
0x4f2: {  	v15 =	vadd.s32 v8, v15;
	(erf) = vpow2.f32 v24  }
0x4f3: {  	v15 =	vor.u32 v17, v15;
	v17 =	vand.u32 $0x7FFFFFFF, v21;
	(erf) = vpow2.f32 v20  }
0x4f4: {  	v17 =	vsub.f32 $0.0e+00, v17;
	v20 =	vand.u32 $0x7FFFFFFF, v23  }
0x4f5: {  	v20 =	vsub.f32 $0.0e+00, v20;
	v26 =	vld.idx.msk [tilespmem:v16+s25+$0x0], $0xffff;
	v24 =	vand.u32 $0x7FFFFFFF, v22  }
0x4f6: {  	v27 =	vmul.f32 $1.442695020e+00, v17;
	v17 =	vand.u32 $0x7FFFFFFF, v25;
	v24 =	vsub.f32 $0.0e+00, v24  }
0x4f7: {  	v28 =	vsub.f32 $0.0e+00, v17;
	v20 =	vmul.f32 $1.442695020e+00, v20  }
0x4f8: {  	(erf) = vpow2.f32 v27;
	v24 =	vmul.f32 $1.442695020e+00, v24  }
0x4f9: {  	v17 =	vld.idx.msk [tilespmem:v15+s25+$0x0], $0xffff;
	(erf) = vpow2.f32 v20  }
0x4fa: {  	v20 =	vmul.f32 $1.442695020e+00, v28;
	v27 =	vand.u32 $0x7FFFFFFF, v26;
	(erf) = vpow2.f32 v24  }
0x4fb: {  	v28 =	vpop (erf);
	v27 =	vsub.f32 $0.0e+00, v27  }
0x4fc: {  	(erf) = vpow2.f32 v20;
	v24 =	vadd.f32 $2.000000000e+00, v28;
	v29 =	vpop (erf)  }
0x4fd: {  	v20 =	vadd.f32 $2.000000000e+00, v29;
	v27 =	vmul.f32 $1.442695020e+00, v27  }
0x4fe: {  	v30 =	vand.u32 $0x7FFFFFFF, v17;
	(erf) = vrcp.f32 v24  }
0x4ff: {  	v24 =	vsub.f32 $0.0e+00, v30;
	(erf) = vrcp.f32 v20;
	_ =	sdelay $0x1  }
0x500: {  	(erf) = vpow2.f32 v27;
	v20 =	vmul.f32 $1.442695020e+00, v24;
	v27 =	vpop (erf)  }
0x501: {  	v24 =	vadd.f32 $2.000000000e+00, v27;
	v31 =	vpop (erf)  }
0x502: {  	(erf) = vpow2.f32 v20;
	v50 =	vpop (erf)  }
0x503: {  	v20 =	vadd.f32 $2.000000000e+00, v31;
	(erf) = vrcp.f32 v24;
	v24 =	vadd.f32 $2.000000000e+00, v50  }
0x504: {  	v56 =	vpop (erf)  }
0x505: {  	(erf) = vrcp.f32 v20;
	v20 =	vadd.f32 $2.000000000e+00, v56  }
0x506: {  	(erf) = vrcp.f32 v24;
	v30 =	vpop (erf)  }
0x507: {  	v57 =	vmul.f32 v30, v28;
	v24 =	vpop (erf)  }
0x508: {  	(erf) = vrcp.f32 v20;
	v59 =	vmul.f32 v24, v29  }
0x509: {  	v32 =	vmin.f32 v22, $0.0e+00;
	v30 =	vmin.f32 v25, $0.0e+00;
	v20 =	vpop (erf);
	v28 =	vmul.f32 v57, v57  }
0x50a: {  	v24 =	vmin.f32 v23, $0.0e+00;
	v23 =	vadd.f32 $2.000000000e+00, v20;
	v60 =	vmul.f32 v59, v59  }
0x50b: {  	v25 =	vmin.f32 v26, $0.0e+00;
	v29 =	vmin.f32 v21, $0.0e+00;
	v22 =	vpop (erf);
	v21 =	vmul.f32 $4.000000060e-01, v28  }
0x50c: {  	(erf) = vrcp.f32 v23;
	v26 =	vadd.f32 $2.000000000e+00, v22;
	v23 =	vmul.f32 $4.000000060e-01, v60  }
0x50d: {  	v41 =	vmin.f32 v18, $0.0e+00;
	v61 =	vmin.f32 v19, $0.0e+00;
	v18 =	vpop (erf);
	v21 =	vadd.f32 $6.666666860e-01, v21  }
0x50e: {  	s23 =	simm.s32 $0x1;
	v34 =	vmul.f32 v18, v27;
	v18 =	vpop (erf);
	(erf) = vrcp.f32 v26;
	v19 =	vadd.f32 $6.666666860e-01, v23  }
0x50f: {  	v23 =	vmov s23;
	v42 =	vmul.f32 v18, v31;
	v18 =	vpop (erf);
	v21 =	vmul.f32 v21, v28  }
0x510: {  	v26 =	vshll.u32 v23, $0x9;
	v23 =	vshll.u32 v23, $0x7;
	v44 =	vmul.f32 v18, v50  }
0x511: {  	v18 =	vpop (erf);
	v46 =	vmul.f32 v34, v34;
	v19 =	vmul.f32 v19, v60;
	v62 =	vand.u32 $0x7000, v26  }
0x512: {  	v63 =	vand.u32 $0x380, v23;
	v38 =	vmul.f32 v18, v56;
	v48 =	vmul.f32 v42, v42  }
0x513: {  	v23 =	vadd.s32 v1, v62;
	v26 =	vadd.s32 v2, v62;
	v51 =	vmul.f32 v44, v44  }
0x514: {  	v18 =	vadd.s32 v3, v62;
	v58 =	vadd.f32 $2.000000000e+00, v21;
	v28 =	vor.u32 v63, v23  }
0x515: {  	v54 =	vmul.f32 $4.000000060e-01, v46;
	v27 =	vor.u32 v63, v26;
	v23 =	vadd.f32 $2.000000000e+00, v19  }
0x516: {  	v49 =	vmul.f32 v38, v38;
	v19 =	vor.u32 v63, v18;
	v18 =	vadd.s32 v6, v62  }
0x517: {  	v60 =	vmul.f32 $4.000000060e-01, v48;
	v18 =	vor.u32 v63, v18;
	v50 =	vmul.f32 v58, v57;
	v26 =	vpop (erf)  }
0x518: {  	v23 =	vmul.f32 v23, v59;
	v40 =	vmul.f32 v26, v20;
	v20 =	vadd.s32 v5, v62  }
0x519: {  	v59 =	vadd.s32 v4, v62;
	v53 =	vadd.f32 $6.666666860e-01, v60;
	v21 =	vpop (erf);
	v20 =	vor.u32 v63, v20;
	v26 =	vld.idx.msk [tilespmem:v28+s25+$0x0], $0xffff  }
0x51a: {  	v23 =	vsub.f32 v61, v23;
	v43 =	vmul.f32 v21, v22;
	v31 =	vld.idx.msk [tilespmem:v27+s25+$0x0], $0xffff;
	v21 =	vor.u32 v63, v59  }
0x51b: {  	v56 =	vmul.f32 $4.000000060e-01, v49;
	v61 =	vadd.s32 v8, v62;
	v45 =	vmul.f32 v40, v40;
	v35 =	vld.idx.msk [tilespmem:v19+s25+$0x0], $0xffff  }
0x51c: {  	v22 =	vadd.s32 v7, v62;
	v62 =	vmul.f32 $4.000000060e-01, v51;
	v39 =	vadd.f32 v23, v0  }
0x51d: {  	v33 =	vld.idx.msk [tilespmem:v18+s25+$0x0], $0xffff;
	v23 =	vor.u32 v63, v22;
	v22 =	vor.u32 v63, v61;
	v47 =	vmul.f32 v43, v43  }
0x51e: {  	v55 =	vmul.f32 $4.000000060e-01, v45;
	v57 =	vadd.f32 $6.666666860e-01, v62;
	v37 =	vld.idx.msk [tilespmem:v20+s25+$0x0], $0xffff;
	v63 =	vand.u32 $0x7FFFFFFF, v26  }
0x51f: {  	s23 =	simm.s32 $0x2;
	v52 =	vmul.f32 $4.000000060e-01, v47;
	v36 =	vld.idx.msk [tilespmem:v21+s25+$0x0], $0xffff;
	v59 =	vand.u32 $0x7FFFFFFF, v31;
	v58 =	vsub.f32 $0.0e+00, v63  }
.LBB2_16:
0x520: {  	p0 =	sne.s32 s23, $0x3F;
	v59 =	vsub.f32 $0.0e+00, v59;
	v60 =	vand.u32 $0x7FFFFFFF, v35;
	v56 =	vadd.f32 $6.666666860e-01, v56;
	s4 =	smov.u32 s23;
	s23 =	sadd.s32 $0x1, s23  }
0x521: {  	v58 =	vmul.f32 $1.442695020e+00, v58;
	v60 =	vsub.f32 $0.0e+00, v60;
	v51 =	vmul.f32 v57, v51  }
0x522: {  	v54 =	vadd.f32 $6.666666860e-01, v54;
	v57 =	vmul.f32 $1.442695020e+00, v59;
	v59 =	vand.u32 $0x7FFFFFFF, v33  }
0x523: {  	v55 =	vadd.f32 $6.666666860e-01, v55;
	v49 =	vmul.f32 v56, v49;
	(erf) = vpow2.f32 v58  }
0x524: {  	v48 =	vmul.f32 v53, v48;
	v58 =	vand.u32 $0x7FFFFFFF, v37;
	v56 =	vld.idx.msk [tilespmem:v22+s25+$0x0], $0xffff;
	(erf) = vpow2.f32 v57  }
0x525: {  	v51 =	vadd.f32 $2.000000000e+00, v51;
	v57 =	vsub.f32 $0.0e+00, v58;
	v58 =	vand.u32 $0x7FFFFFFF, v36;
	v53 =	vld.idx.msk [tilespmem:v23+s25+$0x0], $0xffff  }
0x526: {  	v48 =	vadd.f32 $2.000000000e+00, v48;
	v60 =	vmul.f32 $1.442695020e+00, v60;
	v58 =	vsub.f32 $0.0e+00, v58  }
0x527: {  	v59 =	vsub.f32 $0.0e+00, v59;
	v49 =	vadd.f32 $2.000000000e+00, v49;
	v57 =	vmul.f32 $1.442695020e+00, v57  }
0x528: {  	v41 =	vsub.f32 v41, v50;
	v46 =	vmul.f32 v54, v46;
	v58 =	vmul.f32 $1.442695020e+00, v58  }
0x529: {  	v50 =	vmul.f32 $1.442695020e+00, v59;
	v44 =	vmul.f32 v51, v44;
	v51 =	vadd.f32 $6.666666860e-01, v52  }
0x52a: {  	v41 =	vadd.f32 v41, v0;
	v52 =	vand.u32 $0x7FFFFFFF, v56;
	(erf) = vpow2.f32 v58  }
0x52b: {  	v42 =	vmul.f32 v48, v42;
	v58 =	vand.u32 $0x7FFFFFFF, v53;
	(erf) = vpow2.f32 v57  }
0x52c: {  	v46 =	vadd.f32 $2.000000000e+00, v46;
	v48 =	vsub.f32 $0.0e+00, v58;
	v54 =	vpop (erf);
	(erf) = vpow2.f32 v50;
	[tilespmem:v10+s25+$0x0] =	vst.idx.msk $0xffff, v41  }
0x52d: {  	v47 =	vmul.f32 v51, v47;
	v41 =	vadd.f32 $2.000000000e+00, v54;
	v50 =	vpop (erf);
	(erf) = vpow2.f32 v60;
	[tilespmem:v9+s25+$0x0] =	vst.idx.msk $0xffff, v39  }
0x52e: {  	v45 =	vmul.f32 v55, v45;
	v10 =	vmovc v28;
	v48 =	vmul.f32 $1.442695020e+00, v48;
	v9 =	vmovc v27;
	v39 =	vadd.f32 $2.000000000e+00, v50  }
0x52f: {  	v28 =	vadd.f32 $2.000000000e+00, v47;
	v27 =	vsub.f32 v32, v44;
	(erf) = vrcp.f32 v41  }
0x530: {  	v32 =	vsub.f32 $0.0e+00, v52;
	v41 =	vmul.f32 v49, v38;
	(erf) = vrcp.f32 v39  }
0x531: {  	v34 =	vmul.f32 v46, v34;
	v39 =	vadd.f32 $2.000000000e+00, v45;
	(erf) = vpow2.f32 v48  }
0x532: {  	v32 =	vmul.f32 $1.442695020e+00, v32;
	v27 =	vadd.f32 v27, v0;
	v30 =	vsub.f32 v30, v41  }
0x533: {  	v29 =	vsub.f32 v29, v34;
	v28 =	vmul.f32 v28, v43;
	v34 =	vmul.f32 v39, v40;
	v38 =	vpop (erf)  }
0x534: {  	v24 =	vsub.f32 v24, v42;
	v39 =	vadd.f32 $2.000000000e+00, v38;
	v40 =	vpop (erf);
	(erf) = vpow2.f32 v32  }
0x535: {  	v17 =	vmin.f32 v17, $0.0e+00;
	v30 =	vadd.f32 v30, v0;
	v32 =	vadd.f32 $2.000000000e+00, v40;
	v43 =	vpop (erf)  }
0x536: {  	v28 =	vsub.f32 v17, v28;
	v41 =	vadd.f32 $2.000000000e+00, v43;
	v45 =	vpop (erf);
	(erf) = vrcp.f32 v39  }
0x537: {  	(erf) = vrcp.f32 v32;
	v32 =	vadd.f32 v24, v0;
	v24 =	vsub.f32 v25, v34;
	[tilespmem:v14+s25+$0x0] =	vst.idx.msk $0xffff, v30  }
0x538: {  	v29 =	vadd.f32 v29, v0;
	v30 =	vadd.f32 $2.000000000e+00, v45;
	v25 =	vpop (erf);
	(erf) = vrcp.f32 v41;
	[tilespmem:v13+s25+$0x0] =	vst.idx.msk $0xffff, v27  }
0x539: {  	v17 =	vmov v56;
	v39 =	vmul.f32 v25, v54;
	v13 =	vpop (erf);
	v25 =	vadd.f32 v24, v0;
	[tilespmem:v12+s25+$0x0] =	vst.idx.msk $0xffff, v32  }
0x53a: {  	v12 =	vadd.f32 v28, v0;
	v46 =	vmul.f32 v13, v50;
	(erf) = vrcp.f32 v30;
	v47 =	vpop (erf);
	[tilespmem:v11+s25+$0x0] =	vst.idx.msk $0xffff, v29  }
0x53b: {  	v14 =	vmovc v19;
	v24 =	vmin.f32 v37, $0.0e+00;
	v27 =	vmul.f32 v39, v39;
	v28 =	vadd.f32 $2.000000000e+00, v47;
	[tilespmem:v16+s25+$0x0] =	vst.idx.msk $0xffff, v25  }
0x53c: {  	v30 =	vmin.f32 v35, $0.0e+00;
	v29 =	vmin.f32 v36, $0.0e+00;
	v13 =	vmovc v18;
	v16 =	vmul.f32 v46, v46;
	[tilespmem:v15+s25+$0x0] =	vst.idx.msk $0xffff, v12  }
0x53d: {  	v32 =	vmin.f32 v33, $0.0e+00;
	v15 =	vmul.f32 $4.000000060e-01, v27;
	(erf) = vrcp.f32 v28;
	v33 =	vpop (erf)  }
0x53e: {  	v11 =	vmovc v21;
	v25 =	vmin.f32 v53, $0.0e+00;
	v12 =	vmovc v20;
	v18 =	vmul.f32 $4.000000060e-01, v16;
	v19 =	vadd.f32 $2.000000000e+00, v33  }
0x53f: {  	v41 =	vmin.f32 v26, $0.0e+00;
	v21 =	vmin.f32 v31, $0.0e+00;
	v28 =	vadd.f32 $6.666666860e-01, v15;
	v20 =	vpop (erf)  }
0x540: {  	v18 =	vadd.f32 $6.666666860e-01, v18;
	v34 =	vmul.f32 v20, v38;
	v20 =	vpop (erf);
	(erf) = vrcp.f32 v19  }
0x541: {  	v31 =	vmov s4;
	v26 =	vmul.f32 v28, v27;
	v42 =	vmul.f32 v20, v40;
	v20 =	vpop (erf)  }
0x542: {  	v27 =	vshll.u32 v31, $0x9;
	v28 =	vshll.u32 v31, $0x7;
	v15 =	vmovc v22;
	v18 =	vmul.f32 v18, v16;
	v16 =	vmovc v23  }
0x543: {  	v22 =	vand.u32 $0x7000, v27;
	v36 =	vand.u32 $0x380, v28;
	v44 =	vmul.f32 v20, v43;
	v19 =	vpop (erf)  }
0x544: {  	v20 =	vadd.s32 v1, v22;
	v31 =	vadd.s32 v2, v22;
	v38 =	vmul.f32 v19, v45  }
0x545: {  	v28 =	vor.u32 v36, v20;
	v27 =	vor.u32 v36, v31;
	v51 =	vmul.f32 v44, v44  }
0x546: {  	v19 =	vadd.s32 v3, v22;
	v20 =	vadd.f32 $2.000000000e+00, v18;
	v49 =	vmul.f32 v38, v38;
	v23 =	vpop (erf)  }
0x547: {  	v48 =	vmul.f32 v42, v42;
	v18 =	vadd.s32 v6, v22;
	v19 =	vor.u32 v36, v19  }
0x548: {  	v18 =	vor.u32 v36, v18;
	v31 =	vmul.f32 v20, v46;
	v40 =	vmul.f32 v23, v47  }
0x549: {  	v20 =	vadd.s32 v5, v22;
	v46 =	vmul.f32 v34, v34;
	v23 =	vadd.f32 $2.000000000e+00, v26;
	v35 =	vpop (erf)  }
0x54a: {  	v20 =	vor.u32 v36, v20;
	v37 =	vsub.f32 v21, v31;
	v45 =	vmul.f32 v40, v40;
	v26 =	vld.idx.msk [tilespmem:v28+s25+$0x0], $0xffff  }
0x54b: {  	v52 =	vmul.f32 $4.000000060e-01, v48;
	v21 =	vadd.s32 v4, v22;
	v43 =	vmul.f32 v35, v33;
	v31 =	vld.idx.msk [tilespmem:v27+s25+$0x0], $0xffff  }
0x54c: {  	v21 =	vor.u32 v36, v21;
	v50 =	vmul.f32 v23, v39;
	v39 =	vadd.f32 v37, v0;
	v35 =	vld.idx.msk [tilespmem:v19+s25+$0x0], $0xffff  }
.Ltmp7:
0x54d: {  	v23 =	vadd.s32 v7, v22;
	v22 =	vadd.s32 v8, v22;
	v47 =	vmul.f32 v43, v43;
	v33 =	vld.idx.msk [tilespmem:v18+s25+$0x0], $0xffff;
	(pc) =	sbr.rel @p0 .LBB2_16-.Ltmp7, $4  }
0x54e: {  	v57 =	vmul.f32 $4.000000060e-01, v51;
	v53 =	vadd.f32 $6.666666860e-01, v52;
	v54 =	vmul.f32 $4.000000060e-01, v46  }
0x54f: {  	v23 =	vor.u32 v36, v23;
	v22 =	vor.u32 v36, v22;
	v55 =	vmul.f32 $4.000000060e-01, v45;
	v37 =	vld.idx.msk [tilespmem:v20+s25+$0x0], $0xffff  }
0x550: {  	v56 =	vmul.f32 $4.000000060e-01, v49;
	v52 =	vmul.f32 $4.000000060e-01, v47;
	v58 =	vand.u32 $0x7FFFFFFF, v26  }
0x551: {  	v57 =	vadd.f32 $6.666666860e-01, v57;
	v58 =	vsub.f32 $0.0e+00, v58;
	v59 =	vand.u32 $0x7FFFFFFF, v31;
	v36 =	vld.idx.msk [tilespmem:v21+s25+$0x0], $0xffff  }
0x552: {  	v1 =	vsub.f32 $0.0e+00, v59  }
0x553: {  	v2 =	vmul.f32 $1.442695020e+00, v58  }
0x554: {  	v1 =	vmul.f32 $1.442695020e+00, v1  }
0x555: {  	(erf) = vpow2.f32 v2  }
0x556: {  	(erf) = vpow2.f32 v1  }
0x557: {  	v4 =	vand.u32 $0x7FFFFFFF, v33;
	v3 =	vand.u32 $0x7FFFFFFF, v37;
	v61 =	vand.u32 $0x7FFFFFFF, v36  }
0x558: {  	v5 =	vand.u32 $0x7FFFFFFF, v35;
	v3 =	vsub.f32 $0.0e+00, v3;
	v1 =	vsub.f32 $0.0e+00, v61  }
0x559: {  	v7 =	vadd.f32 $6.666666860e-01, v56;
	v48 =	vmul.f32 v53, v48;
	v5 =	vsub.f32 $0.0e+00, v5;
	v2 =	vld.idx.msk [tilespmem:v23+s25+$0x0], $0xffff  }
0x55a: {  	v4 =	vsub.f32 $0.0e+00, v4;
	v3 =	vmul.f32 $1.442695020e+00, v3;
	v1 =	vmul.f32 $1.442695020e+00, v1  }
0x55b: {  	v54 =	vadd.f32 $6.666666860e-01, v54;
	v55 =	vadd.f32 $6.666666860e-01, v55;
	v5 =	vmul.f32 $1.442695020e+00, v5  }
0x55c: {  	v59 =	vadd.f32 $6.666666860e-01, v52;
	v4 =	vmul.f32 $1.442695020e+00, v4;
	(erf) = vpow2.f32 v1;
	v1 =	vld.idx.msk [tilespmem:v22+s25+$0x0], $0xffff  }
0x55d: {  	v17 =	vmin.f32 v17, $0.0e+00;
	v35 =	vmin.f32 v35, $0.0e+00;
	(erf) = vpow2.f32 v3  }
0x55e: {  	v33 =	vmin.f32 v33, $0.0e+00;
	v8 =	vand.u32 $0x7FFFFFFF, v2;
	v3 =	vpop (erf);
	(erf) = vpow2.f32 v4  }
0x55f: {  	v8 =	vsub.f32 $0.0e+00, v8;
	v62 =	vadd.f32 $2.000000000e+00, v3;
	(erf) = vpow2.f32 v5;
	v5 =	vpop (erf)  }
0x560: {  	v31 =	vmin.f32 v31, $0.0e+00;
	v6 =	vmul.f32 v57, v51;
	v63 =	vadd.f32 $2.000000000e+00, v5  }
0x561: {  	v8 =	vmul.f32 $1.442695020e+00, v8;
	v56 =	vand.u32 $0x7FFFFFFF, v1;
	(erf) = vrcp.f32 v62  }
0x562: {  	v26 =	vmin.f32 v26, $0.0e+00;
	v4 =	vsub.f32 $0.0e+00, v56;
	(erf) = vrcp.f32 v63  }
0x563: {  	v58 =	vmul.f32 v54, v46;
	v6 =	vadd.f32 $2.000000000e+00, v6;
	(erf) = vpow2.f32 v8  }
0x564: {  	v57 =	vsub.f32 v41, v50;
	v7 =	vmul.f32 v7, v49;
	v4 =	vmul.f32 $1.442695020e+00, v4  }
0x565: {  	v48 =	vadd.f32 $2.000000000e+00, v48;
	v41 =	vadd.f32 $2.000000000e+00, v58;
	v6 =	vmul.f32 v6, v44  }
0x566: {  	v60 =	vmul.f32 v59, v47;
	v7 =	vadd.f32 $2.000000000e+00, v7;
	v46 =	vpop (erf);
	(erf) = vpow2.f32 v4  }
0x567: {  	v37 =	vmin.f32 v37, $0.0e+00;
	v6 =	vsub.f32 v32, v6;
	v32 =	vpop (erf);
	v62 =	vadd.f32 $2.000000000e+00, v46  }
0x568: {  	v42 =	vmul.f32 v48, v42;
	v61 =	vmul.f32 v55, v45;
	v63 =	vadd.f32 $2.000000000e+00, v32;
	v47 =	vpop (erf)  }
0x569: {  	v34 =	vmul.f32 v41, v34;
	(erf) = vrcp.f32 v62;
	v41 =	vpop (erf);
	v52 =	vadd.f32 $2.000000000e+00, v47  }
0x56a: {  	v7 =	vmul.f32 v7, v38;
	v54 =	vadd.f32 $2.000000000e+00, v41;
	v53 =	vpop (erf);
	(erf) = vrcp.f32 v63  }
0x56b: {  	v44 =	vadd.f32 $2.000000000e+00, v60;
	v55 =	vpop (erf);
	(erf) = vrcp.f32 v52;
	v3 =	vmul.f32 v53, v3  }
0x56c: {  	v36 =	vmin.f32 v36, $0.0e+00;
	v56 =	vpop (erf);
	(erf) = vrcp.f32 v54;
	v5 =	vmul.f32 v55, v5  }
0x56d: {  	v58 =	vmul.f32 v44, v43;
	v8 =	vadd.f32 v57, v0;
	v57 =	vadd.f32 $2.000000000e+00, v56  }
0x56e: {  	v24 =	vsub.f32 v24, v42;
	v60 =	vmul.f32 v3, v3;
	v59 =	vmul.f32 v5, v5  }
0x56f: {  	v7 =	vsub.f32 v30, v7;
	v4 =	vadd.f32 $2.000000000e+00, v61;
	v38 =	vpop (erf);
	(erf) = vrcp.f32 v57  }
0x570: {  	v61 =	vadd.f32 $2.000000000e+00, v38;
	v63 =	vmul.f32 $4.000000060e-01, v60;
	v62 =	vmul.f32 $4.000000060e-01, v59  }
0x571: {  	v29 =	vsub.f32 v29, v34;
	v24 =	vadd.f32 v24, v0;
	v4 =	vmul.f32 v4, v40  }
0x572: {  	v48 =	vpop (erf);
	(erf) = vrcp.f32 v61;
	v43 =	vadd.f32 $6.666666860e-01, v63;
	v49 =	vadd.f32 $6.666666860e-01, v62  }
0x573: {  	v2 =	vmin.f32 v2, $0.0e+00;
	v6 =	vadd.f32 v6, v0;
	v17 =	vsub.f32 v17, v58;
	v50 =	vpop (erf)  }
0x574: {  	v4 =	vsub.f32 v25, v4;
	v25 =	vmul.f32 v43, v60;
	v51 =	vpop (erf);
	v30 =	vmul.f32 v49, v59  }
0x575: {  	v7 =	vadd.f32 v7, v0;
	v32 =	vmul.f32 v50, v32;
	v40 =	vmul.f32 v51, v47;
	v52 =	vpop (erf)  }
0x576: {  	v44 =	vmul.f32 v48, v46;
	v25 =	vadd.f32 $2.000000000e+00, v25;
	v41 =	vmul.f32 v52, v41  }
0x577: {  	v30 =	vadd.f32 $2.000000000e+00, v30;
	v55 =	vmul.f32 v32, v32;
	v53 =	vmul.f32 v40, v40  }
0x578: {  	v29 =	vadd.f32 v29, v0;
	v3 =	vmul.f32 v25, v3;
	v45 =	vmul.f32 v41, v41  }
0x579: {  	v17 =	vadd.f32 v17, v0;
	v54 =	vpop (erf);
	v5 =	vmul.f32 v30, v5;
	v59 =	vmul.f32 $4.000000060e-01, v55  }
0x57a: {  	v4 =	vadd.f32 v4, v0;
	v34 =	vmul.f32 v54, v56;
	v56 =	vmul.f32 v44, v44  }
0x57b: {  	v60 =	vmul.f32 $4.000000060e-01, v53;
	v3 =	vsub.f32 v26, v3;
	v58 =	vpop (erf);
	v61 =	vmul.f32 $4.000000060e-01, v45  }
0x57c: {  	v5 =	vsub.f32 v31, v5;
	v49 =	vadd.f32 $6.666666860e-01, v59;
	v38 =	vmul.f32 v58, v38  }
0x57d: {  	[tilespmem:v10+s25+$0x0] =	vst.idx.msk $0xffff, v8;
	v57 =	vmul.f32 v34, v34;
	v62 =	vadd.f32 $6.666666860e-01, v60;
	v48 =	vadd.f32 $6.666666860e-01, v61  }
0x57e: {  	[tilespmem:v9+s25+$0x0] =	vst.idx.msk $0xffff, v39;
	v39 =	vmul.f32 $4.000000060e-01, v56;
	v3 =	vadd.f32 v3, v0;
	v63 =	vmul.f32 v38, v38  }
0x57f: {  	[tilespmem:v14+s25+$0x0] =	vst.idx.msk $0xffff, v7;
	v5 =	vadd.f32 v5, v0;
	v50 =	vmul.f32 $4.000000060e-01, v57;
	v52 =	vmul.f32 v48, v45  }
0x580: {  	[tilespmem:v13+s25+$0x0] =	vst.idx.msk $0xffff, v6;
	v8 =	vmul.f32 v62, v53;
	v10 =	vadd.f32 $6.666666860e-01, v39;
	v51 =	vmul.f32 $4.000000060e-01, v63  }
0x581: {  	[tilespmem:v12+s25+$0x0] =	vst.idx.msk $0xffff, v24;
	v7 =	vmul.f32 v49, v55;
	v53 =	vadd.f32 $6.666666860e-01, v50;
	v54 =	vadd.f32 $2.000000000e+00, v52  }
0x582: {  	[tilespmem:v11+s25+$0x0] =	vst.idx.msk $0xffff, v29;
	v8 =	vadd.f32 $2.000000000e+00, v8;
	v56 =	vmul.f32 v10, v56;
	v6 =	vadd.f32 $6.666666860e-01, v51  }
0x583: {  	[tilespmem:v16+s25+$0x0] =	vst.idx.msk $0xffff, v4;
	v55 =	vadd.f32 $2.000000000e+00, v7;
	v57 =	vmul.f32 v53, v57;
	v11 =	vmul.f32 v54, v41  }
0x584: {  	[tilespmem:v15+s25+$0x0] =	vst.idx.msk $0xffff, v17;
	v8 =	vmul.f32 v8, v40;
	v7 =	vadd.f32 $2.000000000e+00, v56;
	v6 =	vmul.f32 v6, v63  }
0x585: {  	[tilespmem:v28+s25+$0x0] =	vst.idx.msk $0xffff, v3;
	v4 =	vmul.f32 v55, v32;
	v58 =	vadd.f32 $2.000000000e+00, v57;
	v59 =	vsub.f32 v35, v11  }
0x586: {  	[tilespmem:v27+s25+$0x0] =	vst.idx.msk $0xffff, v5;
	v60 =	vsub.f32 v33, v8;
	v7 =	vmul.f32 v7, v44;
	v6 =	vadd.f32 $2.000000000e+00, v6  }
0x587: {  	v4 =	vsub.f32 v37, v4;
	v3 =	vmul.f32 v58, v34;
	v61 =	vadd.f32 v59, v0  }
0x588: {  	v5 =	vadd.f32 v60, v0;
	v7 =	vsub.f32 v36, v7;
	v6 =	vmul.f32 v6, v38  }
0x589: {  	v1 =	vmin.f32 v1, $0.0e+00;
	v4 =	vadd.f32 v4, v0;
	v2 =	vsub.f32 v2, v3;
	[tilespmem:v19+s25+$0x0] =	vst.idx.msk $0xffff, v61  }
0x58a: {  	v62 =	vadd.f32 v7, v0;
	v1 =	vsub.f32 v1, v6;
	[tilespmem:v18+s25+$0x0] =	vst.idx.msk $0xffff, v5  }
0x58b: {  	v2 =	vadd.f32 v2, v0;
	[tilespmem:v20+s25+$0x0] =	vst.idx.msk $0xffff, v4  }
0x58c: {  	v63 =	vadd.f32 v1, v0;
	[tilespmem:v21+s25+$0x0] =	vst.idx.msk $0xffff, v62  }
0x58d: {  	[tilespmem:v23+s25+$0x0] =	vst.idx.msk $0xffff, v2  }
0x58e: {  	[tilespmem:v22+s25+$0x0] =	vst.idx.msk $0xffff, v63  }
0x58f: {  	[hbm4b:s20+s3] =	stream.linear.scatter [tilespmem:s25], [sflag:$0x5], $0x8000, $0x38;
	[tilespmem:$0x18100] =	vst v63  }
0x590: {  	_ =	swait.ge [sflag:s2], $0x8000  }
0x591: {  	[sflag:s2] =	ssyncset.done $0x0  }
0x592: {  	s1 =	sadd.s32 $0x1, s1;
	[sflag:s2] =	ssyncadd.s32 $0xFFFF8000  }
0x593: {  	p0 =	sne.s32 s1, s21;
	_ =	swait.ge [sflag:s30], $0x8000  }
.Ltmp8:
0x594: {  	[sflag:s30] =	ssyncset.done $0x0;
	(pc) =	sbr.rel @p0 .LBB2_1-.Ltmp8, $4  }
0x595: {  	[sflag:s30] =	ssyncadd.s32 $0xFFFF8000  }
0x596: {  	_ =	swait.ge [sflag:s0], $0x8000  }
0x597: {  	[sflag:s0] =	ssyncset.done $0x0  }
0x598: {  	[sflag:s0] =	ssyncadd.s32 $0xFFFF8000  }
0x599: {  	_ =	sfence.sel $0x180000  }
0x59a: {  	[bflag:$0x0] =	sbarrier.arrive $0xFFFF  }
0x59b: {  	_ =	strace $0x90000047  }
0x59c: {  	s0 =	stileid.u32;
	[bflag:$0x2] =	sbarrier.arrive $0xFFFF  }
0x59d: {  	p0 =	sne.s32 s0, $0x0;
	s0 =	rddreg [dreg:$0x4]  }
0x59e: {  	s0 =	sadd.s32 @!p0 $0x100000, s0  }
0x59f: {  	[sflag:s0] =	ssyncadd.tile.s32 @!p0 $0x1;
	_ =	shalt  }
.Lfunc_end2:
_tile_overlayer_lowered:
.L_overlay_start_2:
0x5a0: {  	(tag) =	ssettag $0x2  }
0x5a1: {  	s0 =	rddreg [dreg:$0x0];
	s2 =	stileid.u32  }
0x5a2: {  	s1 =	rddreg [dreg:$0x1];
	p0 =	sne.s32 s2, $0x0  }
0x5a3: {  	s3 =	rddreg [dreg:$0x2];
	[bflag:$0x3] =	sbarrier.arrive $0xFFFF;
	s2 =	simm.s32 @!p0 $0x1C07  }
0x5a4: {  	[timem:s3], [sflag:s2] =	dma.local @!p0 [hbm:s0], s1  }
0x5a5: {  	s0 =	simm.s32 @!p0 $0x7  }
0x5a6: {  	_ =	swait.ge @!p0 [sflag:s0], s1  }
0x5a7: {  	s1 =	ssub.s32 @!p0 $0x0, s1;
	[sflag:s0] =	ssyncset.done @!p0 $0x0  }
0x5a8: {  	[sflag:s0] =	ssyncadd.s32 @!p0 s1  }
0x5a9: {  	[bflag:$0x3] =	sbarrier.arrive $0xFFFF  }
0x5aa: {  	_ =	shalt  }

</sc_bundles>
